<compile_context>
chip_gen: v7x
topology: tpu7x:2x2x1
jax: 0.10.2.dev20260603
libtpu: 0.0.44.dev20260713+nightly
codegen_flags: <defaults>
</compile_context>

<pallas_src>
import functools

import jax
import jax.numpy as jnp
from jax import lax
from jax.experimental import pallas as pl
from jax.experimental.pallas import tpu as pltpu
from jax.experimental.pallas import tpu_sc as plsc

ROWS, COLS, D = 16384, 200, 128
B = ROWS * COLS
NC, NS = 2, 16
NW = NC * NS
BPW = B // NW
IPS = 128
SPB = 8
K = 4
W = 2
NBLK = BPW // (SPB * IPS)
VPAD = 96


def _swish_rep_body(emb_ref, out_ref):
    v = emb_ref[...]
    sw = v * (1.0 / (1.0 + jnp.exp(-v)))
    swp = jnp.concatenate([sw, jnp.zeros((VPAD - sw.shape[0], D), sw.dtype)])
    out_ref[...] = jnp.broadcast_to(swp[None], (NW, VPAD, D))


def _swish_rep(emb):
    return pl.pallas_call(
        _swish_rep_body,
        out_shape=jax.ShapeDtypeStruct((NW, VPAD, D), emb.dtype),
    )(emb)


def _gather_body(table_hbm, idx_hbm, out_hbm, idx_v, rows_v, table_sp,
                 g0, g1, g2, g3, o0, o1, o2, o3):
    gsems = [g0, g1, g2, g3]
    osems = [o0, o1, o2, o3]
    sid = lax.axis_index("s")
    wid = sid * NC + lax.axis_index("c")
    base = wid * BPW

    @pl.when(sid == 0)
    def _stage_table():
        for ch in range(NW * VPAD // IPS):
            pltpu.sync_copy(table_hbm.at[pl.ds(ch * IPS, IPS)], rows_v.at[0])
            pltpu.sync_copy(rows_v.at[0], table_sp.at[pl.ds(ch * IPS, IPS)])

    plsc.subcore_barrier()

    def drain(sem_slot, buf):
        pltpu.make_async_copy(
            out_hbm.at[pl.ds(0, IPS)], rows_v.at[buf], sem_slot
        ).wait()

    def do_block(g, gp, first):
        pltpu.sync_copy(idx_hbm.at[wid * NBLK + g], idx_v.at[gp])
        for t in range(SPB):
            b = t % K
            if not (first and t < K):
                drain(osems[b], b)
            pltpu.async_copy(
                table_sp.at[idx_v.at[gp, t]], rows_v.at[b], gsems[b]
            )
            if first and t < W:
                continue
            pb = (t - W) % K
            s_prev = g * SPB + t - W
            drain(gsems[pb], pb)
            pltpu.async_copy(
                rows_v.at[pb],
                out_hbm.at[pl.ds(base + s_prev * IPS, IPS)],
                osems[pb],
            )

    do_block(0, 0, True)

    def body(g, carry):
        do_block(g, lax.rem(g, 2), False)
        return carry

    lax.fori_loop(1, NBLK, body, 0)

    for i in range(W, 0, -1):
        s_last = NBLK * SPB - i
        pb = s_last % K
        drain(gsems[pb], pb)
        pltpu.async_copy(
            rows_v.at[pb],
            out_hbm.at[pl.ds(base + s_last * IPS, IPS)],
            osems[pb],
        )
    for b in range(K):
        drain(osems[b], b)


_gather = functools.partial(
    pl.kernel,
    out_type=jax.ShapeDtypeStruct((B, D), jnp.float32),
    mesh=plsc.VectorSubcoreMesh(core_axis_name="c", subcore_axis_name="s"),
    scratch_types=[
        pltpu.VMEM((2, SPB, IPS), jnp.int32),
        pltpu.VMEM((K, IPS, D), jnp.float32),
        pltpu.VMEM_SHARED((NW * VPAD, D), jnp.float32),
        pltpu.SemaphoreType.DMA,
        pltpu.SemaphoreType.DMA,
        pltpu.SemaphoreType.DMA,
        pltpu.SemaphoreType.DMA,
        pltpu.SemaphoreType.DMA,
        pltpu.SemaphoreType.DMA,
        pltpu.SemaphoreType.DMA,
        pltpu.SemaphoreType.DMA,
    ],
)(_gather_body)


@jax.jit
def kernel(x, emb):
    table = _swish_rep(emb).reshape(NW * VPAD, D)
    nblocks = B // (SPB * IPS)
    bias = (jnp.arange(nblocks, dtype=jnp.int32) // NBLK * VPAD)[:, None, None]
    idx3d = x.reshape(nblocks, SPB, IPS) + bias
    out = _gather(table, idx3d)
    return out.reshape(ROWS, COLS, D)

# --- scband reference (transcript-rebuilt; emitter-appended) ---
"""Pipeline reference for scband-embedding-block-7095285973124 (READ-ONLY COPY).

The authoritative reference and input builder live on the scoring server;
editing this copy changes nothing except your own understanding.
"""

import jax, jax.numpy as jnp
import numpy as np
from math import sqrt


def swish(x):
    return x * jax.nn.sigmoid(x)


def setup_inputs(seed: int = 0) -> dict:
    key = jax.random.key(seed)
    k1, k2 = jax.random.split(key)
    x = jax.random.randint(k1, (16384, 200), 0, 95, dtype=jnp.int64 if jax.config.jax_enable_x64 else jnp.int32).astype(jnp.int32)
    emb = jax.random.uniform(k2, (95, 128), dtype=jnp.float32, minval=-sqrt(3.0), maxval=sqrt(3.0))
    return {"x": x, "emb": emb}


def reference(x, emb):
    # EmbeddingBlock.forward: swish(Embedding(95, hidden_channels)(x))
    h = jnp.take(emb, x, axis=0)  # gather: [16384, 200, 128]
    return swish(h)

if __name__ == "__main__":
    import jax
    _d = setup_inputs()
    print(jax.jit(kernel)(*tuple(_d.values())))

</pallas_src>

<mosaic_0001>
#map = affine_map<(d0, d1) -> (0, 0)>
#map1 = affine_map<(d0, d1) -> (0, 0, 0)>
module attributes {stable_mosaic.version = 14 : i64} {
  func.func @_gather_body(%arg0: i32, %arg1: i32, %arg2: memref<3072x128xf32, #tpu.memory_space<hbm>>, %arg3: memref<3200x8x128xi32, #tpu.memory_space<hbm>>, %arg4: memref<3276800x128xf32, #tpu.memory_space<hbm>>, %arg5: memref<2x8x128xi32, #tpu.memory_space<vmem>>, %arg6: memref<4x128x128xf32, #tpu.memory_space<vmem>>, %arg7: memref<3072x128xf32, #tpu.memory_space<vmem_shared>>, %arg8: memref<!tpu.dma_semaphore, #tpu.memory_space<semaphore_mem>>, %arg9: memref<!tpu.dma_semaphore, #tpu.memory_space<semaphore_mem>>, %arg10: memref<!tpu.dma_semaphore, #tpu.memory_space<semaphore_mem>>, %arg11: memref<!tpu.dma_semaphore, #tpu.memory_space<semaphore_mem>>, %arg12: memref<!tpu.dma_semaphore, #tpu.memory_space<semaphore_mem>>, %arg13: memref<!tpu.dma_semaphore, #tpu.memory_space<semaphore_mem>>, %arg14: memref<!tpu.dma_semaphore, #tpu.memory_space<semaphore_mem>>, %arg15: memref<!tpu.dma_semaphore, #tpu.memory_space<semaphore_mem>>) attributes {dimension_semantics = [#tpu.dimension_semantics<core_parallel>, #tpu.dimension_semantics<subcore_parallel>], iteration_bounds = array<i64: 2, 16>, scalar_prefetch = 0 : i64, scratch_operands = 11 : i64, tpu.core_type = #tpu.core_type<sc_vector_subcore>, window_params = [{transform_indices = #map}, {transform_indices = #map1}, {transform_indices = #map}]} {
    %mul3A = arith.constant 2 : i32
    %mul3A_0 = arith.muli %arg1, %mul3A : i32
    %add3A = arith.addi %mul3A_0, %arg0 : i32
    %mul3A_1 = arith.constant 102400 : i32
    %mul3A_2 = arith.muli %add3A, %mul3A_1 : i32
    %eq3A = arith.constant 0 : i32
    %eq3A_3 = arith.cmpi eq, %arg1, %eq3A : i32
    %convert_element_type3A = arith.extui %eq3A_3 : i1 to i32
    %cond3A = arith.constant 0 : i32
    %cond3A_4 = arith.cmpi ne, %convert_element_type3A, %cond3A : i32
    scf.if %cond3A_4 {
      %run_scoped3A_476 = arith.constant 0 : i32
      "tpu.region"() ({
        %run_scoped3A_524 = tpu.sem_alloc : memref<!tpu.dma_semaphore, #tpu.memory_space<semaphore_mem>>
        %dma_start3A_525 = arith.constant 0 : i32
        %dma_start3A_526 = arith.constant 0 : i32
        %dma_start3A_527 = tpu.memref_slice %arg6[%run_scoped3A_476, %dma_start3A_525, %dma_start3A_526] : memref<4x128x128xf32, #tpu.memory_space<vmem>> -> memref<1x128x128xf32, #tpu.memory_space<vmem>>
        %dma_start3A_528 = tpu.memref_squeeze %dma_start3A_527 : memref<1x128x128xf32, #tpu.memory_space<vmem>> -> memref<128x128xf32, #tpu.memory_space<vmem>>
        %dma_start3A_529 = arith.constant 0 : i32
        %dma_start3A_530 = arith.constant 0 : i32
        %dma_start3A_531 = tpu.memref_slice %arg2[%dma_start3A_529, %dma_start3A_530] : memref<3072x128xf32, #tpu.memory_space<hbm>> -> memref<128x128xf32, #tpu.memory_space<hbm>>
        %dma_start3A_532 = arith.constant 0 : i32
        %dma_start3A_533 = arith.constant 0 : i32
        %dma_start3A_534 = tpu.memref_slice %arg6[%run_scoped3A_476, %dma_start3A_532, %dma_start3A_533] : memref<4x128x128xf32, #tpu.memory_space<vmem>> -> memref<1x128x128xf32, #tpu.memory_space<vmem>>
        %dma_start3A_535 = tpu.memref_squeeze %dma_start3A_534 : memref<1x128x128xf32, #tpu.memory_space<vmem>> -> memref<128x128xf32, #tpu.memory_space<vmem>>
        %dma_start3A_536 = arith.constant 0 : i32
        %dma_start3A_537 = arith.constant 0 : i32
        %dma_start3A_538 = tpu.memref_slice %arg2[%dma_start3A_536, %dma_start3A_537] : memref<3072x128xf32, #tpu.memory_space<hbm>> -> memref<128x128xf32, #tpu.memory_space<hbm>>
        tpu.enqueue_dma source(%dma_start3A_538 : memref<128x128xf32, #tpu.memory_space<hbm>>) target(%dma_start3A_535 : memref<128x128xf32, #tpu.memory_space<vmem>>) target_semaphore(%run_scoped3A_524 : memref<!tpu.dma_semaphore, #tpu.memory_space<semaphore_mem>>)
        %dma_wait3A_539 = arith.constant 0 : i32
        %dma_wait3A_540 = arith.constant 0 : i32
        %dma_wait3A_541 = tpu.memref_slice %arg6[%run_scoped3A_476, %dma_wait3A_539, %dma_wait3A_540] : memref<4x128x128xf32, #tpu.memory_space<vmem>> -> memref<1x128x128xf32, #tpu.memory_space<vmem>>
        %dma_wait3A_542 = tpu.memref_squeeze %dma_wait3A_541 : memref<1x128x128xf32, #tpu.memory_space<vmem>> -> memref<128x128xf32, #tpu.memory_space<vmem>>
        %dma_wait3A_543 = arith.constant 0 : i32
        %dma_wait3A_544 = arith.constant 0 : i32
        %dma_wait3A_545 = tpu.memref_slice %arg2[%dma_wait3A_543, %dma_wait3A_544] : memref<3072x128xf32, #tpu.memory_space<hbm>> -> memref<128x128xf32, #tpu.memory_space<hbm>>
        %dma_wait3A_546 = arith.constant 0 : i32
        %dma_wait3A_547 = arith.constant 0 : i32
        %dma_wait3A_548 = tpu.memref_slice %arg6[%run_scoped3A_476, %dma_wait3A_546, %dma_wait3A_547] : memref<4x128x128xf32, #tpu.memory_space<vmem>> -> memref<1x128x128xf32, #tpu.memory_space<vmem>>
        %dma_wait3A_549 = tpu.memref_squeeze %dma_wait3A_548 : memref<1x128x128xf32, #tpu.memory_space<vmem>> -> memref<128x128xf32, #tpu.memory_space<vmem>>
        %dma_wait3A_550 = arith.constant 0 : i32
        %dma_wait3A_551 = arith.constant 0 : i32
        %dma_wait3A_552 = tpu.memref_slice %arg2[%dma_wait3A_550, %dma_wait3A_551] : memref<3072x128xf32, #tpu.memory_space<hbm>> -> memref<128x128xf32, #tpu.memory_space<hbm>>
        tpu.wait_dma2 semaphore(%run_scoped3A_524 : memref<!tpu.dma_semaphore, #tpu.memory_space<semaphore_mem>>) src(%dma_wait3A_552 : memref<128x128xf32, #tpu.memory_space<hbm>>) dst(%dma_wait3A_549 : memref<128x128xf32, #tpu.memory_space<vmem>>)
        tpu.yield
      }) : () -> ()
      %run_scoped3A_477 = arith.constant 0 : i32
      "tpu.region"() ({
        %run_scoped3A_524 = tpu.sem_alloc : memref<!tpu.dma_semaphore, #tpu.memory_space<semaphore_mem>>
        %dma_start3A_525 = arith.constant 0 : i32
        %dma_start3A_526 = arith.constant 0 : i32
        %dma_start3A_527 = tpu.memref_slice %arg6[%run_scoped3A_477, %dma_start3A_525, %dma_start3A_526] : memref<4x128x128xf32, #tpu.memory_space<vmem>> -> memref<1x128x128xf32, #tpu.memory_space<vmem>>
        %dma_start3A_528 = tpu.memref_squeeze %dma_start3A_527 : memref<1x128x128xf32, #tpu.memory_space<vmem>> -> memref<128x128xf32, #tpu.memory_space<vmem>>
        %dma_start3A_529 = arith.constant 0 : i32
        %dma_start3A_530 = arith.constant 0 : i32
        %dma_start3A_531 = tpu.memref_slice %arg7[%dma_start3A_529, %dma_start3A_530] : memref<3072x128xf32, #tpu.memory_space<vmem_shared>> -> memref<128x128xf32, #tpu.memory_space<vmem_shared>>
        %dma_start3A_532 = arith.constant 0 : i32
        %dma_start3A_533 = arith.constant 0 : i32
        %dma_start3A_534 = tpu.memref_slice %arg7[%dma_start3A_532, %dma_start3A_533] : memref<3072x128xf32, #tpu.memory_space<vmem_shared>> -> memref<128x128xf32, #tpu.memory_space<vmem_shared>>
        %dma_start3A_535 = arith.constant 0 : i32
        %dma_start3A_536 = arith.constant 0 : i32
        %dma_start3A_537 = tpu.memref_slice %arg6[%run_scoped3A_477, %dma_start3A_535, %dma_start3A_536] : memref<4x128x128xf32, #tpu.memory_space<vmem>> -> memref<1x128x128xf32, #tpu.memory_space<vmem>>
        %dma_start3A_538 = tpu.memref_squeeze %dma_start3A_537 : memref<1x128x128xf32, #tpu.memory_space<vmem>> -> memref<128x128xf32, #tpu.memory_space<vmem>>
        tpu.enqueue_dma source(%dma_start3A_538 : memref<128x128xf32, #tpu.memory_space<vmem>>) target(%dma_start3A_534 : memref<128x128xf32, #tpu.memory_space<vmem_shared>>) target_semaphore(%run_scoped3A_524 : memref<!tpu.dma_semaphore, #tpu.memory_space<semaphore_mem>>)
        %dma_wait3A_539 = arith.constant 0 : i32
        %dma_wait3A_540 = arith.constant 0 : i32
        %dma_wait3A_541 = tpu.memref_slice %arg6[%run_scoped3A_477, %dma_wait3A_539, %dma_wait3A_540] : memref<4x128x128xf32, #tpu.memory_space<vmem>> -> memref<1x128x128xf32, #tpu.memory_space<vmem>>
        %dma_wait3A_542 = tpu.memref_squeeze %dma_wait3A_541 : memref<1x128x128xf32, #tpu.memory_space<vmem>> -> memref<128x128xf32, #tpu.memory_space<vmem>>
        %dma_wait3A_543 = arith.constant 0 : i32
        %dma_wait3A_544 = arith.constant 0 : i32
        %dma_wait3A_545 = tpu.memref_slice %arg7[%dma_wait3A_543, %dma_wait3A_544] : memref<3072x128xf32, #tpu.memory_space<vmem_shared>> -> memref<128x128xf32, #tpu.memory_space<vmem_shared>>
        %dma_wait3A_546 = arith.constant 0 : i32
        %dma_wait3A_547 = arith.constant 0 : i32
        %dma_wait3A_548 = tpu.memref_slice %arg7[%dma_wait3A_546, %dma_wait3A_547] : memref<3072x128xf32, #tpu.memory_space<vmem_shared>> -> memref<128x128xf32, #tpu.memory_space<vmem_shared>>
        %dma_wait3A_549 = arith.constant 0 : i32
        %dma_wait3A_550 = arith.constant 0 : i32
        %dma_wait3A_551 = tpu.memref_slice %arg6[%run_scoped3A_477, %dma_wait3A_549, %dma_wait3A_550] : memref<4x128x128xf32, #tpu.memory_space<vmem>> -> memref<1x128x128xf32, #tpu.memory_space<vmem>>
        %dma_wait3A_552 = tpu.memref_squeeze %dma_wait3A_551 : memref<1x128x128xf32, #tpu.memory_space<vmem>> -> memref<128x128xf32, #tpu.memory_space<vmem>>
        tpu.wait_dma2 semaphore(%run_scoped3A_524 : memref<!tpu.dma_semaphore, #tpu.memory_space<semaphore_mem>>) src(%dma_wait3A_552 : memref<128x128xf32, #tpu.memory_space<vmem>>) dst(%dma_wait3A_548 : memref<128x128xf32, #tpu.memory_space<vmem_shared>>)
        tpu.yield
      }) : () -> ()
      %run_scoped3A_478 = arith.constant 0 : i32
      "tpu.region"() ({
        %run_scoped3A_524 = tpu.sem_alloc : memref<!tpu.dma_semaphore, #tpu.memory_space<semaphore_mem>>
        %dma_start3A_525 = arith.constant 0 : i32
        %dma_start3A_526 = arith.constant 0 : i32
        %dma_start3A_527 = tpu.memref_slice %arg6[%run_scoped3A_478, %dma_start3A_525, %dma_start3A_526] : memref<4x128x128xf32, #tpu.memory_space<vmem>> -> memref<1x128x128xf32, #tpu.memory_space<vmem>>
        %dma_start3A_528 = tpu.memref_squeeze %dma_start3A_527 : memref<1x128x128xf32, #tpu.memory_space<vmem>> -> memref<128x128xf32, #tpu.memory_space<vmem>>
        %dma_start3A_529 = arith.constant 128 : i32
        %dma_start3A_530 = arith.constant 0 : i32
        %dma_start3A_531 = tpu.memref_slice %arg2[%dma_start3A_529, %dma_start3A_530] : memref<3072x128xf32, #tpu.memory_space<hbm>> -> memref<128x128xf32, #tpu.memory_space<hbm>>
        %dma_start3A_532 = arith.constant 0 : i32
        %dma_start3A_533 = arith.constant 0 : i32
        %dma_start3A_534 = tpu.memref_slice %arg6[%run_scoped3A_478, %dma_start3A_532, %dma_start3A_533] : memref<4x128x128xf32, #tpu.memory_space<vmem>> -> memref<1x128x128xf32, #tpu.memory_space<vmem>>
        %dma_start3A_535 = tpu.memref_squeeze %dma_start3A_534 : memref<1x128x128xf32, #tpu.memory_space<vmem>> -> memref<128x128xf32, #tpu.memory_space<vmem>>
        %dma_start3A_536 = arith.constant 128 : i32
        %dma_start3A_537 = arith.constant 0 : i32
        %dma_start3A_538 = tpu.memref_slice %arg2[%dma_start3A_536, %dma_start3A_537] : memref<3072x128xf32, #tpu.memory_space<hbm>> -> memref<128x128xf32, #tpu.memory_space<hbm>>
        tpu.enqueue_dma source(%dma_start3A_538 : memref<128x128xf32, #tpu.memory_space<hbm>>) target(%dma_start3A_535 : memref<128x128xf32, #tpu.memory_space<vmem>>) target_semaphore(%run_scoped3A_524 : memref<!tpu.dma_semaphore, #tpu.memory_space<semaphore_mem>>)
        %dma_wait3A_539 = arith.constant 0 : i32
        %dma_wait3A_540 = arith.constant 0 : i32
        %dma_wait3A_541 = tpu.memref_slice %arg6[%run_scoped3A_478, %dma_wait3A_539, %dma_wait3A_540] : memref<4x128x128xf32, #tpu.memory_space<vmem>> -> memref<1x128x128xf32, #tpu.memory_space<vmem>>
        %dma_wait3A_542 = tpu.memref_squeeze %dma_wait3A_541 : memref<1x128x128xf32, #tpu.memory_space<vmem>> -> memref<128x128xf32, #tpu.memory_space<vmem>>
        %dma_wait3A_543 = arith.constant 128 : i32
        %dma_wait3A_544 = arith.constant 0 : i32
        %dma_wait3A_545 = tpu.memref_slice %arg2[%dma_wait3A_543, %dma_wait3A_544] : memref<3072x128xf32, #tpu.memory_space<hbm>> -> memref<128x128xf32, #tpu.memory_space<hbm>>
        %dma_wait3A_546 = arith.constant 0 : i32
        %dma_wait3A_547 = arith.constant 0 : i32
        %dma_wait3A_548 = tpu.memref_slice %arg6[%run_scoped3A_478, %dma_wait3A_546, %dma_wait3A_547] : memref<4x128x128xf32, #tpu.memory_space<vmem>> -> memref<1x128x128xf32, #tpu.memory_space<vmem>>
        %dma_wait3A_549 = tpu.memref_squeeze %dma_wait3A_548 : memref<1x128x128xf32, #tpu.memory_space<vmem>> -> memref<128x128xf32, #tpu.memory_space<vmem>>
        %dma_wait3A_550 = arith.constant 128 : i32
        %dma_wait3A_551 = arith.constant 0 : i32
        %dma_wait3A_552 = tpu.memref_slice %arg2[%dma_wait3A_550, %dma_wait3A_551] : memref<3072x128xf32, #tpu.memory_space<hbm>> -> memref<128x128xf32, #tpu.memory_space<hbm>>
        tpu.wait_dma2 semaphore(%run_scoped3A_524 : memref<!tpu.dma_semaphore, #tpu.memory_space<semaphore_mem>>) src(%dma_wait3A_552 : memref<128x128xf32, #tpu.memory_space<hbm>>) dst(%dma_wait3A_549 : memref<128x128xf32, #tpu.memory_space<vmem>>)
        tpu.yield
      }) : () -> ()
      %run_scoped3A_479 = arith.constant 0 : i32
      "tpu.region"() ({
        %run_scoped3A_524 = tpu.sem_alloc : memref<!tpu.dma_semaphore, #tpu.memory_space<semaphore_mem>>
        %dma_start3A_525 = arith.constant 0 : i32
        %dma_start3A_526 = arith.constant 0 : i32
        %dma_start3A_527 = tpu.memref_slice %arg6[%run_scoped3A_479, %dma_start3A_525, %dma_start3A_526] : memref<4x128x128xf32, #tpu.memory_space<vmem>> -> memref<1x128x128xf32, #tpu.memory_space<vmem>>
        %dma_start3A_528 = tpu.memref_squeeze %dma_start3A_527 : memref<1x128x128xf32, #tpu.memory_space<vmem>> -> memref<128x128xf32, #tpu.memory_space<vmem>>
        %dma_start3A_529 = arith.constant 128 : i32
        %dma_start3A_530 = arith.constant 0 : i32
        %dma_start3A_531 = tpu.memref_slice %arg7[%dma_start3A_529, %dma_start3A_530] : memref<3072x128xf32, #tpu.memory_space<vmem_shared>> -> memref<128x128xf32, #tpu.memory_space<vmem_shared>>
        %dma_start3A_532 = arith.constant 128 : i32
        %dma_start3A_533 = arith.constant 0 : i32
        %dma_start3A_534 = tpu.memref_slice %arg7[%dma_start3A_532, %dma_start3A_533] : memref<3072x128xf32, #tpu.memory_space<vmem_shared>> -> memref<128x128xf32, #tpu.memory_space<vmem_shared>>
        %dma_start3A_535 = arith.constant 0 : i32
        %dma_start3A_536 = arith.constant 0 : i32
        %dma_start3A_537 = tpu.memref_slice %arg6[%run_scoped3A_479, %dma_start3A_535, %dma_start3A_536] : memref<4x128x128xf32, #tpu.memory_space<vmem>> -> memref<1x128x128xf32, #tpu.memory_space<vmem>>
        %dma_start3A_538 = tpu.memref_squeeze %dma_start3A_537 : memref<1x128x128xf32, #tpu.memory_space<vmem>> -> memref<128x128xf32, #tpu.memory_space<vmem>>
        tpu.enqueue_dma source(%dma_start3A_538 : memref<128x128xf32, #tpu.memory_space<vmem>>) target(%dma_start3A_534 : memref<128x128xf32, #tpu.memory_space<vmem_shared>>) target_semaphore(%run_scoped3A_524 : memref<!tpu.dma_semaphore, #tpu.memory_space<semaphore_mem>>)
        %dma_wait3A_539 = arith.constant 0 : i32
        %dma_wait3A_540 = arith.constant 0 : i32
        %dma_wait3A_541 = tpu.memref_slice %arg6[%run_scoped3A_479, %dma_wait3A_539, %dma_wait3A_540] : memref<4x128x128xf32, #tpu.memory_space<vmem>> -> memref<1x128x128xf32, #tpu.memory_space<vmem>>
        %dma_wait3A_542 = tpu.memref_squeeze %dma_wait3A_541 : memref<1x128x128xf32, #tpu.memory_space<vmem>> -> memref<128x128xf32, #tpu.memory_space<vmem>>
        %dma_wait3A_543 = arith.constant 128 : i32
        %dma_wait3A_544 = arith.constant 0 : i32
        %dma_wait3A_545 = tpu.memref_slice %arg7[%dma_wait3A_543, %dma_wait3A_544] : memref<3072x128xf32, #tpu.memory_space<vmem_shared>> -> memref<128x128xf32, #tpu.memory_space<vmem_shared>>
        %dma_wait3A_546 = arith.constant 128 : i32
        %dma_wait3A_547 = arith.constant 0 : i32
        %dma_wait3A_548 = tpu.memref_slice %arg7[%dma_wait3A_546, %dma_wait3A_547] : memref<3072x128xf32, #tpu.memory_space<vmem_shared>> -> memref<128x128xf32, #tpu.memory_space<vmem_shared>>
        %dma_wait3A_549 = arith.constant 0 : i32
        %dma_wait3A_550 = arith.constant 0 : i32
        %dma_wait3A_551 = tpu.memref_slice %arg6[%run_scoped3A_479, %dma_wait3A_549, %dma_wait3A_550] : memref<4x128x128xf32, #tpu.memory_space<vmem>> -> memref<1x128x128xf32, #tpu.memory_space<vmem>>
        %dma_wait3A_552 = tpu.memref_squeeze %dma_wait3A_551 : memref<1x128x128xf32, #tpu.memory_space<vmem>> -> memref<128x128xf32, #tpu.memory_space<vmem>>
        tpu.wait_dma2 semaphore(%run_scoped3A_524 : memref<!tpu.dma_semaphore, #tpu.memory_space<semaphore_mem>>) src(%dma_wait3A_552 : memref<128x128xf32, #tpu.memory_space<vmem>>) dst(%dma_wait3A_548 : memref<128x128xf32, #tpu.memory_space<vmem_shared>>)
        tpu.yield
      }) : () -> ()
      %run_scoped3A_480 = arith.constant 0 : i32
      "tpu.region"() ({
        %run_scoped3A_524 = tpu.sem_alloc : memref<!tpu.dma_semaphore, #tpu.memory_space<semaphore_mem>>
        %dma_start3A_525 = arith.constant 0 : i32
        %dma_start3A_526 = arith.constant 0 : i32
        %dma_start3A_527 = tpu.memref_slice %arg6[%run_scoped3A_480, %dma_start3A_525, %dma_start3A_526] : memref<4x128x128xf32, #tpu.memory_space<vmem>> -> memref<1x128x128xf32, #tpu.memory_space<vmem>>
        %dma_start3A_528 = tpu.memref_squeeze %dma_start3A_527 : memref<1x128x128xf32, #tpu.memory_space<vmem>> -> memref<128x128xf32, #tpu.memory_space<vmem>>
        %dma_start3A_529 = arith.constant 256 : i32
        %dma_start3A_530 = arith.constant 0 : i32
        %dma_start3A_531 = tpu.memref_slice %arg2[%dma_start3A_529, %dma_start3A_530] : memref<3072x128xf32, #tpu.memory_space<hbm>> -> memref<128x128xf32, #tpu.memory_space<hbm>>
        %dma_start3A_532 = arith.constant 0 : i32
        %dma_start3A_533 = arith.constant 0 : i32
        %dma_start3A_534 = tpu.memref_slice %arg6[%run_scoped3A_480, %dma_start3A_532, %dma_start3A_533] : memref<4x128x128xf32, #tpu.memory_space<vmem>> -> memref<1x128x128xf32, #tpu.memory_space<vmem>>
        %dma_start3A_535 = tpu.memref_squeeze %dma_start3A_534 : memref<1x128x128xf32, #tpu.memory_space<vmem>> -> memref<128x128xf32, #tpu.memory_space<vmem>>
        %dma_start3A_536 = arith.constant 256 : i32
        %dma_start3A_537 = arith.constant 0 : i32
        %dma_start3A_538 = tpu.memref_slice %arg2[%dma_start3A_536, %dma_start3A_537] : memref<3072x128xf32, #tpu.memory_space<hbm>> -> memref<128x128xf32, #tpu.memory_space<hbm>>
        tpu.enqueue_dma source(%dma_start3A_538 : memref<128x128xf32, #tpu.memory_space<hbm>>) target(%dma_start3A_535 : memref<128x128xf32, #tpu.memory_space<vmem>>) target_semaphore(%run_scoped3A_524 : memref<!tpu.dma_semaphore, #tpu.memory_space<semaphore_mem>>)
        %dma_wait3A_539 = arith.constant 0 : i32
        %dma_wait3A_540 = arith.constant 0 : i32
        %dma_wait3A_541 = tpu.memref_slice %arg6[%run_scoped3A_480, %dma_wait3A_539, %dma_wait3A_540] : memref<4x128x128xf32, #tpu.memory_space<vmem>> -> memref<1x128x128xf32, #tpu.memory_space<vmem>>
        %dma_wait3A_542 = tpu.memref_squeeze %dma_wait3A_541 : memref<1x128x128xf32, #tpu.memory_space<vmem>> -> memref<128x128xf32, #tpu.memory_space<vmem>>
        %dma_wait3A_543 = arith.constant 256 : i32
        %dma_wait3A_544 = arith.constant 0 : i32
        %dma_wait3A_545 = tpu.memref_slice %arg2[%dma_wait3A_543, %dma_wait3A_544] : memref<3072x128xf32, #tpu.memory_space<hbm>> -> memref<128x128xf32, #tpu.memory_space<hbm>>
        %dma_wait3A_546 = arith.constant 0 : i32
        %dma_wait3A_547 = arith.constant 0 : i32
        %dma_wait3A_548 = tpu.memref_slice %arg6[%run_scoped3A_480, %dma_wait3A_546, %dma_wait3A_547] : memref<4x128x128xf32, #tpu.memory_space<vmem>> -> memref<1x128x128xf32, #tpu.memory_space<vmem>>
        %dma_wait3A_549 = tpu.memref_squeeze %dma_wait3A_548 : memref<1x128x128xf32, #tpu.memory_space<vmem>> -> memref<128x128xf32, #tpu.memory_space<vmem>>
        %dma_wait3A_550 = arith.constant 256 : i32
        %dma_wait3A_551 = arith.constant 0 : i32
        %dma_wait3A_552 = tpu.memref_slice %arg2[%dma_wait3A_550, %dma_wait3A_551] : memref<3072x128xf32, #tpu.memory_space<hbm>> -> memref<128x128xf32, #tpu.memory_space<hbm>>
        tpu.wait_dma2 semaphore(%run_scoped3A_524 : memref<!tpu.dma_semaphore, #tpu.memory_space<semaphore_mem>>) src(%dma_wait3A_552 : memref<128x128xf32, #tpu.memory_space<hbm>>) dst(%dma_wait3A_549 : memref<128x128xf32, #tpu.memory_space<vmem>>)
        tpu.yield
      }) : () -> ()
      %run_scoped3A_481 = arith.constant 0 : i32
      "tpu.region"() ({
        %run_scoped3A_524 = tpu.sem_alloc : memref<!tpu.dma_semaphore, #tpu.memory_space<semaphore_mem>>
        %dma_start3A_525 = arith.constant 0 : i32
        %dma_start3A_526 = arith.constant 0 : i32
        %dma_start3A_527 = tpu.memref_slice %arg6[%run_scoped3A_481, %dma_start3A_525, %dma_start3A_526] : memref<4x128x128xf32, #tpu.memory_space<vmem>> -> memref<1x128x128xf32, #tpu.memory_space<vmem>>
        %dma_start3A_528 = tpu.memref_squeeze %dma_start3A_527 : memref<1x128x128xf32, #tpu.memory_space<vmem>> -> memref<128x128xf32, #tpu.memory_space<vmem>>
        %dma_start3A_529 = arith.constant 256 : i32
        %dma_start3A_530 = arith.constant 0 : i32
        %dma_start3A_531 = tpu.memref_slice %arg7[%dma_start3A_529, %dma_start3A_530] : memref<3072x128xf32, #tpu.memory_space<vmem_shared>> -> memref<128x128xf32, #tpu.memory_space<vmem_shared>>
        %dma_start3A_532 = arith.constant 256 : i32
        %dma_start3A_533 = arith.constant 0 : i32
        %dma_start3A_534 = tpu.memref_slice %arg7[%dma_start3A_532, %dma_start3A_533] : memref<3072x128xf32, #tpu.memory_space<vmem_shared>> -> memref<128x128xf32, #tpu.memory_space<vmem_shared>>
        %dma_start3A_535 = arith.constant 0 : i32
        %dma_start3A_536 = arith.constant 0 : i32
        %dma_start3A_537 = tpu.memref_slice %arg6[%run_scoped3A_481, %dma_start3A_535, %dma_start3A_536] : memref<4x128x128xf32, #tpu.memory_space<vmem>> -> memref<1x128x128xf32, #tpu.memory_space<vmem>>
        %dma_start3A_538 = tpu.memref_squeeze %dma_start3A_537 : memref<1x128x128xf32, #tpu.memory_space<vmem>> -> memref<128x128xf32, #tpu.memory_space<vmem>>
        tpu.enqueue_dma source(%dma_start3A_538 : memref<128x128xf32, #tpu.memory_space<vmem>>) target(%dma_start3A_534 : memref<128x128xf32, #tpu.memory_space<vmem_shared>>) target_semaphore(%run_scoped3A_524 : memref<!tpu.dma_semaphore, #tpu.memory_space<semaphore_mem>>)
        %dma_wait3A_539 = arith.constant 0 : i32
        %dma_wait3A_540 = arith.constant 0 : i32
        %dma_wait3A_541 = tpu.memref_slice %arg6[%run_scoped3A_481, %dma_wait3A_539, %dma_wait3A_540] : memref<4x128x128xf32, #tpu.memory_space<vmem>> -> memref<1x128x128xf32, #tpu.memory_space<vmem>>
        %dma_wait3A_542 = tpu.memref_squeeze %dma_wait3A_541 : memref<1x128x128xf32, #tpu.memory_space<vmem>> -> memref<128x128xf32, #tpu.memory_space<vmem>>
        %dma_wait3A_543 = arith.constant 256 : i32
        %dma_wait3A_544 = arith.constant 0 : i32
        %dma_wait3A_545 = tpu.memref_slice %arg7[%dma_wait3A_543, %dma_wait3A_544] : memref<3072x128xf32, #tpu.memory_space<vmem_shared>> -> memref<128x128xf32, #tpu.memory_space<vmem_shared>>
        %dma_wait3A_546 = arith.constant 256 : i32
        %dma_wait3A_547 = arith.constant 0 : i32
        %dma_wait3A_548 = tpu.memref_slice %arg7[%dma_wait3A_546, %dma_wait3A_547] : memref<3072x128xf32, #tpu.memory_space<vmem_shared>> -> memref<128x128xf32, #tpu.memory_space<vmem_shared>>
        %dma_wait3A_549 = arith.constant 0 : i32
        %dma_wait3A_550 = arith.constant 0 : i32
        %dma_wait3A_551 = tpu.memref_slice %arg6[%run_scoped3A_481, %dma_wait3A_549, %dma_wait3A_550] : memref<4x128x128xf32, #tpu.memory_space<vmem>> -> memref<1x128x128xf32, #tpu.memory_space<vmem>>
        %dma_wait3A_552 = tpu.memref_squeeze %dma_wait3A_551 : memref<1x128x128xf32, #tpu.memory_space<vmem>> -> memref<128x128xf32, #tpu.memory_space<vmem>>
        tpu.wait_dma2 semaphore(%run_scoped3A_524 : memref<!tpu.dma_semaphore, #tpu.memory_space<semaphore_mem>>) src(%dma_wait3A_552 : memref<128x128xf32, #tpu.memory_space<vmem>>) dst(%dma_wait3A_548 : memref<128x128xf32, #tpu.memory_space<vmem_shared>>)
        tpu.yield
      }) : () -> ()
      %run_scoped3A_482 = arith.constant 0 : i32
      "tpu.region"() ({
        %run_scoped3A_524 = tpu.sem_alloc : memref<!tpu.dma_semaphore, #tpu.memory_space<semaphore_mem>>
        %dma_start3A_525 = arith.constant 0 : i32
        %dma_start3A_526 = arith.constant 0 : i32
        %dma_start3A_527 = tpu.memref_slice %arg6[%run_scoped3A_482, %dma_start3A_525, %dma_start3A_526] : memref<4x128x128xf32, #tpu.memory_space<vmem>> -> memref<1x128x128xf32, #tpu.memory_space<vmem>>
        %dma_start3A_528 = tpu.memref_squeeze %dma_start3A_527 : memref<1x128x128xf32, #tpu.memory_space<vmem>> -> memref<128x128xf32, #tpu.memory_space<vmem>>
        %dma_start3A_529 = arith.constant 384 : i32
        %dma_start3A_530 = arith.constant 0 : i32
        %dma_start3A_531 = tpu.memref_slice %arg2[%dma_start3A_529, %dma_start3A_530] : memref<3072x128xf32, #tpu.memory_space<hbm>> -> memref<128x128xf32, #tpu.memory_space<hbm>>
        %dma_start3A_532 = arith.constant 0 : i32
        %dma_start3A_533 = arith.constant 0 : i32
        %dma_start3A_534 = tpu.memref_slice %arg6[%run_scoped3A_482, %dma_start3A_532, %dma_start3A_533] : memref<4x128x128xf32, #tpu.memory_space<vmem>> -> memref<1x128x128xf32, #tpu.memory_space<vmem>>
        %dma_start3A_535 = tpu.memref_squeeze %dma_start3A_534 : memref<1x128x128xf32, #tpu.memory_space<vmem>> -> memref<128x128xf32, #tpu.memory_space<vmem>>
        %dma_start3A_536 = arith.constant 384 : i32
        %dma_start3A_537 = arith.constant 0 : i32
        %dma_start3A_538 = tpu.memref_slice %arg2[%dma_start3A_536, %dma_start3A_537] : memref<3072x128xf32, #tpu.memory_space<hbm>> -> memref<128x128xf32, #tpu.memory_space<hbm>>
        tpu.enqueue_dma source(%dma_start3A_538 : memref<128x128xf32, #tpu.memory_space<hbm>>) target(%dma_start3A_535 : memref<128x128xf32, #tpu.memory_space<vmem>>) target_semaphore(%run_scoped3A_524 : memref<!tpu.dma_semaphore, #tpu.memory_space<semaphore_mem>>)
        %dma_wait3A_539 = arith.constant 0 : i32
        %dma_wait3A_540 = arith.constant 0 : i32
        %dma_wait3A_541 = tpu.memref_slice %arg6[%run_scoped3A_482, %dma_wait3A_539, %dma_wait3A_540] : memref<4x128x128xf32, #tpu.memory_space<vmem>> -> memref<1x128x128xf32, #tpu.memory_space<vmem>>
        %dma_wait3A_542 = tpu.memref_squeeze %dma_wait3A_541 : memref<1x128x128xf32, #tpu.memory_space<vmem>> -> memref<128x128xf32, #tpu.memory_space<vmem>>
        %dma_wait3A_543 = arith.constant 384 : i32
        %dma_wait3A_544 = arith.constant 0 : i32
        %dma_wait3A_545 = tpu.memref_slice %arg2[%dma_wait3A_543, %dma_wait3A_544] : memref<3072x128xf32, #tpu.memory_space<hbm>> -> memref<128x128xf32, #tpu.memory_space<hbm>>
        %dma_wait3A_546 = arith.constant 0 : i32
        %dma_wait3A_547 = arith.constant 0 : i32
        %dma_wait3A_548 = tpu.memref_slice %arg6[%run_scoped3A_482, %dma_wait3A_546, %dma_wait3A_547] : memref<4x128x128xf32, #tpu.memory_space<vmem>> -> memref<1x128x128xf32, #tpu.memory_space<vmem>>
        %dma_wait3A_549 = tpu.memref_squeeze %dma_wait3A_548 : memref<1x128x128xf32, #tpu.memory_space<vmem>> -> memref<128x128xf32, #tpu.memory_space<vmem>>
        %dma_wait3A_550 = arith.constant 384 : i32
        %dma_wait3A_551 = arith.constant 0 : i32
        %dma_wait3A_552 = tpu.memref_slice %arg2[%dma_wait3A_550, %dma_wait3A_551] : memref<3072x128xf32, #tpu.memory_space<hbm>> -> memref<128x128xf32, #tpu.memory_space<hbm>>
        tpu.wait_dma2 semaphore(%run_scoped3A_524 : memref<!tpu.dma_semaphore, #tpu.memory_space<semaphore_mem>>) src(%dma_wait3A_552 : memref<128x128xf32, #tpu.memory_space<hbm>>) dst(%dma_wait3A_549 : memref<128x128xf32, #tpu.memory_space<vmem>>)
        tpu.yield
      }) : () -> ()
      %run_scoped3A_483 = arith.constant 0 : i32
      "tpu.region"() ({
        %run_scoped3A_524 = tpu.sem_alloc : memref<!tpu.dma_semaphore, #tpu.memory_space<semaphore_mem>>
        %dma_start3A_525 = arith.constant 0 : i32
        %dma_start3A_526 = arith.constant 0 : i32
        %dma_start3A_527 = tpu.memref_slice %arg6[%run_scoped3A_483, %dma_start3A_525, %dma_start3A_526] : memref<4x128x128xf32, #tpu.memory_space<vmem>> -> memref<1x128x128xf32, #tpu.memory_space<vmem>>
        %dma_start3A_528 = tpu.memref_squeeze %dma_start3A_527 : memref<1x128x128xf32, #tpu.memory_space<vmem>> -> memref<128x128xf32, #tpu.memory_space<vmem>>
        %dma_start3A_529 = arith.constant 384 : i32
        %dma_start3A_530 = arith.constant 0 : i32
        %dma_start3A_531 = tpu.memref_slice %arg7[%dma_start3A_529, %dma_start3A_530] : memref<3072x128xf32, #tpu.memory_space<vmem_shared>> -> memref<128x128xf32, #tpu.memory_space<vmem_shared>>
        %dma_start3A_532 = arith.constant 384 : i32
        %dma_start3A_533 = arith.constant 0 : i32
        %dma_start3A_534 = tpu.memref_slice %arg7[%dma_start3A_532, %dma_start3A_533] : memref<3072x128xf32, #tpu.memory_space<vmem_shared>> -> memref<128x128xf32, #tpu.memory_space<vmem_shared>>
        %dma_start3A_535 = arith.constant 0 : i32
        %dma_start3A_536 = arith.constant 0 : i32
        %dma_start3A_537 = tpu.memref_slice %arg6[%run_scoped3A_483, %dma_start3A_535, %dma_start3A_536] : memref<4x128x128xf32, #tpu.memory_space<vmem>> -> memref<1x128x128xf32, #tpu.memory_space<vmem>>
        %dma_start3A_538 = tpu.memref_squeeze %dma_start3A_537 : memref<1x128x128xf32, #tpu.memory_space<vmem>> -> memref<128x128xf32, #tpu.memory_space<vmem>>
        tpu.enqueue_dma source(%dma_start3A_538 : memref<128x128xf32, #tpu.memory_space<vmem>>) target(%dma_start3A_534 : memref<128x128xf32, #tpu.memory_space<vmem_shared>>) target_semaphore(%run_scoped3A_524 : memref<!tpu.dma_semaphore, #tpu.memory_space<semaphore_mem>>)
        %dma_wait3A_539 = arith.constant 0 : i32
        %dma_wait3A_540 = arith.constant 0 : i32
        %dma_wait3A_541 = tpu.memref_slice %arg6[%run_scoped3A_483, %dma_wait3A_539, %dma_wait3A_540] : memref<4x128x128xf32, #tpu.memory_space<vmem>> -> memref<1x128x128xf32, #tpu.memory_space<vmem>>
        %dma_wait3A_542 = tpu.memref_squeeze %dma_wait3A_541 : memref<1x128x128xf32, #tpu.memory_space<vmem>> -> memref<128x128xf32, #tpu.memory_space<vmem>>
        %dma_wait3A_543 = arith.constant 384 : i32
        %dma_wait3A_544 = arith.constant 0 : i32
        %dma_wait3A_545 = tpu.memref_slice %arg7[%dma_wait3A_543, %dma_wait3A_544] : memref<3072x128xf32, #tpu.memory_space<vmem_shared>> -> memref<128x128xf32, #tpu.memory_space<vmem_shared>>
        %dma_wait3A_546 = arith.constant 384 : i32
        %dma_wait3A_547 = arith.constant 0 : i32
        %dma_wait3A_548 = tpu.memref_slice %arg7[%dma_wait3A_546, %dma_wait3A_547] : memref<3072x128xf32, #tpu.memory_space<vmem_shared>> -> memref<128x128xf32, #tpu.memory_space<vmem_shared>>
        %dma_wait3A_549 = arith.constant 0 : i32
        %dma_wait3A_550 = arith.constant 0 : i32
        %dma_wait3A_551 = tpu.memref_slice %arg6[%run_scoped3A_483, %dma_wait3A_549, %dma_wait3A_550] : memref<4x128x128xf32, #tpu.memory_space<vmem>> -> memref<1x128x128xf32, #tpu.memory_space<vmem>>
        %dma_wait3A_552 = tpu.memref_squeeze %dma_wait3A_551 : memref<1x128x128xf32, #tpu.memory_space<vmem>> -> memref<128x128xf32, #tpu.memory_space<vmem>>
        tpu.wait_dma2 semaphore(%run_scoped3A_524 : memref<!tpu.dma_semaphore, #tpu.memory_space<semaphore_mem>>) src(%dma_wait3A_552 : memref<128x128xf32, #tpu.memory_space<vmem>>) dst(%dma_wait3A_548 : memref<128x128xf32, #tpu.memory_space<vmem_shared>>)
        tpu.yield
      }) : () -> ()
      %run_scoped3A_484 = arith.constant 0 : i32
      "tpu.region"() ({
        %run_scoped3A_524 = tpu.sem_alloc : memref<!tpu.dma_semaphore, #tpu.memory_space<semaphore_mem>>
        %dma_start3A_525 = arith.constant 0 : i32
        %dma_start3A_526 = arith.constant 0 : i32
        %dma_start3A_527 = tpu.memref_slice %arg6[%run_scoped3A_484, %dma_start3A_525, %dma_start3A_526] : memref<4x128x128xf32, #tpu.memory_space<vmem>> -> memref<1x128x128xf32, #tpu.memory_space<vmem>>
        %dma_start3A_528 = tpu.memref_squeeze %dma_start3A_527 : memref<1x128x128xf32, #tpu.memory_space<vmem>> -> memref<128x128xf32, #tpu.memory_space<vmem>>
        %dma_start3A_529 = arith.constant 512 : i32
        %dma_start3A_530 = arith.constant 0 : i32
        %dma_start3A_531 = tpu.memref_slice %arg2[%dma_start3A_529, %dma_start3A_530] : memref<3072x128xf32, #tpu.memory_space<hbm>> -> memref<128x128xf32, #tpu.memory_space<hbm>>
        %dma_start3A_532 = arith.constant 0 : i32
        %dma_start3A_533 = arith.constant 0 : i32
        %dma_start3A_534 = tpu.memref_slice %arg6[%run_scoped3A_484, %dma_start3A_532, %dma_start3A_533] : memref<4x128x128xf32, #tpu.memory_space<vmem>> -> memref<1x128x128xf32, #tpu.memory_space<vmem>>
        %dma_start3A_535 = tpu.memref_squeeze %dma_start3A_534 : memref<1x128x128xf32, #tpu.memory_space<vmem>> -> memref<128x128xf32, #tpu.memory_space<vmem>>
        %dma_start3A_536 = arith.constant 512 : i32
        %dma_start3A_537 = arith.constant 0 : i32
        %dma_start3A_538 = tpu.memref_slice %arg2[%dma_start3A_536, %dma_start3A_537] : memref<3072x128xf32, #tpu.memory_space<hbm>> -> memref<128x128xf32, #tpu.memory_space<hbm>>
        tpu.enqueue_dma source(%dma_start3A_538 : memref<128x128xf32, #tpu.memory_space<hbm>>) target(%dma_start3A_535 : memref<128x128xf32, #tpu.memory_space<vmem>>) target_semaphore(%run_scoped3A_524 : memref<!tpu.dma_semaphore, #tpu.memory_space<semaphore_mem>>)
        %dma_wait3A_539 = arith.constant 0 : i32
        %dma_wait3A_540 = arith.constant 0 : i32
        %dma_wait3A_541 = tpu.memref_slice %arg6[%run_scoped3A_484, %dma_wait3A_539, %dma_wait3A_540] : memref<4x128x128xf32, #tpu.memory_space<vmem>> -> memref<1x128x128xf32, #tpu.memory_space<vmem>>
        %dma_wait3A_542 = tpu.memref_squeeze %dma_wait3A_541 : memref<1x128x128xf32, #tpu.memory_space<vmem>> -> memref<128x128xf32, #tpu.memory_space<vmem>>
        %dma_wait3A_543 = arith.constant 512 : i32
        %dma_wait3A_544 = arith.constant 0 : i32
        %dma_wait3A_545 = tpu.memref_slice %arg2[%dma_wait3A_543, %dma_wait3A_544] : memref<3072x128xf32, #tpu.memory_space<hbm>> -> memref<128x128xf32, #tpu.memory_space<hbm>>
        %dma_wait3A_546 = arith.constant 0 : i32
        %dma_wait3A_547 = arith.constant 0 : i32
        %dma_wait3A_548 = tpu.memref_slice %arg6[%run_scoped3A_484, %dma_wait3A_546, %dma_wait3A_547] : memref<4x128x128xf32, #tpu.memory_space<vmem>> -> memref<1x128x128xf32, #tpu.memory_space<vmem>>
        %dma_wait3A_549 = tpu.memref_squeeze %dma_wait3A_548 : memref<1x128x128xf32, #tpu.memory_space<vmem>> -> memref<128x128xf32, #tpu.memory_space<vmem>>
        %dma_wait3A_550 = arith.constant 512 : i32
        %dma_wait3A_551 = arith.constant 0 : i32
        %dma_wait3A_552 = tpu.memref_slice %arg2[%dma_wait3A_550, %dma_wait3A_551] : memref<3072x128xf32, #tpu.memory_space<hbm>> -> memref<128x128xf32, #tpu.memory_space<hbm>>
        tpu.wait_dma2 semaphore(%run_scoped3A_524 : memref<!tpu.dma_semaphore, #tpu.memory_space<semaphore_mem>>) src(%dma_wait3A_552 : memref<128x128xf32, #tpu.memory_space<hbm>>) dst(%dma_wait3A_549 : memref<128x128xf32, #tpu.memory_space<vmem>>)
        tpu.yield
      }) : () -> ()
      %run_scoped3A_485 = arith.constant 0 : i32
      "tpu.region"() ({
        %run_scoped3A_524 = tpu.sem_alloc : memref<!tpu.dma_semaphore, #tpu.memory_space<semaphore_mem>>
        %dma_start3A_525 = arith.constant 0 : i32
        %dma_start3A_526 = arith.constant 0 : i32
        %dma_start3A_527 = tpu.memref_slice %arg6[%run_scoped3A_485, %dma_start3A_525, %dma_start3A_526] : memref<4x128x128xf32, #tpu.memory_space<vmem>> -> memref<1x128x128xf32, #tpu.memory_space<vmem>>
        %dma_start3A_528 = tpu.memref_squeeze %dma_start3A_527 : memref<1x128x128xf32, #tpu.memory_space<vmem>> -> memref<128x128xf32, #tpu.memory_space<vmem>>
        %dma_start3A_529 = arith.constant 512 : i32
        %dma_start3A_530 = arith.constant 0 : i32
        %dma_start3A_531 = tpu.memref_slice %arg7[%dma_start3A_529, %dma_start3A_530] : memref<3072x128xf32, #tpu.memory_space<vmem_shared>> -> memref<128x128xf32, #tpu.memory_space<vmem_shared>>
        %dma_start3A_532 = arith.constant 512 : i32
        %dma_start3A_533 = arith.constant 0 : i32
        %dma_start3A_534 = tpu.memref_slice %arg7[%dma_start3A_532, %dma_start3A_533] : memref<3072x128xf32, #tpu.memory_space<vmem_shared>> -> memref<128x128xf32, #tpu.memory_space<vmem_shared>>
        %dma_start3A_535 = arith.constant 0 : i32
        %dma_start3A_536 = arith.constant 0 : i32
        %dma_start3A_537 = tpu.memref_slice %arg6[%run_scoped3A_485, %dma_start3A_535, %dma_start3A_536] : memref<4x128x128xf32, #tpu.memory_space<vmem>> -> memref<1x128x128xf32, #tpu.memory_space<vmem>>
        %dma_start3A_538 = tpu.memref_squeeze %dma_start3A_537 : memref<1x128x128xf32, #tpu.memory_space<vmem>> -> memref<128x128xf32, #tpu.memory_space<vmem>>
        tpu.enqueue_dma source(%dma_start3A_538 : memref<128x128xf32, #tpu.memory_space<vmem>>) target(%dma_start3A_534 : memref<128x128xf32, #tpu.memory_space<vmem_shared>>) target_semaphore(%run_scoped3A_524 : memref<!tpu.dma_semaphore, #tpu.memory_space<semaphore_mem>>)
        %dma_wait3A_539 = arith.constant 0 : i32
        %dma_wait3A_540 = arith.constant 0 : i32
        %dma_wait3A_541 = tpu.memref_slice %arg6[%run_scoped3A_485, %dma_wait3A_539, %dma_wait3A_540] : memref<4x128x128xf32, #tpu.memory_space<vmem>> -> memref<1x128x128xf32, #tpu.memory_space<vmem>>
        %dma_wait3A_542 = tpu.memref_squeeze %dma_wait3A_541 : memref<1x128x128xf32, #tpu.memory_space<vmem>> -> memref<128x128xf32, #tpu.memory_space<vmem>>
        %dma_wait3A_543 = arith.constant 512 : i32
        %dma_wait3A_544 = arith.constant 0 : i32
        %dma_wait3A_545 = tpu.memref_slice %arg7[%dma_wait3A_543, %dma_wait3A_544] : memref<3072x128xf32, #tpu.memory_space<vmem_shared>> -> memref<128x128xf32, #tpu.memory_space<vmem_shared>>
        %dma_wait3A_546 = arith.constant 512 : i32
        %dma_wait3A_547 = arith.constant 0 : i32
        %dma_wait3A_548 = tpu.memref_slice %arg7[%dma_wait3A_546, %dma_wait3A_547] : memref<3072x128xf32, #tpu.memory_space<vmem_shared>> -> memref<128x128xf32, #tpu.memory_space<vmem_shared>>
        %dma_wait3A_549 = arith.constant 0 : i32
        %dma_wait3A_550 = arith.constant 0 : i32
        %dma_wait3A_551 = tpu.memref_slice %arg6[%run_scoped3A_485, %dma_wait3A_549, %dma_wait3A_550] : memref<4x128x128xf32, #tpu.memory_space<vmem>> -> memref<1x128x128xf32, #tpu.memory_space<vmem>>
        %dma_wait3A_552 = tpu.memref_squeeze %dma_wait3A_551 : memref<1x128x128xf32, #tpu.memory_space<vmem>> -> memref<128x128xf32, #tpu.memory_space<vmem>>
        tpu.wait_dma2 semaphore(%run_scoped3A_524 : memref<!tpu.dma_semaphore, #tpu.memory_space<semaphore_mem>>) src(%dma_wait3A_552 : memref<128x128xf32, #tpu.memory_space<vmem>>) dst(%dma_wait3A_548 : memref<128x128xf32, #tpu.memory_space<vmem_shared>>)
        tpu.yield
      }) : () -> ()
      %run_scoped3A_486 = arith.constant 0 : i32
      "tpu.region"() ({
        %run_scoped3A_524 = tpu.sem_alloc : memref<!tpu.dma_semaphore, #tpu.memory_space<semaphore_mem>>
        %dma_start3A_525 = arith.constant 0 : i32
        %dma_start3A_526 = arith.constant 0 : i32
        %dma_start3A_527 = tpu.memref_slice %arg6[%run_scoped3A_486, %dma_start3A_525, %dma_start3A_526] : memref<4x128x128xf32, #tpu.memory_space<vmem>> -> memref<1x128x128xf32, #tpu.memory_space<vmem>>
        %dma_start3A_528 = tpu.memref_squeeze %dma_start3A_527 : memref<1x128x128xf32, #tpu.memory_space<vmem>> -> memref<128x128xf32, #tpu.memory_space<vmem>>
        %dma_start3A_529 = arith.constant 640 : i32
        %dma_start3A_530 = arith.constant 0 : i32
        %dma_start3A_531 = tpu.memref_slice %arg2[%dma_start3A_529, %dma_start3A_530] : memref<3072x128xf32, #tpu.memory_space<hbm>> -> memref<128x128xf32, #tpu.memory_space<hbm>>
        %dma_start3A_532 = arith.constant 0 : i32
        %dma_start3A_533 = arith.constant 0 : i32
        %dma_start3A_534 = tpu.memref_slice %arg6[%run_scoped3A_486, %dma_start3A_532, %dma_start3A_533] : memref<4x128x128xf32, #tpu.memory_space<vmem>> -> memref<1x128x128xf32, #tpu.memory_space<vmem>>
        %dma_start3A_535 = tpu.memref_squeeze %dma_start3A_534 : memref<1x128x128xf32, #tpu.memory_space<vmem>> -> memref<128x128xf32, #tpu.memory_space<vmem>>
        %dma_start3A_536 = arith.constant 640 : i32
        %dma_start3A_537 = arith.constant 0 : i32
        %dma_start3A_538 = tpu.memref_slice %arg2[%dma_start3A_536, %dma_start3A_537] : memref<3072x128xf32, #tpu.memory_space<hbm>> -> memref<128x128xf32, #tpu.memory_space<hbm>>
        tpu.enqueue_dma source(%dma_start3A_538 : memref<128x128xf32, #tpu.memory_space<hbm>>) target(%dma_start3A_535 : memref<128x128xf32, #tpu.memory_space<vmem>>) target_semaphore(%run_scoped3A_524 : memref<!tpu.dma_semaphore, #tpu.memory_space<semaphore_mem>>)
        %dma_wait3A_539 = arith.constant 0 : i32
        %dma_wait3A_540 = arith.constant 0 : i32
        %dma_wait3A_541 = tpu.memref_slice %arg6[%run_scoped3A_486, %dma_wait3A_539, %dma_wait3A_540] : memref<4x128x128xf32, #tpu.memory_space<vmem>> -> memref<1x128x128xf32, #tpu.memory_space<vmem>>
        %dma_wait3A_542 = tpu.memref_squeeze %dma_wait3A_541 : memref<1x128x128xf32, #tpu.memory_space<vmem>> -> memref<128x128xf32, #tpu.memory_space<vmem>>
        %dma_wait3A_543 = arith.constant 640 : i32
        %dma_wait3A_544 = arith.constant 0 : i32
        %dma_wait3A_545 = tpu.memref_slice %arg2[%dma_wait3A_543, %dma_wait3A_544] : memref<3072x128xf32, #tpu.memory_space<hbm>> -> memref<128x128xf32, #tpu.memory_space<hbm>>
        %dma_wait3A_546 = arith.constant 0 : i32
        %dma_wait3A_547 = arith.constant 0 : i32
        %dma_wait3A_548 = tpu.memref_slice %arg6[%run_scoped3A_486, %dma_wait3A_546, %dma_wait3A_547] : memref<4x128x128xf32, #tpu.memory_space<vmem>> -> memref<1x128x128xf32, #tpu.memory_space<vmem>>
        %dma_wait3A_549 = tpu.memref_squeeze %dma_wait3A_548 : memref<1x128x128xf32, #tpu.memory_space<vmem>> -> memref<128x128xf32, #tpu.memory_space<vmem>>
        %dma_wait3A_550 = arith.constant 640 : i32
        %dma_wait3A_551 = arith.constant 0 : i32
        %dma_wait3A_552 = tpu.memref_slice %arg2[%dma_wait3A_550, %dma_wait3A_551] : memref<3072x128xf32, #tpu.memory_space<hbm>> -> memref<128x128xf32, #tpu.memory_space<hbm>>
        tpu.wait_dma2 semaphore(%run_scoped3A_524 : memref<!tpu.dma_semaphore, #tpu.memory_space<semaphore_mem>>) src(%dma_wait3A_552 : memref<128x128xf32, #tpu.memory_space<hbm>>) dst(%dma_wait3A_549 : memref<128x128xf32, #tpu.memory_space<vmem>>)
        tpu.yield
      }) : () -> ()
      %run_scoped3A_487 = arith.constant 0 : i32
      "tpu.region"() ({
        %run_scoped3A_524 = tpu.sem_alloc : memref<!tpu.dma_semaphore, #tpu.memory_space<semaphore_mem>>
        %dma_start3A_525 = arith.constant 0 : i32
        %dma_start3A_526 = arith.constant 0 : i32
        %dma_start3A_527 = tpu.memref_slice %arg6[%run_scoped3A_487, %dma_start3A_525, %dma_start3A_526] : memref<4x128x128xf32, #tpu.memory_space<vmem>> -> memref<1x128x128xf32, #tpu.memory_space<vmem>>
        %dma_start3A_528 = tpu.memref_squeeze %dma_start3A_527 : memref<1x128x128xf32, #tpu.memory_space<vmem>> -> memref<128x128xf32, #tpu.memory_space<vmem>>
        %dma_start3A_529 = arith.constant 640 : i32
        %dma_start3A_530 = arith.constant 0 : i32
        %dma_start3A_531 = tpu.memref_slice %arg7[%dma_start3A_529, %dma_start3A_530] : memref<3072x128xf32, #tpu.memory_space<vmem_shared>> -> memref<128x128xf32, #tpu.memory_space<vmem_shared>>
        %dma_start3A_532 = arith.constant 640 : i32
        %dma_start3A_533 = arith.constant 0 : i32
        %dma_start3A_534 = tpu.memref_slice %arg7[%dma_start3A_532, %dma_start3A_533] : memref<3072x128xf32, #tpu.memory_space<vmem_shared>> -> memref<128x128xf32, #tpu.memory_space<vmem_shared>>
        %dma_start3A_535 = arith.constant 0 : i32
        %dma_start3A_536 = arith.constant 0 : i32
        %dma_start3A_537 = tpu.memref_slice %arg6[%run_scoped3A_487, %dma_start3A_535, %dma_start3A_536] : memref<4x128x128xf32, #tpu.memory_space<vmem>> -> memref<1x128x128xf32, #tpu.memory_space<vmem>>
        %dma_start3A_538 = tpu.memref_squeeze %dma_start3A_537 : memref<1x128x128xf32, #tpu.memory_space<vmem>> -> memref<128x128xf32, #tpu.memory_space<vmem>>
        tpu.enqueue_dma source(%dma_start3A_538 : memref<128x128xf32, #tpu.memory_space<vmem>>) target(%dma_start3A_534 : memref<128x128xf32, #tpu.memory_space<vmem_shared>>) target_semaphore(%run_scoped3A_524 : memref<!tpu.dma_semaphore, #tpu.memory_space<semaphore_mem>>)
        %dma_wait3A_539 = arith.constant 0 : i32
        %dma_wait3A_540 = arith.constant 0 : i32
        %dma_wait3A_541 = tpu.memref_slice %arg6[%run_scoped3A_487, %dma_wait3A_539, %dma_wait3A_540] : memref<4x128x128xf32, #tpu.memory_space<vmem>> -> memref<1x128x128xf32, #tpu.memory_space<vmem>>
        %dma_wait3A_542 = tpu.memref_squeeze %dma_wait3A_541 : memref<1x128x128xf32, #tpu.memory_space<vmem>> -> memref<128x128xf32, #tpu.memory_space<vmem>>
        %dma_wait3A_543 = arith.constant 640 : i32
        %dma_wait3A_544 = arith.constant 0 : i32
        %dma_wait3A_545 = tpu.memref_slice %arg7[%dma_wait3A_543, %dma_wait3A_544] : memref<3072x128xf32, #tpu.memory_space<vmem_shared>> -> memref<128x128xf32, #tpu.memory_space<vmem_shared>>
        %dma_wait3A_546 = arith.constant 640 : i32
        %dma_wait3A_547 = arith.constant 0 : i32
        %dma_wait3A_548 = tpu.memref_slice %arg7[%dma_wait3A_546, %dma_wait3A_547] : memref<3072x128xf32, #tpu.memory_space<vmem_shared>> -> memref<128x128xf32, #tpu.memory_space<vmem_shared>>
        %dma_wait3A_549 = arith.constant 0 : i32
        %dma_wait3A_550 = arith.constant 0 : i32
        %dma_wait3A_551 = tpu.memref_slice %arg6[%run_scoped3A_487, %dma_wait3A_549, %dma_wait3A_550] : memref<4x128x128xf32, #tpu.memory_space<vmem>> -> memref<1x128x128xf32, #tpu.memory_space<vmem>>
        %dma_wait3A_552 = tpu.memref_squeeze %dma_wait3A_551 : memref<1x128x128xf32, #tpu.memory_space<vmem>> -> memref<128x128xf32, #tpu.memory_space<vmem>>
        tpu.wait_dma2 semaphore(%run_scoped3A_524 : memref<!tpu.dma_semaphore, #tpu.memory_space<semaphore_mem>>) src(%dma_wait3A_552 : memref<128x128xf32, #tpu.memory_space<vmem>>) dst(%dma_wait3A_548 : memref<128x128xf32, #tpu.memory_space<vmem_shared>>)
        tpu.yield
      }) : () -> ()
      %run_scoped3A_488 = arith.constant 0 : i32
      "tpu.region"() ({
        %run_scoped3A_524 = tpu.sem_alloc : memref<!tpu.dma_semaphore, #tpu.memory_space<semaphore_mem>>
        %dma_start3A_525 = arith.constant 0 : i32
        %dma_start3A_526 = arith.constant 0 : i32
        %dma_start3A_527 = tpu.memref_slice %arg6[%run_scoped3A_488, %dma_start3A_525, %dma_start3A_526] : memref<4x128x128xf32, #tpu.memory_space<vmem>> -> memref<1x128x128xf32, #tpu.memory_space<vmem>>
        %dma_start3A_528 = tpu.memref_squeeze %dma_start3A_527 : memref<1x128x128xf32, #tpu.memory_space<vmem>> -> memref<128x128xf32, #tpu.memory_space<vmem>>
        %dma_start3A_529 = arith.constant 768 : i32
        %dma_start3A_530 = arith.constant 0 : i32
        %dma_start3A_531 = tpu.memref_slice %arg2[%dma_start3A_529, %dma_start3A_530] : memref<3072x128xf32, #tpu.memory_space<hbm>> -> memref<128x128xf32, #tpu.memory_space<hbm>>
        %dma_start3A_532 = arith.constant 0 : i32
        %dma_start3A_533 = arith.constant 0 : i32
        %dma_start3A_534 = tpu.memref_slice %arg6[%run_scoped3A_488, %dma_start3A_532, %dma_start3A_533] : memref<4x128x128xf32, #tpu.memory_space<vmem>> -> memref<1x128x128xf32, #tpu.memory_space<vmem>>
        %dma_start3A_535 = tpu.memref_squeeze %dma_start3A_534 : memref<1x128x128xf32, #tpu.memory_space<vmem>> -> memref<128x128xf32, #tpu.memory_space<vmem>>
        %dma_start3A_536 = arith.constant 768 : i32
        %dma_start3A_537 = arith.constant 0 : i32
        %dma_start3A_538 = tpu.memref_slice %arg2[%dma_start3A_536, %dma_start3A_537] : memref<3072x128xf32, #tpu.memory_space<hbm>> -> memref<128x128xf32, #tpu.memory_space<hbm>>
        tpu.enqueue_dma source(%dma_start3A_538 : memref<128x128xf32, #tpu.memory_space<hbm>>) target(%dma_start3A_535 : memref<128x128xf32, #tpu.memory_space<vmem>>) target_semaphore(%run_scoped3A_524 : memref<!tpu.dma_semaphore, #tpu.memory_space<semaphore_mem>>)
        %dma_wait3A_539 = arith.constant 0 : i32
        %dma_wait3A_540 = arith.constant 0 : i32
        %dma_wait3A_541 = tpu.memref_slice %arg6[%run_scoped3A_488, %dma_wait3A_539, %dma_wait3A_540] : memref<4x128x128xf32, #tpu.memory_space<vmem>> -> memref<1x128x128xf32, #tpu.memory_space<vmem>>
        %dma_wait3A_542 = tpu.memref_squeeze %dma_wait3A_541 : memref<1x128x128xf32, #tpu.memory_space<vmem>> -> memref<128x128xf32, #tpu.memory_space<vmem>>
        %dma_wait3A_543 = arith.constant 768 : i32
        %dma_wait3A_544 = arith.constant 0 : i32
        %dma_wait3A_545 = tpu.memref_slice %arg2[%dma_wait3A_543, %dma_wait3A_544] : memref<3072x128xf32, #tpu.memory_space<hbm>> -> memref<128x128xf32, #tpu.memory_space<hbm>>
        %dma_wait3A_546 = arith.constant 0 : i32
        %dma_wait3A_547 = arith.constant 0 : i32
        %dma_wait3A_548 = tpu.memref_slice %arg6[%run_scoped3A_488, %dma_wait3A_546, %dma_wait3A_547] : memref<4x128x128xf32, #tpu.memory_space<vmem>> -> memref<1x128x128xf32, #tpu.memory_space<vmem>>
        %dma_wait3A_549 = tpu.memref_squeeze %dma_wait3A_548 : memref<1x128x128xf32, #tpu.memory_space<vmem>> -> memref<128x128xf32, #tpu.memory_space<vmem>>
        %dma_wait3A_550 = arith.constant 768 : i32
        %dma_wait3A_551 = arith.constant 0 : i32
        %dma_wait3A_552 = tpu.memref_slice %arg2[%dma_wait3A_550, %dma_wait3A_551] : memref<3072x128xf32, #tpu.memory_space<hbm>> -> memref<128x128xf32, #tpu.memory_space<hbm>>
        tpu.wait_dma2 semaphore(%run_scoped3A_524 : memref<!tpu.dma_semaphore, #tpu.memory_space<semaphore_mem>>) src(%dma_wait3A_552 : memref<128x128xf32, #tpu.memory_space<hbm>>) dst(%dma_wait3A_549 : memref<128x128xf32, #tpu.memory_space<vmem>>)
        tpu.yield
      }) : () -> ()
      %run_scoped3A_489 = arith.constant 0 : i32
      "tpu.region"() ({
        %run_scoped3A_524 = tpu.sem_alloc : memref<!tpu.dma_semaphore, #tpu.memory_space<semaphore_mem>>
        %dma_start3A_525 = arith.constant 0 : i32
        %dma_start3A_526 = arith.constant 0 : i32
        %dma_start3A_527 = tpu.memref_slice %arg6[%run_scoped3A_489, %dma_start3A_525, %dma_start3A_526] : memref<4x128x128xf32, #tpu.memory_space<vmem>> -> memref<1x128x128xf32, #tpu.memory_space<vmem>>
        %dma_start3A_528 = tpu.memref_squeeze %dma_start3A_527 : memref<1x128x128xf32, #tpu.memory_space<vmem>> -> memref<128x128xf32, #tpu.memory_space<vmem>>
        %dma_start3A_529 = arith.constant 768 : i32
        %dma_start3A_530 = arith.constant 0 : i32
        %dma_start3A_531 = tpu.memref_slice %arg7[%dma_start3A_529, %dma_start3A_530] : memref<3072x128xf32, #tpu.memory_space<vmem_shared>> -> memref<128x128xf32, #tpu.memory_space<vmem_shared>>
        %dma_start3A_532 = arith.constant 768 : i32
        %dma_start3A_533 = arith.constant 0 : i32
        %dma_start3A_534 = tpu.memref_slice %arg7[%dma_start3A_532, %dma_start3A_533] : memref<3072x128xf32, #tpu.memory_space<vmem_shared>> -> memref<128x128xf32, #tpu.memory_space<vmem_shared>>
        %dma_start3A_535 = arith.constant 0 : i32
        %dma_start3A_536 = arith.constant 0 : i32
        %dma_start3A_537 = tpu.memref_slice %arg6[%run_scoped3A_489, %dma_start3A_535, %dma_start3A_536] : memref<4x128x128xf32, #tpu.memory_space<vmem>> -> memref<1x128x128xf32, #tpu.memory_space<vmem>>
        %dma_start3A_538 = tpu.memref_squeeze %dma_start3A_537 : memref<1x128x128xf32, #tpu.memory_space<vmem>> -> memref<128x128xf32, #tpu.memory_space<vmem>>
        tpu.enqueue_dma source(%dma_start3A_538 : memref<128x128xf32, #tpu.memory_space<vmem>>) target(%dma_start3A_534 : memref<128x128xf32, #tpu.memory_space<vmem_shared>>) target_semaphore(%run_scoped3A_524 : memref<!tpu.dma_semaphore, #tpu.memory_space<semaphore_mem>>)
        %dma_wait3A_539 = arith.constant 0 : i32
        %dma_wait3A_540 = arith.constant 0 : i32
        %dma_wait3A_541 = tpu.memref_slice %arg6[%run_scoped3A_489, %dma_wait3A_539, %dma_wait3A_540] : memref<4x128x128xf32, #tpu.memory_space<vmem>> -> memref<1x128x128xf32, #tpu.memory_space<vmem>>
        %dma_wait3A_542 = tpu.memref_squeeze %dma_wait3A_541 : memref<1x128x128xf32, #tpu.memory_space<vmem>> -> memref<128x128xf32, #tpu.memory_space<vmem>>
        %dma_wait3A_543 = arith.constant 768 : i32
        %dma_wait3A_544 = arith.constant 0 : i32
        %dma_wait3A_545 = tpu.memref_slice %arg7[%dma_wait3A_543, %dma_wait3A_544] : memref<3072x128xf32, #tpu.memory_space<vmem_shared>> -> memref<128x128xf32, #tpu.memory_space<vmem_shared>>
        %dma_wait3A_546 = arith.constant 768 : i32
        %dma_wait3A_547 = arith.constant 0 : i32
        %dma_wait3A_548 = tpu.memref_slice %arg7[%dma_wait3A_546, %dma_wait3A_547] : memref<3072x128xf32, #tpu.memory_space<vmem_shared>> -> memref<128x128xf32, #tpu.memory_space<vmem_shared>>
        %dma_wait3A_549 = arith.constant 0 : i32
        %dma_wait3A_550 = arith.constant 0 : i32
        %dma_wait3A_551 = tpu.memref_slice %arg6[%run_scoped3A_489, %dma_wait3A_549, %dma_wait3A_550] : memref<4x128x128xf32, #tpu.memory_space<vmem>> -> memref<1x128x128xf32, #tpu.memory_space<vmem>>
        %dma_wait3A_552 = tpu.memref_squeeze %dma_wait3A_551 : memref<1x128x128xf32, #tpu.memory_space<vmem>> -> memref<128x128xf32, #tpu.memory_space<vmem>>
        tpu.wait_dma2 semaphore(%run_scoped3A_524 : memref<!tpu.dma_semaphore, #tpu.memory_space<semaphore_mem>>) src(%dma_wait3A_552 : memref<128x128xf32, #tpu.memory_space<vmem>>) dst(%dma_wait3A_548 : memref<128x128xf32, #tpu.memory_space<vmem_shared>>)
        tpu.yield
      }) : () -> ()
      %run_scoped3A_490 = arith.constant 0 : i32
      "tpu.region"() ({
        %run_scoped3A_524 = tpu.sem_alloc : memref<!tpu.dma_semaphore, #tpu.memory_space<semaphore_mem>>
        %dma_start3A_525 = arith.constant 0 : i32
        %dma_start3A_526 = arith.constant 0 : i32
        %dma_start3A_527 = tpu.memref_slice %arg6[%run_scoped3A_490, %dma_start3A_525, %dma_start3A_526] : memref<4x128x128xf32, #tpu.memory_space<vmem>> -> memref<1x128x128xf32, #tpu.memory_space<vmem>>
        %dma_start3A_528 = tpu.memref_squeeze %dma_start3A_527 : memref<1x128x128xf32, #tpu.memory_space<vmem>> -> memref<128x128xf32, #tpu.memory_space<vmem>>
        %dma_start3A_529 = arith.constant 896 : i32
        %dma_start3A_530 = arith.constant 0 : i32
        %dma_start3A_531 = tpu.memref_slice %arg2[%dma_start3A_529, %dma_start3A_530] : memref<3072x128xf32, #tpu.memory_space<hbm>> -> memref<128x128xf32, #tpu.memory_space<hbm>>
        %dma_start3A_532 = arith.constant 0 : i32
        %dma_start3A_533 = arith.constant 0 : i32
        %dma_start3A_534 = tpu.memref_slice %arg6[%run_scoped3A_490, %dma_start3A_532, %dma_start3A_533] : memref<4x128x128xf32, #tpu.memory_space<vmem>> -> memref<1x128x128xf32, #tpu.memory_space<vmem>>
        %dma_start3A_535 = tpu.memref_squeeze %dma_start3A_534 : memref<1x128x128xf32, #tpu.memory_space<vmem>> -> memref<128x128xf32, #tpu.memory_space<vmem>>
        %dma_start3A_536 = arith.constant 896 : i32
        %dma_start3A_537 = arith.constant 0 : i32
        %dma_start3A_538 = tpu.memref_slice %arg2[%dma_start3A_536, %dma_start3A_537] : memref<3072x128xf32, #tpu.memory_space<hbm>> -> memref<128x128xf32, #tpu.memory_space<hbm>>
        tpu.enqueue_dma source(%dma_start3A_538 : memref<128x128xf32, #tpu.memory_space<hbm>>) target(%dma_start3A_535 : memref<128x128xf32, #tpu.memory_space<vmem>>) target_semaphore(%run_scoped3A_524 : memref<!tpu.dma_semaphore, #tpu.memory_space<semaphore_mem>>)
        %dma_wait3A_539 = arith.constant 0 : i32
        %dma_wait3A_540 = arith.constant 0 : i32
        %dma_wait3A_541 = tpu.memref_slice %arg6[%run_scoped3A_490, %dma_wait3A_539, %dma_wait3A_540] : memref<4x128x128xf32, #tpu.memory_space<vmem>> -> memref<1x128x128xf32, #tpu.memory_space<vmem>>
        %dma_wait3A_542 = tpu.memref_squeeze %dma_wait3A_541 : memref<1x128x128xf32, #tpu.memory_space<vmem>> -> memref<128x128xf32, #tpu.memory_space<vmem>>
        %dma_wait3A_543 = arith.constant 896 : i32
        %dma_wait3A_544 = arith.constant 0 : i32
        %dma_wait3A_545 = tpu.memref_slice %arg2[%dma_wait3A_543, %dma_wait3A_544] : memref<3072x128xf32, #tpu.memory_space<hbm>> -> memref<128x128xf32, #tpu.memory_space<hbm>>
        %dma_wait3A_546 = arith.constant 0 : i32
        %dma_wait3A_547 = arith.constant 0 : i32
        %dma_wait3A_548 = tpu.memref_slice %arg6[%run_scoped3A_490, %dma_wait3A_546, %dma_wait3A_547] : memref<4x128x128xf32, #tpu.memory_space<vmem>> -> memref<1x128x128xf32, #tpu.memory_space<vmem>>
        %dma_wait3A_549 = tpu.memref_squeeze %dma_wait3A_548 : memref<1x128x128xf32, #tpu.memory_space<vmem>> -> memref<128x128xf32, #tpu.memory_space<vmem>>
        %dma_wait3A_550 = arith.constant 896 : i32
        %dma_wait3A_551 = arith.constant 0 : i32
        %dma_wait3A_552 = tpu.memref_slice %arg2[%dma_wait3A_550, %dma_wait3A_551] : memref<3072x128xf32, #tpu.memory_space<hbm>> -> memref<128x128xf32, #tpu.memory_space<hbm>>
        tpu.wait_dma2 semaphore(%run_scoped3A_524 : memref<!tpu.dma_semaphore, #tpu.memory_space<semaphore_mem>>) src(%dma_wait3A_552 : memref<128x128xf32, #tpu.memory_space<hbm>>) dst(%dma_wait3A_549 : memref<128x128xf32, #tpu.memory_space<vmem>>)
        tpu.yield
      }) : () -> ()
      %run_scoped3A_491 = arith.constant 0 : i32
      "tpu.region"() ({
        %run_scoped3A_524 = tpu.sem_alloc : memref<!tpu.dma_semaphore, #tpu.memory_space<semaphore_mem>>
        %dma_start3A_525 = arith.constant 0 : i32
        %dma_start3A_526 = arith.constant 0 : i32
        %dma_start3A_527 = tpu.memref_slice %arg6[%run_scoped3A_491, %dma_start3A_525, %dma_start3A_526] : memref<4x128x128xf32, #tpu.memory_space<vmem>> -> memref<1x128x128xf32, #tpu.memory_space<vmem>>
        %dma_start3A_528 = tpu.memref_squeeze %dma_start3A_527 : memref<1x128x128xf32, #tpu.memory_space<vmem>> -> memref<128x128xf32, #tpu.memory_space<vmem>>
        %dma_start3A_529 = arith.constant 896 : i32
        %dma_start3A_530 = arith.constant 0 : i32
        %dma_start3A_531 = tpu.memref_slice %arg7[%dma_start3A_529, %dma_start3A_530] : memref<3072x128xf32, #tpu.memory_space<vmem_shared>> -> memref<128x128xf32, #tpu.memory_space<vmem_shared>>
        %dma_start3A_532 = arith.constant 896 : i32
        %dma_start3A_533 = arith.constant 0 : i32
        %dma_start3A_534 = tpu.memref_slice %arg7[%dma_start3A_532, %dma_start3A_533] : memref<3072x128xf32, #tpu.memory_space<vmem_shared>> -> memref<128x128xf32, #tpu.memory_space<vmem_shared>>
        %dma_start3A_535 = arith.constant 0 : i32
        %dma_start3A_536 = arith.constant 0 : i32
        %dma_start3A_537 = tpu.memref_slice %arg6[%run_scoped3A_491, %dma_start3A_535, %dma_start3A_536] : memref<4x128x128xf32, #tpu.memory_space<vmem>> -> memref<1x128x128xf32, #tpu.memory_space<vmem>>
        %dma_start3A_538 = tpu.memref_squeeze %dma_start3A_537 : memref<1x128x128xf32, #tpu.memory_space<vmem>> -> memref<128x128xf32, #tpu.memory_space<vmem>>
        tpu.enqueue_dma source(%dma_start3A_538 : memref<128x128xf32, #tpu.memory_space<vmem>>) target(%dma_start3A_534 : memref<128x128xf32, #tpu.memory_space<vmem_shared>>) target_semaphore(%run_scoped3A_524 : memref<!tpu.dma_semaphore, #tpu.memory_space<semaphore_mem>>)
        %dma_wait3A_539 = arith.constant 0 : i32
        %dma_wait3A_540 = arith.constant 0 : i32
        %dma_wait3A_541 = tpu.memref_slice %arg6[%run_scoped3A_491, %dma_wait3A_539, %dma_wait3A_540] : memref<4x128x128xf32, #tpu.memory_space<vmem>> -> memref<1x128x128xf32, #tpu.memory_space<vmem>>
        %dma_wait3A_542 = tpu.memref_squeeze %dma_wait3A_541 : memref<1x128x128xf32, #tpu.memory_space<vmem>> -> memref<128x128xf32, #tpu.memory_space<vmem>>
        %dma_wait3A_543 = arith.constant 896 : i32
        %dma_wait3A_544 = arith.constant 0 : i32
        %dma_wait3A_545 = tpu.memref_slice %arg7[%dma_wait3A_543, %dma_wait3A_544] : memref<3072x128xf32, #tpu.memory_space<vmem_shared>> -> memref<128x128xf32, #tpu.memory_space<vmem_shared>>
        %dma_wait3A_546 = arith.constant 896 : i32
        %dma_wait3A_547 = arith.constant 0 : i32
        %dma_wait3A_548 = tpu.memref_slice %arg7[%dma_wait3A_546, %dma_wait3A_547] : memref<3072x128xf32, #tpu.memory_space<vmem_shared>> -> memref<128x128xf32, #tpu.memory_space<vmem_shared>>
        %dma_wait3A_549 = arith.constant 0 : i32
        %dma_wait3A_550 = arith.constant 0 : i32
        %dma_wait3A_551 = tpu.memref_slice %arg6[%run_scoped3A_491, %dma_wait3A_549, %dma_wait3A_550] : memref<4x128x128xf32, #tpu.memory_space<vmem>> -> memref<1x128x128xf32, #tpu.memory_space<vmem>>
        %dma_wait3A_552 = tpu.memref_squeeze %dma_wait3A_551 : memref<1x128x128xf32, #tpu.memory_space<vmem>> -> memref<128x128xf32, #tpu.memory_space<vmem>>
        tpu.wait_dma2 semaphore(%run_scoped3A_524 : memref<!tpu.dma_semaphore, #tpu.memory_space<semaphore_mem>>) src(%dma_wait3A_552 : memref<128x128xf32, #tpu.memory_space<vmem>>) dst(%dma_wait3A_548 : memref<128x128xf32, #tpu.memory_space<vmem_shared>>)
        tpu.yield
      }) : () -> ()
      %run_scoped3A_492 = arith.constant 0 : i32
      "tpu.region"() ({
        %run_scoped3A_524 = tpu.sem_alloc : memref<!tpu.dma_semaphore, #tpu.memory_space<semaphore_mem>>
        %dma_start3A_525 = arith.constant 0 : i32
        %dma_start3A_526 = arith.constant 0 : i32
        %dma_start3A_527 = tpu.memref_slice %arg6[%run_scoped3A_492, %dma_start3A_525, %dma_start3A_526] : memref<4x128x128xf32, #tpu.memory_space<vmem>> -> memref<1x128x128xf32, #tpu.memory_space<vmem>>
        %dma_start3A_528 = tpu.memref_squeeze %dma_start3A_527 : memref<1x128x128xf32, #tpu.memory_space<vmem>> -> memref<128x128xf32, #tpu.memory_space<vmem>>
        %dma_start3A_529 = arith.constant 1024 : i32
        %dma_start3A_530 = arith.constant 0 : i32
        %dma_start3A_531 = tpu.memref_slice %arg2[%dma_start3A_529, %dma_start3A_530] : memref<3072x128xf32, #tpu.memory_space<hbm>> -> memref<128x128xf32, #tpu.memory_space<hbm>>
        %dma_start3A_532 = arith.constant 0 : i32
        %dma_start3A_533 = arith.constant 0 : i32
        %dma_start3A_534 = tpu.memref_slice %arg6[%run_scoped3A_492, %dma_start3A_532, %dma_start3A_533] : memref<4x128x128xf32, #tpu.memory_space<vmem>> -> memref<1x128x128xf32, #tpu.memory_space<vmem>>
        %dma_start3A_535 = tpu.memref_squeeze %dma_start3A_534 : memref<1x128x128xf32, #tpu.memory_space<vmem>> -> memref<128x128xf32, #tpu.memory_space<vmem>>
        %dma_start3A_536 = arith.constant 1024 : i32
        %dma_start3A_537 = arith.constant 0 : i32
        %dma_start3A_538 = tpu.memref_slice %arg2[%dma_start3A_536, %dma_start3A_537] : memref<3072x128xf32, #tpu.memory_space<hbm>> -> memref<128x128xf32, #tpu.memory_space<hbm>>
        tpu.enqueue_dma source(%dma_start3A_538 : memref<128x128xf32, #tpu.memory_space<hbm>>) target(%dma_start3A_535 : memref<128x128xf32, #tpu.memory_space<vmem>>) target_semaphore(%run_scoped3A_524 : memref<!tpu.dma_semaphore, #tpu.memory_space<semaphore_mem>>)
        %dma_wait3A_539 = arith.constant 0 : i32
        %dma_wait3A_540 = arith.constant 0 : i32
        %dma_wait3A_541 = tpu.memref_slice %arg6[%run_scoped3A_492, %dma_wait3A_539, %dma_wait3A_540] : memref<4x128x128xf32, #tpu.memory_space<vmem>> -> memref<1x128x128xf32, #tpu.memory_space<vmem>>
        %dma_wait3A_542 = tpu.memref_squeeze %dma_wait3A_541 : memref<1x128x128xf32, #tpu.memory_space<vmem>> -> memref<128x128xf32, #tpu.memory_space<vmem>>
        %dma_wait3A_543 = arith.constant 1024 : i32
        %dma_wait3A_544 = arith.constant 0 : i32
        %dma_wait3A_545 = tpu.memref_slice %arg2[%dma_wait3A_543, %dma_wait3A_544] : memref<3072x128xf32, #tpu.memory_space<hbm>> -> memref<128x128xf32, #tpu.memory_space<hbm>>
        %dma_wait3A_546 = arith.constant 0 : i32
        %dma_wait3A_547 = arith.constant 0 : i32
        %dma_wait3A_548 = tpu.memref_slice %arg6[%run_scoped3A_492, %dma_wait3A_546, %dma_wait3A_547] : memref<4x128x128xf32, #tpu.memory_space<vmem>> -> memref<1x128x128xf32, #tpu.memory_space<vmem>>
        %dma_wait3A_549 = tpu.memref_squeeze %dma_wait3A_548 : memref<1x128x128xf32, #tpu.memory_space<vmem>> -> memref<128x128xf32, #tpu.memory_space<vmem>>
        %dma_wait3A_550 = arith.constant 1024 : i32
        %dma_wait3A_551 = arith.constant 0 : i32
        %dma_wait3A_552 = tpu.memref_slice %arg2[%dma_wait3A_550, %dma_wait3A_551] : memref<3072x128xf32, #tpu.memory_space<hbm>> -> memref<128x128xf32, #tpu.memory_space<hbm>>
        tpu.wait_dma2 semaphore(%run_scoped3A_524 : memref<!tpu.dma_semaphore, #tpu.memory_space<semaphore_mem>>) src(%dma_wait3A_552 : memref<128x128xf32, #tpu.memory_space<hbm>>) dst(%dma_wait3A_549 : memref<128x128xf32, #tpu.memory_space<vmem>>)
        tpu.yield
      }) : () -> ()
      %run_scoped3A_493 = arith.constant 0 : i32
      "tpu.region"() ({
        %run_scoped3A_524 = tpu.sem_alloc : memref<!tpu.dma_semaphore, #tpu.memory_space<semaphore_mem>>
        %dma_start3A_525 = arith.constant 0 : i32
        %dma_start3A_526 = arith.constant 0 : i32
        %dma_start3A_527 = tpu.memref_slice %arg6[%run_scoped3A_493, %dma_start3A_525, %dma_start3A_526] : memref<4x128x128xf32, #tpu.memory_space<vmem>> -> memref<1x128x128xf32, #tpu.memory_space<vmem>>
        %dma_start3A_528 = tpu.memref_squeeze %dma_start3A_527 : memref<1x128x128xf32, #tpu.memory_space<vmem>> -> memref<128x128xf32, #tpu.memory_space<vmem>>
        %dma_start3A_529 = arith.constant 1024 : i32
        %dma_start3A_530 = arith.constant 0 : i32
        %dma_start3A_531 = tpu.memref_slice %arg7[%dma_start3A_529, %dma_start3A_530] : memref<3072x128xf32, #tpu.memory_space<vmem_shared>> -> memref<128x128xf32, #tpu.memory_space<vmem_shared>>
        %dma_start3A_532 = arith.constant 1024 : i32
        %dma_start3A_533 = arith.constant 0 : i32
        %dma_start3A_534 = tpu.memref_slice %arg7[%dma_start3A_532, %dma_start3A_533] : memref<3072x128xf32, #tpu.memory_space<vmem_shared>> -> memref<128x128xf32, #tpu.memory_space<vmem_shared>>
        %dma_start3A_535 = arith.constant 0 : i32
        %dma_start3A_536 = arith.constant 0 : i32
        %dma_start3A_537 = tpu.memref_slice %arg6[%run_scoped3A_493, %dma_start3A_535, %dma_start3A_536] : memref<4x128x128xf32, #tpu.memory_space<vmem>> -> memref<1x128x128xf32, #tpu.memory_space<vmem>>
        %dma_start3A_538 = tpu.memref_squeeze %dma_start3A_537 : memref<1x128x128xf32, #tpu.memory_space<vmem>> -> memref<128x128xf32, #tpu.memory_space<vmem>>
        tpu.enqueue_dma source(%dma_start3A_538 : memref<128x128xf32, #tpu.memory_space<vmem>>) target(%dma_start3A_534 : memref<128x128xf32, #tpu.memory_space<vmem_shared>>) target_semaphore(%run_scoped3A_524 : memref<!tpu.dma_semaphore, #tpu.memory_space<semaphore_mem>>)
        %dma_wait3A_539 = arith.constant 0 : i32
        %dma_wait3A_540 = arith.constant 0 : i32
        %dma_wait3A_541 = tpu.memref_slice %arg6[%run_scoped3A_493, %dma_wait3A_539, %dma_wait3A_540] : memref<4x128x128xf32, #tpu.memory_space<vmem>> -> memref<1x128x128xf32, #tpu.memory_space<vmem>>
        %dma_wait3A_542 = tpu.memref_squeeze %dma_wait3A_541 : memref<1x128x128xf32, #tpu.memory_space<vmem>> -> memref<128x128xf32, #tpu.memory_space<vmem>>
        %dma_wait3A_543 = arith.constant 1024 : i32
        %dma_wait3A_544 = arith.constant 0 : i32
        %dma_wait3A_545 = tpu.memref_slice %arg7[%dma_wait3A_543, %dma_wait3A_544] : memref<3072x128xf32, #tpu.memory_space<vmem_shared>> -> memref<128x128xf32, #tpu.memory_space<vmem_shared>>
        %dma_wait3A_546 = arith.constant 1024 : i32
        %dma_wait3A_547 = arith.constant 0 : i32
        %dma_wait3A_548 = tpu.memref_slice %arg7[%dma_wait3A_546, %dma_wait3A_547] : memref<3072x128xf32, #tpu.memory_space<vmem_shared>> -> memref<128x128xf32, #tpu.memory_space<vmem_shared>>
        %dma_wait3A_549 = arith.constant 0 : i32
        %dma_wait3A_550 = arith.constant 0 : i32
        %dma_wait3A_551 = tpu.memref_slice %arg6[%run_scoped3A_493, %dma_wait3A_549, %dma_wait3A_550] : memref<4x128x128xf32, #tpu.memory_space<vmem>> -> memref<1x128x128xf32, #tpu.memory_space<vmem>>
        %dma_wait3A_552 = tpu.memref_squeeze %dma_wait3A_551 : memref<1x128x128xf32, #tpu.memory_space<vmem>> -> memref<128x128xf32, #tpu.memory_space<vmem>>
        tpu.wait_dma2 semaphore(%run_scoped3A_524 : memref<!tpu.dma_semaphore, #tpu.memory_space<semaphore_mem>>) src(%dma_wait3A_552 : memref<128x128xf32, #tpu.memory_space<vmem>>) dst(%dma_wait3A_548 : memref<128x128xf32, #tpu.memory_space<vmem_shared>>)
        tpu.yield
      }) : () -> ()
      %run_scoped3A_494 = arith.constant 0 : i32
      "tpu.region"() ({
        %run_scoped3A_524 = tpu.sem_alloc : memref<!tpu.dma_semaphore, #tpu.memory_space<semaphore_mem>>
        %dma_start3A_525 = arith.constant 0 : i32
        %dma_start3A_526 = arith.constant 0 : i32
        %dma_start3A_527 = tpu.memref_slice %arg6[%run_scoped3A_494, %dma_start3A_525, %dma_start3A_526] : memref<4x128x128xf32, #tpu.memory_space<vmem>> -> memref<1x128x128xf32, #tpu.memory_space<vmem>>
        %dma_start3A_528 = tpu.memref_squeeze %dma_start3A_527 : memref<1x128x128xf32, #tpu.memory_space<vmem>> -> memref<128x128xf32, #tpu.memory_space<vmem>>
        %dma_start3A_529 = arith.constant 1152 : i32
        %dma_start3A_530 = arith.constant 0 : i32
        %dma_start3A_531 = tpu.memref_slice %arg2[%dma_start3A_529, %dma_start3A_530] : memref<3072x128xf32, #tpu.memory_space<hbm>> -> memref<128x128xf32, #tpu.memory_space<hbm>>
        %dma_start3A_532 = arith.constant 0 : i32
        %dma_start3A_533 = arith.constant 0 : i32
        %dma_start3A_534 = tpu.memref_slice %arg6[%run_scoped3A_494, %dma_start3A_532, %dma_start3A_533] : memref<4x128x128xf32, #tpu.memory_space<vmem>> -> memref<1x128x128xf32, #tpu.memory_space<vmem>>
        %dma_start3A_535 = tpu.memref_squeeze %dma_start3A_534 : memref<1x128x128xf32, #tpu.memory_space<vmem>> -> memref<128x128xf32, #tpu.memory_space<vmem>>
        %dma_start3A_536 = arith.constant 1152 : i32
        %dma_start3A_537 = arith.constant 0 : i32
        %dma_start3A_538 = tpu.memref_slice %arg2[%dma_start3A_536, %dma_start3A_537] : memref<3072x128xf32, #tpu.memory_space<hbm>> -> memref<128x128xf32, #tpu.memory_space<hbm>>
        tpu.enqueue_dma source(%dma_start3A_538 : memref<128x128xf32, #tpu.memory_space<hbm>>) target(%dma_start3A_535 : memref<128x128xf32, #tpu.memory_space<vmem>>) target_semaphore(%run_scoped3A_524 : memref<!tpu.dma_semaphore, #tpu.memory_space<semaphore_mem>>)
        %dma_wait3A_539 = arith.constant 0 : i32
        %dma_wait3A_540 = arith.constant 0 : i32
        %dma_wait3A_541 = tpu.memref_slice %arg6[%run_scoped3A_494, %dma_wait3A_539, %dma_wait3A_540] : memref<4x128x128xf32, #tpu.memory_space<vmem>> -> memref<1x128x128xf32, #tpu.memory_space<vmem>>
        %dma_wait3A_542 = tpu.memref_squeeze %dma_wait3A_541 : memref<1x128x128xf32, #tpu.memory_space<vmem>> -> memref<128x128xf32, #tpu.memory_space<vmem>>
        %dma_wait3A_543 = arith.constant 1152 : i32
        %dma_wait3A_544 = arith.constant 0 : i32
        %dma_wait3A_545 = tpu.memref_slice %arg2[%dma_wait3A_543, %dma_wait3A_544] : memref<3072x128xf32, #tpu.memory_space<hbm>> -> memref<128x128xf32, #tpu.memory_space<hbm>>
        %dma_wait3A_546 = arith.constant 0 : i32
        %dma_wait3A_547 = arith.constant 0 : i32
        %dma_wait3A_548 = tpu.memref_slice %arg6[%run_scoped3A_494, %dma_wait3A_546, %dma_wait3A_547] : memref<4x128x128xf32, #tpu.memory_space<vmem>> -> memref<1x128x128xf32, #tpu.memory_space<vmem>>
        %dma_wait3A_549 = tpu.memref_squeeze %dma_wait3A_548 : memref<1x128x128xf32, #tpu.memory_space<vmem>> -> memref<128x128xf32, #tpu.memory_space<vmem>>
        %dma_wait3A_550 = arith.constant 1152 : i32
        %dma_wait3A_551 = arith.constant 0 : i32
        %dma_wait3A_552 = tpu.memref_slice %arg2[%dma_wait3A_550, %dma_wait3A_551] : memref<3072x128xf32, #tpu.memory_space<hbm>> -> memref<128x128xf32, #tpu.memory_space<hbm>>
        tpu.wait_dma2 semaphore(%run_scoped3A_524 : memref<!tpu.dma_semaphore, #tpu.memory_space<semaphore_mem>>) src(%dma_wait3A_552 : memref<128x128xf32, #tpu.memory_space<hbm>>) dst(%dma_wait3A_549 : memref<128x128xf32, #tpu.memory_space<vmem>>)
        tpu.yield
      }) : () -> ()
      %run_scoped3A_495 = arith.constant 0 : i32
      "tpu.region"() ({
        %run_scoped3A_524 = tpu.sem_alloc : memref<!tpu.dma_semaphore, #tpu.memory_space<semaphore_mem>>
        %dma_start3A_525 = arith.constant 0 : i32
        %dma_start3A_526 = arith.constant 0 : i32
        %dma_start3A_527 = tpu.memref_slice %arg6[%run_scoped3A_495, %dma_start3A_525, %dma_start3A_526] : memref<4x128x128xf32, #tpu.memory_space<vmem>> -> memref<1x128x128xf32, #tpu.memory_space<vmem>>
        %dma_start3A_528 = tpu.memref_squeeze %dma_start3A_527 : memref<1x128x128xf32, #tpu.memory_space<vmem>> -> memref<128x128xf32, #tpu.memory_space<vmem>>
        %dma_start3A_529 = arith.constant 1152 : i32
        %dma_start3A_530 = arith.constant 0 : i32
        %dma_start3A_531 = tpu.memref_slice %arg7[%dma_start3A_529, %dma_start3A_530] : memref<3072x128xf32, #tpu.memory_space<vmem_shared>> -> memref<128x128xf32, #tpu.memory_space<vmem_shared>>
        %dma_start3A_532 = arith.constant 1152 : i32
        %dma_start3A_533 = arith.constant 0 : i32
        %dma_start3A_534 = tpu.memref_slice %arg7[%dma_start3A_532, %dma_start3A_533] : memref<3072x128xf32, #tpu.memory_space<vmem_shared>> -> memref<128x128xf32, #tpu.memory_space<vmem_shared>>
        %dma_start3A_535 = arith.constant 0 : i32
        %dma_start3A_536 = arith.constant 0 : i32
        %dma_start3A_537 = tpu.memref_slice %arg6[%run_scoped3A_495, %dma_start3A_535, %dma_start3A_536] : memref<4x128x128xf32, #tpu.memory_space<vmem>> -> memref<1x128x128xf32, #tpu.memory_space<vmem>>
        %dma_start3A_538 = tpu.memref_squeeze %dma_start3A_537 : memref<1x128x128xf32, #tpu.memory_space<vmem>> -> memref<128x128xf32, #tpu.memory_space<vmem>>
        tpu.enqueue_dma source(%dma_start3A_538 : memref<128x128xf32, #tpu.memory_space<vmem>>) target(%dma_start3A_534 : memref<128x128xf32, #tpu.memory_space<vmem_shared>>) target_semaphore(%run_scoped3A_524 : memref<!tpu.dma_semaphore, #tpu.memory_space<semaphore_mem>>)
        %dma_wait3A_539 = arith.constant 0 : i32
        %dma_wait3A_540 = arith.constant 0 : i32
        %dma_wait3A_541 = tpu.memref_slice %arg6[%run_scoped3A_495, %dma_wait3A_539, %dma_wait3A_540] : memref<4x128x128xf32, #tpu.memory_space<vmem>> -> memref<1x128x128xf32, #tpu.memory_space<vmem>>
        %dma_wait3A_542 = tpu.memref_squeeze %dma_wait3A_541 : memref<1x128x128xf32, #tpu.memory_space<vmem>> -> memref<128x128xf32, #tpu.memory_space<vmem>>
        %dma_wait3A_543 = arith.constant 1152 : i32
        %dma_wait3A_544 = arith.constant 0 : i32
        %dma_wait3A_545 = tpu.memref_slice %arg7[%dma_wait3A_543, %dma_wait3A_544] : memref<3072x128xf32, #tpu.memory_space<vmem_shared>> -> memref<128x128xf32, #tpu.memory_space<vmem_shared>>
        %dma_wait3A_546 = arith.constant 1152 : i32
        %dma_wait3A_547 = arith.constant 0 : i32
        %dma_wait3A_548 = tpu.memref_slice %arg7[%dma_wait3A_546, %dma_wait3A_547] : memref<3072x128xf32, #tpu.memory_space<vmem_shared>> -> memref<128x128xf32, #tpu.memory_space<vmem_shared>>
        %dma_wait3A_549 = arith.constant 0 : i32
        %dma_wait3A_550 = arith.constant 0 : i32
        %dma_wait3A_551 = tpu.memref_slice %arg6[%run_scoped3A_495, %dma_wait3A_549, %dma_wait3A_550] : memref<4x128x128xf32, #tpu.memory_space<vmem>> -> memref<1x128x128xf32, #tpu.memory_space<vmem>>
        %dma_wait3A_552 = tpu.memref_squeeze %dma_wait3A_551 : memref<1x128x128xf32, #tpu.memory_space<vmem>> -> memref<128x128xf32, #tpu.memory_space<vmem>>
        tpu.wait_dma2 semaphore(%run_scoped3A_524 : memref<!tpu.dma_semaphore, #tpu.memory_space<semaphore_mem>>) src(%dma_wait3A_552 : memref<128x128xf32, #tpu.memory_space<vmem>>) dst(%dma_wait3A_548 : memref<128x128xf32, #tpu.memory_space<vmem_shared>>)
        tpu.yield
      }) : () -> ()
      %run_scoped3A_496 = arith.constant 0 : i32
      "tpu.region"() ({
        %run_scoped3A_524 = tpu.sem_alloc : memref<!tpu.dma_semaphore, #tpu.memory_space<semaphore_mem>>
        %dma_start3A_525 = arith.constant 0 : i32
        %dma_start3A_526 = arith.constant 0 : i32
        %dma_start3A_527 = tpu.memref_slice %arg6[%run_scoped3A_496, %dma_start3A_525, %dma_start3A_526] : memref<4x128x128xf32, #tpu.memory_space<vmem>> -> memref<1x128x128xf32, #tpu.memory_space<vmem>>
        %dma_start3A_528 = tpu.memref_squeeze %dma_start3A_527 : memref<1x128x128xf32, #tpu.memory_space<vmem>> -> memref<128x128xf32, #tpu.memory_space<vmem>>
        %dma_start3A_529 = arith.constant 1280 : i32
        %dma_start3A_530 = arith.constant 0 : i32
        %dma_start3A_531 = tpu.memref_slice %arg2[%dma_start3A_529, %dma_start3A_530] : memref<3072x128xf32, #tpu.memory_space<hbm>> -> memref<128x128xf32, #tpu.memory_space<hbm>>
        %dma_start3A_532 = arith.constant 0 : i32
        %dma_start3A_533 = arith.constant 0 : i32
        %dma_start3A_534 = tpu.memref_slice %arg6[%run_scoped3A_496, %dma_start3A_532, %dma_start3A_533] : memref<4x128x128xf32, #tpu.memory_space<vmem>> -> memref<1x128x128xf32, #tpu.memory_space<vmem>>
        %dma_start3A_535 = tpu.memref_squeeze %dma_start3A_534 : memref<1x128x128xf32, #tpu.memory_space<vmem>> -> memref<128x128xf32, #tpu.memory_space<vmem>>
        %dma_start3A_536 = arith.constant 1280 : i32
        %dma_start3A_537 = arith.constant 0 : i32
        %dma_start3A_538 = tpu.memref_slice %arg2[%dma_start3A_536, %dma_start3A_537] : memref<3072x128xf32, #tpu.memory_space<hbm>> -> memref<128x128xf32, #tpu.memory_space<hbm>>
        tpu.enqueue_dma source(%dma_start3A_538 : memref<128x128xf32, #tpu.memory_space<hbm>>) target(%dma_start3A_535 : memref<128x128xf32, #tpu.memory_space<vmem>>) target_semaphore(%run_scoped3A_524 : memref<!tpu.dma_semaphore, #tpu.memory_space<semaphore_mem>>)
        %dma_wait3A_539 = arith.constant 0 : i32
        %dma_wait3A_540 = arith.constant 0 : i32
        %dma_wait3A_541 = tpu.memref_slice %arg6[%run_scoped3A_496, %dma_wait3A_539, %dma_wait3A_540] : memref<4x128x128xf32, #tpu.memory_space<vmem>> -> memref<1x128x128xf32, #tpu.memory_space<vmem>>
        %dma_wait3A_542 = tpu.memref_squeeze %dma_wait3A_541 : memref<1x128x128xf32, #tpu.memory_space<vmem>> -> memref<128x128xf32, #tpu.memory_space<vmem>>
        %dma_wait3A_543 = arith.constant 1280 : i32
        %dma_wait3A_544 = arith.constant 0 : i32
        %dma_wait3A_545 = tpu.memref_slice %arg2[%dma_wait3A_543, %dma_wait3A_544] : memref<3072x128xf32, #tpu.memory_space<hbm>> -> memref<128x128xf32, #tpu.memory_space<hbm>>
        %dma_wait3A_546 = arith.constant 0 : i32
        %dma_wait3A_547 = arith.constant 0 : i32
        %dma_wait3A_548 = tpu.memref_slice %arg6[%run_scoped3A_496, %dma_wait3A_546, %dma_wait3A_547] : memref<4x128x128xf32, #tpu.memory_space<vmem>> -> memref<1x128x128xf32, #tpu.memory_space<vmem>>
        %dma_wait3A_549 = tpu.memref_squeeze %dma_wait3A_548 : memref<1x128x128xf32, #tpu.memory_space<vmem>> -> memref<128x128xf32, #tpu.memory_space<vmem>>
        %dma_wait3A_550 = arith.constant 1280 : i32
        %dma_wait3A_551 = arith.constant 0 : i32
        %dma_wait3A_552 = tpu.memref_slice %arg2[%dma_wait3A_550, %dma_wait3A_551] : memref<3072x128xf32, #tpu.memory_space<hbm>> -> memref<128x128xf32, #tpu.memory_space<hbm>>
        tpu.wait_dma2 semaphore(%run_scoped3A_524 : memref<!tpu.dma_semaphore, #tpu.memory_space<semaphore_mem>>) src(%dma_wait3A_552 : memref<128x128xf32, #tpu.memory_space<hbm>>) dst(%dma_wait3A_549 : memref<128x128xf32, #tpu.memory_space<vmem>>)
        tpu.yield
      }) : () -> ()
      %run_scoped3A_497 = arith.constant 0 : i32
      "tpu.region"() ({
        %run_scoped3A_524 = tpu.sem_alloc : memref<!tpu.dma_semaphore, #tpu.memory_space<semaphore_mem>>
        %dma_start3A_525 = arith.constant 0 : i32
        %dma_start3A_526 = arith.constant 0 : i32
        %dma_start3A_527 = tpu.memref_slice %arg6[%run_scoped3A_497, %dma_start3A_525, %dma_start3A_526] : memref<4x128x128xf32, #tpu.memory_space<vmem>> -> memref<1x128x128xf32, #tpu.memory_space<vmem>>
        %dma_start3A_528 = tpu.memref_squeeze %dma_start3A_527 : memref<1x128x128xf32, #tpu.memory_space<vmem>> -> memref<128x128xf32, #tpu.memory_space<vmem>>
        %dma_start3A_529 = arith.constant 1280 : i32
        %dma_start3A_530 = arith.constant 0 : i32
        %dma_start3A_531 = tpu.memref_slice %arg7[%dma_start3A_529, %dma_start3A_530] : memref<3072x128xf32, #tpu.memory_space<vmem_shared>> -> memref<128x128xf32, #tpu.memory_space<vmem_shared>>
        %dma_start3A_532 = arith.constant 1280 : i32
        %dma_start3A_533 = arith.constant 0 : i32
        %dma_start3A_534 = tpu.memref_slice %arg7[%dma_start3A_532, %dma_start3A_533] : memref<3072x128xf32, #tpu.memory_space<vmem_shared>> -> memref<128x128xf32, #tpu.memory_space<vmem_shared>>
        %dma_start3A_535 = arith.constant 0 : i32
        %dma_start3A_536 = arith.constant 0 : i32
        %dma_start3A_537 = tpu.memref_slice %arg6[%run_scoped3A_497, %dma_start3A_535, %dma_start3A_536] : memref<4x128x128xf32, #tpu.memory_space<vmem>> -> memref<1x128x128xf32, #tpu.memory_space<vmem>>
        %dma_start3A_538 = tpu.memref_squeeze %dma_start3A_537 : memref<1x128x128xf32, #tpu.memory_space<vmem>> -> memref<128x128xf32, #tpu.memory_space<vmem>>
        tpu.enqueue_dma source(%dma_start3A_538 : memref<128x128xf32, #tpu.memory_space<vmem>>) target(%dma_start3A_534 : memref<128x128xf32, #tpu.memory_space<vmem_shared>>) target_semaphore(%run_scoped3A_524 : memref<!tpu.dma_semaphore, #tpu.memory_space<semaphore_mem>>)
        %dma_wait3A_539 = arith.constant 0 : i32
        %dma_wait3A_540 = arith.constant 0 : i32
        %dma_wait3A_541 = tpu.memref_slice %arg6[%run_scoped3A_497, %dma_wait3A_539, %dma_wait3A_540] : memref<4x128x128xf32, #tpu.memory_space<vmem>> -> memref<1x128x128xf32, #tpu.memory_space<vmem>>
        %dma_wait3A_542 = tpu.memref_squeeze %dma_wait3A_541 : memref<1x128x128xf32, #tpu.memory_space<vmem>> -> memref<128x128xf32, #tpu.memory_space<vmem>>
        %dma_wait3A_543 = arith.constant 1280 : i32
        %dma_wait3A_544 = arith.constant 0 : i32
        %dma_wait3A_545 = tpu.memref_slice %arg7[%dma_wait3A_543, %dma_wait3A_544] : memref<3072x128xf32, #tpu.memory_space<vmem_shared>> -> memref<128x128xf32, #tpu.memory_space<vmem_shared>>
        %dma_wait3A_546 = arith.constant 1280 : i32
        %dma_wait3A_547 = arith.constant 0 : i32
        %dma_wait3A_548 = tpu.memref_slice %arg7[%dma_wait3A_546, %dma_wait3A_547] : memref<3072x128xf32, #tpu.memory_space<vmem_shared>> -> memref<128x128xf32, #tpu.memory_space<vmem_shared>>
        %dma_wait3A_549 = arith.constant 0 : i32
        %dma_wait3A_550 = arith.constant 0 : i32
        %dma_wait3A_551 = tpu.memref_slice %arg6[%run_scoped3A_497, %dma_wait3A_549, %dma_wait3A_550] : memref<4x128x128xf32, #tpu.memory_space<vmem>> -> memref<1x128x128xf32, #tpu.memory_space<vmem>>
        %dma_wait3A_552 = tpu.memref_squeeze %dma_wait3A_551 : memref<1x128x128xf32, #tpu.memory_space<vmem>> -> memref<128x128xf32, #tpu.memory_space<vmem>>
        tpu.wait_dma2 semaphore(%run_scoped3A_524 : memref<!tpu.dma_semaphore, #tpu.memory_space<semaphore_mem>>) src(%dma_wait3A_552 : memref<128x128xf32, #tpu.memory_space<vmem>>) dst(%dma_wait3A_548 : memref<128x128xf32, #tpu.memory_space<vmem_shared>>)
        tpu.yield
      }) : () -> ()
      %run_scoped3A_498 = arith.constant 0 : i32
      "tpu.region"() ({
        %run_scoped3A_524 = tpu.sem_alloc : memref<!tpu.dma_semaphore, #tpu.memory_space<semaphore_mem>>
        %dma_start3A_525 = arith.constant 0 : i32
        %dma_start3A_526 = arith.constant 0 : i32
        %dma_start3A_527 = tpu.memref_slice %arg6[%run_scoped3A_498, %dma_start3A_525, %dma_start3A_526] : memref<4x128x128xf32, #tpu.memory_space<vmem>> -> memref<1x128x128xf32, #tpu.memory_space<vmem>>
        %dma_start3A_528 = tpu.memref_squeeze %dma_start3A_527 : memref<1x128x128xf32, #tpu.memory_space<vmem>> -> memref<128x128xf32, #tpu.memory_space<vmem>>
        %dma_start3A_529 = arith.constant 1408 : i32
        %dma_start3A_530 = arith.constant 0 : i32
        %dma_start3A_531 = tpu.memref_slice %arg2[%dma_start3A_529, %dma_start3A_530] : memref<3072x128xf32, #tpu.memory_space<hbm>> -> memref<128x128xf32, #tpu.memory_space<hbm>>
        %dma_start3A_532 = arith.constant 0 : i32
        %dma_start3A_533 = arith.constant 0 : i32
        %dma_start3A_534 = tpu.memref_slice %arg6[%run_scoped3A_498, %dma_start3A_532, %dma_start3A_533] : memref<4x128x128xf32, #tpu.memory_space<vmem>> -> memref<1x128x128xf32, #tpu.memory_space<vmem>>
        %dma_start3A_535 = tpu.memref_squeeze %dma_start3A_534 : memref<1x128x128xf32, #tpu.memory_space<vmem>> -> memref<128x128xf32, #tpu.memory_space<vmem>>
        %dma_start3A_536 = arith.constant 1408 : i32
        %dma_start3A_537 = arith.constant 0 : i32
        %dma_start3A_538 = tpu.memref_slice %arg2[%dma_start3A_536, %dma_start3A_537] : memref<3072x128xf32, #tpu.memory_space<hbm>> -> memref<128x128xf32, #tpu.memory_space<hbm>>
        tpu.enqueue_dma source(%dma_start3A_538 : memref<128x128xf32, #tpu.memory_space<hbm>>) target(%dma_start3A_535 : memref<128x128xf32, #tpu.memory_space<vmem>>) target_semaphore(%run_scoped3A_524 : memref<!tpu.dma_semaphore, #tpu.memory_space<semaphore_mem>>)
        %dma_wait3A_539 = arith.constant 0 : i32
        %dma_wait3A_540 = arith.constant 0 : i32
        %dma_wait3A_541 = tpu.memref_slice %arg6[%run_scoped3A_498, %dma_wait3A_539, %dma_wait3A_540] : memref<4x128x128xf32, #tpu.memory_space<vmem>> -> memref<1x128x128xf32, #tpu.memory_space<vmem>>
        %dma_wait3A_542 = tpu.memref_squeeze %dma_wait3A_541 : memref<1x128x128xf32, #tpu.memory_space<vmem>> -> memref<128x128xf32, #tpu.memory_space<vmem>>
        %dma_wait3A_543 = arith.constant 1408 : i32
        %dma_wait3A_544 = arith.constant 0 : i32
        %dma_wait3A_545 = tpu.memref_slice %arg2[%dma_wait3A_543, %dma_wait3A_544] : memref<3072x128xf32, #tpu.memory_space<hbm>> -> memref<128x128xf32, #tpu.memory_space<hbm>>
        %dma_wait3A_546 = arith.constant 0 : i32
        %dma_wait3A_547 = arith.constant 0 : i32
        %dma_wait3A_548 = tpu.memref_slice %arg6[%run_scoped3A_498, %dma_wait3A_546, %dma_wait3A_547] : memref<4x128x128xf32, #tpu.memory_space<vmem>> -> memref<1x128x128xf32, #tpu.memory_space<vmem>>
        %dma_wait3A_549 = tpu.memref_squeeze %dma_wait3A_548 : memref<1x128x128xf32, #tpu.memory_space<vmem>> -> memref<128x128xf32, #tpu.memory_space<vmem>>
        %dma_wait3A_550 = arith.constant 1408 : i32
        %dma_wait3A_551 = arith.constant 0 : i32
        %dma_wait3A_552 = tpu.memref_slice %arg2[%dma_wait3A_550, %dma_wait3A_551] : memref<3072x128xf32, #tpu.memory_space<hbm>> -> memref<128x128xf32, #tpu.memory_space<hbm>>
        tpu.wait_dma2 semaphore(%run_scoped3A_524 : memref<!tpu.dma_semaphore, #tpu.memory_space<semaphore_mem>>) src(%dma_wait3A_552 : memref<128x128xf32, #tpu.memory_space<hbm>>) dst(%dma_wait3A_549 : memref<128x128xf32, #tpu.memory_space<vmem>>)
        tpu.yield
      }) : () -> ()
      %run_scoped3A_499 = arith.constant 0 : i32
      "tpu.region"() ({
        %run_scoped3A_524 = tpu.sem_alloc : memref<!tpu.dma_semaphore, #tpu.memory_space<semaphore_mem>>
        %dma_start3A_525 = arith.constant 0 : i32
        %dma_start3A_526 = arith.constant 0 : i32
        %dma_start3A_527 = tpu.memref_slice %arg6[%run_scoped3A_499, %dma_start3A_525, %dma_start3A_526] : memref<4x128x128xf32, #tpu.memory_space<vmem>> -> memref<1x128x128xf32, #tpu.memory_space<vmem>>
        %dma_start3A_528 = tpu.memref_squeeze %dma_start3A_527 : memref<1x128x128xf32, #tpu.memory_space<vmem>> -> memref<128x128xf32, #tpu.memory_space<vmem>>
        %dma_start3A_529 = arith.constant 1408 : i32
        %dma_start3A_530 = arith.constant 0 : i32
        %dma_start3A_531 = tpu.memref_slice %arg7[%dma_start3A_529, %dma_start3A_530] : memref<3072x128xf32, #tpu.memory_space<vmem_shared>> -> memref<128x128xf32, #tpu.memory_space<vmem_shared>>
        %dma_start3A_532 = arith.constant 1408 : i32
        %dma_start3A_533 = arith.constant 0 : i32
        %dma_start3A_534 = tpu.memref_slice %arg7[%dma_start3A_532, %dma_start3A_533] : memref<3072x128xf32, #tpu.memory_space<vmem_shared>> -> memref<128x128xf32, #tpu.memory_space<vmem_shared>>
        %dma_start3A_535 = arith.constant 0 : i32
        %dma_start3A_536 = arith.constant 0 : i32
        %dma_start3A_537 = tpu.memref_slice %arg6[%run_scoped3A_499, %dma_start3A_535, %dma_start3A_536] : memref<4x128x128xf32, #tpu.memory_space<vmem>> -> memref<1x128x128xf32, #tpu.memory_space<vmem>>
        %dma_start3A_538 = tpu.memref_squeeze %dma_start3A_537 : memref<1x128x128xf32, #tpu.memory_space<vmem>> -> memref<128x128xf32, #tpu.memory_space<vmem>>
        tpu.enqueue_dma source(%dma_start3A_538 : memref<128x128xf32, #tpu.memory_space<vmem>>) target(%dma_start3A_534 : memref<128x128xf32, #tpu.memory_space<vmem_shared>>) target_semaphore(%run_scoped3A_524 : memref<!tpu.dma_semaphore, #tpu.memory_space<semaphore_mem>>)
        %dma_wait3A_539 = arith.constant 0 : i32
        %dma_wait3A_540 = arith.constant 0 : i32
        %dma_wait3A_541 = tpu.memref_slice %arg6[%run_scoped3A_499, %dma_wait3A_539, %dma_wait3A_540] : memref<4x128x128xf32, #tpu.memory_space<vmem>> -> memref<1x128x128xf32, #tpu.memory_space<vmem>>
        %dma_wait3A_542 = tpu.memref_squeeze %dma_wait3A_541 : memref<1x128x128xf32, #tpu.memory_space<vmem>> -> memref<128x128xf32, #tpu.memory_space<vmem>>
        %dma_wait3A_543 = arith.constant 1408 : i32
        %dma_wait3A_544 = arith.constant 0 : i32
        %dma_wait3A_545 = tpu.memref_slice %arg7[%dma_wait3A_543, %dma_wait3A_544] : memref<3072x128xf32, #tpu.memory_space<vmem_shared>> -> memref<128x128xf32, #tpu.memory_space<vmem_shared>>
        %dma_wait3A_546 = arith.constant 1408 : i32
        %dma_wait3A_547 = arith.constant 0 : i32
        %dma_wait3A_548 = tpu.memref_slice %arg7[%dma_wait3A_546, %dma_wait3A_547] : memref<3072x128xf32, #tpu.memory_space<vmem_shared>> -> memref<128x128xf32, #tpu.memory_space<vmem_shared>>
        %dma_wait3A_549 = arith.constant 0 : i32
        %dma_wait3A_550 = arith.constant 0 : i32
        %dma_wait3A_551 = tpu.memref_slice %arg6[%run_scoped3A_499, %dma_wait3A_549, %dma_wait3A_550] : memref<4x128x128xf32, #tpu.memory_space<vmem>> -> memref<1x128x128xf32, #tpu.memory_space<vmem>>
        %dma_wait3A_552 = tpu.memref_squeeze %dma_wait3A_551 : memref<1x128x128xf32, #tpu.memory_space<vmem>> -> memref<128x128xf32, #tpu.memory_space<vmem>>
        tpu.wait_dma2 semaphore(%run_scoped3A_524 : memref<!tpu.dma_semaphore, #tpu.memory_space<semaphore_mem>>) src(%dma_wait3A_552 : memref<128x128xf32, #tpu.memory_space<vmem>>) dst(%dma_wait3A_548 : memref<128x128xf32, #tpu.memory_space<vmem_shared>>)
        tpu.yield
      }) : () -> ()
      %run_scoped3A_500 = arith.constant 0 : i32
      "tpu.region"() ({
        %run_scoped3A_524 = tpu.sem_alloc : memref<!tpu.dma_semaphore, #tpu.memory_space<semaphore_mem>>
        %dma_start3A_525 = arith.constant 0 : i32
        %dma_start3A_526 = arith.constant 0 : i32
        %dma_start3A_527 = tpu.memref_slice %arg6[%run_scoped3A_500, %dma_start3A_525, %dma_start3A_526] : memref<4x128x128xf32, #tpu.memory_space<vmem>> -> memref<1x128x128xf32, #tpu.memory_space<vmem>>
        %dma_start3A_528 = tpu.memref_squeeze %dma_start3A_527 : memref<1x128x128xf32, #tpu.memory_space<vmem>> -> memref<128x128xf32, #tpu.memory_space<vmem>>
        %dma_start3A_529 = arith.constant 1536 : i32
        %dma_start3A_530 = arith.constant 0 : i32
        %dma_start3A_531 = tpu.memref_slice %arg2[%dma_start3A_529, %dma_start3A_530] : memref<3072x128xf32, #tpu.memory_space<hbm>> -> memref<128x128xf32, #tpu.memory_space<hbm>>
        %dma_start3A_532 = arith.constant 0 : i32
        %dma_start3A_533 = arith.constant 0 : i32
        %dma_start3A_534 = tpu.memref_slice %arg6[%run_scoped3A_500, %dma_start3A_532, %dma_start3A_533] : memref<4x128x128xf32, #tpu.memory_space<vmem>> -> memref<1x128x128xf32, #tpu.memory_space<vmem>>
        %dma_start3A_535 = tpu.memref_squeeze %dma_start3A_534 : memref<1x128x128xf32, #tpu.memory_space<vmem>> -> memref<128x128xf32, #tpu.memory_space<vmem>>
        %dma_start3A_536 = arith.constant 1536 : i32
        %dma_start3A_537 = arith.constant 0 : i32
        %dma_start3A_538 = tpu.memref_slice %arg2[%dma_start3A_536, %dma_start3A_537] : memref<3072x128xf32, #tpu.memory_space<hbm>> -> memref<128x128xf32, #tpu.memory_space<hbm>>
        tpu.enqueue_dma source(%dma_start3A_538 : memref<128x128xf32, #tpu.memory_space<hbm>>) target(%dma_start3A_535 : memref<128x128xf32, #tpu.memory_space<vmem>>) target_semaphore(%run_scoped3A_524 : memref<!tpu.dma_semaphore, #tpu.memory_space<semaphore_mem>>)
        %dma_wait3A_539 = arith.constant 0 : i32
        %dma_wait3A_540 = arith.constant 0 : i32
        %dma_wait3A_541 = tpu.memref_slice %arg6[%run_scoped3A_500, %dma_wait3A_539, %dma_wait3A_540] : memref<4x128x128xf32, #tpu.memory_space<vmem>> -> memref<1x128x128xf32, #tpu.memory_space<vmem>>
        %dma_wait3A_542 = tpu.memref_squeeze %dma_wait3A_541 : memref<1x128x128xf32, #tpu.memory_space<vmem>> -> memref<128x128xf32, #tpu.memory_space<vmem>>
        %dma_wait3A_543 = arith.constant 1536 : i32
        %dma_wait3A_544 = arith.constant 0 : i32
        %dma_wait3A_545 = tpu.memref_slice %arg2[%dma_wait3A_543, %dma_wait3A_544] : memref<3072x128xf32, #tpu.memory_space<hbm>> -> memref<128x128xf32, #tpu.memory_space<hbm>>
        %dma_wait3A_546 = arith.constant 0 : i32
        %dma_wait3A_547 = arith.constant 0 : i32
        %dma_wait3A_548 = tpu.memref_slice %arg6[%run_scoped3A_500, %dma_wait3A_546, %dma_wait3A_547] : memref<4x128x128xf32, #tpu.memory_space<vmem>> -> memref<1x128x128xf32, #tpu.memory_space<vmem>>
        %dma_wait3A_549 = tpu.memref_squeeze %dma_wait3A_548 : memref<1x128x128xf32, #tpu.memory_space<vmem>> -> memref<128x128xf32, #tpu.memory_space<vmem>>
        %dma_wait3A_550 = arith.constant 1536 : i32
        %dma_wait3A_551 = arith.constant 0 : i32
        %dma_wait3A_552 = tpu.memref_slice %arg2[%dma_wait3A_550, %dma_wait3A_551] : memref<3072x128xf32, #tpu.memory_space<hbm>> -> memref<128x128xf32, #tpu.memory_space<hbm>>
        tpu.wait_dma2 semaphore(%run_scoped3A_524 : memref<!tpu.dma_semaphore, #tpu.memory_space<semaphore_mem>>) src(%dma_wait3A_552 : memref<128x128xf32, #tpu.memory_space<hbm>>) dst(%dma_wait3A_549 : memref<128x128xf32, #tpu.memory_space<vmem>>)
        tpu.yield
      }) : () -> ()
      %run_scoped3A_501 = arith.constant 0 : i32
      "tpu.region"() ({
        %run_scoped3A_524 = tpu.sem_alloc : memref<!tpu.dma_semaphore, #tpu.memory_space<semaphore_mem>>
        %dma_start3A_525 = arith.constant 0 : i32
        %dma_start3A_526 = arith.constant 0 : i32
        %dma_start3A_527 = tpu.memref_slice %arg6[%run_scoped3A_501, %dma_start3A_525, %dma_start3A_526] : memref<4x128x128xf32, #tpu.memory_space<vmem>> -> memref<1x128x128xf32, #tpu.memory_space<vmem>>
        %dma_start3A_528 = tpu.memref_squeeze %dma_start3A_527 : memref<1x128x128xf32, #tpu.memory_space<vmem>> -> memref<128x128xf32, #tpu.memory_space<vmem>>
        %dma_start3A_529 = arith.constant 1536 : i32
        %dma_start3A_530 = arith.constant 0 : i32
        %dma_start3A_531 = tpu.memref_slice %arg7[%dma_start3A_529, %dma_start3A_530] : memref<3072x128xf32, #tpu.memory_space<vmem_shared>> -> memref<128x128xf32, #tpu.memory_space<vmem_shared>>
        %dma_start3A_532 = arith.constant 1536 : i32
        %dma_start3A_533 = arith.constant 0 : i32
        %dma_start3A_534 = tpu.memref_slice %arg7[%dma_start3A_532, %dma_start3A_533] : memref<3072x128xf32, #tpu.memory_space<vmem_shared>> -> memref<128x128xf32, #tpu.memory_space<vmem_shared>>
        %dma_start3A_535 = arith.constant 0 : i32
        %dma_start3A_536 = arith.constant 0 : i32
        %dma_start3A_537 = tpu.memref_slice %arg6[%run_scoped3A_501, %dma_start3A_535, %dma_start3A_536] : memref<4x128x128xf32, #tpu.memory_space<vmem>> -> memref<1x128x128xf32, #tpu.memory_space<vmem>>
        %dma_start3A_538 = tpu.memref_squeeze %dma_start3A_537 : memref<1x128x128xf32, #tpu.memory_space<vmem>> -> memref<128x128xf32, #tpu.memory_space<vmem>>
        tpu.enqueue_dma source(%dma_start3A_538 : memref<128x128xf32, #tpu.memory_space<vmem>>) target(%dma_start3A_534 : memref<128x128xf32, #tpu.memory_space<vmem_shared>>) target_semaphore(%run_scoped3A_524 : memref<!tpu.dma_semaphore, #tpu.memory_space<semaphore_mem>>)
        %dma_wait3A_539 = arith.constant 0 : i32
        %dma_wait3A_540 = arith.constant 0 : i32
        %dma_wait3A_541 = tpu.memref_slice %arg6[%run_scoped3A_501, %dma_wait3A_539, %dma_wait3A_540] : memref<4x128x128xf32, #tpu.memory_space<vmem>> -> memref<1x128x128xf32, #tpu.memory_space<vmem>>
        %dma_wait3A_542 = tpu.memref_squeeze %dma_wait3A_541 : memref<1x128x128xf32, #tpu.memory_space<vmem>> -> memref<128x128xf32, #tpu.memory_space<vmem>>
        %dma_wait3A_543 = arith.constant 1536 : i32
        %dma_wait3A_544 = arith.constant 0 : i32
        %dma_wait3A_545 = tpu.memref_slice %arg7[%dma_wait3A_543, %dma_wait3A_544] : memref<3072x128xf32, #tpu.memory_space<vmem_shared>> -> memref<128x128xf32, #tpu.memory_space<vmem_shared>>
        %dma_wait3A_546 = arith.constant 1536 : i32
        %dma_wait3A_547 = arith.constant 0 : i32
        %dma_wait3A_548 = tpu.memref_slice %arg7[%dma_wait3A_546, %dma_wait3A_547] : memref<3072x128xf32, #tpu.memory_space<vmem_shared>> -> memref<128x128xf32, #tpu.memory_space<vmem_shared>>
        %dma_wait3A_549 = arith.constant 0 : i32
        %dma_wait3A_550 = arith.constant 0 : i32
        %dma_wait3A_551 = tpu.memref_slice %arg6[%run_scoped3A_501, %dma_wait3A_549, %dma_wait3A_550] : memref<4x128x128xf32, #tpu.memory_space<vmem>> -> memref<1x128x128xf32, #tpu.memory_space<vmem>>
        %dma_wait3A_552 = tpu.memref_squeeze %dma_wait3A_551 : memref<1x128x128xf32, #tpu.memory_space<vmem>> -> memref<128x128xf32, #tpu.memory_space<vmem>>
        tpu.wait_dma2 semaphore(%run_scoped3A_524 : memref<!tpu.dma_semaphore, #tpu.memory_space<semaphore_mem>>) src(%dma_wait3A_552 : memref<128x128xf32, #tpu.memory_space<vmem>>) dst(%dma_wait3A_548 : memref<128x128xf32, #tpu.memory_space<vmem_shared>>)
        tpu.yield
      }) : () -> ()
      %run_scoped3A_502 = arith.constant 0 : i32
      "tpu.region"() ({
        %run_scoped3A_524 = tpu.sem_alloc : memref<!tpu.dma_semaphore, #tpu.memory_space<semaphore_mem>>
        %dma_start3A_525 = arith.constant 0 : i32
        %dma_start3A_526 = arith.constant 0 : i32
        %dma_start3A_527 = tpu.memref_slice %arg6[%run_scoped3A_502, %dma_start3A_525, %dma_start3A_526] : memref<4x128x128xf32, #tpu.memory_space<vmem>> -> memref<1x128x128xf32, #tpu.memory_space<vmem>>
        %dma_start3A_528 = tpu.memref_squeeze %dma_start3A_527 : memref<1x128x128xf32, #tpu.memory_space<vmem>> -> memref<128x128xf32, #tpu.memory_space<vmem>>
        %dma_start3A_529 = arith.constant 1664 : i32
        %dma_start3A_530 = arith.constant 0 : i32
        %dma_start3A_531 = tpu.memref_slice %arg2[%dma_start3A_529, %dma_start3A_530] : memref<3072x128xf32, #tpu.memory_space<hbm>> -> memref<128x128xf32, #tpu.memory_space<hbm>>
        %dma_start3A_532 = arith.constant 0 : i32
        %dma_start3A_533 = arith.constant 0 : i32
        %dma_start3A_534 = tpu.memref_slice %arg6[%run_scoped3A_502, %dma_start3A_532, %dma_start3A_533] : memref<4x128x128xf32, #tpu.memory_space<vmem>> -> memref<1x128x128xf32, #tpu.memory_space<vmem>>
        %dma_start3A_535 = tpu.memref_squeeze %dma_start3A_534 : memref<1x128x128xf32, #tpu.memory_space<vmem>> -> memref<128x128xf32, #tpu.memory_space<vmem>>
        %dma_start3A_536 = arith.constant 1664 : i32
        %dma_start3A_537 = arith.constant 0 : i32
        %dma_start3A_538 = tpu.memref_slice %arg2[%dma_start3A_536, %dma_start3A_537] : memref<3072x128xf32, #tpu.memory_space<hbm>> -> memref<128x128xf32, #tpu.memory_space<hbm>>
        tpu.enqueue_dma source(%dma_start3A_538 : memref<128x128xf32, #tpu.memory_space<hbm>>) target(%dma_start3A_535 : memref<128x128xf32, #tpu.memory_space<vmem>>) target_semaphore(%run_scoped3A_524 : memref<!tpu.dma_semaphore, #tpu.memory_space<semaphore_mem>>)
        %dma_wait3A_539 = arith.constant 0 : i32
        %dma_wait3A_540 = arith.constant 0 : i32
        %dma_wait3A_541 = tpu.memref_slice %arg6[%run_scoped3A_502, %dma_wait3A_539, %dma_wait3A_540] : memref<4x128x128xf32, #tpu.memory_space<vmem>> -> memref<1x128x128xf32, #tpu.memory_space<vmem>>
        %dma_wait3A_542 = tpu.memref_squeeze %dma_wait3A_541 : memref<1x128x128xf32, #tpu.memory_space<vmem>> -> memref<128x128xf32, #tpu.memory_space<vmem>>
        %dma_wait3A_543 = arith.constant 1664 : i32
        %dma_wait3A_544 = arith.constant 0 : i32
        %dma_wait3A_545 = tpu.memref_slice %arg2[%dma_wait3A_543, %dma_wait3A_544] : memref<3072x128xf32, #tpu.memory_space<hbm>> -> memref<128x128xf32, #tpu.memory_space<hbm>>
        %dma_wait3A_546 = arith.constant 0 : i32
        %dma_wait3A_547 = arith.constant 0 : i32
        %dma_wait3A_548 = tpu.memref_slice %arg6[%run_scoped3A_502, %dma_wait3A_546, %dma_wait3A_547] : memref<4x128x128xf32, #tpu.memory_space<vmem>> -> memref<1x128x128xf32, #tpu.memory_space<vmem>>
        %dma_wait3A_549 = tpu.memref_squeeze %dma_wait3A_548 : memref<1x128x128xf32, #tpu.memory_space<vmem>> -> memref<128x128xf32, #tpu.memory_space<vmem>>
        %dma_wait3A_550 = arith.constant 1664 : i32
        %dma_wait3A_551 = arith.constant 0 : i32
        %dma_wait3A_552 = tpu.memref_slice %arg2[%dma_wait3A_550, %dma_wait3A_551] : memref<3072x128xf32, #tpu.memory_space<hbm>> -> memref<128x128xf32, #tpu.memory_space<hbm>>
        tpu.wait_dma2 semaphore(%run_scoped3A_524 : memref<!tpu.dma_semaphore, #tpu.memory_space<semaphore_mem>>) src(%dma_wait3A_552 : memref<128x128xf32, #tpu.memory_space<hbm>>) dst(%dma_wait3A_549 : memref<128x128xf32, #tpu.memory_space<vmem>>)
        tpu.yield
      }) : () -> ()
      %run_scoped3A_503 = arith.constant 0 : i32
      "tpu.region"() ({
        %run_scoped3A_524 = tpu.sem_alloc : memref<!tpu.dma_semaphore, #tpu.memory_space<semaphore_mem>>
        %dma_start3A_525 = arith.constant 0 : i32
        %dma_start3A_526 = arith.constant 0 : i32
        %dma_start3A_527 = tpu.memref_slice %arg6[%run_scoped3A_503, %dma_start3A_525, %dma_start3A_526] : memref<4x128x128xf32, #tpu.memory_space<vmem>> -> memref<1x128x128xf32, #tpu.memory_space<vmem>>
        %dma_start3A_528 = tpu.memref_squeeze %dma_start3A_527 : memref<1x128x128xf32, #tpu.memory_space<vmem>> -> memref<128x128xf32, #tpu.memory_space<vmem>>
        %dma_start3A_529 = arith.constant 1664 : i32
        %dma_start3A_530 = arith.constant 0 : i32
        %dma_start3A_531 = tpu.memref_slice %arg7[%dma_start3A_529, %dma_start3A_530] : memref<3072x128xf32, #tpu.memory_space<vmem_shared>> -> memref<128x128xf32, #tpu.memory_space<vmem_shared>>
        %dma_start3A_532 = arith.constant 1664 : i32
        %dma_start3A_533 = arith.constant 0 : i32
        %dma_start3A_534 = tpu.memref_slice %arg7[%dma_start3A_532, %dma_start3A_533] : memref<3072x128xf32, #tpu.memory_space<vmem_shared>> -> memref<128x128xf32, #tpu.memory_space<vmem_shared>>
        %dma_start3A_535 = arith.constant 0 : i32
        %dma_start3A_536 = arith.constant 0 : i32
        %dma_start3A_537 = tpu.memref_slice %arg6[%run_scoped3A_503, %dma_start3A_535, %dma_start3A_536] : memref<4x128x128xf32, #tpu.memory_space<vmem>> -> memref<1x128x128xf32, #tpu.memory_space<vmem>>
        %dma_start3A_538 = tpu.memref_squeeze %dma_start3A_537 : memref<1x128x128xf32, #tpu.memory_space<vmem>> -> memref<128x128xf32, #tpu.memory_space<vmem>>
        tpu.enqueue_dma source(%dma_start3A_538 : memref<128x128xf32, #tpu.memory_space<vmem>>) target(%dma_start3A_534 : memref<128x128xf32, #tpu.memory_space<vmem_shared>>) target_semaphore(%run_scoped3A_524 : memref<!tpu.dma_semaphore, #tpu.memory_space<semaphore_mem>>)
        %dma_wait3A_539 = arith.constant 0 : i32
        %dma_wait3A_540 = arith.constant 0 : i32
        %dma_wait3A_541 = tpu.memref_slice %arg6[%run_scoped3A_503, %dma_wait3A_539, %dma_wait3A_540] : memref<4x128x128xf32, #tpu.memory_space<vmem>> -> memref<1x128x128xf32, #tpu.memory_space<vmem>>
        %dma_wait3A_542 = tpu.memref_squeeze %dma_wait3A_541 : memref<1x128x128xf32, #tpu.memory_space<vmem>> -> memref<128x128xf32, #tpu.memory_space<vmem>>
        %dma_wait3A_543 = arith.constant 1664 : i32
        %dma_wait3A_544 = arith.constant 0 : i32
        %dma_wait3A_545 = tpu.memref_slice %arg7[%dma_wait3A_543, %dma_wait3A_544] : memref<3072x128xf32, #tpu.memory_space<vmem_shared>> -> memref<128x128xf32, #tpu.memory_space<vmem_shared>>
        %dma_wait3A_546 = arith.constant 1664 : i32
        %dma_wait3A_547 = arith.constant 0 : i32
        %dma_wait3A_548 = tpu.memref_slice %arg7[%dma_wait3A_546, %dma_wait3A_547] : memref<3072x128xf32, #tpu.memory_space<vmem_shared>> -> memref<128x128xf32, #tpu.memory_space<vmem_shared>>
        %dma_wait3A_549 = arith.constant 0 : i32
        %dma_wait3A_550 = arith.constant 0 : i32
        %dma_wait3A_551 = tpu.memref_slice %arg6[%run_scoped3A_503, %dma_wait3A_549, %dma_wait3A_550] : memref<4x128x128xf32, #tpu.memory_space<vmem>> -> memref<1x128x128xf32, #tpu.memory_space<vmem>>
        %dma_wait3A_552 = tpu.memref_squeeze %dma_wait3A_551 : memref<1x128x128xf32, #tpu.memory_space<vmem>> -> memref<128x128xf32, #tpu.memory_space<vmem>>
        tpu.wait_dma2 semaphore(%run_scoped3A_524 : memref<!tpu.dma_semaphore, #tpu.memory_space<semaphore_mem>>) src(%dma_wait3A_552 : memref<128x128xf32, #tpu.memory_space<vmem>>) dst(%dma_wait3A_548 : memref<128x128xf32, #tpu.memory_space<vmem_shared>>)
        tpu.yield
      }) : () -> ()
      %run_scoped3A_504 = arith.constant 0 : i32
      "tpu.region"() ({
        %run_scoped3A_524 = tpu.sem_alloc : memref<!tpu.dma_semaphore, #tpu.memory_space<semaphore_mem>>
        %dma_start3A_525 = arith.constant 0 : i32
        %dma_start3A_526 = arith.constant 0 : i32
        %dma_start3A_527 = tpu.memref_slice %arg6[%run_scoped3A_504, %dma_start3A_525, %dma_start3A_526] : memref<4x128x128xf32, #tpu.memory_space<vmem>> -> memref<1x128x128xf32, #tpu.memory_space<vmem>>
        %dma_start3A_528 = tpu.memref_squeeze %dma_start3A_527 : memref<1x128x128xf32, #tpu.memory_space<vmem>> -> memref<128x128xf32, #tpu.memory_space<vmem>>
        %dma_start3A_529 = arith.constant 1792 : i32
        %dma_start3A_530 = arith.constant 0 : i32
        %dma_start3A_531 = tpu.memref_slice %arg2[%dma_start3A_529, %dma_start3A_530] : memref<3072x128xf32, #tpu.memory_space<hbm>> -> memref<128x128xf32, #tpu.memory_space<hbm>>
        %dma_start3A_532 = arith.constant 0 : i32
        %dma_start3A_533 = arith.constant 0 : i32
        %dma_start3A_534 = tpu.memref_slice %arg6[%run_scoped3A_504, %dma_start3A_532, %dma_start3A_533] : memref<4x128x128xf32, #tpu.memory_space<vmem>> -> memref<1x128x128xf32, #tpu.memory_space<vmem>>
        %dma_start3A_535 = tpu.memref_squeeze %dma_start3A_534 : memref<1x128x128xf32, #tpu.memory_space<vmem>> -> memref<128x128xf32, #tpu.memory_space<vmem>>
        %dma_start3A_536 = arith.constant 1792 : i32
        %dma_start3A_537 = arith.constant 0 : i32
        %dma_start3A_538 = tpu.memref_slice %arg2[%dma_start3A_536, %dma_start3A_537] : memref<3072x128xf32, #tpu.memory_space<hbm>> -> memref<128x128xf32, #tpu.memory_space<hbm>>
        tpu.enqueue_dma source(%dma_start3A_538 : memref<128x128xf32, #tpu.memory_space<hbm>>) target(%dma_start3A_535 : memref<128x128xf32, #tpu.memory_space<vmem>>) target_semaphore(%run_scoped3A_524 : memref<!tpu.dma_semaphore, #tpu.memory_space<semaphore_mem>>)
        %dma_wait3A_539 = arith.constant 0 : i32
        %dma_wait3A_540 = arith.constant 0 : i32
        %dma_wait3A_541 = tpu.memref_slice %arg6[%run_scoped3A_504, %dma_wait3A_539, %dma_wait3A_540] : memref<4x128x128xf32, #tpu.memory_space<vmem>> -> memref<1x128x128xf32, #tpu.memory_space<vmem>>
        %dma_wait3A_542 = tpu.memref_squeeze %dma_wait3A_541 : memref<1x128x128xf32, #tpu.memory_space<vmem>> -> memref<128x128xf32, #tpu.memory_space<vmem>>
        %dma_wait3A_543 = arith.constant 1792 : i32
        %dma_wait3A_544 = arith.constant 0 : i32
        %dma_wait3A_545 = tpu.memref_slice %arg2[%dma_wait3A_543, %dma_wait3A_544] : memref<3072x128xf32, #tpu.memory_space<hbm>> -> memref<128x128xf32, #tpu.memory_space<hbm>>
        %dma_wait3A_546 = arith.constant 0 : i32
        %dma_wait3A_547 = arith.constant 0 : i32
        %dma_wait3A_548 = tpu.memref_slice %arg6[%run_scoped3A_504, %dma_wait3A_546, %dma_wait3A_547] : memref<4x128x128xf32, #tpu.memory_space<vmem>> -> memref<1x128x128xf32, #tpu.memory_space<vmem>>
        %dma_wait3A_549 = tpu.memref_squeeze %dma_wait3A_548 : memref<1x128x128xf32, #tpu.memory_space<vmem>> -> memref<128x128xf32, #tpu.memory_space<vmem>>
        %dma_wait3A_550 = arith.constant 1792 : i32
        %dma_wait3A_551 = arith.constant 0 : i32
        %dma_wait3A_552 = tpu.memref_slice %arg2[%dma_wait3A_550, %dma_wait3A_551] : memref<3072x128xf32, #tpu.memory_space<hbm>> -> memref<128x128xf32, #tpu.memory_space<hbm>>
        tpu.wait_dma2 semaphore(%run_scoped3A_524 : memref<!tpu.dma_semaphore, #tpu.memory_space<semaphore_mem>>) src(%dma_wait3A_552 : memref<128x128xf32, #tpu.memory_space<hbm>>) dst(%dma_wait3A_549 : memref<128x128xf32, #tpu.memory_space<vmem>>)
        tpu.yield
      }) : () -> ()
      %run_scoped3A_505 = arith.constant 0 : i32
      "tpu.region"() ({
        %run_scoped3A_524 = tpu.sem_alloc : memref<!tpu.dma_semaphore, #tpu.memory_space<semaphore_mem>>
        %dma_start3A_525 = arith.constant 0 : i32
        %dma_start3A_526 = arith.constant 0 : i32
        %dma_start3A_527 = tpu.memref_slice %arg6[%run_scoped3A_505, %dma_start3A_525, %dma_start3A_526] : memref<4x128x128xf32, #tpu.memory_space<vmem>> -> memref<1x128x128xf32, #tpu.memory_space<vmem>>
        %dma_start3A_528 = tpu.memref_squeeze %dma_start3A_527 : memref<1x128x128xf32, #tpu.memory_space<vmem>> -> memref<128x128xf32, #tpu.memory_space<vmem>>
        %dma_start3A_529 = arith.constant 1792 : i32
        %dma_start3A_530 = arith.constant 0 : i32
        %dma_start3A_531 = tpu.memref_slice %arg7[%dma_start3A_529, %dma_start3A_530] : memref<3072x128xf32, #tpu.memory_space<vmem_shared>> -> memref<128x128xf32, #tpu.memory_space<vmem_shared>>
        %dma_start3A_532 = arith.constant 1792 : i32
        %dma_start3A_533 = arith.constant 0 : i32
        %dma_start3A_534 = tpu.memref_slice %arg7[%dma_start3A_532, %dma_start3A_533] : memref<3072x128xf32, #tpu.memory_space<vmem_shared>> -> memref<128x128xf32, #tpu.memory_space<vmem_shared>>
        %dma_start3A_535 = arith.constant 0 : i32
        %dma_start3A_536 = arith.constant 0 : i32
        %dma_start3A_537 = tpu.memref_slice %arg6[%run_scoped3A_505, %dma_start3A_535, %dma_start3A_536] : memref<4x128x128xf32, #tpu.memory_space<vmem>> -> memref<1x128x128xf32, #tpu.memory_space<vmem>>
        %dma_start3A_538 = tpu.memref_squeeze %dma_start3A_537 : memref<1x128x128xf32, #tpu.memory_space<vmem>> -> memref<128x128xf32, #tpu.memory_space<vmem>>
        tpu.enqueue_dma source(%dma_start3A_538 : memref<128x128xf32, #tpu.memory_space<vmem>>) target(%dma_start3A_534 : memref<128x128xf32, #tpu.memory_space<vmem_shared>>) target_semaphore(%run_scoped3A_524 : memref<!tpu.dma_semaphore, #tpu.memory_space<semaphore_mem>>)
        %dma_wait3A_539 = arith.constant 0 : i32
        %dma_wait3A_540 = arith.constant 0 : i32
        %dma_wait3A_541 = tpu.memref_slice %arg6[%run_scoped3A_505, %dma_wait3A_539, %dma_wait3A_540] : memref<4x128x128xf32, #tpu.memory_space<vmem>> -> memref<1x128x128xf32, #tpu.memory_space<vmem>>
        %dma_wait3A_542 = tpu.memref_squeeze %dma_wait3A_541 : memref<1x128x128xf32, #tpu.memory_space<vmem>> -> memref<128x128xf32, #tpu.memory_space<vmem>>
        %dma_wait3A_543 = arith.constant 1792 : i32
        %dma_wait3A_544 = arith.constant 0 : i32
        %dma_wait3A_545 = tpu.memref_slice %arg7[%dma_wait3A_543, %dma_wait3A_544] : memref<3072x128xf32, #tpu.memory_space<vmem_shared>> -> memref<128x128xf32, #tpu.memory_space<vmem_shared>>
        %dma_wait3A_546 = arith.constant 1792 : i32
        %dma_wait3A_547 = arith.constant 0 : i32
        %dma_wait3A_548 = tpu.memref_slice %arg7[%dma_wait3A_546, %dma_wait3A_547] : memref<3072x128xf32, #tpu.memory_space<vmem_shared>> -> memref<128x128xf32, #tpu.memory_space<vmem_shared>>
        %dma_wait3A_549 = arith.constant 0 : i32
        %dma_wait3A_550 = arith.constant 0 : i32
        %dma_wait3A_551 = tpu.memref_slice %arg6[%run_scoped3A_505, %dma_wait3A_549, %dma_wait3A_550] : memref<4x128x128xf32, #tpu.memory_space<vmem>> -> memref<1x128x128xf32, #tpu.memory_space<vmem>>
        %dma_wait3A_552 = tpu.memref_squeeze %dma_wait3A_551 : memref<1x128x128xf32, #tpu.memory_space<vmem>> -> memref<128x128xf32, #tpu.memory_space<vmem>>
        tpu.wait_dma2 semaphore(%run_scoped3A_524 : memref<!tpu.dma_semaphore, #tpu.memory_space<semaphore_mem>>) src(%dma_wait3A_552 : memref<128x128xf32, #tpu.memory_space<vmem>>) dst(%dma_wait3A_548 : memref<128x128xf32, #tpu.memory_space<vmem_shared>>)
        tpu.yield
      }) : () -> ()
      %run_scoped3A_506 = arith.constant 0 : i32
      "tpu.region"() ({
        %run_scoped3A_524 = tpu.sem_alloc : memref<!tpu.dma_semaphore, #tpu.memory_space<semaphore_mem>>
        %dma_start3A_525 = arith.constant 0 : i32
        %dma_start3A_526 = arith.constant 0 : i32
        %dma_start3A_527 = tpu.memref_slice %arg6[%run_scoped3A_506, %dma_start3A_525, %dma_start3A_526] : memref<4x128x128xf32, #tpu.memory_space<vmem>> -> memref<1x128x128xf32, #tpu.memory_space<vmem>>
        %dma_start3A_528 = tpu.memref_squeeze %dma_start3A_527 : memref<1x128x128xf32, #tpu.memory_space<vmem>> -> memref<128x128xf32, #tpu.memory_space<vmem>>
        %dma_start3A_529 = arith.constant 1920 : i32
        %dma_start3A_530 = arith.constant 0 : i32
        %dma_start3A_531 = tpu.memref_slice %arg2[%dma_start3A_529, %dma_start3A_530] : memref<3072x128xf32, #tpu.memory_space<hbm>> -> memref<128x128xf32, #tpu.memory_space<hbm>>
        %dma_start3A_532 = arith.constant 0 : i32
        %dma_start3A_533 = arith.constant 0 : i32
        %dma_start3A_534 = tpu.memref_slice %arg6[%run_scoped3A_506, %dma_start3A_532, %dma_start3A_533] : memref<4x128x128xf32, #tpu.memory_space<vmem>> -> memref<1x128x128xf32, #tpu.memory_space<vmem>>
        %dma_start3A_535 = tpu.memref_squeeze %dma_start3A_534 : memref<1x128x128xf32, #tpu.memory_space<vmem>> -> memref<128x128xf32, #tpu.memory_space<vmem>>
        %dma_start3A_536 = arith.constant 1920 : i32
        %dma_start3A_537 = arith.constant 0 : i32
        %dma_start3A_538 = tpu.memref_slice %arg2[%dma_start3A_536, %dma_start3A_537] : memref<3072x128xf32, #tpu.memory_space<hbm>> -> memref<128x128xf32, #tpu.memory_space<hbm>>
        tpu.enqueue_dma source(%dma_start3A_538 : memref<128x128xf32, #tpu.memory_space<hbm>>) target(%dma_start3A_535 : memref<128x128xf32, #tpu.memory_space<vmem>>) target_semaphore(%run_scoped3A_524 : memref<!tpu.dma_semaphore, #tpu.memory_space<semaphore_mem>>)
        %dma_wait3A_539 = arith.constant 0 : i32
        %dma_wait3A_540 = arith.constant 0 : i32
        %dma_wait3A_541 = tpu.memref_slice %arg6[%run_scoped3A_506, %dma_wait3A_539, %dma_wait3A_540] : memref<4x128x128xf32, #tpu.memory_space<vmem>> -> memref<1x128x128xf32, #tpu.memory_space<vmem>>
        %dma_wait3A_542 = tpu.memref_squeeze %dma_wait3A_541 : memref<1x128x128xf32, #tpu.memory_space<vmem>> -> memref<128x128xf32, #tpu.memory_space<vmem>>
        %dma_wait3A_543 = arith.constant 1920 : i32
        %dma_wait3A_544 = arith.constant 0 : i32
        %dma_wait3A_545 = tpu.memref_slice %arg2[%dma_wait3A_543, %dma_wait3A_544] : memref<3072x128xf32, #tpu.memory_space<hbm>> -> memref<128x128xf32, #tpu.memory_space<hbm>>
        %dma_wait3A_546 = arith.constant 0 : i32
        %dma_wait3A_547 = arith.constant 0 : i32
        %dma_wait3A_548 = tpu.memref_slice %arg6[%run_scoped3A_506, %dma_wait3A_546, %dma_wait3A_547] : memref<4x128x128xf32, #tpu.memory_space<vmem>> -> memref<1x128x128xf32, #tpu.memory_space<vmem>>
        %dma_wait3A_549 = tpu.memref_squeeze %dma_wait3A_548 : memref<1x128x128xf32, #tpu.memory_space<vmem>> -> memref<128x128xf32, #tpu.memory_space<vmem>>
        %dma_wait3A_550 = arith.constant 1920 : i32
        %dma_wait3A_551 = arith.constant 0 : i32
        %dma_wait3A_552 = tpu.memref_slice %arg2[%dma_wait3A_550, %dma_wait3A_551] : memref<3072x128xf32, #tpu.memory_space<hbm>> -> memref<128x128xf32, #tpu.memory_space<hbm>>
        tpu.wait_dma2 semaphore(%run_scoped3A_524 : memref<!tpu.dma_semaphore, #tpu.memory_space<semaphore_mem>>) src(%dma_wait3A_552 : memref<128x128xf32, #tpu.memory_space<hbm>>) dst(%dma_wait3A_549 : memref<128x128xf32, #tpu.memory_space<vmem>>)
        tpu.yield
      }) : () -> ()
      %run_scoped3A_507 = arith.constant 0 : i32
      "tpu.region"() ({
        %run_scoped3A_524 = tpu.sem_alloc : memref<!tpu.dma_semaphore, #tpu.memory_space<semaphore_mem>>
        %dma_start3A_525 = arith.constant 0 : i32
        %dma_start3A_526 = arith.constant 0 : i32
        %dma_start3A_527 = tpu.memref_slice %arg6[%run_scoped3A_507, %dma_start3A_525, %dma_start3A_526] : memref<4x128x128xf32, #tpu.memory_space<vmem>> -> memref<1x128x128xf32, #tpu.memory_space<vmem>>
        %dma_start3A_528 = tpu.memref_squeeze %dma_start3A_527 : memref<1x128x128xf32, #tpu.memory_space<vmem>> -> memref<128x128xf32, #tpu.memory_space<vmem>>
        %dma_start3A_529 = arith.constant 1920 : i32
        %dma_start3A_530 = arith.constant 0 : i32
        %dma_start3A_531 = tpu.memref_slice %arg7[%dma_start3A_529, %dma_start3A_530] : memref<3072x128xf32, #tpu.memory_space<vmem_shared>> -> memref<128x128xf32, #tpu.memory_space<vmem_shared>>
        %dma_start3A_532 = arith.constant 1920 : i32
        %dma_start3A_533 = arith.constant 0 : i32
        %dma_start3A_534 = tpu.memref_slice %arg7[%dma_start3A_532, %dma_start3A_533] : memref<3072x128xf32, #tpu.memory_space<vmem_shared>> -> memref<128x128xf32, #tpu.memory_space<vmem_shared>>
        %dma_start3A_535 = arith.constant 0 : i32
        %dma_start3A_536 = arith.constant 0 : i32
        %dma_start3A_537 = tpu.memref_slice %arg6[%run_scoped3A_507, %dma_start3A_535, %dma_start3A_536] : memref<4x128x128xf32, #tpu.memory_space<vmem>> -> memref<1x128x128xf32, #tpu.memory_space<vmem>>
        %dma_start3A_538 = tpu.memref_squeeze %dma_start3A_537 : memref<1x128x128xf32, #tpu.memory_space<vmem>> -> memref<128x128xf32, #tpu.memory_space<vmem>>
        tpu.enqueue_dma source(%dma_start3A_538 : memref<128x128xf32, #tpu.memory_space<vmem>>) target(%dma_start3A_534 : memref<128x128xf32, #tpu.memory_space<vmem_shared>>) target_semaphore(%run_scoped3A_524 : memref<!tpu.dma_semaphore, #tpu.memory_space<semaphore_mem>>)
        %dma_wait3A_539 = arith.constant 0 : i32
        %dma_wait3A_540 = arith.constant 0 : i32
        %dma_wait3A_541 = tpu.memref_slice %arg6[%run_scoped3A_507, %dma_wait3A_539, %dma_wait3A_540] : memref<4x128x128xf32, #tpu.memory_space<vmem>> -> memref<1x128x128xf32, #tpu.memory_space<vmem>>
        %dma_wait3A_542 = tpu.memref_squeeze %dma_wait3A_541 : memref<1x128x128xf32, #tpu.memory_space<vmem>> -> memref<128x128xf32, #tpu.memory_space<vmem>>
        %dma_wait3A_543 = arith.constant 1920 : i32
        %dma_wait3A_544 = arith.constant 0 : i32
        %dma_wait3A_545 = tpu.memref_slice %arg7[%dma_wait3A_543, %dma_wait3A_544] : memref<3072x128xf32, #tpu.memory_space<vmem_shared>> -> memref<128x128xf32, #tpu.memory_space<vmem_shared>>
        %dma_wait3A_546 = arith.constant 1920 : i32
        %dma_wait3A_547 = arith.constant 0 : i32
        %dma_wait3A_548 = tpu.memref_slice %arg7[%dma_wait3A_546, %dma_wait3A_547] : memref<3072x128xf32, #tpu.memory_space<vmem_shared>> -> memref<128x128xf32, #tpu.memory_space<vmem_shared>>
        %dma_wait3A_549 = arith.constant 0 : i32
        %dma_wait3A_550 = arith.constant 0 : i32
        %dma_wait3A_551 = tpu.memref_slice %arg6[%run_scoped3A_507, %dma_wait3A_549, %dma_wait3A_550] : memref<4x128x128xf32, #tpu.memory_space<vmem>> -> memref<1x128x128xf32, #tpu.memory_space<vmem>>
        %dma_wait3A_552 = tpu.memref_squeeze %dma_wait3A_551 : memref<1x128x128xf32, #tpu.memory_space<vmem>> -> memref<128x128xf32, #tpu.memory_space<vmem>>
        tpu.wait_dma2 semaphore(%run_scoped3A_524 : memref<!tpu.dma_semaphore, #tpu.memory_space<semaphore_mem>>) src(%dma_wait3A_552 : memref<128x128xf32, #tpu.memory_space<vmem>>) dst(%dma_wait3A_548 : memref<128x128xf32, #tpu.memory_space<vmem_shared>>)
        tpu.yield
      }) : () -> ()
      %run_scoped3A_508 = arith.constant 0 : i32
      "tpu.region"() ({
        %run_scoped3A_524 = tpu.sem_alloc : memref<!tpu.dma_semaphore, #tpu.memory_space<semaphore_mem>>
        %dma_start3A_525 = arith.constant 0 : i32
        %dma_start3A_526 = arith.constant 0 : i32
        %dma_start3A_527 = tpu.memref_slice %arg6[%run_scoped3A_508, %dma_start3A_525, %dma_start3A_526] : memref<4x128x128xf32, #tpu.memory_space<vmem>> -> memref<1x128x128xf32, #tpu.memory_space<vmem>>
        %dma_start3A_528 = tpu.memref_squeeze %dma_start3A_527 : memref<1x128x128xf32, #tpu.memory_space<vmem>> -> memref<128x128xf32, #tpu.memory_space<vmem>>
        %dma_start3A_529 = arith.constant 2048 : i32
        %dma_start3A_530 = arith.constant 0 : i32
        %dma_start3A_531 = tpu.memref_slice %arg2[%dma_start3A_529, %dma_start3A_530] : memref<3072x128xf32, #tpu.memory_space<hbm>> -> memref<128x128xf32, #tpu.memory_space<hbm>>
        %dma_start3A_532 = arith.constant 0 : i32
        %dma_start3A_533 = arith.constant 0 : i32
        %dma_start3A_534 = tpu.memref_slice %arg6[%run_scoped3A_508, %dma_start3A_532, %dma_start3A_533] : memref<4x128x128xf32, #tpu.memory_space<vmem>> -> memref<1x128x128xf32, #tpu.memory_space<vmem>>
        %dma_start3A_535 = tpu.memref_squeeze %dma_start3A_534 : memref<1x128x128xf32, #tpu.memory_space<vmem>> -> memref<128x128xf32, #tpu.memory_space<vmem>>
        %dma_start3A_536 = arith.constant 2048 : i32
        %dma_start3A_537 = arith.constant 0 : i32
        %dma_start3A_538 = tpu.memref_slice %arg2[%dma_start3A_536, %dma_start3A_537] : memref<3072x128xf32, #tpu.memory_space<hbm>> -> memref<128x128xf32, #tpu.memory_space<hbm>>
        tpu.enqueue_dma source(%dma_start3A_538 : memref<128x128xf32, #tpu.memory_space<hbm>>) target(%dma_start3A_535 : memref<128x128xf32, #tpu.memory_space<vmem>>) target_semaphore(%run_scoped3A_524 : memref<!tpu.dma_semaphore, #tpu.memory_space<semaphore_mem>>)
        %dma_wait3A_539 = arith.constant 0 : i32
        %dma_wait3A_540 = arith.constant 0 : i32
        %dma_wait3A_541 = tpu.memref_slice %arg6[%run_scoped3A_508, %dma_wait3A_539, %dma_wait3A_540] : memref<4x128x128xf32, #tpu.memory_space<vmem>> -> memref<1x128x128xf32, #tpu.memory_space<vmem>>
        %dma_wait3A_542 = tpu.memref_squeeze %dma_wait3A_541 : memref<1x128x128xf32, #tpu.memory_space<vmem>> -> memref<128x128xf32, #tpu.memory_space<vmem>>
        %dma_wait3A_543 = arith.constant 2048 : i32
        %dma_wait3A_544 = arith.constant 0 : i32
        %dma_wait3A_545 = tpu.memref_slice %arg2[%dma_wait3A_543, %dma_wait3A_544] : memref<3072x128xf32, #tpu.memory_space<hbm>> -> memref<128x128xf32, #tpu.memory_space<hbm>>
        %dma_wait3A_546 = arith.constant 0 : i32
        %dma_wait3A_547 = arith.constant 0 : i32
        %dma_wait3A_548 = tpu.memref_slice %arg6[%run_scoped3A_508, %dma_wait3A_546, %dma_wait3A_547] : memref<4x128x128xf32, #tpu.memory_space<vmem>> -> memref<1x128x128xf32, #tpu.memory_space<vmem>>
        %dma_wait3A_549 = tpu.memref_squeeze %dma_wait3A_548 : memref<1x128x128xf32, #tpu.memory_space<vmem>> -> memref<128x128xf32, #tpu.memory_space<vmem>>
        %dma_wait3A_550 = arith.constant 2048 : i32
        %dma_wait3A_551 = arith.constant 0 : i32
        %dma_wait3A_552 = tpu.memref_slice %arg2[%dma_wait3A_550, %dma_wait3A_551] : memref<3072x128xf32, #tpu.memory_space<hbm>> -> memref<128x128xf32, #tpu.memory_space<hbm>>
        tpu.wait_dma2 semaphore(%run_scoped3A_524 : memref<!tpu.dma_semaphore, #tpu.memory_space<semaphore_mem>>) src(%dma_wait3A_552 : memref<128x128xf32, #tpu.memory_space<hbm>>) dst(%dma_wait3A_549 : memref<128x128xf32, #tpu.memory_space<vmem>>)
        tpu.yield
      }) : () -> ()
      %run_scoped3A_509 = arith.constant 0 : i32
      "tpu.region"() ({
        %run_scoped3A_524 = tpu.sem_alloc : memref<!tpu.dma_semaphore, #tpu.memory_space<semaphore_mem>>
        %dma_start3A_525 = arith.constant 0 : i32
        %dma_start3A_526 = arith.constant 0 : i32
        %dma_start3A_527 = tpu.memref_slice %arg6[%run_scoped3A_509, %dma_start3A_525, %dma_start3A_526] : memref<4x128x128xf32, #tpu.memory_space<vmem>> -> memref<1x128x128xf32, #tpu.memory_space<vmem>>
        %dma_start3A_528 = tpu.memref_squeeze %dma_start3A_527 : memref<1x128x128xf32, #tpu.memory_space<vmem>> -> memref<128x128xf32, #tpu.memory_space<vmem>>
        %dma_start3A_529 = arith.constant 2048 : i32
        %dma_start3A_530 = arith.constant 0 : i32
        %dma_start3A_531 = tpu.memref_slice %arg7[%dma_start3A_529, %dma_start3A_530] : memref<3072x128xf32, #tpu.memory_space<vmem_shared>> -> memref<128x128xf32, #tpu.memory_space<vmem_shared>>
        %dma_start3A_532 = arith.constant 2048 : i32
        %dma_start3A_533 = arith.constant 0 : i32
        %dma_start3A_534 = tpu.memref_slice %arg7[%dma_start3A_532, %dma_start3A_533] : memref<3072x128xf32, #tpu.memory_space<vmem_shared>> -> memref<128x128xf32, #tpu.memory_space<vmem_shared>>
        %dma_start3A_535 = arith.constant 0 : i32
        %dma_start3A_536 = arith.constant 0 : i32
        %dma_start3A_537 = tpu.memref_slice %arg6[%run_scoped3A_509, %dma_start3A_535, %dma_start3A_536] : memref<4x128x128xf32, #tpu.memory_space<vmem>> -> memref<1x128x128xf32, #tpu.memory_space<vmem>>
        %dma_start3A_538 = tpu.memref_squeeze %dma_start3A_537 : memref<1x128x128xf32, #tpu.memory_space<vmem>> -> memref<128x128xf32, #tpu.memory_space<vmem>>
        tpu.enqueue_dma source(%dma_start3A_538 : memref<128x128xf32, #tpu.memory_space<vmem>>) target(%dma_start3A_534 : memref<128x128xf32, #tpu.memory_space<vmem_shared>>) target_semaphore(%run_scoped3A_524 : memref<!tpu.dma_semaphore, #tpu.memory_space<semaphore_mem>>)
        %dma_wait3A_539 = arith.constant 0 : i32
        %dma_wait3A_540 = arith.constant 0 : i32
        %dma_wait3A_541 = tpu.memref_slice %arg6[%run_scoped3A_509, %dma_wait3A_539, %dma_wait3A_540] : memref<4x128x128xf32, #tpu.memory_space<vmem>> -> memref<1x128x128xf32, #tpu.memory_space<vmem>>
        %dma_wait3A_542 = tpu.memref_squeeze %dma_wait3A_541 : memref<1x128x128xf32, #tpu.memory_space<vmem>> -> memref<128x128xf32, #tpu.memory_space<vmem>>
        %dma_wait3A_543 = arith.constant 2048 : i32
        %dma_wait3A_544 = arith.constant 0 : i32
        %dma_wait3A_545 = tpu.memref_slice %arg7[%dma_wait3A_543, %dma_wait3A_544] : memref<3072x128xf32, #tpu.memory_space<vmem_shared>> -> memref<128x128xf32, #tpu.memory_space<vmem_shared>>
        %dma_wait3A_546 = arith.constant 2048 : i32
        %dma_wait3A_547 = arith.constant 0 : i32
        %dma_wait3A_548 = tpu.memref_slice %arg7[%dma_wait3A_546, %dma_wait3A_547] : memref<3072x128xf32, #tpu.memory_space<vmem_shared>> -> memref<128x128xf32, #tpu.memory_space<vmem_shared>>
        %dma_wait3A_549 = arith.constant 0 : i32
        %dma_wait3A_550 = arith.constant 0 : i32
        %dma_wait3A_551 = tpu.memref_slice %arg6[%run_scoped3A_509, %dma_wait3A_549, %dma_wait3A_550] : memref<4x128x128xf32, #tpu.memory_space<vmem>> -> memref<1x128x128xf32, #tpu.memory_space<vmem>>
        %dma_wait3A_552 = tpu.memref_squeeze %dma_wait3A_551 : memref<1x128x128xf32, #tpu.memory_space<vmem>> -> memref<128x128xf32, #tpu.memory_space<vmem>>
        tpu.wait_dma2 semaphore(%run_scoped3A_524 : memref<!tpu.dma_semaphore, #tpu.memory_space<semaphore_mem>>) src(%dma_wait3A_552 : memref<128x128xf32, #tpu.memory_space<vmem>>) dst(%dma_wait3A_548 : memref<128x128xf32, #tpu.memory_space<vmem_shared>>)
        tpu.yield
      }) : () -> ()
      %run_scoped3A_510 = arith.constant 0 : i32
      "tpu.region"() ({
        %run_scoped3A_524 = tpu.sem_alloc : memref<!tpu.dma_semaphore, #tpu.memory_space<semaphore_mem>>
        %dma_start3A_525 = arith.constant 0 : i32
        %dma_start3A_526 = arith.constant 0 : i32
        %dma_start3A_527 = tpu.memref_slice %arg6[%run_scoped3A_510, %dma_start3A_525, %dma_start3A_526] : memref<4x128x128xf32, #tpu.memory_space<vmem>> -> memref<1x128x128xf32, #tpu.memory_space<vmem>>
        %dma_start3A_528 = tpu.memref_squeeze %dma_start3A_527 : memref<1x128x128xf32, #tpu.memory_space<vmem>> -> memref<128x128xf32, #tpu.memory_space<vmem>>
        %dma_start3A_529 = arith.constant 2176 : i32
        %dma_start3A_530 = arith.constant 0 : i32
        %dma_start3A_531 = tpu.memref_slice %arg2[%dma_start3A_529, %dma_start3A_530] : memref<3072x128xf32, #tpu.memory_space<hbm>> -> memref<128x128xf32, #tpu.memory_space<hbm>>
        %dma_start3A_532 = arith.constant 0 : i32
        %dma_start3A_533 = arith.constant 0 : i32
        %dma_start3A_534 = tpu.memref_slice %arg6[%run_scoped3A_510, %dma_start3A_532, %dma_start3A_533] : memref<4x128x128xf32, #tpu.memory_space<vmem>> -> memref<1x128x128xf32, #tpu.memory_space<vmem>>
        %dma_start3A_535 = tpu.memref_squeeze %dma_start3A_534 : memref<1x128x128xf32, #tpu.memory_space<vmem>> -> memref<128x128xf32, #tpu.memory_space<vmem>>
        %dma_start3A_536 = arith.constant 2176 : i32
        %dma_start3A_537 = arith.constant 0 : i32
        %dma_start3A_538 = tpu.memref_slice %arg2[%dma_start3A_536, %dma_start3A_537] : memref<3072x128xf32, #tpu.memory_space<hbm>> -> memref<128x128xf32, #tpu.memory_space<hbm>>
        tpu.enqueue_dma source(%dma_start3A_538 : memref<128x128xf32, #tpu.memory_space<hbm>>) target(%dma_start3A_535 : memref<128x128xf32, #tpu.memory_space<vmem>>) target_semaphore(%run_scoped3A_524 : memref<!tpu.dma_semaphore, #tpu.memory_space<semaphore_mem>>)
        %dma_wait3A_539 = arith.constant 0 : i32
        %dma_wait3A_540 = arith.constant 0 : i32
        %dma_wait3A_541 = tpu.memref_slice %arg6[%run_scoped3A_510, %dma_wait3A_539, %dma_wait3A_540] : memref<4x128x128xf32, #tpu.memory_space<vmem>> -> memref<1x128x128xf32, #tpu.memory_space<vmem>>
        %dma_wait3A_542 = tpu.memref_squeeze %dma_wait3A_541 : memref<1x128x128xf32, #tpu.memory_space<vmem>> -> memref<128x128xf32, #tpu.memory_space<vmem>>
        %dma_wait3A_543 = arith.constant 2176 : i32
        %dma_wait3A_544 = arith.constant 0 : i32
        %dma_wait3A_545 = tpu.memref_slice %arg2[%dma_wait3A_543, %dma_wait3A_544] : memref<3072x128xf32, #tpu.memory_space<hbm>> -> memref<128x128xf32, #tpu.memory_space<hbm>>
        %dma_wait3A_546 = arith.constant 0 : i32
        %dma_wait3A_547 = arith.constant 0 : i32
        %dma_wait3A_548 = tpu.memref_slice %arg6[%run_scoped3A_510, %dma_wait3A_546, %dma_wait3A_547] : memref<4x128x128xf32, #tpu.memory_space<vmem>> -> memref<1x128x128xf32, #tpu.memory_space<vmem>>
        %dma_wait3A_549 = tpu.memref_squeeze %dma_wait3A_548 : memref<1x128x128xf32, #tpu.memory_space<vmem>> -> memref<128x128xf32, #tpu.memory_space<vmem>>
        %dma_wait3A_550 = arith.constant 2176 : i32
        %dma_wait3A_551 = arith.constant 0 : i32
        %dma_wait3A_552 = tpu.memref_slice %arg2[%dma_wait3A_550, %dma_wait3A_551] : memref<3072x128xf32, #tpu.memory_space<hbm>> -> memref<128x128xf32, #tpu.memory_space<hbm>>
        tpu.wait_dma2 semaphore(%run_scoped3A_524 : memref<!tpu.dma_semaphore, #tpu.memory_space<semaphore_mem>>) src(%dma_wait3A_552 : memref<128x128xf32, #tpu.memory_space<hbm>>) dst(%dma_wait3A_549 : memref<128x128xf32, #tpu.memory_space<vmem>>)
        tpu.yield
      }) : () -> ()
      %run_scoped3A_511 = arith.constant 0 : i32
      "tpu.region"() ({
        %run_scoped3A_524 = tpu.sem_alloc : memref<!tpu.dma_semaphore, #tpu.memory_space<semaphore_mem>>
        %dma_start3A_525 = arith.constant 0 : i32
        %dma_start3A_526 = arith.constant 0 : i32
        %dma_start3A_527 = tpu.memref_slice %arg6[%run_scoped3A_511, %dma_start3A_525, %dma_start3A_526] : memref<4x128x128xf32, #tpu.memory_space<vmem>> -> memref<1x128x128xf32, #tpu.memory_space<vmem>>
        %dma_start3A_528 = tpu.memref_squeeze %dma_start3A_527 : memref<1x128x128xf32, #tpu.memory_space<vmem>> -> memref<128x128xf32, #tpu.memory_space<vmem>>
        %dma_start3A_529 = arith.constant 2176 : i32
        %dma_start3A_530 = arith.constant 0 : i32
        %dma_start3A_531 = tpu.memref_slice %arg7[%dma_start3A_529, %dma_start3A_530] : memref<3072x128xf32, #tpu.memory_space<vmem_shared>> -> memref<128x128xf32, #tpu.memory_space<vmem_shared>>
        %dma_start3A_532 = arith.constant 2176 : i32
        %dma_start3A_533 = arith.constant 0 : i32
        %dma_start3A_534 = tpu.memref_slice %arg7[%dma_start3A_532, %dma_start3A_533] : memref<3072x128xf32, #tpu.memory_space<vmem_shared>> -> memref<128x128xf32, #tpu.memory_space<vmem_shared>>
        %dma_start3A_535 = arith.constant 0 : i32
        %dma_start3A_536 = arith.constant 0 : i32
        %dma_start3A_537 = tpu.memref_slice %arg6[%run_scoped3A_511, %dma_start3A_535, %dma_start3A_536] : memref<4x128x128xf32, #tpu.memory_space<vmem>> -> memref<1x128x128xf32, #tpu.memory_space<vmem>>
        %dma_start3A_538 = tpu.memref_squeeze %dma_start3A_537 : memref<1x128x128xf32, #tpu.memory_space<vmem>> -> memref<128x128xf32, #tpu.memory_space<vmem>>
        tpu.enqueue_dma source(%dma_start3A_538 : memref<128x128xf32, #tpu.memory_space<vmem>>) target(%dma_start3A_534 : memref<128x128xf32, #tpu.memory_space<vmem_shared>>) target_semaphore(%run_scoped3A_524 : memref<!tpu.dma_semaphore, #tpu.memory_space<semaphore_mem>>)
        %dma_wait3A_539 = arith.constant 0 : i32
        %dma_wait3A_540 = arith.constant 0 : i32
        %dma_wait3A_541 = tpu.memref_slice %arg6[%run_scoped3A_511, %dma_wait3A_539, %dma_wait3A_540] : memref<4x128x128xf32, #tpu.memory_space<vmem>> -> memref<1x128x128xf32, #tpu.memory_space<vmem>>
        %dma_wait3A_542 = tpu.memref_squeeze %dma_wait3A_541 : memref<1x128x128xf32, #tpu.memory_space<vmem>> -> memref<128x128xf32, #tpu.memory_space<vmem>>
        %dma_wait3A_543 = arith.constant 2176 : i32
        %dma_wait3A_544 = arith.constant 0 : i32
        %dma_wait3A_545 = tpu.memref_slice %arg7[%dma_wait3A_543, %dma_wait3A_544] : memref<3072x128xf32, #tpu.memory_space<vmem_shared>> -> memref<128x128xf32, #tpu.memory_space<vmem_shared>>
        %dma_wait3A_546 = arith.constant 2176 : i32
        %dma_wait3A_547 = arith.constant 0 : i32
        %dma_wait3A_548 = tpu.memref_slice %arg7[%dma_wait3A_546, %dma_wait3A_547] : memref<3072x128xf32, #tpu.memory_space<vmem_shared>> -> memref<128x128xf32, #tpu.memory_space<vmem_shared>>
        %dma_wait3A_549 = arith.constant 0 : i32
        %dma_wait3A_550 = arith.constant 0 : i32
        %dma_wait3A_551 = tpu.memref_slice %arg6[%run_scoped3A_511, %dma_wait3A_549, %dma_wait3A_550] : memref<4x128x128xf32, #tpu.memory_space<vmem>> -> memref<1x128x128xf32, #tpu.memory_space<vmem>>
        %dma_wait3A_552 = tpu.memref_squeeze %dma_wait3A_551 : memref<1x128x128xf32, #tpu.memory_space<vmem>> -> memref<128x128xf32, #tpu.memory_space<vmem>>
        tpu.wait_dma2 semaphore(%run_scoped3A_524 : memref<!tpu.dma_semaphore, #tpu.memory_space<semaphore_mem>>) src(%dma_wait3A_552 : memref<128x128xf32, #tpu.memory_space<vmem>>) dst(%dma_wait3A_548 : memref<128x128xf32, #tpu.memory_space<vmem_shared>>)
        tpu.yield
      }) : () -> ()
      %run_scoped3A_512 = arith.constant 0 : i32
      "tpu.region"() ({
        %run_scoped3A_524 = tpu.sem_alloc : memref<!tpu.dma_semaphore, #tpu.memory_space<semaphore_mem>>
        %dma_start3A_525 = arith.constant 0 : i32
        %dma_start3A_526 = arith.constant 0 : i32
        %dma_start3A_527 = tpu.memref_slice %arg6[%run_scoped3A_512, %dma_start3A_525, %dma_start3A_526] : memref<4x128x128xf32, #tpu.memory_space<vmem>> -> memref<1x128x128xf32, #tpu.memory_space<vmem>>
        %dma_start3A_528 = tpu.memref_squeeze %dma_start3A_527 : memref<1x128x128xf32, #tpu.memory_space<vmem>> -> memref<128x128xf32, #tpu.memory_space<vmem>>
        %dma_start3A_529 = arith.constant 2304 : i32
        %dma_start3A_530 = arith.constant 0 : i32
        %dma_start3A_531 = tpu.memref_slice %arg2[%dma_start3A_529, %dma_start3A_530] : memref<3072x128xf32, #tpu.memory_space<hbm>> -> memref<128x128xf32, #tpu.memory_space<hbm>>
        %dma_start3A_532 = arith.constant 0 : i32
        %dma_start3A_533 = arith.constant 0 : i32
        %dma_start3A_534 = tpu.memref_slice %arg6[%run_scoped3A_512, %dma_start3A_532, %dma_start3A_533] : memref<4x128x128xf32, #tpu.memory_space<vmem>> -> memref<1x128x128xf32, #tpu.memory_space<vmem>>
        %dma_start3A_535 = tpu.memref_squeeze %dma_start3A_534 : memref<1x128x128xf32, #tpu.memory_space<vmem>> -> memref<128x128xf32, #tpu.memory_space<vmem>>
        %dma_start3A_536 = arith.constant 2304 : i32
        %dma_start3A_537 = arith.constant 0 : i32
        %dma_start3A_538 = tpu.memref_slice %arg2[%dma_start3A_536, %dma_start3A_537] : memref<3072x128xf32, #tpu.memory_space<hbm>> -> memref<128x128xf32, #tpu.memory_space<hbm>>
        tpu.enqueue_dma source(%dma_start3A_538 : memref<128x128xf32, #tpu.memory_space<hbm>>) target(%dma_start3A_535 : memref<128x128xf32, #tpu.memory_space<vmem>>) target_semaphore(%run_scoped3A_524 : memref<!tpu.dma_semaphore, #tpu.memory_space<semaphore_mem>>)
        %dma_wait3A_539 = arith.constant 0 : i32
        %dma_wait3A_540 = arith.constant 0 : i32
        %dma_wait3A_541 = tpu.memref_slice %arg6[%run_scoped3A_512, %dma_wait3A_539, %dma_wait3A_540] : memref<4x128x128xf32, #tpu.memory_space<vmem>> -> memref<1x128x128xf32, #tpu.memory_space<vmem>>
        %dma_wait3A_542 = tpu.memref_squeeze %dma_wait3A_541 : memref<1x128x128xf32, #tpu.memory_space<vmem>> -> memref<128x128xf32, #tpu.memory_space<vmem>>
        %dma_wait3A_543 = arith.constant 2304 : i32
        %dma_wait3A_544 = arith.constant 0 : i32
        %dma_wait3A_545 = tpu.memref_slice %arg2[%dma_wait3A_543, %dma_wait3A_544] : memref<3072x128xf32, #tpu.memory_space<hbm>> -> memref<128x128xf32, #tpu.memory_space<hbm>>
        %dma_wait3A_546 = arith.constant 0 : i32
        %dma_wait3A_547 = arith.constant 0 : i32
        %dma_wait3A_548 = tpu.memref_slice %arg6[%run_scoped3A_512, %dma_wait3A_546, %dma_wait3A_547] : memref<4x128x128xf32, #tpu.memory_space<vmem>> -> memref<1x128x128xf32, #tpu.memory_space<vmem>>
        %dma_wait3A_549 = tpu.memref_squeeze %dma_wait3A_548 : memref<1x128x128xf32, #tpu.memory_space<vmem>> -> memref<128x128xf32, #tpu.memory_space<vmem>>
        %dma_wait3A_550 = arith.constant 2304 : i32
        %dma_wait3A_551 = arith.constant 0 : i32
        %dma_wait3A_552 = tpu.memref_slice %arg2[%dma_wait3A_550, %dma_wait3A_551] : memref<3072x128xf32, #tpu.memory_space<hbm>> -> memref<128x128xf32, #tpu.memory_space<hbm>>
        tpu.wait_dma2 semaphore(%run_scoped3A_524 : memref<!tpu.dma_semaphore, #tpu.memory_space<semaphore_mem>>) src(%dma_wait3A_552 : memref<128x128xf32, #tpu.memory_space<hbm>>) dst(%dma_wait3A_549 : memref<128x128xf32, #tpu.memory_space<vmem>>)
        tpu.yield
      }) : () -> ()
      %run_scoped3A_513 = arith.constant 0 : i32
      "tpu.region"() ({
        %run_scoped3A_524 = tpu.sem_alloc : memref<!tpu.dma_semaphore, #tpu.memory_space<semaphore_mem>>
        %dma_start3A_525 = arith.constant 0 : i32
        %dma_start3A_526 = arith.constant 0 : i32
        %dma_start3A_527 = tpu.memref_slice %arg6[%run_scoped3A_513, %dma_start3A_525, %dma_start3A_526] : memref<4x128x128xf32, #tpu.memory_space<vmem>> -> memref<1x128x128xf32, #tpu.memory_space<vmem>>
        %dma_start3A_528 = tpu.memref_squeeze %dma_start3A_527 : memref<1x128x128xf32, #tpu.memory_space<vmem>> -> memref<128x128xf32, #tpu.memory_space<vmem>>
        %dma_start3A_529 = arith.constant 2304 : i32
        %dma_start3A_530 = arith.constant 0 : i32
        %dma_start3A_531 = tpu.memref_slice %arg7[%dma_start3A_529, %dma_start3A_530] : memref<3072x128xf32, #tpu.memory_space<vmem_shared>> -> memref<128x128xf32, #tpu.memory_space<vmem_shared>>
        %dma_start3A_532 = arith.constant 2304 : i32
        %dma_start3A_533 = arith.constant 0 : i32
        %dma_start3A_534 = tpu.memref_slice %arg7[%dma_start3A_532, %dma_start3A_533] : memref<3072x128xf32, #tpu.memory_space<vmem_shared>> -> memref<128x128xf32, #tpu.memory_space<vmem_shared>>
        %dma_start3A_535 = arith.constant 0 : i32
        %dma_start3A_536 = arith.constant 0 : i32
        %dma_start3A_537 = tpu.memref_slice %arg6[%run_scoped3A_513, %dma_start3A_535, %dma_start3A_536] : memref<4x128x128xf32, #tpu.memory_space<vmem>> -> memref<1x128x128xf32, #tpu.memory_space<vmem>>
        %dma_start3A_538 = tpu.memref_squeeze %dma_start3A_537 : memref<1x128x128xf32, #tpu.memory_space<vmem>> -> memref<128x128xf32, #tpu.memory_space<vmem>>
        tpu.enqueue_dma source(%dma_start3A_538 : memref<128x128xf32, #tpu.memory_space<vmem>>) target(%dma_start3A_534 : memref<128x128xf32, #tpu.memory_space<vmem_shared>>) target_semaphore(%run_scoped3A_524 : memref<!tpu.dma_semaphore, #tpu.memory_space<semaphore_mem>>)
        %dma_wait3A_539 = arith.constant 0 : i32
        %dma_wait3A_540 = arith.constant 0 : i32
        %dma_wait3A_541 = tpu.memref_slice %arg6[%run_scoped3A_513, %dma_wait3A_539, %dma_wait3A_540] : memref<4x128x128xf32, #tpu.memory_space<vmem>> -> memref<1x128x128xf32, #tpu.memory_space<vmem>>
        %dma_wait3A_542 = tpu.memref_squeeze %dma_wait3A_541 : memref<1x128x128xf32, #tpu.memory_space<vmem>> -> memref<128x128xf32, #tpu.memory_space<vmem>>
        %dma_wait3A_543 = arith.constant 2304 : i32
        %dma_wait3A_544 = arith.constant 0 : i32
        %dma_wait3A_545 = tpu.memref_slice %arg7[%dma_wait3A_543, %dma_wait3A_544] : memref<3072x128xf32, #tpu.memory_space<vmem_shared>> -> memref<128x128xf32, #tpu.memory_space<vmem_shared>>
        %dma_wait3A_546 = arith.constant 2304 : i32
        %dma_wait3A_547 = arith.constant 0 : i32
        %dma_wait3A_548 = tpu.memref_slice %arg7[%dma_wait3A_546, %dma_wait3A_547] : memref<3072x128xf32, #tpu.memory_space<vmem_shared>> -> memref<128x128xf32, #tpu.memory_space<vmem_shared>>
        %dma_wait3A_549 = arith.constant 0 : i32
        %dma_wait3A_550 = arith.constant 0 : i32
        %dma_wait3A_551 = tpu.memref_slice %arg6[%run_scoped3A_513, %dma_wait3A_549, %dma_wait3A_550] : memref<4x128x128xf32, #tpu.memory_space<vmem>> -> memref<1x128x128xf32, #tpu.memory_space<vmem>>
        %dma_wait3A_552 = tpu.memref_squeeze %dma_wait3A_551 : memref<1x128x128xf32, #tpu.memory_space<vmem>> -> memref<128x128xf32, #tpu.memory_space<vmem>>
        tpu.wait_dma2 semaphore(%run_scoped3A_524 : memref<!tpu.dma_semaphore, #tpu.memory_space<semaphore_mem>>) src(%dma_wait3A_552 : memref<128x128xf32, #tpu.memory_space<vmem>>) dst(%dma_wait3A_548 : memref<128x128xf32, #tpu.memory_space<vmem_shared>>)
        tpu.yield
      }) : () -> ()
      %run_scoped3A_514 = arith.constant 0 : i32
      "tpu.region"() ({
        %run_scoped3A_524 = tpu.sem_alloc : memref<!tpu.dma_semaphore, #tpu.memory_space<semaphore_mem>>
        %dma_start3A_525 = arith.constant 0 : i32
        %dma_start3A_526 = arith.constant 0 : i32
        %dma_start3A_527 = tpu.memref_slice %arg6[%run_scoped3A_514, %dma_start3A_525, %dma_start3A_526] : memref<4x128x128xf32, #tpu.memory_space<vmem>> -> memref<1x128x128xf32, #tpu.memory_space<vmem>>
        %dma_start3A_528 = tpu.memref_squeeze %dma_start3A_527 : memref<1x128x128xf32, #tpu.memory_space<vmem>> -> memref<128x128xf32, #tpu.memory_space<vmem>>
        %dma_start3A_529 = arith.constant 2432 : i32
        %dma_start3A_530 = arith.constant 0 : i32
        %dma_start3A_531 = tpu.memref_slice %arg2[%dma_start3A_529, %dma_start3A_530] : memref<3072x128xf32, #tpu.memory_space<hbm>> -> memref<128x128xf32, #tpu.memory_space<hbm>>
        %dma_start3A_532 = arith.constant 0 : i32
        %dma_start3A_533 = arith.constant 0 : i32
        %dma_start3A_534 = tpu.memref_slice %arg6[%run_scoped3A_514, %dma_start3A_532, %dma_start3A_533] : memref<4x128x128xf32, #tpu.memory_space<vmem>> -> memref<1x128x128xf32, #tpu.memory_space<vmem>>
        %dma_start3A_535 = tpu.memref_squeeze %dma_start3A_534 : memref<1x128x128xf32, #tpu.memory_space<vmem>> -> memref<128x128xf32, #tpu.memory_space<vmem>>
        %dma_start3A_536 = arith.constant 2432 : i32
        %dma_start3A_537 = arith.constant 0 : i32
        %dma_start3A_538 = tpu.memref_slice %arg2[%dma_start3A_536, %dma_start3A_537] : memref<3072x128xf32, #tpu.memory_space<hbm>> -> memref<128x128xf32, #tpu.memory_space<hbm>>
        tpu.enqueue_dma source(%dma_start3A_538 : memref<128x128xf32, #tpu.memory_space<hbm>>) target(%dma_start3A_535 : memref<128x128xf32, #tpu.memory_space<vmem>>) target_semaphore(%run_scoped3A_524 : memref<!tpu.dma_semaphore, #tpu.memory_space<semaphore_mem>>)
        %dma_wait3A_539 = arith.constant 0 : i32
        %dma_wait3A_540 = arith.constant 0 : i32
        %dma_wait3A_541 = tpu.memref_slice %arg6[%run_scoped3A_514, %dma_wait3A_539, %dma_wait3A_540] : memref<4x128x128xf32, #tpu.memory_space<vmem>> -> memref<1x128x128xf32, #tpu.memory_space<vmem>>
        %dma_wait3A_542 = tpu.memref_squeeze %dma_wait3A_541 : memref<1x128x128xf32, #tpu.memory_space<vmem>> -> memref<128x128xf32, #tpu.memory_space<vmem>>
        %dma_wait3A_543 = arith.constant 2432 : i32
        %dma_wait3A_544 = arith.constant 0 : i32
        %dma_wait3A_545 = tpu.memref_slice %arg2[%dma_wait3A_543, %dma_wait3A_544] : memref<3072x128xf32, #tpu.memory_space<hbm>> -> memref<128x128xf32, #tpu.memory_space<hbm>>
        %dma_wait3A_546 = arith.constant 0 : i32
        %dma_wait3A_547 = arith.constant 0 : i32
        %dma_wait3A_548 = tpu.memref_slice %arg6[%run_scoped3A_514, %dma_wait3A_546, %dma_wait3A_547] : memref<4x128x128xf32, #tpu.memory_space<vmem>> -> memref<1x128x128xf32, #tpu.memory_space<vmem>>
        %dma_wait3A_549 = tpu.memref_squeeze %dma_wait3A_548 : memref<1x128x128xf32, #tpu.memory_space<vmem>> -> memref<128x128xf32, #tpu.memory_space<vmem>>
        %dma_wait3A_550 = arith.constant 2432 : i32
        %dma_wait3A_551 = arith.constant 0 : i32
        %dma_wait3A_552 = tpu.memref_slice %arg2[%dma_wait3A_550, %dma_wait3A_551] : memref<3072x128xf32, #tpu.memory_space<hbm>> -> memref<128x128xf32, #tpu.memory_space<hbm>>
        tpu.wait_dma2 semaphore(%run_scoped3A_524 : memref<!tpu.dma_semaphore, #tpu.memory_space<semaphore_mem>>) src(%dma_wait3A_552 : memref<128x128xf32, #tpu.memory_space<hbm>>) dst(%dma_wait3A_549 : memref<128x128xf32, #tpu.memory_space<vmem>>)
        tpu.yield
      }) : () -> ()
      %run_scoped3A_515 = arith.constant 0 : i32
      "tpu.region"() ({
        %run_scoped3A_524 = tpu.sem_alloc : memref<!tpu.dma_semaphore, #tpu.memory_space<semaphore_mem>>
        %dma_start3A_525 = arith.constant 0 : i32
        %dma_start3A_526 = arith.constant 0 : i32
        %dma_start3A_527 = tpu.memref_slice %arg6[%run_scoped3A_515, %dma_start3A_525, %dma_start3A_526] : memref<4x128x128xf32, #tpu.memory_space<vmem>> -> memref<1x128x128xf32, #tpu.memory_space<vmem>>
        %dma_start3A_528 = tpu.memref_squeeze %dma_start3A_527 : memref<1x128x128xf32, #tpu.memory_space<vmem>> -> memref<128x128xf32, #tpu.memory_space<vmem>>
        %dma_start3A_529 = arith.constant 2432 : i32
        %dma_start3A_530 = arith.constant 0 : i32
        %dma_start3A_531 = tpu.memref_slice %arg7[%dma_start3A_529, %dma_start3A_530] : memref<3072x128xf32, #tpu.memory_space<vmem_shared>> -> memref<128x128xf32, #tpu.memory_space<vmem_shared>>
        %dma_start3A_532 = arith.constant 2432 : i32
        %dma_start3A_533 = arith.constant 0 : i32
        %dma_start3A_534 = tpu.memref_slice %arg7[%dma_start3A_532, %dma_start3A_533] : memref<3072x128xf32, #tpu.memory_space<vmem_shared>> -> memref<128x128xf32, #tpu.memory_space<vmem_shared>>
        %dma_start3A_535 = arith.constant 0 : i32
        %dma_start3A_536 = arith.constant 0 : i32
        %dma_start3A_537 = tpu.memref_slice %arg6[%run_scoped3A_515, %dma_start3A_535, %dma_start3A_536] : memref<4x128x128xf32, #tpu.memory_space<vmem>> -> memref<1x128x128xf32, #tpu.memory_space<vmem>>
        %dma_start3A_538 = tpu.memref_squeeze %dma_start3A_537 : memref<1x128x128xf32, #tpu.memory_space<vmem>> -> memref<128x128xf32, #tpu.memory_space<vmem>>
        tpu.enqueue_dma source(%dma_start3A_538 : memref<128x128xf32, #tpu.memory_space<vmem>>) target(%dma_start3A_534 : memref<128x128xf32, #tpu.memory_space<vmem_shared>>) target_semaphore(%run_scoped3A_524 : memref<!tpu.dma_semaphore, #tpu.memory_space<semaphore_mem>>)
        %dma_wait3A_539 = arith.constant 0 : i32
        %dma_wait3A_540 = arith.constant 0 : i32
        %dma_wait3A_541 = tpu.memref_slice %arg6[%run_scoped3A_515, %dma_wait3A_539, %dma_wait3A_540] : memref<4x128x128xf32, #tpu.memory_space<vmem>> -> memref<1x128x128xf32, #tpu.memory_space<vmem>>
        %dma_wait3A_542 = tpu.memref_squeeze %dma_wait3A_541 : memref<1x128x128xf32, #tpu.memory_space<vmem>> -> memref<128x128xf32, #tpu.memory_space<vmem>>
        %dma_wait3A_543 = arith.constant 2432 : i32
        %dma_wait3A_544 = arith.constant 0 : i32
        %dma_wait3A_545 = tpu.memref_slice %arg7[%dma_wait3A_543, %dma_wait3A_544] : memref<3072x128xf32, #tpu.memory_space<vmem_shared>> -> memref<128x128xf32, #tpu.memory_space<vmem_shared>>
        %dma_wait3A_546 = arith.constant 2432 : i32
        %dma_wait3A_547 = arith.constant 0 : i32
        %dma_wait3A_548 = tpu.memref_slice %arg7[%dma_wait3A_546, %dma_wait3A_547] : memref<3072x128xf32, #tpu.memory_space<vmem_shared>> -> memref<128x128xf32, #tpu.memory_space<vmem_shared>>
        %dma_wait3A_549 = arith.constant 0 : i32
        %dma_wait3A_550 = arith.constant 0 : i32
        %dma_wait3A_551 = tpu.memref_slice %arg6[%run_scoped3A_515, %dma_wait3A_549, %dma_wait3A_550] : memref<4x128x128xf32, #tpu.memory_space<vmem>> -> memref<1x128x128xf32, #tpu.memory_space<vmem>>
        %dma_wait3A_552 = tpu.memref_squeeze %dma_wait3A_551 : memref<1x128x128xf32, #tpu.memory_space<vmem>> -> memref<128x128xf32, #tpu.memory_space<vmem>>
        tpu.wait_dma2 semaphore(%run_scoped3A_524 : memref<!tpu.dma_semaphore, #tpu.memory_space<semaphore_mem>>) src(%dma_wait3A_552 : memref<128x128xf32, #tpu.memory_space<vmem>>) dst(%dma_wait3A_548 : memref<128x128xf32, #tpu.memory_space<vmem_shared>>)
        tpu.yield
      }) : () -> ()
      %run_scoped3A_516 = arith.constant 0 : i32
      "tpu.region"() ({
        %run_scoped3A_524 = tpu.sem_alloc : memref<!tpu.dma_semaphore, #tpu.memory_space<semaphore_mem>>
        %dma_start3A_525 = arith.constant 0 : i32
        %dma_start3A_526 = arith.constant 0 : i32
        %dma_start3A_527 = tpu.memref_slice %arg6[%run_scoped3A_516, %dma_start3A_525, %dma_start3A_526] : memref<4x128x128xf32, #tpu.memory_space<vmem>> -> memref<1x128x128xf32, #tpu.memory_space<vmem>>
        %dma_start3A_528 = tpu.memref_squeeze %dma_start3A_527 : memref<1x128x128xf32, #tpu.memory_space<vmem>> -> memref<128x128xf32, #tpu.memory_space<vmem>>
        %dma_start3A_529 = arith.constant 2560 : i32
        %dma_start3A_530 = arith.constant 0 : i32
        %dma_start3A_531 = tpu.memref_slice %arg2[%dma_start3A_529, %dma_start3A_530] : memref<3072x128xf32, #tpu.memory_space<hbm>> -> memref<128x128xf32, #tpu.memory_space<hbm>>
        %dma_start3A_532 = arith.constant 0 : i32
        %dma_start3A_533 = arith.constant 0 : i32
        %dma_start3A_534 = tpu.memref_slice %arg6[%run_scoped3A_516, %dma_start3A_532, %dma_start3A_533] : memref<4x128x128xf32, #tpu.memory_space<vmem>> -> memref<1x128x128xf32, #tpu.memory_space<vmem>>
        %dma_start3A_535 = tpu.memref_squeeze %dma_start3A_534 : memref<1x128x128xf32, #tpu.memory_space<vmem>> -> memref<128x128xf32, #tpu.memory_space<vmem>>
        %dma_start3A_536 = arith.constant 2560 : i32
        %dma_start3A_537 = arith.constant 0 : i32
        %dma_start3A_538 = tpu.memref_slice %arg2[%dma_start3A_536, %dma_start3A_537] : memref<3072x128xf32, #tpu.memory_space<hbm>> -> memref<128x128xf32, #tpu.memory_space<hbm>>
        tpu.enqueue_dma source(%dma_start3A_538 : memref<128x128xf32, #tpu.memory_space<hbm>>) target(%dma_start3A_535 : memref<128x128xf32, #tpu.memory_space<vmem>>) target_semaphore(%run_scoped3A_524 : memref<!tpu.dma_semaphore, #tpu.memory_space<semaphore_mem>>)
        %dma_wait3A_539 = arith.constant 0 : i32
        %dma_wait3A_540 = arith.constant 0 : i32
        %dma_wait3A_541 = tpu.memref_slice %arg6[%run_scoped3A_516, %dma_wait3A_539, %dma_wait3A_540] : memref<4x128x128xf32, #tpu.memory_space<vmem>> -> memref<1x128x128xf32, #tpu.memory_space<vmem>>
        %dma_wait3A_542 = tpu.memref_squeeze %dma_wait3A_541 : memref<1x128x128xf32, #tpu.memory_space<vmem>> -> memref<128x128xf32, #tpu.memory_space<vmem>>
        %dma_wait3A_543 = arith.constant 2560 : i32
        %dma_wait3A_544 = arith.constant 0 : i32
        %dma_wait3A_545 = tpu.memref_slice %arg2[%dma_wait3A_543, %dma_wait3A_544] : memref<3072x128xf32, #tpu.memory_space<hbm>> -> memref<128x128xf32, #tpu.memory_space<hbm>>
        %dma_wait3A_546 = arith.constant 0 : i32
        %dma_wait3A_547 = arith.constant 0 : i32
        %dma_wait3A_548 = tpu.memref_slice %arg6[%run_scoped3A_516, %dma_wait3A_546, %dma_wait3A_547] : memref<4x128x128xf32, #tpu.memory_space<vmem>> -> memref<1x128x128xf32, #tpu.memory_space<vmem>>
        %dma_wait3A_549 = tpu.memref_squeeze %dma_wait3A_548 : memref<1x128x128xf32, #tpu.memory_space<vmem>> -> memref<128x128xf32, #tpu.memory_space<vmem>>
        %dma_wait3A_550 = arith.constant 2560 : i32
        %dma_wait3A_551 = arith.constant 0 : i32
        %dma_wait3A_552 = tpu.memref_slice %arg2[%dma_wait3A_550, %dma_wait3A_551] : memref<3072x128xf32, #tpu.memory_space<hbm>> -> memref<128x128xf32, #tpu.memory_space<hbm>>
        tpu.wait_dma2 semaphore(%run_scoped3A_524 : memref<!tpu.dma_semaphore, #tpu.memory_space<semaphore_mem>>) src(%dma_wait3A_552 : memref<128x128xf32, #tpu.memory_space<hbm>>) dst(%dma_wait3A_549 : memref<128x128xf32, #tpu.memory_space<vmem>>)
        tpu.yield
      }) : () -> ()
      %run_scoped3A_517 = arith.constant 0 : i32
      "tpu.region"() ({
        %run_scoped3A_524 = tpu.sem_alloc : memref<!tpu.dma_semaphore, #tpu.memory_space<semaphore_mem>>
        %dma_start3A_525 = arith.constant 0 : i32
        %dma_start3A_526 = arith.constant 0 : i32
        %dma_start3A_527 = tpu.memref_slice %arg6[%run_scoped3A_517, %dma_start3A_525, %dma_start3A_526] : memref<4x128x128xf32, #tpu.memory_space<vmem>> -> memref<1x128x128xf32, #tpu.memory_space<vmem>>
        %dma_start3A_528 = tpu.memref_squeeze %dma_start3A_527 : memref<1x128x128xf32, #tpu.memory_space<vmem>> -> memref<128x128xf32, #tpu.memory_space<vmem>>
        %dma_start3A_529 = arith.constant 2560 : i32
        %dma_start3A_530 = arith.constant 0 : i32
        %dma_start3A_531 = tpu.memref_slice %arg7[%dma_start3A_529, %dma_start3A_530] : memref<3072x128xf32, #tpu.memory_space<vmem_shared>> -> memref<128x128xf32, #tpu.memory_space<vmem_shared>>
        %dma_start3A_532 = arith.constant 2560 : i32
        %dma_start3A_533 = arith.constant 0 : i32
        %dma_start3A_534 = tpu.memref_slice %arg7[%dma_start3A_532, %dma_start3A_533] : memref<3072x128xf32, #tpu.memory_space<vmem_shared>> -> memref<128x128xf32, #tpu.memory_space<vmem_shared>>
        %dma_start3A_535 = arith.constant 0 : i32
        %dma_start3A_536 = arith.constant 0 : i32
        %dma_start3A_537 = tpu.memref_slice %arg6[%run_scoped3A_517, %dma_start3A_535, %dma_start3A_536] : memref<4x128x128xf32, #tpu.memory_space<vmem>> -> memref<1x128x128xf32, #tpu.memory_space<vmem>>
        %dma_start3A_538 = tpu.memref_squeeze %dma_start3A_537 : memref<1x128x128xf32, #tpu.memory_space<vmem>> -> memref<128x128xf32, #tpu.memory_space<vmem>>
        tpu.enqueue_dma source(%dma_start3A_538 : memref<128x128xf32, #tpu.memory_space<vmem>>) target(%dma_start3A_534 : memref<128x128xf32, #tpu.memory_space<vmem_shared>>) target_semaphore(%run_scoped3A_524 : memref<!tpu.dma_semaphore, #tpu.memory_space<semaphore_mem>>)
        %dma_wait3A_539 = arith.constant 0 : i32
        %dma_wait3A_540 = arith.constant 0 : i32
        %dma_wait3A_541 = tpu.memref_slice %arg6[%run_scoped3A_517, %dma_wait3A_539, %dma_wait3A_540] : memref<4x128x128xf32, #tpu.memory_space<vmem>> -> memref<1x128x128xf32, #tpu.memory_space<vmem>>
        %dma_wait3A_542 = tpu.memref_squeeze %dma_wait3A_541 : memref<1x128x128xf32, #tpu.memory_space<vmem>> -> memref<128x128xf32, #tpu.memory_space<vmem>>
        %dma_wait3A_543 = arith.constant 2560 : i32
        %dma_wait3A_544 = arith.constant 0 : i32
        %dma_wait3A_545 = tpu.memref_slice %arg7[%dma_wait3A_543, %dma_wait3A_544] : memref<3072x128xf32, #tpu.memory_space<vmem_shared>> -> memref<128x128xf32, #tpu.memory_space<vmem_shared>>
        %dma_wait3A_546 = arith.constant 2560 : i32
        %dma_wait3A_547 = arith.constant 0 : i32
        %dma_wait3A_548 = tpu.memref_slice %arg7[%dma_wait3A_546, %dma_wait3A_547] : memref<3072x128xf32, #tpu.memory_space<vmem_shared>> -> memref<128x128xf32, #tpu.memory_space<vmem_shared>>
        %dma_wait3A_549 = arith.constant 0 : i32
        %dma_wait3A_550 = arith.constant 0 : i32
        %dma_wait3A_551 = tpu.memref_slice %arg6[%run_scoped3A_517, %dma_wait3A_549, %dma_wait3A_550] : memref<4x128x128xf32, #tpu.memory_space<vmem>> -> memref<1x128x128xf32, #tpu.memory_space<vmem>>
        %dma_wait3A_552 = tpu.memref_squeeze %dma_wait3A_551 : memref<1x128x128xf32, #tpu.memory_space<vmem>> -> memref<128x128xf32, #tpu.memory_space<vmem>>
        tpu.wait_dma2 semaphore(%run_scoped3A_524 : memref<!tpu.dma_semaphore, #tpu.memory_space<semaphore_mem>>) src(%dma_wait3A_552 : memref<128x128xf32, #tpu.memory_space<vmem>>) dst(%dma_wait3A_548 : memref<128x128xf32, #tpu.memory_space<vmem_shared>>)
        tpu.yield
      }) : () -> ()
      %run_scoped3A_518 = arith.constant 0 : i32
      "tpu.region"() ({
        %run_scoped3A_524 = tpu.sem_alloc : memref<!tpu.dma_semaphore, #tpu.memory_space<semaphore_mem>>
        %dma_start3A_525 = arith.constant 0 : i32
        %dma_start3A_526 = arith.constant 0 : i32
        %dma_start3A_527 = tpu.memref_slice %arg6[%run_scoped3A_518, %dma_start3A_525, %dma_start3A_526] : memref<4x128x128xf32, #tpu.memory_space<vmem>> -> memref<1x128x128xf32, #tpu.memory_space<vmem>>
        %dma_start3A_528 = tpu.memref_squeeze %dma_start3A_527 : memref<1x128x128xf32, #tpu.memory_space<vmem>> -> memref<128x128xf32, #tpu.memory_space<vmem>>
        %dma_start3A_529 = arith.constant 2688 : i32
        %dma_start3A_530 = arith.constant 0 : i32
        %dma_start3A_531 = tpu.memref_slice %arg2[%dma_start3A_529, %dma_start3A_530] : memref<3072x128xf32, #tpu.memory_space<hbm>> -> memref<128x128xf32, #tpu.memory_space<hbm>>
        %dma_start3A_532 = arith.constant 0 : i32
        %dma_start3A_533 = arith.constant 0 : i32
        %dma_start3A_534 = tpu.memref_slice %arg6[%run_scoped3A_518, %dma_start3A_532, %dma_start3A_533] : memref<4x128x128xf32, #tpu.memory_space<vmem>> -> memref<1x128x128xf32, #tpu.memory_space<vmem>>
        %dma_start3A_535 = tpu.memref_squeeze %dma_start3A_534 : memref<1x128x128xf32, #tpu.memory_space<vmem>> -> memref<128x128xf32, #tpu.memory_space<vmem>>
        %dma_start3A_536 = arith.constant 2688 : i32
        %dma_start3A_537 = arith.constant 0 : i32
        %dma_start3A_538 = tpu.memref_slice %arg2[%dma_start3A_536, %dma_start3A_537] : memref<3072x128xf32, #tpu.memory_space<hbm>> -> memref<128x128xf32, #tpu.memory_space<hbm>>
        tpu.enqueue_dma source(%dma_start3A_538 : memref<128x128xf32, #tpu.memory_space<hbm>>) target(%dma_start3A_535 : memref<128x128xf32, #tpu.memory_space<vmem>>) target_semaphore(%run_scoped3A_524 : memref<!tpu.dma_semaphore, #tpu.memory_space<semaphore_mem>>)
        %dma_wait3A_539 = arith.constant 0 : i32
        %dma_wait3A_540 = arith.constant 0 : i32
        %dma_wait3A_541 = tpu.memref_slice %arg6[%run_scoped3A_518, %dma_wait3A_539, %dma_wait3A_540] : memref<4x128x128xf32, #tpu.memory_space<vmem>> -> memref<1x128x128xf32, #tpu.memory_space<vmem>>
        %dma_wait3A_542 = tpu.memref_squeeze %dma_wait3A_541 : memref<1x128x128xf32, #tpu.memory_space<vmem>> -> memref<128x128xf32, #tpu.memory_space<vmem>>
        %dma_wait3A_543 = arith.constant 2688 : i32
        %dma_wait3A_544 = arith.constant 0 : i32
        %dma_wait3A_545 = tpu.memref_slice %arg2[%dma_wait3A_543, %dma_wait3A_544] : memref<3072x128xf32, #tpu.memory_space<hbm>> -> memref<128x128xf32, #tpu.memory_space<hbm>>
        %dma_wait3A_546 = arith.constant 0 : i32
        %dma_wait3A_547 = arith.constant 0 : i32
        %dma_wait3A_548 = tpu.memref_slice %arg6[%run_scoped3A_518, %dma_wait3A_546, %dma_wait3A_547] : memref<4x128x128xf32, #tpu.memory_space<vmem>> -> memref<1x128x128xf32, #tpu.memory_space<vmem>>
        %dma_wait3A_549 = tpu.memref_squeeze %dma_wait3A_548 : memref<1x128x128xf32, #tpu.memory_space<vmem>> -> memref<128x128xf32, #tpu.memory_space<vmem>>
        %dma_wait3A_550 = arith.constant 2688 : i32
        %dma_wait3A_551 = arith.constant 0 : i32
        %dma_wait3A_552 = tpu.memref_slice %arg2[%dma_wait3A_550, %dma_wait3A_551] : memref<3072x128xf32, #tpu.memory_space<hbm>> -> memref<128x128xf32, #tpu.memory_space<hbm>>
        tpu.wait_dma2 semaphore(%run_scoped3A_524 : memref<!tpu.dma_semaphore, #tpu.memory_space<semaphore_mem>>) src(%dma_wait3A_552 : memref<128x128xf32, #tpu.memory_space<hbm>>) dst(%dma_wait3A_549 : memref<128x128xf32, #tpu.memory_space<vmem>>)
        tpu.yield
      }) : () -> ()
      %run_scoped3A_519 = arith.constant 0 : i32
      "tpu.region"() ({
        %run_scoped3A_524 = tpu.sem_alloc : memref<!tpu.dma_semaphore, #tpu.memory_space<semaphore_mem>>
        %dma_start3A_525 = arith.constant 0 : i32
        %dma_start3A_526 = arith.constant 0 : i32
        %dma_start3A_527 = tpu.memref_slice %arg6[%run_scoped3A_519, %dma_start3A_525, %dma_start3A_526] : memref<4x128x128xf32, #tpu.memory_space<vmem>> -> memref<1x128x128xf32, #tpu.memory_space<vmem>>
        %dma_start3A_528 = tpu.memref_squeeze %dma_start3A_527 : memref<1x128x128xf32, #tpu.memory_space<vmem>> -> memref<128x128xf32, #tpu.memory_space<vmem>>
        %dma_start3A_529 = arith.constant 2688 : i32
        %dma_start3A_530 = arith.constant 0 : i32
        %dma_start3A_531 = tpu.memref_slice %arg7[%dma_start3A_529, %dma_start3A_530] : memref<3072x128xf32, #tpu.memory_space<vmem_shared>> -> memref<128x128xf32, #tpu.memory_space<vmem_shared>>
        %dma_start3A_532 = arith.constant 2688 : i32
        %dma_start3A_533 = arith.constant 0 : i32
        %dma_start3A_534 = tpu.memref_slice %arg7[%dma_start3A_532, %dma_start3A_533] : memref<3072x128xf32, #tpu.memory_space<vmem_shared>> -> memref<128x128xf32, #tpu.memory_space<vmem_shared>>
        %dma_start3A_535 = arith.constant 0 : i32
        %dma_start3A_536 = arith.constant 0 : i32
        %dma_start3A_537 = tpu.memref_slice %arg6[%run_scoped3A_519, %dma_start3A_535, %dma_start3A_536] : memref<4x128x128xf32, #tpu.memory_space<vmem>> -> memref<1x128x128xf32, #tpu.memory_space<vmem>>
        %dma_start3A_538 = tpu.memref_squeeze %dma_start3A_537 : memref<1x128x128xf32, #tpu.memory_space<vmem>> -> memref<128x128xf32, #tpu.memory_space<vmem>>
        tpu.enqueue_dma source(%dma_start3A_538 : memref<128x128xf32, #tpu.memory_space<vmem>>) target(%dma_start3A_534 : memref<128x128xf32, #tpu.memory_space<vmem_shared>>) target_semaphore(%run_scoped3A_524 : memref<!tpu.dma_semaphore, #tpu.memory_space<semaphore_mem>>)
        %dma_wait3A_539 = arith.constant 0 : i32
        %dma_wait3A_540 = arith.constant 0 : i32
        %dma_wait3A_541 = tpu.memref_slice %arg6[%run_scoped3A_519, %dma_wait3A_539, %dma_wait3A_540] : memref<4x128x128xf32, #tpu.memory_space<vmem>> -> memref<1x128x128xf32, #tpu.memory_space<vmem>>
        %dma_wait3A_542 = tpu.memref_squeeze %dma_wait3A_541 : memref<1x128x128xf32, #tpu.memory_space<vmem>> -> memref<128x128xf32, #tpu.memory_space<vmem>>
        %dma_wait3A_543 = arith.constant 2688 : i32
        %dma_wait3A_544 = arith.constant 0 : i32
        %dma_wait3A_545 = tpu.memref_slice %arg7[%dma_wait3A_543, %dma_wait3A_544] : memref<3072x128xf32, #tpu.memory_space<vmem_shared>> -> memref<128x128xf32, #tpu.memory_space<vmem_shared>>
        %dma_wait3A_546 = arith.constant 2688 : i32
        %dma_wait3A_547 = arith.constant 0 : i32
        %dma_wait3A_548 = tpu.memref_slice %arg7[%dma_wait3A_546, %dma_wait3A_547] : memref<3072x128xf32, #tpu.memory_space<vmem_shared>> -> memref<128x128xf32, #tpu.memory_space<vmem_shared>>
        %dma_wait3A_549 = arith.constant 0 : i32
        %dma_wait3A_550 = arith.constant 0 : i32
        %dma_wait3A_551 = tpu.memref_slice %arg6[%run_scoped3A_519, %dma_wait3A_549, %dma_wait3A_550] : memref<4x128x128xf32, #tpu.memory_space<vmem>> -> memref<1x128x128xf32, #tpu.memory_space<vmem>>
        %dma_wait3A_552 = tpu.memref_squeeze %dma_wait3A_551 : memref<1x128x128xf32, #tpu.memory_space<vmem>> -> memref<128x128xf32, #tpu.memory_space<vmem>>
        tpu.wait_dma2 semaphore(%run_scoped3A_524 : memref<!tpu.dma_semaphore, #tpu.memory_space<semaphore_mem>>) src(%dma_wait3A_552 : memref<128x128xf32, #tpu.memory_space<vmem>>) dst(%dma_wait3A_548 : memref<128x128xf32, #tpu.memory_space<vmem_shared>>)
        tpu.yield
      }) : () -> ()
      %run_scoped3A_520 = arith.constant 0 : i32
      "tpu.region"() ({
        %run_scoped3A_524 = tpu.sem_alloc : memref<!tpu.dma_semaphore, #tpu.memory_space<semaphore_mem>>
        %dma_start3A_525 = arith.constant 0 : i32
        %dma_start3A_526 = arith.constant 0 : i32
        %dma_start3A_527 = tpu.memref_slice %arg6[%run_scoped3A_520, %dma_start3A_525, %dma_start3A_526] : memref<4x128x128xf32, #tpu.memory_space<vmem>> -> memref<1x128x128xf32, #tpu.memory_space<vmem>>
        %dma_start3A_528 = tpu.memref_squeeze %dma_start3A_527 : memref<1x128x128xf32, #tpu.memory_space<vmem>> -> memref<128x128xf32, #tpu.memory_space<vmem>>
        %dma_start3A_529 = arith.constant 2816 : i32
        %dma_start3A_530 = arith.constant 0 : i32
        %dma_start3A_531 = tpu.memref_slice %arg2[%dma_start3A_529, %dma_start3A_530] : memref<3072x128xf32, #tpu.memory_space<hbm>> -> memref<128x128xf32, #tpu.memory_space<hbm>>
        %dma_start3A_532 = arith.constant 0 : i32
        %dma_start3A_533 = arith.constant 0 : i32
        %dma_start3A_534 = tpu.memref_slice %arg6[%run_scoped3A_520, %dma_start3A_532, %dma_start3A_533] : memref<4x128x128xf32, #tpu.memory_space<vmem>> -> memref<1x128x128xf32, #tpu.memory_space<vmem>>
        %dma_start3A_535 = tpu.memref_squeeze %dma_start3A_534 : memref<1x128x128xf32, #tpu.memory_space<vmem>> -> memref<128x128xf32, #tpu.memory_space<vmem>>
        %dma_start3A_536 = arith.constant 2816 : i32
        %dma_start3A_537 = arith.constant 0 : i32
        %dma_start3A_538 = tpu.memref_slice %arg2[%dma_start3A_536, %dma_start3A_537] : memref<3072x128xf32, #tpu.memory_space<hbm>> -> memref<128x128xf32, #tpu.memory_space<hbm>>
        tpu.enqueue_dma source(%dma_start3A_538 : memref<128x128xf32, #tpu.memory_space<hbm>>) target(%dma_start3A_535 : memref<128x128xf32, #tpu.memory_space<vmem>>) target_semaphore(%run_scoped3A_524 : memref<!tpu.dma_semaphore, #tpu.memory_space<semaphore_mem>>)
        %dma_wait3A_539 = arith.constant 0 : i32
        %dma_wait3A_540 = arith.constant 0 : i32
        %dma_wait3A_541 = tpu.memref_slice %arg6[%run_scoped3A_520, %dma_wait3A_539, %dma_wait3A_540] : memref<4x128x128xf32, #tpu.memory_space<vmem>> -> memref<1x128x128xf32, #tpu.memory_space<vmem>>
        %dma_wait3A_542 = tpu.memref_squeeze %dma_wait3A_541 : memref<1x128x128xf32, #tpu.memory_space<vmem>> -> memref<128x128xf32, #tpu.memory_space<vmem>>
        %dma_wait3A_543 = arith.constant 2816 : i32
        %dma_wait3A_544 = arith.constant 0 : i32
        %dma_wait3A_545 = tpu.memref_slice %arg2[%dma_wait3A_543, %dma_wait3A_544] : memref<3072x128xf32, #tpu.memory_space<hbm>> -> memref<128x128xf32, #tpu.memory_space<hbm>>
        %dma_wait3A_546 = arith.constant 0 : i32
        %dma_wait3A_547 = arith.constant 0 : i32
        %dma_wait3A_548 = tpu.memref_slice %arg6[%run_scoped3A_520, %dma_wait3A_546, %dma_wait3A_547] : memref<4x128x128xf32, #tpu.memory_space<vmem>> -> memref<1x128x128xf32, #tpu.memory_space<vmem>>
        %dma_wait3A_549 = tpu.memref_squeeze %dma_wait3A_548 : memref<1x128x128xf32, #tpu.memory_space<vmem>> -> memref<128x128xf32, #tpu.memory_space<vmem>>
        %dma_wait3A_550 = arith.constant 2816 : i32
        %dma_wait3A_551 = arith.constant 0 : i32
        %dma_wait3A_552 = tpu.memref_slice %arg2[%dma_wait3A_550, %dma_wait3A_551] : memref<3072x128xf32, #tpu.memory_space<hbm>> -> memref<128x128xf32, #tpu.memory_space<hbm>>
        tpu.wait_dma2 semaphore(%run_scoped3A_524 : memref<!tpu.dma_semaphore, #tpu.memory_space<semaphore_mem>>) src(%dma_wait3A_552 : memref<128x128xf32, #tpu.memory_space<hbm>>) dst(%dma_wait3A_549 : memref<128x128xf32, #tpu.memory_space<vmem>>)
        tpu.yield
      }) : () -> ()
      %run_scoped3A_521 = arith.constant 0 : i32
      "tpu.region"() ({
        %run_scoped3A_524 = tpu.sem_alloc : memref<!tpu.dma_semaphore, #tpu.memory_space<semaphore_mem>>
        %dma_start3A_525 = arith.constant 0 : i32
        %dma_start3A_526 = arith.constant 0 : i32
        %dma_start3A_527 = tpu.memref_slice %arg6[%run_scoped3A_521, %dma_start3A_525, %dma_start3A_526] : memref<4x128x128xf32, #tpu.memory_space<vmem>> -> memref<1x128x128xf32, #tpu.memory_space<vmem>>
        %dma_start3A_528 = tpu.memref_squeeze %dma_start3A_527 : memref<1x128x128xf32, #tpu.memory_space<vmem>> -> memref<128x128xf32, #tpu.memory_space<vmem>>
        %dma_start3A_529 = arith.constant 2816 : i32
        %dma_start3A_530 = arith.constant 0 : i32
        %dma_start3A_531 = tpu.memref_slice %arg7[%dma_start3A_529, %dma_start3A_530] : memref<3072x128xf32, #tpu.memory_space<vmem_shared>> -> memref<128x128xf32, #tpu.memory_space<vmem_shared>>
        %dma_start3A_532 = arith.constant 2816 : i32
        %dma_start3A_533 = arith.constant 0 : i32
        %dma_start3A_534 = tpu.memref_slice %arg7[%dma_start3A_532, %dma_start3A_533] : memref<3072x128xf32, #tpu.memory_space<vmem_shared>> -> memref<128x128xf32, #tpu.memory_space<vmem_shared>>
        %dma_start3A_535 = arith.constant 0 : i32
        %dma_start3A_536 = arith.constant 0 : i32
        %dma_start3A_537 = tpu.memref_slice %arg6[%run_scoped3A_521, %dma_start3A_535, %dma_start3A_536] : memref<4x128x128xf32, #tpu.memory_space<vmem>> -> memref<1x128x128xf32, #tpu.memory_space<vmem>>
        %dma_start3A_538 = tpu.memref_squeeze %dma_start3A_537 : memref<1x128x128xf32, #tpu.memory_space<vmem>> -> memref<128x128xf32, #tpu.memory_space<vmem>>
        tpu.enqueue_dma source(%dma_start3A_538 : memref<128x128xf32, #tpu.memory_space<vmem>>) target(%dma_start3A_534 : memref<128x128xf32, #tpu.memory_space<vmem_shared>>) target_semaphore(%run_scoped3A_524 : memref<!tpu.dma_semaphore, #tpu.memory_space<semaphore_mem>>)
        %dma_wait3A_539 = arith.constant 0 : i32
        %dma_wait3A_540 = arith.constant 0 : i32
        %dma_wait3A_541 = tpu.memref_slice %arg6[%run_scoped3A_521, %dma_wait3A_539, %dma_wait3A_540] : memref<4x128x128xf32, #tpu.memory_space<vmem>> -> memref<1x128x128xf32, #tpu.memory_space<vmem>>
        %dma_wait3A_542 = tpu.memref_squeeze %dma_wait3A_541 : memref<1x128x128xf32, #tpu.memory_space<vmem>> -> memref<128x128xf32, #tpu.memory_space<vmem>>
        %dma_wait3A_543 = arith.constant 2816 : i32
        %dma_wait3A_544 = arith.constant 0 : i32
        %dma_wait3A_545 = tpu.memref_slice %arg7[%dma_wait3A_543, %dma_wait3A_544] : memref<3072x128xf32, #tpu.memory_space<vmem_shared>> -> memref<128x128xf32, #tpu.memory_space<vmem_shared>>
        %dma_wait3A_546 = arith.constant 2816 : i32
        %dma_wait3A_547 = arith.constant 0 : i32
        %dma_wait3A_548 = tpu.memref_slice %arg7[%dma_wait3A_546, %dma_wait3A_547] : memref<3072x128xf32, #tpu.memory_space<vmem_shared>> -> memref<128x128xf32, #tpu.memory_space<vmem_shared>>
        %dma_wait3A_549 = arith.constant 0 : i32
        %dma_wait3A_550 = arith.constant 0 : i32
        %dma_wait3A_551 = tpu.memref_slice %arg6[%run_scoped3A_521, %dma_wait3A_549, %dma_wait3A_550] : memref<4x128x128xf32, #tpu.memory_space<vmem>> -> memref<1x128x128xf32, #tpu.memory_space<vmem>>
        %dma_wait3A_552 = tpu.memref_squeeze %dma_wait3A_551 : memref<1x128x128xf32, #tpu.memory_space<vmem>> -> memref<128x128xf32, #tpu.memory_space<vmem>>
        tpu.wait_dma2 semaphore(%run_scoped3A_524 : memref<!tpu.dma_semaphore, #tpu.memory_space<semaphore_mem>>) src(%dma_wait3A_552 : memref<128x128xf32, #tpu.memory_space<vmem>>) dst(%dma_wait3A_548 : memref<128x128xf32, #tpu.memory_space<vmem_shared>>)
        tpu.yield
      }) : () -> ()
      %run_scoped3A_522 = arith.constant 0 : i32
      "tpu.region"() ({
        %run_scoped3A_524 = tpu.sem_alloc : memref<!tpu.dma_semaphore, #tpu.memory_space<semaphore_mem>>
        %dma_start3A_525 = arith.constant 0 : i32
        %dma_start3A_526 = arith.constant 0 : i32
        %dma_start3A_527 = tpu.memref_slice %arg6[%run_scoped3A_522, %dma_start3A_525, %dma_start3A_526] : memref<4x128x128xf32, #tpu.memory_space<vmem>> -> memref<1x128x128xf32, #tpu.memory_space<vmem>>
        %dma_start3A_528 = tpu.memref_squeeze %dma_start3A_527 : memref<1x128x128xf32, #tpu.memory_space<vmem>> -> memref<128x128xf32, #tpu.memory_space<vmem>>
        %dma_start3A_529 = arith.constant 2944 : i32
        %dma_start3A_530 = arith.constant 0 : i32
        %dma_start3A_531 = tpu.memref_slice %arg2[%dma_start3A_529, %dma_start3A_530] : memref<3072x128xf32, #tpu.memory_space<hbm>> -> memref<128x128xf32, #tpu.memory_space<hbm>>
        %dma_start3A_532 = arith.constant 0 : i32
        %dma_start3A_533 = arith.constant 0 : i32
        %dma_start3A_534 = tpu.memref_slice %arg6[%run_scoped3A_522, %dma_start3A_532, %dma_start3A_533] : memref<4x128x128xf32, #tpu.memory_space<vmem>> -> memref<1x128x128xf32, #tpu.memory_space<vmem>>
        %dma_start3A_535 = tpu.memref_squeeze %dma_start3A_534 : memref<1x128x128xf32, #tpu.memory_space<vmem>> -> memref<128x128xf32, #tpu.memory_space<vmem>>
        %dma_start3A_536 = arith.constant 2944 : i32
        %dma_start3A_537 = arith.constant 0 : i32
        %dma_start3A_538 = tpu.memref_slice %arg2[%dma_start3A_536, %dma_start3A_537] : memref<3072x128xf32, #tpu.memory_space<hbm>> -> memref<128x128xf32, #tpu.memory_space<hbm>>
        tpu.enqueue_dma source(%dma_start3A_538 : memref<128x128xf32, #tpu.memory_space<hbm>>) target(%dma_start3A_535 : memref<128x128xf32, #tpu.memory_space<vmem>>) target_semaphore(%run_scoped3A_524 : memref<!tpu.dma_semaphore, #tpu.memory_space<semaphore_mem>>)
        %dma_wait3A_539 = arith.constant 0 : i32
        %dma_wait3A_540 = arith.constant 0 : i32
        %dma_wait3A_541 = tpu.memref_slice %arg6[%run_scoped3A_522, %dma_wait3A_539, %dma_wait3A_540] : memref<4x128x128xf32, #tpu.memory_space<vmem>> -> memref<1x128x128xf32, #tpu.memory_space<vmem>>
        %dma_wait3A_542 = tpu.memref_squeeze %dma_wait3A_541 : memref<1x128x128xf32, #tpu.memory_space<vmem>> -> memref<128x128xf32, #tpu.memory_space<vmem>>
        %dma_wait3A_543 = arith.constant 2944 : i32
        %dma_wait3A_544 = arith.constant 0 : i32
        %dma_wait3A_545 = tpu.memref_slice %arg2[%dma_wait3A_543, %dma_wait3A_544] : memref<3072x128xf32, #tpu.memory_space<hbm>> -> memref<128x128xf32, #tpu.memory_space<hbm>>
        %dma_wait3A_546 = arith.constant 0 : i32
        %dma_wait3A_547 = arith.constant 0 : i32
        %dma_wait3A_548 = tpu.memref_slice %arg6[%run_scoped3A_522, %dma_wait3A_546, %dma_wait3A_547] : memref<4x128x128xf32, #tpu.memory_space<vmem>> -> memref<1x128x128xf32, #tpu.memory_space<vmem>>
        %dma_wait3A_549 = tpu.memref_squeeze %dma_wait3A_548 : memref<1x128x128xf32, #tpu.memory_space<vmem>> -> memref<128x128xf32, #tpu.memory_space<vmem>>
        %dma_wait3A_550 = arith.constant 2944 : i32
        %dma_wait3A_551 = arith.constant 0 : i32
        %dma_wait3A_552 = tpu.memref_slice %arg2[%dma_wait3A_550, %dma_wait3A_551] : memref<3072x128xf32, #tpu.memory_space<hbm>> -> memref<128x128xf32, #tpu.memory_space<hbm>>
        tpu.wait_dma2 semaphore(%run_scoped3A_524 : memref<!tpu.dma_semaphore, #tpu.memory_space<semaphore_mem>>) src(%dma_wait3A_552 : memref<128x128xf32, #tpu.memory_space<hbm>>) dst(%dma_wait3A_549 : memref<128x128xf32, #tpu.memory_space<vmem>>)
        tpu.yield
      }) : () -> ()
      %run_scoped3A_523 = arith.constant 0 : i32
      "tpu.region"() ({
        %run_scoped3A_524 = tpu.sem_alloc : memref<!tpu.dma_semaphore, #tpu.memory_space<semaphore_mem>>
        %dma_start3A_525 = arith.constant 0 : i32
        %dma_start3A_526 = arith.constant 0 : i32
        %dma_start3A_527 = tpu.memref_slice %arg6[%run_scoped3A_523, %dma_start3A_525, %dma_start3A_526] : memref<4x128x128xf32, #tpu.memory_space<vmem>> -> memref<1x128x128xf32, #tpu.memory_space<vmem>>
        %dma_start3A_528 = tpu.memref_squeeze %dma_start3A_527 : memref<1x128x128xf32, #tpu.memory_space<vmem>> -> memref<128x128xf32, #tpu.memory_space<vmem>>
        %dma_start3A_529 = arith.constant 2944 : i32
        %dma_start3A_530 = arith.constant 0 : i32
        %dma_start3A_531 = tpu.memref_slice %arg7[%dma_start3A_529, %dma_start3A_530] : memref<3072x128xf32, #tpu.memory_space<vmem_shared>> -> memref<128x128xf32, #tpu.memory_space<vmem_shared>>
        %dma_start3A_532 = arith.constant 2944 : i32
        %dma_start3A_533 = arith.constant 0 : i32
        %dma_start3A_534 = tpu.memref_slice %arg7[%dma_start3A_532, %dma_start3A_533] : memref<3072x128xf32, #tpu.memory_space<vmem_shared>> -> memref<128x128xf32, #tpu.memory_space<vmem_shared>>
        %dma_start3A_535 = arith.constant 0 : i32
        %dma_start3A_536 = arith.constant 0 : i32
        %dma_start3A_537 = tpu.memref_slice %arg6[%run_scoped3A_523, %dma_start3A_535, %dma_start3A_536] : memref<4x128x128xf32, #tpu.memory_space<vmem>> -> memref<1x128x128xf32, #tpu.memory_space<vmem>>
        %dma_start3A_538 = tpu.memref_squeeze %dma_start3A_537 : memref<1x128x128xf32, #tpu.memory_space<vmem>> -> memref<128x128xf32, #tpu.memory_space<vmem>>
        tpu.enqueue_dma source(%dma_start3A_538 : memref<128x128xf32, #tpu.memory_space<vmem>>) target(%dma_start3A_534 : memref<128x128xf32, #tpu.memory_space<vmem_shared>>) target_semaphore(%run_scoped3A_524 : memref<!tpu.dma_semaphore, #tpu.memory_space<semaphore_mem>>)
        %dma_wait3A_539 = arith.constant 0 : i32
        %dma_wait3A_540 = arith.constant 0 : i32
        %dma_wait3A_541 = tpu.memref_slice %arg6[%run_scoped3A_523, %dma_wait3A_539, %dma_wait3A_540] : memref<4x128x128xf32, #tpu.memory_space<vmem>> -> memref<1x128x128xf32, #tpu.memory_space<vmem>>
        %dma_wait3A_542 = tpu.memref_squeeze %dma_wait3A_541 : memref<1x128x128xf32, #tpu.memory_space<vmem>> -> memref<128x128xf32, #tpu.memory_space<vmem>>
        %dma_wait3A_543 = arith.constant 2944 : i32
        %dma_wait3A_544 = arith.constant 0 : i32
        %dma_wait3A_545 = tpu.memref_slice %arg7[%dma_wait3A_543, %dma_wait3A_544] : memref<3072x128xf32, #tpu.memory_space<vmem_shared>> -> memref<128x128xf32, #tpu.memory_space<vmem_shared>>
        %dma_wait3A_546 = arith.constant 2944 : i32
        %dma_wait3A_547 = arith.constant 0 : i32
        %dma_wait3A_548 = tpu.memref_slice %arg7[%dma_wait3A_546, %dma_wait3A_547] : memref<3072x128xf32, #tpu.memory_space<vmem_shared>> -> memref<128x128xf32, #tpu.memory_space<vmem_shared>>
        %dma_wait3A_549 = arith.constant 0 : i32
        %dma_wait3A_550 = arith.constant 0 : i32
        %dma_wait3A_551 = tpu.memref_slice %arg6[%run_scoped3A_523, %dma_wait3A_549, %dma_wait3A_550] : memref<4x128x128xf32, #tpu.memory_space<vmem>> -> memref<1x128x128xf32, #tpu.memory_space<vmem>>
        %dma_wait3A_552 = tpu.memref_squeeze %dma_wait3A_551 : memref<1x128x128xf32, #tpu.memory_space<vmem>> -> memref<128x128xf32, #tpu.memory_space<vmem>>
        tpu.wait_dma2 semaphore(%run_scoped3A_524 : memref<!tpu.dma_semaphore, #tpu.memory_space<semaphore_mem>>) src(%dma_wait3A_552 : memref<128x128xf32, #tpu.memory_space<vmem>>) dst(%dma_wait3A_548 : memref<128x128xf32, #tpu.memory_space<vmem_shared>>)
        tpu.yield
      }) : () -> ()
    } else {
    }
    %barrier3A = arith.constant 0 : index
    tpu.barrier barrier_id(%barrier3A)
    %mul3A_5 = arith.constant 100 : i32
    %mul3A_6 = arith.muli %add3A, %mul3A_5 : i32
    %add3A_7 = arith.constant 0 : i32
    %add3A_8 = arith.addi %mul3A_6, %add3A_7 : i32
    %run_scoped3A = arith.constant 0 : i32
    "tpu.region"() ({
      %run_scoped3A_476 = tpu.sem_alloc : memref<!tpu.dma_semaphore, #tpu.memory_space<semaphore_mem>>
      %dma_start3A_477 = arith.constant 0 : i32
      %dma_start3A_478 = arith.constant 0 : i32
      %dma_start3A_479 = tpu.memref_slice %arg5[%run_scoped3A, %dma_start3A_477, %dma_start3A_478] : memref<2x8x128xi32, #tpu.memory_space<vmem>> -> memref<1x8x128xi32, #tpu.memory_space<vmem>>
      %dma_start3A_480 = tpu.memref_squeeze %dma_start3A_479 : memref<1x8x128xi32, #tpu.memory_space<vmem>> -> memref<8x128xi32, #tpu.memory_space<vmem>>
      %dma_start3A_481 = arith.constant 0 : i32
      %dma_start3A_482 = arith.constant 0 : i32
      %dma_start3A_483 = tpu.memref_slice %arg3[%add3A_8, %dma_start3A_481, %dma_start3A_482] : memref<3200x8x128xi32, #tpu.memory_space<hbm>> -> memref<1x8x128xi32, #tpu.memory_space<hbm>>
      %dma_start3A_484 = tpu.memref_squeeze %dma_start3A_483 : memref<1x8x128xi32, #tpu.memory_space<hbm>> -> memref<8x128xi32, #tpu.memory_space<hbm>>
      %dma_start3A_485 = arith.constant 0 : i32
      %dma_start3A_486 = arith.constant 0 : i32
      %dma_start3A_487 = tpu.memref_slice %arg5[%run_scoped3A, %dma_start3A_485, %dma_start3A_486] : memref<2x8x128xi32, #tpu.memory_space<vmem>> -> memref<1x8x128xi32, #tpu.memory_space<vmem>>
      %dma_start3A_488 = tpu.memref_squeeze %dma_start3A_487 : memref<1x8x128xi32, #tpu.memory_space<vmem>> -> memref<8x128xi32, #tpu.memory_space<vmem>>
      %dma_start3A_489 = arith.constant 0 : i32
      %dma_start3A_490 = arith.constant 0 : i32
      %dma_start3A_491 = tpu.memref_slice %arg3[%add3A_8, %dma_start3A_489, %dma_start3A_490] : memref<3200x8x128xi32, #tpu.memory_space<hbm>> -> memref<1x8x128xi32, #tpu.memory_space<hbm>>
      %dma_start3A_492 = tpu.memref_squeeze %dma_start3A_491 : memref<1x8x128xi32, #tpu.memory_space<hbm>> -> memref<8x128xi32, #tpu.memory_space<hbm>>
      tpu.enqueue_dma source(%dma_start3A_492 : memref<8x128xi32, #tpu.memory_space<hbm>>) target(%dma_start3A_488 : memref<8x128xi32, #tpu.memory_space<vmem>>) target_semaphore(%run_scoped3A_476 : memref<!tpu.dma_semaphore, #tpu.memory_space<semaphore_mem>>)
      %dma_wait3A_493 = arith.constant 0 : i32
      %dma_wait3A_494 = arith.constant 0 : i32
      %dma_wait3A_495 = tpu.memref_slice %arg5[%run_scoped3A, %dma_wait3A_493, %dma_wait3A_494] : memref<2x8x128xi32, #tpu.memory_space<vmem>> -> memref<1x8x128xi32, #tpu.memory_space<vmem>>
      %dma_wait3A_496 = tpu.memref_squeeze %dma_wait3A_495 : memref<1x8x128xi32, #tpu.memory_space<vmem>> -> memref<8x128xi32, #tpu.memory_space<vmem>>
      %dma_wait3A_497 = arith.constant 0 : i32
      %dma_wait3A_498 = arith.constant 0 : i32
      %dma_wait3A_499 = tpu.memref_slice %arg3[%add3A_8, %dma_wait3A_497, %dma_wait3A_498] : memref<3200x8x128xi32, #tpu.memory_space<hbm>> -> memref<1x8x128xi32, #tpu.memory_space<hbm>>
      %dma_wait3A_500 = tpu.memref_squeeze %dma_wait3A_499 : memref<1x8x128xi32, #tpu.memory_space<hbm>> -> memref<8x128xi32, #tpu.memory_space<hbm>>
      %dma_wait3A_501 = arith.constant 0 : i32
      %dma_wait3A_502 = arith.constant 0 : i32
      %dma_wait3A_503 = tpu.memref_slice %arg5[%run_scoped3A, %dma_wait3A_501, %dma_wait3A_502] : memref<2x8x128xi32, #tpu.memory_space<vmem>> -> memref<1x8x128xi32, #tpu.memory_space<vmem>>
      %dma_wait3A_504 = tpu.memref_squeeze %dma_wait3A_503 : memref<1x8x128xi32, #tpu.memory_space<vmem>> -> memref<8x128xi32, #tpu.memory_space<vmem>>
      %dma_wait3A_505 = arith.constant 0 : i32
      %dma_wait3A_506 = arith.constant 0 : i32
      %dma_wait3A_507 = tpu.memref_slice %arg3[%add3A_8, %dma_wait3A_505, %dma_wait3A_506] : memref<3200x8x128xi32, #tpu.memory_space<hbm>> -> memref<1x8x128xi32, #tpu.memory_space<hbm>>
      %dma_wait3A_508 = tpu.memref_squeeze %dma_wait3A_507 : memref<1x8x128xi32, #tpu.memory_space<hbm>> -> memref<8x128xi32, #tpu.memory_space<hbm>>
      tpu.wait_dma2 semaphore(%run_scoped3A_476 : memref<!tpu.dma_semaphore, #tpu.memory_space<semaphore_mem>>) src(%dma_wait3A_508 : memref<8x128xi32, #tpu.memory_space<hbm>>) dst(%dma_wait3A_504 : memref<8x128xi32, #tpu.memory_space<vmem>>)
      tpu.yield
    }) : () -> ()
    %dma_start3A = arith.constant 0 : i32
    %dma_start3A_9 = arith.constant 0 : i32
    %dma_start3A_10 = arith.constant 0 : i32
    %dma_start3A_11 = arith.constant 0 : i32
    %dma_start3A_12 = arith.constant 0 : i32
    %dma_start3A_13 = tpu.memref_slice %arg6[%dma_start3A_10, %dma_start3A_11, %dma_start3A_12] : memref<4x128x128xf32, #tpu.memory_space<vmem>> -> memref<1x128x128xf32, #tpu.memory_space<vmem>>
    %dma_start3A_14 = tpu.memref_squeeze %dma_start3A_13 : memref<1x128x128xf32, #tpu.memory_space<vmem>> -> memref<128x128xf32, #tpu.memory_space<vmem>>
    %dma_start3A_15 = arith.constant 0 : i32
    %dma_start3A_16 = tpu.memref_slice %arg5[%dma_start3A, %dma_start3A_9, %dma_start3A_15] : memref<2x8x128xi32, #tpu.memory_space<vmem>> -> memref<1x1x128xi32, #tpu.memory_space<vmem>>
    %dma_start3A_17 = tpu.memref_squeeze %dma_start3A_16 : memref<1x1x128xi32, #tpu.memory_space<vmem>> -> memref<128xi32, #tpu.memory_space<vmem>>
    %dma_start3A_18 = arith.constant 0 : i32
    %dma_start3A_19 = arith.constant 0 : i32
    %dma_start3A_20 = tpu.memref_slice %arg7[%dma_start3A_18, %dma_start3A_19] : memref<3072x128xf32, #tpu.memory_space<vmem_shared>> -> memref<3072x128xf32, #tpu.memory_space<vmem_shared>>
    tpu.enqueue_indirect_dma source(%dma_start3A_20 : memref<3072x128xf32, #tpu.memory_space<vmem_shared>>) target(%dma_start3A_14 : memref<128x128xf32, #tpu.memory_space<vmem>>) offsets(%dma_start3A_17 : memref<128xi32, #tpu.memory_space<vmem>>) semaphore(%arg8 : memref<!tpu.dma_semaphore, #tpu.memory_space<semaphore_mem>>)
    %dma_start3A_21 = arith.constant 0 : i32
    %dma_start3A_22 = arith.constant 1 : i32
    %dma_start3A_23 = arith.constant 1 : i32
    %dma_start3A_24 = arith.constant 0 : i32
    %dma_start3A_25 = arith.constant 0 : i32
    %dma_start3A_26 = tpu.memref_slice %arg6[%dma_start3A_23, %dma_start3A_24, %dma_start3A_25] : memref<4x128x128xf32, #tpu.memory_space<vmem>> -> memref<1x128x128xf32, #tpu.memory_space<vmem>>
    %dma_start3A_27 = tpu.memref_squeeze %dma_start3A_26 : memref<1x128x128xf32, #tpu.memory_space<vmem>> -> memref<128x128xf32, #tpu.memory_space<vmem>>
    %dma_start3A_28 = arith.constant 0 : i32
    %dma_start3A_29 = tpu.memref_slice %arg5[%dma_start3A_21, %dma_start3A_22, %dma_start3A_28] : memref<2x8x128xi32, #tpu.memory_space<vmem>> -> memref<1x1x128xi32, #tpu.memory_space<vmem>>
    %dma_start3A_30 = tpu.memref_squeeze %dma_start3A_29 : memref<1x1x128xi32, #tpu.memory_space<vmem>> -> memref<128xi32, #tpu.memory_space<vmem>>
    %dma_start3A_31 = arith.constant 0 : i32
    %dma_start3A_32 = arith.constant 0 : i32
    %dma_start3A_33 = tpu.memref_slice %arg7[%dma_start3A_31, %dma_start3A_32] : memref<3072x128xf32, #tpu.memory_space<vmem_shared>> -> memref<3072x128xf32, #tpu.memory_space<vmem_shared>>
    tpu.enqueue_indirect_dma source(%dma_start3A_33 : memref<3072x128xf32, #tpu.memory_space<vmem_shared>>) target(%dma_start3A_27 : memref<128x128xf32, #tpu.memory_space<vmem>>) offsets(%dma_start3A_30 : memref<128xi32, #tpu.memory_space<vmem>>) semaphore(%arg9 : memref<!tpu.dma_semaphore, #tpu.memory_space<semaphore_mem>>)
    %dma_start3A_34 = arith.constant 0 : i32
    %dma_start3A_35 = arith.constant 2 : i32
    %dma_start3A_36 = arith.constant 2 : i32
    %dma_start3A_37 = arith.constant 0 : i32
    %dma_start3A_38 = arith.constant 0 : i32
    %dma_start3A_39 = tpu.memref_slice %arg6[%dma_start3A_36, %dma_start3A_37, %dma_start3A_38] : memref<4x128x128xf32, #tpu.memory_space<vmem>> -> memref<1x128x128xf32, #tpu.memory_space<vmem>>
    %dma_start3A_40 = tpu.memref_squeeze %dma_start3A_39 : memref<1x128x128xf32, #tpu.memory_space<vmem>> -> memref<128x128xf32, #tpu.memory_space<vmem>>
    %dma_start3A_41 = arith.constant 0 : i32
    %dma_start3A_42 = tpu.memref_slice %arg5[%dma_start3A_34, %dma_start3A_35, %dma_start3A_41] : memref<2x8x128xi32, #tpu.memory_space<vmem>> -> memref<1x1x128xi32, #tpu.memory_space<vmem>>
    %dma_start3A_43 = tpu.memref_squeeze %dma_start3A_42 : memref<1x1x128xi32, #tpu.memory_space<vmem>> -> memref<128xi32, #tpu.memory_space<vmem>>
    %dma_start3A_44 = arith.constant 0 : i32
    %dma_start3A_45 = arith.constant 0 : i32
    %dma_start3A_46 = tpu.memref_slice %arg7[%dma_start3A_44, %dma_start3A_45] : memref<3072x128xf32, #tpu.memory_space<vmem_shared>> -> memref<3072x128xf32, #tpu.memory_space<vmem_shared>>
    tpu.enqueue_indirect_dma source(%dma_start3A_46 : memref<3072x128xf32, #tpu.memory_space<vmem_shared>>) target(%dma_start3A_40 : memref<128x128xf32, #tpu.memory_space<vmem>>) offsets(%dma_start3A_43 : memref<128xi32, #tpu.memory_space<vmem>>) semaphore(%arg10 : memref<!tpu.dma_semaphore, #tpu.memory_space<semaphore_mem>>)
    %dma_wait3A = arith.constant 0 : i32
    %dma_wait3A_47 = arith.constant 0 : i32
    %dma_wait3A_48 = arith.constant 0 : i32
    %dma_wait3A_49 = tpu.memref_slice %arg6[%dma_wait3A, %dma_wait3A_47, %dma_wait3A_48] : memref<4x128x128xf32, #tpu.memory_space<vmem>> -> memref<1x128x128xf32, #tpu.memory_space<vmem>>
    %dma_wait3A_50 = tpu.memref_squeeze %dma_wait3A_49 : memref<1x128x128xf32, #tpu.memory_space<vmem>> -> memref<128x128xf32, #tpu.memory_space<vmem>>
    %dma_wait3A_51 = arith.constant 0 : i32
    %dma_wait3A_52 = arith.constant 0 : i32
    %dma_wait3A_53 = tpu.memref_slice %arg4[%dma_wait3A_51, %dma_wait3A_52] : memref<3276800x128xf32, #tpu.memory_space<hbm>> -> memref<128x128xf32, #tpu.memory_space<hbm>>
    %dma_wait3A_54 = arith.constant 0 : i32
    %dma_wait3A_55 = arith.constant 0 : i32
    %dma_wait3A_56 = tpu.memref_slice %arg6[%dma_wait3A, %dma_wait3A_54, %dma_wait3A_55] : memref<4x128x128xf32, #tpu.memory_space<vmem>> -> memref<1x128x128xf32, #tpu.memory_space<vmem>>
    %dma_wait3A_57 = tpu.memref_squeeze %dma_wait3A_56 : memref<1x128x128xf32, #tpu.memory_space<vmem>> -> memref<128x128xf32, #tpu.memory_space<vmem>>
    %dma_wait3A_58 = arith.constant 0 : i32
    %dma_wait3A_59 = arith.constant 0 : i32
    %dma_wait3A_60 = tpu.memref_slice %arg4[%dma_wait3A_58, %dma_wait3A_59] : memref<3276800x128xf32, #tpu.memory_space<hbm>> -> memref<128x128xf32, #tpu.memory_space<hbm>>
    tpu.wait_dma2 semaphore(%arg8 : memref<!tpu.dma_semaphore, #tpu.memory_space<semaphore_mem>>) src(%dma_wait3A_60 : memref<128x128xf32, #tpu.memory_space<hbm>>) dst(%dma_wait3A_57 : memref<128x128xf32, #tpu.memory_space<vmem>>)
    %add3A_61 = arith.constant 0 : i32
    %add3A_62 = arith.addi %mul3A_2, %add3A_61 : i32
    %dma_start3A_63 = arith.constant 0 : i32
    %dma_start3A_64 = arith.constant 0 : i32
    %dma_start3A_65 = arith.constant 0 : i32
    %dma_start3A_66 = tpu.memref_slice %arg6[%dma_start3A_63, %dma_start3A_64, %dma_start3A_65] : memref<4x128x128xf32, #tpu.memory_space<vmem>> -> memref<1x128x128xf32, #tpu.memory_space<vmem>>
    %dma_start3A_67 = tpu.memref_squeeze %dma_start3A_66 : memref<1x128x128xf32, #tpu.memory_space<vmem>> -> memref<128x128xf32, #tpu.memory_space<vmem>>
    %dma_start3A_68 = arith.constant 0 : i32
    %dma_start3A_69 = tpu.memref_slice %arg4[%add3A_62, %dma_start3A_68] : memref<3276800x128xf32, #tpu.memory_space<hbm>> -> memref<128x128xf32, #tpu.memory_space<hbm>>
    %dma_start3A_70 = arith.constant 0 : i32
    %dma_start3A_71 = tpu.memref_slice %arg4[%add3A_62, %dma_start3A_70] : memref<3276800x128xf32, #tpu.memory_space<hbm>> -> memref<128x128xf32, #tpu.memory_space<hbm>>
    %dma_start3A_72 = arith.constant 0 : i32
    %dma_start3A_73 = arith.constant 0 : i32
    %dma_start3A_74 = tpu.memref_slice %arg6[%dma_start3A_63, %dma_start3A_72, %dma_start3A_73] : memref<4x128x128xf32, #tpu.memory_space<vmem>> -> memref<1x128x128xf32, #tpu.memory_space<vmem>>
    %dma_start3A_75 = tpu.memref_squeeze %dma_start3A_74 : memref<1x128x128xf32, #tpu.memory_space<vmem>> -> memref<128x128xf32, #tpu.memory_space<vmem>>
    tpu.enqueue_dma source(%dma_start3A_75 : memref<128x128xf32, #tpu.memory_space<vmem>>) target(%dma_start3A_71 : memref<128x128xf32, #tpu.memory_space<hbm>>) target_semaphore(%arg12 : memref<!tpu.dma_semaphore, #tpu.memory_space<semaphore_mem>>)
    %dma_start3A_76 = arith.constant 0 : i32
    %dma_start3A_77 = arith.constant 3 : i32
    %dma_start3A_78 = arith.constant 3 : i32
    %dma_start3A_79 = arith.constant 0 : i32
    %dma_start3A_80 = arith.constant 0 : i32
    %dma_start3A_81 = tpu.memref_slice %arg6[%dma_start3A_78, %dma_start3A_79, %dma_start3A_80] : memref<4x128x128xf32, #tpu.memory_space<vmem>> -> memref<1x128x128xf32, #tpu.memory_space<vmem>>
    %dma_start3A_82 = tpu.memref_squeeze %dma_start3A_81 : memref<1x128x128xf32, #tpu.memory_space<vmem>> -> memref<128x128xf32, #tpu.memory_space<vmem>>
    %dma_start3A_83 = arith.constant 0 : i32
    %dma_start3A_84 = tpu.memref_slice %arg5[%dma_start3A_76, %dma_start3A_77, %dma_start3A_83] : memref<2x8x128xi32, #tpu.memory_space<vmem>> -> memref<1x1x128xi32, #tpu.memory_space<vmem>>
    %dma_start3A_85 = tpu.memref_squeeze %dma_start3A_84 : memref<1x1x128xi32, #tpu.memory_space<vmem>> -> memref<128xi32, #tpu.memory_space<vmem>>
    %dma_start3A_86 = arith.constant 0 : i32
    %dma_start3A_87 = arith.constant 0 : i32
    %dma_start3A_88 = tpu.memref_slice %arg7[%dma_start3A_86, %dma_start3A_87] : memref<3072x128xf32, #tpu.memory_space<vmem_shared>> -> memref<3072x128xf32, #tpu.memory_space<vmem_shared>>
    tpu.enqueue_indirect_dma source(%dma_start3A_88 : memref<3072x128xf32, #tpu.memory_space<vmem_shared>>) target(%dma_start3A_82 : memref<128x128xf32, #tpu.memory_space<vmem>>) offsets(%dma_start3A_85 : memref<128xi32, #tpu.memory_space<vmem>>) semaphore(%arg11 : memref<!tpu.dma_semaphore, #tpu.memory_space<semaphore_mem>>)
    %dma_wait3A_89 = arith.constant 1 : i32
    %dma_wait3A_90 = arith.constant 0 : i32
    %dma_wait3A_91 = arith.constant 0 : i32
    %dma_wait3A_92 = tpu.memref_slice %arg6[%dma_wait3A_89, %dma_wait3A_90, %dma_wait3A_91] : memref<4x128x128xf32, #tpu.memory_space<vmem>> -> memref<1x128x128xf32, #tpu.memory_space<vmem>>
    %dma_wait3A_93 = tpu.memref_squeeze %dma_wait3A_92 : memref<1x128x128xf32, #tpu.memory_space<vmem>> -> memref<128x128xf32, #tpu.memory_space<vmem>>
    %dma_wait3A_94 = arith.constant 0 : i32
    %dma_wait3A_95 = arith.constant 0 : i32
    %dma_wait3A_96 = tpu.memref_slice %arg4[%dma_wait3A_94, %dma_wait3A_95] : memref<3276800x128xf32, #tpu.memory_space<hbm>> -> memref<128x128xf32, #tpu.memory_space<hbm>>
    %dma_wait3A_97 = arith.constant 0 : i32
    %dma_wait3A_98 = arith.constant 0 : i32
    %dma_wait3A_99 = tpu.memref_slice %arg6[%dma_wait3A_89, %dma_wait3A_97, %dma_wait3A_98] : memref<4x128x128xf32, #tpu.memory_space<vmem>> -> memref<1x128x128xf32, #tpu.memory_space<vmem>>
    %dma_wait3A_100 = tpu.memref_squeeze %dma_wait3A_99 : memref<1x128x128xf32, #tpu.memory_space<vmem>> -> memref<128x128xf32, #tpu.memory_space<vmem>>
    %dma_wait3A_101 = arith.constant 0 : i32
    %dma_wait3A_102 = arith.constant 0 : i32
    %dma_wait3A_103 = tpu.memref_slice %arg4[%dma_wait3A_101, %dma_wait3A_102] : memref<3276800x128xf32, #tpu.memory_space<hbm>> -> memref<128x128xf32, #tpu.memory_space<hbm>>
    tpu.wait_dma2 semaphore(%arg9 : memref<!tpu.dma_semaphore, #tpu.memory_space<semaphore_mem>>) src(%dma_wait3A_103 : memref<128x128xf32, #tpu.memory_space<hbm>>) dst(%dma_wait3A_100 : memref<128x128xf32, #tpu.memory_space<vmem>>)
    %add3A_104 = arith.constant 128 : i32
    %add3A_105 = arith.addi %mul3A_2, %add3A_104 : i32
    %dma_start3A_106 = arith.constant 1 : i32
    %dma_start3A_107 = arith.constant 0 : i32
    %dma_start3A_108 = arith.constant 0 : i32
    %dma_start3A_109 = tpu.memref_slice %arg6[%dma_start3A_106, %dma_start3A_107, %dma_start3A_108] : memref<4x128x128xf32, #tpu.memory_space<vmem>> -> memref<1x128x128xf32, #tpu.memory_space<vmem>>
    %dma_start3A_110 = tpu.memref_squeeze %dma_start3A_109 : memref<1x128x128xf32, #tpu.memory_space<vmem>> -> memref<128x128xf32, #tpu.memory_space<vmem>>
    %dma_start3A_111 = arith.constant 0 : i32
    %dma_start3A_112 = tpu.memref_slice %arg4[%add3A_105, %dma_start3A_111] : memref<3276800x128xf32, #tpu.memory_space<hbm>> -> memref<128x128xf32, #tpu.memory_space<hbm>>
    %dma_start3A_113 = arith.constant 0 : i32
    %dma_start3A_114 = tpu.memref_slice %arg4[%add3A_105, %dma_start3A_113] : memref<3276800x128xf32, #tpu.memory_space<hbm>> -> memref<128x128xf32, #tpu.memory_space<hbm>>
    %dma_start3A_115 = arith.constant 0 : i32
    %dma_start3A_116 = arith.constant 0 : i32
    %dma_start3A_117 = tpu.memref_slice %arg6[%dma_start3A_106, %dma_start3A_115, %dma_start3A_116] : memref<4x128x128xf32, #tpu.memory_space<vmem>> -> memref<1x128x128xf32, #tpu.memory_space<vmem>>
    %dma_start3A_118 = tpu.memref_squeeze %dma_start3A_117 : memref<1x128x128xf32, #tpu.memory_space<vmem>> -> memref<128x128xf32, #tpu.memory_space<vmem>>
    tpu.enqueue_dma source(%dma_start3A_118 : memref<128x128xf32, #tpu.memory_space<vmem>>) target(%dma_start3A_114 : memref<128x128xf32, #tpu.memory_space<hbm>>) target_semaphore(%arg13 : memref<!tpu.dma_semaphore, #tpu.memory_space<semaphore_mem>>)
    %dma_wait3A_119 = arith.constant 0 : i32
    %dma_wait3A_120 = arith.constant 0 : i32
    %dma_wait3A_121 = arith.constant 0 : i32
    %dma_wait3A_122 = tpu.memref_slice %arg6[%dma_wait3A_119, %dma_wait3A_120, %dma_wait3A_121] : memref<4x128x128xf32, #tpu.memory_space<vmem>> -> memref<1x128x128xf32, #tpu.memory_space<vmem>>
    %dma_wait3A_123 = tpu.memref_squeeze %dma_wait3A_122 : memref<1x128x128xf32, #tpu.memory_space<vmem>> -> memref<128x128xf32, #tpu.memory_space<vmem>>
    %dma_wait3A_124 = arith.constant 0 : i32
    %dma_wait3A_125 = arith.constant 0 : i32
    %dma_wait3A_126 = tpu.memref_slice %arg4[%dma_wait3A_124, %dma_wait3A_125] : memref<3276800x128xf32, #tpu.memory_space<hbm>> -> memref<128x128xf32, #tpu.memory_space<hbm>>
    %dma_wait3A_127 = arith.constant 0 : i32
    %dma_wait3A_128 = arith.constant 0 : i32
    %dma_wait3A_129 = tpu.memref_slice %arg6[%dma_wait3A_119, %dma_wait3A_127, %dma_wait3A_128] : memref<4x128x128xf32, #tpu.memory_space<vmem>> -> memref<1x128x128xf32, #tpu.memory_space<vmem>>
    %dma_wait3A_130 = tpu.memref_squeeze %dma_wait3A_129 : memref<1x128x128xf32, #tpu.memory_space<vmem>> -> memref<128x128xf32, #tpu.memory_space<vmem>>
    %dma_wait3A_131 = arith.constant 0 : i32
    %dma_wait3A_132 = arith.constant 0 : i32
    %dma_wait3A_133 = tpu.memref_slice %arg4[%dma_wait3A_131, %dma_wait3A_132] : memref<3276800x128xf32, #tpu.memory_space<hbm>> -> memref<128x128xf32, #tpu.memory_space<hbm>>
    tpu.wait_dma2 semaphore(%arg12 : memref<!tpu.dma_semaphore, #tpu.memory_space<semaphore_mem>>) src(%dma_wait3A_133 : memref<128x128xf32, #tpu.memory_space<hbm>>) dst(%dma_wait3A_130 : memref<128x128xf32, #tpu.memory_space<vmem>>)
    %dma_start3A_134 = arith.constant 0 : i32
    %dma_start3A_135 = arith.constant 4 : i32
    %dma_start3A_136 = arith.constant 0 : i32
    %dma_start3A_137 = arith.constant 0 : i32
    %dma_start3A_138 = arith.constant 0 : i32
    %dma_start3A_139 = tpu.memref_slice %arg6[%dma_start3A_136, %dma_start3A_137, %dma_start3A_138] : memref<4x128x128xf32, #tpu.memory_space<vmem>> -> memref<1x128x128xf32, #tpu.memory_space<vmem>>
    %dma_start3A_140 = tpu.memref_squeeze %dma_start3A_139 : memref<1x128x128xf32, #tpu.memory_space<vmem>> -> memref<128x128xf32, #tpu.memory_space<vmem>>
    %dma_start3A_141 = arith.constant 0 : i32
    %dma_start3A_142 = tpu.memref_slice %arg5[%dma_start3A_134, %dma_start3A_135, %dma_start3A_141] : memref<2x8x128xi32, #tpu.memory_space<vmem>> -> memref<1x1x128xi32, #tpu.memory_space<vmem>>
    %dma_start3A_143 = tpu.memref_squeeze %dma_start3A_142 : memref<1x1x128xi32, #tpu.memory_space<vmem>> -> memref<128xi32, #tpu.memory_space<vmem>>
    %dma_start3A_144 = arith.constant 0 : i32
    %dma_start3A_145 = arith.constant 0 : i32
    %dma_start3A_146 = tpu.memref_slice %arg7[%dma_start3A_144, %dma_start3A_145] : memref<3072x128xf32, #tpu.memory_space<vmem_shared>> -> memref<3072x128xf32, #tpu.memory_space<vmem_shared>>
    tpu.enqueue_indirect_dma source(%dma_start3A_146 : memref<3072x128xf32, #tpu.memory_space<vmem_shared>>) target(%dma_start3A_140 : memref<128x128xf32, #tpu.memory_space<vmem>>) offsets(%dma_start3A_143 : memref<128xi32, #tpu.memory_space<vmem>>) semaphore(%arg8 : memref<!tpu.dma_semaphore, #tpu.memory_space<semaphore_mem>>)
    %dma_wait3A_147 = arith.constant 2 : i32
    %dma_wait3A_148 = arith.constant 0 : i32
    %dma_wait3A_149 = arith.constant 0 : i32
    %dma_wait3A_150 = tpu.memref_slice %arg6[%dma_wait3A_147, %dma_wait3A_148, %dma_wait3A_149] : memref<4x128x128xf32, #tpu.memory_space<vmem>> -> memref<1x128x128xf32, #tpu.memory_space<vmem>>
    %dma_wait3A_151 = tpu.memref_squeeze %dma_wait3A_150 : memref<1x128x128xf32, #tpu.memory_space<vmem>> -> memref<128x128xf32, #tpu.memory_space<vmem>>
    %dma_wait3A_152 = arith.constant 0 : i32
    %dma_wait3A_153 = arith.constant 0 : i32
    %dma_wait3A_154 = tpu.memref_slice %arg4[%dma_wait3A_152, %dma_wait3A_153] : memref<3276800x128xf32, #tpu.memory_space<hbm>> -> memref<128x128xf32, #tpu.memory_space<hbm>>
    %dma_wait3A_155 = arith.constant 0 : i32
    %dma_wait3A_156 = arith.constant 0 : i32
    %dma_wait3A_157 = tpu.memref_slice %arg6[%dma_wait3A_147, %dma_wait3A_155, %dma_wait3A_156] : memref<4x128x128xf32, #tpu.memory_space<vmem>> -> memref<1x128x128xf32, #tpu.memory_space<vmem>>
    %dma_wait3A_158 = tpu.memref_squeeze %dma_wait3A_157 : memref<1x128x128xf32, #tpu.memory_space<vmem>> -> memref<128x128xf32, #tpu.memory_space<vmem>>
    %dma_wait3A_159 = arith.constant 0 : i32
    %dma_wait3A_160 = arith.constant 0 : i32
    %dma_wait3A_161 = tpu.memref_slice %arg4[%dma_wait3A_159, %dma_wait3A_160] : memref<3276800x128xf32, #tpu.memory_space<hbm>> -> memref<128x128xf32, #tpu.memory_space<hbm>>
    tpu.wait_dma2 semaphore(%arg10 : memref<!tpu.dma_semaphore, #tpu.memory_space<semaphore_mem>>) src(%dma_wait3A_161 : memref<128x128xf32, #tpu.memory_space<hbm>>) dst(%dma_wait3A_158 : memref<128x128xf32, #tpu.memory_space<vmem>>)
    %add3A_162 = arith.constant 256 : i32
    %add3A_163 = arith.addi %mul3A_2, %add3A_162 : i32
    %dma_start3A_164 = arith.constant 2 : i32
    %dma_start3A_165 = arith.constant 0 : i32
    %dma_start3A_166 = arith.constant 0 : i32
    %dma_start3A_167 = tpu.memref_slice %arg6[%dma_start3A_164, %dma_start3A_165, %dma_start3A_166] : memref<4x128x128xf32, #tpu.memory_space<vmem>> -> memref<1x128x128xf32, #tpu.memory_space<vmem>>
    %dma_start3A_168 = tpu.memref_squeeze %dma_start3A_167 : memref<1x128x128xf32, #tpu.memory_space<vmem>> -> memref<128x128xf32, #tpu.memory_space<vmem>>
    %dma_start3A_169 = arith.constant 0 : i32
    %dma_start3A_170 = tpu.memref_slice %arg4[%add3A_163, %dma_start3A_169] : memref<3276800x128xf32, #tpu.memory_space<hbm>> -> memref<128x128xf32, #tpu.memory_space<hbm>>
    %dma_start3A_171 = arith.constant 0 : i32
    %dma_start3A_172 = tpu.memref_slice %arg4[%add3A_163, %dma_start3A_171] : memref<3276800x128xf32, #tpu.memory_space<hbm>> -> memref<128x128xf32, #tpu.memory_space<hbm>>
    %dma_start3A_173 = arith.constant 0 : i32
    %dma_start3A_174 = arith.constant 0 : i32
    %dma_start3A_175 = tpu.memref_slice %arg6[%dma_start3A_164, %dma_start3A_173, %dma_start3A_174] : memref<4x128x128xf32, #tpu.memory_space<vmem>> -> memref<1x128x128xf32, #tpu.memory_space<vmem>>
    %dma_start3A_176 = tpu.memref_squeeze %dma_start3A_175 : memref<1x128x128xf32, #tpu.memory_space<vmem>> -> memref<128x128xf32, #tpu.memory_space<vmem>>
    tpu.enqueue_dma source(%dma_start3A_176 : memref<128x128xf32, #tpu.memory_space<vmem>>) target(%dma_start3A_172 : memref<128x128xf32, #tpu.memory_space<hbm>>) target_semaphore(%arg14 : memref<!tpu.dma_semaphore, #tpu.memory_space<semaphore_mem>>)
    %dma_wait3A_177 = arith.constant 1 : i32
    %dma_wait3A_178 = arith.constant 0 : i32
    %dma_wait3A_179 = arith.constant 0 : i32
    %dma_wait3A_180 = tpu.memref_slice %arg6[%dma_wait3A_177, %dma_wait3A_178, %dma_wait3A_179] : memref<4x128x128xf32, #tpu.memory_space<vmem>> -> memref<1x128x128xf32, #tpu.memory_space<vmem>>
    %dma_wait3A_181 = tpu.memref_squeeze %dma_wait3A_180 : memref<1x128x128xf32, #tpu.memory_space<vmem>> -> memref<128x128xf32, #tpu.memory_space<vmem>>
    %dma_wait3A_182 = arith.constant 0 : i32
    %dma_wait3A_183 = arith.constant 0 : i32
    %dma_wait3A_184 = tpu.memref_slice %arg4[%dma_wait3A_182, %dma_wait3A_183] : memref<3276800x128xf32, #tpu.memory_space<hbm>> -> memref<128x128xf32, #tpu.memory_space<hbm>>
    %dma_wait3A_185 = arith.constant 0 : i32
    %dma_wait3A_186 = arith.constant 0 : i32
    %dma_wait3A_187 = tpu.memref_slice %arg6[%dma_wait3A_177, %dma_wait3A_185, %dma_wait3A_186] : memref<4x128x128xf32, #tpu.memory_space<vmem>> -> memref<1x128x128xf32, #tpu.memory_space<vmem>>
    %dma_wait3A_188 = tpu.memref_squeeze %dma_wait3A_187 : memref<1x128x128xf32, #tpu.memory_space<vmem>> -> memref<128x128xf32, #tpu.memory_space<vmem>>
    %dma_wait3A_189 = arith.constant 0 : i32
    %dma_wait3A_190 = arith.constant 0 : i32
    %dma_wait3A_191 = tpu.memref_slice %arg4[%dma_wait3A_189, %dma_wait3A_190] : memref<3276800x128xf32, #tpu.memory_space<hbm>> -> memref<128x128xf32, #tpu.memory_space<hbm>>
    tpu.wait_dma2 semaphore(%arg13 : memref<!tpu.dma_semaphore, #tpu.memory_space<semaphore_mem>>) src(%dma_wait3A_191 : memref<128x128xf32, #tpu.memory_space<hbm>>) dst(%dma_wait3A_188 : memref<128x128xf32, #tpu.memory_space<vmem>>)
    %dma_start3A_192 = arith.constant 0 : i32
    %dma_start3A_193 = arith.constant 5 : i32
    %dma_start3A_194 = arith.constant 1 : i32
    %dma_start3A_195 = arith.constant 0 : i32
    %dma_start3A_196 = arith.constant 0 : i32
    %dma_start3A_197 = tpu.memref_slice %arg6[%dma_start3A_194, %dma_start3A_195, %dma_start3A_196] : memref<4x128x128xf32, #tpu.memory_space<vmem>> -> memref<1x128x128xf32, #tpu.memory_space<vmem>>
    %dma_start3A_198 = tpu.memref_squeeze %dma_start3A_197 : memref<1x128x128xf32, #tpu.memory_space<vmem>> -> memref<128x128xf32, #tpu.memory_space<vmem>>
    %dma_start3A_199 = arith.constant 0 : i32
    %dma_start3A_200 = tpu.memref_slice %arg5[%dma_start3A_192, %dma_start3A_193, %dma_start3A_199] : memref<2x8x128xi32, #tpu.memory_space<vmem>> -> memref<1x1x128xi32, #tpu.memory_space<vmem>>
    %dma_start3A_201 = tpu.memref_squeeze %dma_start3A_200 : memref<1x1x128xi32, #tpu.memory_space<vmem>> -> memref<128xi32, #tpu.memory_space<vmem>>
    %dma_start3A_202 = arith.constant 0 : i32
    %dma_start3A_203 = arith.constant 0 : i32
    %dma_start3A_204 = tpu.memref_slice %arg7[%dma_start3A_202, %dma_start3A_203] : memref<3072x128xf32, #tpu.memory_space<vmem_shared>> -> memref<3072x128xf32, #tpu.memory_space<vmem_shared>>
    tpu.enqueue_indirect_dma source(%dma_start3A_204 : memref<3072x128xf32, #tpu.memory_space<vmem_shared>>) target(%dma_start3A_198 : memref<128x128xf32, #tpu.memory_space<vmem>>) offsets(%dma_start3A_201 : memref<128xi32, #tpu.memory_space<vmem>>) semaphore(%arg9 : memref<!tpu.dma_semaphore, #tpu.memory_space<semaphore_mem>>)
    %dma_wait3A_205 = arith.constant 3 : i32
    %dma_wait3A_206 = arith.constant 0 : i32
    %dma_wait3A_207 = arith.constant 0 : i32
    %dma_wait3A_208 = tpu.memref_slice %arg6[%dma_wait3A_205, %dma_wait3A_206, %dma_wait3A_207] : memref<4x128x128xf32, #tpu.memory_space<vmem>> -> memref<1x128x128xf32, #tpu.memory_space<vmem>>
    %dma_wait3A_209 = tpu.memref_squeeze %dma_wait3A_208 : memref<1x128x128xf32, #tpu.memory_space<vmem>> -> memref<128x128xf32, #tpu.memory_space<vmem>>
    %dma_wait3A_210 = arith.constant 0 : i32
    %dma_wait3A_211 = arith.constant 0 : i32
    %dma_wait3A_212 = tpu.memref_slice %arg4[%dma_wait3A_210, %dma_wait3A_211] : memref<3276800x128xf32, #tpu.memory_space<hbm>> -> memref<128x128xf32, #tpu.memory_space<hbm>>
    %dma_wait3A_213 = arith.constant 0 : i32
    %dma_wait3A_214 = arith.constant 0 : i32
    %dma_wait3A_215 = tpu.memref_slice %arg6[%dma_wait3A_205, %dma_wait3A_213, %dma_wait3A_214] : memref<4x128x128xf32, #tpu.memory_space<vmem>> -> memref<1x128x128xf32, #tpu.memory_space<vmem>>
    %dma_wait3A_216 = tpu.memref_squeeze %dma_wait3A_215 : memref<1x128x128xf32, #tpu.memory_space<vmem>> -> memref<128x128xf32, #tpu.memory_space<vmem>>
    %dma_wait3A_217 = arith.constant 0 : i32
    %dma_wait3A_218 = arith.constant 0 : i32
    %dma_wait3A_219 = tpu.memref_slice %arg4[%dma_wait3A_217, %dma_wait3A_218] : memref<3276800x128xf32, #tpu.memory_space<hbm>> -> memref<128x128xf32, #tpu.memory_space<hbm>>
    tpu.wait_dma2 semaphore(%arg11 : memref<!tpu.dma_semaphore, #tpu.memory_space<semaphore_mem>>) src(%dma_wait3A_219 : memref<128x128xf32, #tpu.memory_space<hbm>>) dst(%dma_wait3A_216 : memref<128x128xf32, #tpu.memory_space<vmem>>)
    %add3A_220 = arith.constant 384 : i32
    %add3A_221 = arith.addi %mul3A_2, %add3A_220 : i32
    %dma_start3A_222 = arith.constant 3 : i32
    %dma_start3A_223 = arith.constant 0 : i32
    %dma_start3A_224 = arith.constant 0 : i32
    %dma_start3A_225 = tpu.memref_slice %arg6[%dma_start3A_222, %dma_start3A_223, %dma_start3A_224] : memref<4x128x128xf32, #tpu.memory_space<vmem>> -> memref<1x128x128xf32, #tpu.memory_space<vmem>>
    %dma_start3A_226 = tpu.memref_squeeze %dma_start3A_225 : memref<1x128x128xf32, #tpu.memory_space<vmem>> -> memref<128x128xf32, #tpu.memory_space<vmem>>
    %dma_start3A_227 = arith.constant 0 : i32
    %dma_start3A_228 = tpu.memref_slice %arg4[%add3A_221, %dma_start3A_227] : memref<3276800x128xf32, #tpu.memory_space<hbm>> -> memref<128x128xf32, #tpu.memory_space<hbm>>
    %dma_start3A_229 = arith.constant 0 : i32
    %dma_start3A_230 = tpu.memref_slice %arg4[%add3A_221, %dma_start3A_229] : memref<3276800x128xf32, #tpu.memory_space<hbm>> -> memref<128x128xf32, #tpu.memory_space<hbm>>
    %dma_start3A_231 = arith.constant 0 : i32
    %dma_start3A_232 = arith.constant 0 : i32
    %dma_start3A_233 = tpu.memref_slice %arg6[%dma_start3A_222, %dma_start3A_231, %dma_start3A_232] : memref<4x128x128xf32, #tpu.memory_space<vmem>> -> memref<1x128x128xf32, #tpu.memory_space<vmem>>
    %dma_start3A_234 = tpu.memref_squeeze %dma_start3A_233 : memref<1x128x128xf32, #tpu.memory_space<vmem>> -> memref<128x128xf32, #tpu.memory_space<vmem>>
    tpu.enqueue_dma source(%dma_start3A_234 : memref<128x128xf32, #tpu.memory_space<vmem>>) target(%dma_start3A_230 : memref<128x128xf32, #tpu.memory_space<hbm>>) target_semaphore(%arg15 : memref<!tpu.dma_semaphore, #tpu.memory_space<semaphore_mem>>)
    %dma_wait3A_235 = arith.constant 2 : i32
    %dma_wait3A_236 = arith.constant 0 : i32
    %dma_wait3A_237 = arith.constant 0 : i32
    %dma_wait3A_238 = tpu.memref_slice %arg6[%dma_wait3A_235, %dma_wait3A_236, %dma_wait3A_237] : memref<4x128x128xf32, #tpu.memory_space<vmem>> -> memref<1x128x128xf32, #tpu.memory_space<vmem>>
    %dma_wait3A_239 = tpu.memref_squeeze %dma_wait3A_238 : memref<1x128x128xf32, #tpu.memory_space<vmem>> -> memref<128x128xf32, #tpu.memory_space<vmem>>
    %dma_wait3A_240 = arith.constant 0 : i32
    %dma_wait3A_241 = arith.constant 0 : i32
    %dma_wait3A_242 = tpu.memref_slice %arg4[%dma_wait3A_240, %dma_wait3A_241] : memref<3276800x128xf32, #tpu.memory_space<hbm>> -> memref<128x128xf32, #tpu.memory_space<hbm>>
    %dma_wait3A_243 = arith.constant 0 : i32
    %dma_wait3A_244 = arith.constant 0 : i32
    %dma_wait3A_245 = tpu.memref_slice %arg6[%dma_wait3A_235, %dma_wait3A_243, %dma_wait3A_244] : memref<4x128x128xf32, #tpu.memory_space<vmem>> -> memref<1x128x128xf32, #tpu.memory_space<vmem>>
    %dma_wait3A_246 = tpu.memref_squeeze %dma_wait3A_245 : memref<1x128x128xf32, #tpu.memory_space<vmem>> -> memref<128x128xf32, #tpu.memory_space<vmem>>
    %dma_wait3A_247 = arith.constant 0 : i32
    %dma_wait3A_248 = arith.constant 0 : i32
    %dma_wait3A_249 = tpu.memref_slice %arg4[%dma_wait3A_247, %dma_wait3A_248] : memref<3276800x128xf32, #tpu.memory_space<hbm>> -> memref<128x128xf32, #tpu.memory_space<hbm>>
    tpu.wait_dma2 semaphore(%arg14 : memref<!tpu.dma_semaphore, #tpu.memory_space<semaphore_mem>>) src(%dma_wait3A_249 : memref<128x128xf32, #tpu.memory_space<hbm>>) dst(%dma_wait3A_246 : memref<128x128xf32, #tpu.memory_space<vmem>>)
    %dma_start3A_250 = arith.constant 0 : i32
    %dma_start3A_251 = arith.constant 6 : i32
    %dma_start3A_252 = arith.constant 2 : i32
    %dma_start3A_253 = arith.constant 0 : i32
    %dma_start3A_254 = arith.constant 0 : i32
    %dma_start3A_255 = tpu.memref_slice %arg6[%dma_start3A_252, %dma_start3A_253, %dma_start3A_254] : memref<4x128x128xf32, #tpu.memory_space<vmem>> -> memref<1x128x128xf32, #tpu.memory_space<vmem>>
    %dma_start3A_256 = tpu.memref_squeeze %dma_start3A_255 : memref<1x128x128xf32, #tpu.memory_space<vmem>> -> memref<128x128xf32, #tpu.memory_space<vmem>>
    %dma_start3A_257 = arith.constant 0 : i32
    %dma_start3A_258 = tpu.memref_slice %arg5[%dma_start3A_250, %dma_start3A_251, %dma_start3A_257] : memref<2x8x128xi32, #tpu.memory_space<vmem>> -> memref<1x1x128xi32, #tpu.memory_space<vmem>>
    %dma_start3A_259 = tpu.memref_squeeze %dma_start3A_258 : memref<1x1x128xi32, #tpu.memory_space<vmem>> -> memref<128xi32, #tpu.memory_space<vmem>>
    %dma_start3A_260 = arith.constant 0 : i32
    %dma_start3A_261 = arith.constant 0 : i32
    %dma_start3A_262 = tpu.memref_slice %arg7[%dma_start3A_260, %dma_start3A_261] : memref<3072x128xf32, #tpu.memory_space<vmem_shared>> -> memref<3072x128xf32, #tpu.memory_space<vmem_shared>>
    tpu.enqueue_indirect_dma source(%dma_start3A_262 : memref<3072x128xf32, #tpu.memory_space<vmem_shared>>) target(%dma_start3A_256 : memref<128x128xf32, #tpu.memory_space<vmem>>) offsets(%dma_start3A_259 : memref<128xi32, #tpu.memory_space<vmem>>) semaphore(%arg10 : memref<!tpu.dma_semaphore, #tpu.memory_space<semaphore_mem>>)
    %dma_wait3A_263 = arith.constant 0 : i32
    %dma_wait3A_264 = arith.constant 0 : i32
    %dma_wait3A_265 = arith.constant 0 : i32
    %dma_wait3A_266 = tpu.memref_slice %arg6[%dma_wait3A_263, %dma_wait3A_264, %dma_wait3A_265] : memref<4x128x128xf32, #tpu.memory_space<vmem>> -> memref<1x128x128xf32, #tpu.memory_space<vmem>>
    %dma_wait3A_267 = tpu.memref_squeeze %dma_wait3A_266 : memref<1x128x128xf32, #tpu.memory_space<vmem>> -> memref<128x128xf32, #tpu.memory_space<vmem>>
    %dma_wait3A_268 = arith.constant 0 : i32
    %dma_wait3A_269 = arith.constant 0 : i32
    %dma_wait3A_270 = tpu.memref_slice %arg4[%dma_wait3A_268, %dma_wait3A_269] : memref<3276800x128xf32, #tpu.memory_space<hbm>> -> memref<128x128xf32, #tpu.memory_space<hbm>>
    %dma_wait3A_271 = arith.constant 0 : i32
    %dma_wait3A_272 = arith.constant 0 : i32
    %dma_wait3A_273 = tpu.memref_slice %arg6[%dma_wait3A_263, %dma_wait3A_271, %dma_wait3A_272] : memref<4x128x128xf32, #tpu.memory_space<vmem>> -> memref<1x128x128xf32, #tpu.memory_space<vmem>>
    %dma_wait3A_274 = tpu.memref_squeeze %dma_wait3A_273 : memref<1x128x128xf32, #tpu.memory_space<vmem>> -> memref<128x128xf32, #tpu.memory_space<vmem>>
    %dma_wait3A_275 = arith.constant 0 : i32
    %dma_wait3A_276 = arith.constant 0 : i32
    %dma_wait3A_277 = tpu.memref_slice %arg4[%dma_wait3A_275, %dma_wait3A_276] : memref<3276800x128xf32, #tpu.memory_space<hbm>> -> memref<128x128xf32, #tpu.memory_space<hbm>>
    tpu.wait_dma2 semaphore(%arg8 : memref<!tpu.dma_semaphore, #tpu.memory_space<semaphore_mem>>) src(%dma_wait3A_277 : memref<128x128xf32, #tpu.memory_space<hbm>>) dst(%dma_wait3A_274 : memref<128x128xf32, #tpu.memory_space<vmem>>)
    %add3A_278 = arith.constant 512 : i32
    %add3A_279 = arith.addi %mul3A_2, %add3A_278 : i32
    %dma_start3A_280 = arith.constant 0 : i32
    %dma_start3A_281 = arith.constant 0 : i32
    %dma_start3A_282 = arith.constant 0 : i32
    %dma_start3A_283 = tpu.memref_slice %arg6[%dma_start3A_280, %dma_start3A_281, %dma_start3A_282] : memref<4x128x128xf32, #tpu.memory_space<vmem>> -> memref<1x128x128xf32, #tpu.memory_space<vmem>>
    %dma_start3A_284 = tpu.memref_squeeze %dma_start3A_283 : memref<1x128x128xf32, #tpu.memory_space<vmem>> -> memref<128x128xf32, #tpu.memory_space<vmem>>
    %dma_start3A_285 = arith.constant 0 : i32
    %dma_start3A_286 = tpu.memref_slice %arg4[%add3A_279, %dma_start3A_285] : memref<3276800x128xf32, #tpu.memory_space<hbm>> -> memref<128x128xf32, #tpu.memory_space<hbm>>
    %dma_start3A_287 = arith.constant 0 : i32
    %dma_start3A_288 = tpu.memref_slice %arg4[%add3A_279, %dma_start3A_287] : memref<3276800x128xf32, #tpu.memory_space<hbm>> -> memref<128x128xf32, #tpu.memory_space<hbm>>
    %dma_start3A_289 = arith.constant 0 : i32
    %dma_start3A_290 = arith.constant 0 : i32
    %dma_start3A_291 = tpu.memref_slice %arg6[%dma_start3A_280, %dma_start3A_289, %dma_start3A_290] : memref<4x128x128xf32, #tpu.memory_space<vmem>> -> memref<1x128x128xf32, #tpu.memory_space<vmem>>
    %dma_start3A_292 = tpu.memref_squeeze %dma_start3A_291 : memref<1x128x128xf32, #tpu.memory_space<vmem>> -> memref<128x128xf32, #tpu.memory_space<vmem>>
    tpu.enqueue_dma source(%dma_start3A_292 : memref<128x128xf32, #tpu.memory_space<vmem>>) target(%dma_start3A_288 : memref<128x128xf32, #tpu.memory_space<hbm>>) target_semaphore(%arg12 : memref<!tpu.dma_semaphore, #tpu.memory_space<semaphore_mem>>)
    %dma_wait3A_293 = arith.constant 3 : i32
    %dma_wait3A_294 = arith.constant 0 : i32
    %dma_wait3A_295 = arith.constant 0 : i32
    %dma_wait3A_296 = tpu.memref_slice %arg6[%dma_wait3A_293, %dma_wait3A_294, %dma_wait3A_295] : memref<4x128x128xf32, #tpu.memory_space<vmem>> -> memref<1x128x128xf32, #tpu.memory_space<vmem>>
    %dma_wait3A_297 = tpu.memref_squeeze %dma_wait3A_296 : memref<1x128x128xf32, #tpu.memory_space<vmem>> -> memref<128x128xf32, #tpu.memory_space<vmem>>
    %dma_wait3A_298 = arith.constant 0 : i32
    %dma_wait3A_299 = arith.constant 0 : i32
    %dma_wait3A_300 = tpu.memref_slice %arg4[%dma_wait3A_298, %dma_wait3A_299] : memref<3276800x128xf32, #tpu.memory_space<hbm>> -> memref<128x128xf32, #tpu.memory_space<hbm>>
    %dma_wait3A_301 = arith.constant 0 : i32
    %dma_wait3A_302 = arith.constant 0 : i32
    %dma_wait3A_303 = tpu.memref_slice %arg6[%dma_wait3A_293, %dma_wait3A_301, %dma_wait3A_302] : memref<4x128x128xf32, #tpu.memory_space<vmem>> -> memref<1x128x128xf32, #tpu.memory_space<vmem>>
    %dma_wait3A_304 = tpu.memref_squeeze %dma_wait3A_303 : memref<1x128x128xf32, #tpu.memory_space<vmem>> -> memref<128x128xf32, #tpu.memory_space<vmem>>
    %dma_wait3A_305 = arith.constant 0 : i32
    %dma_wait3A_306 = arith.constant 0 : i32
    %dma_wait3A_307 = tpu.memref_slice %arg4[%dma_wait3A_305, %dma_wait3A_306] : memref<3276800x128xf32, #tpu.memory_space<hbm>> -> memref<128x128xf32, #tpu.memory_space<hbm>>
    tpu.wait_dma2 semaphore(%arg15 : memref<!tpu.dma_semaphore, #tpu.memory_space<semaphore_mem>>) src(%dma_wait3A_307 : memref<128x128xf32, #tpu.memory_space<hbm>>) dst(%dma_wait3A_304 : memref<128x128xf32, #tpu.memory_space<vmem>>)
    %dma_start3A_308 = arith.constant 0 : i32
    %dma_start3A_309 = arith.constant 7 : i32
    %dma_start3A_310 = arith.constant 3 : i32
    %dma_start3A_311 = arith.constant 0 : i32
    %dma_start3A_312 = arith.constant 0 : i32
    %dma_start3A_313 = tpu.memref_slice %arg6[%dma_start3A_310, %dma_start3A_311, %dma_start3A_312] : memref<4x128x128xf32, #tpu.memory_space<vmem>> -> memref<1x128x128xf32, #tpu.memory_space<vmem>>
    %dma_start3A_314 = tpu.memref_squeeze %dma_start3A_313 : memref<1x128x128xf32, #tpu.memory_space<vmem>> -> memref<128x128xf32, #tpu.memory_space<vmem>>
    %dma_start3A_315 = arith.constant 0 : i32
    %dma_start3A_316 = tpu.memref_slice %arg5[%dma_start3A_308, %dma_start3A_309, %dma_start3A_315] : memref<2x8x128xi32, #tpu.memory_space<vmem>> -> memref<1x1x128xi32, #tpu.memory_space<vmem>>
    %dma_start3A_317 = tpu.memref_squeeze %dma_start3A_316 : memref<1x1x128xi32, #tpu.memory_space<vmem>> -> memref<128xi32, #tpu.memory_space<vmem>>
    %dma_start3A_318 = arith.constant 0 : i32
    %dma_start3A_319 = arith.constant 0 : i32
    %dma_start3A_320 = tpu.memref_slice %arg7[%dma_start3A_318, %dma_start3A_319] : memref<3072x128xf32, #tpu.memory_space<vmem_shared>> -> memref<3072x128xf32, #tpu.memory_space<vmem_shared>>
    tpu.enqueue_indirect_dma source(%dma_start3A_320 : memref<3072x128xf32, #tpu.memory_space<vmem_shared>>) target(%dma_start3A_314 : memref<128x128xf32, #tpu.memory_space<vmem>>) offsets(%dma_start3A_317 : memref<128xi32, #tpu.memory_space<vmem>>) semaphore(%arg11 : memref<!tpu.dma_semaphore, #tpu.memory_space<semaphore_mem>>)
    %dma_wait3A_321 = arith.constant 1 : i32
    %dma_wait3A_322 = arith.constant 0 : i32
    %dma_wait3A_323 = arith.constant 0 : i32
    %dma_wait3A_324 = tpu.memref_slice %arg6[%dma_wait3A_321, %dma_wait3A_322, %dma_wait3A_323] : memref<4x128x128xf32, #tpu.memory_space<vmem>> -> memref<1x128x128xf32, #tpu.memory_space<vmem>>
    %dma_wait3A_325 = tpu.memref_squeeze %dma_wait3A_324 : memref<1x128x128xf32, #tpu.memory_space<vmem>> -> memref<128x128xf32, #tpu.memory_space<vmem>>
    %dma_wait3A_326 = arith.constant 0 : i32
    %dma_wait3A_327 = arith.constant 0 : i32
    %dma_wait3A_328 = tpu.memref_slice %arg4[%dma_wait3A_326, %dma_wait3A_327] : memref<3276800x128xf32, #tpu.memory_space<hbm>> -> memref<128x128xf32, #tpu.memory_space<hbm>>
    %dma_wait3A_329 = arith.constant 0 : i32
    %dma_wait3A_330 = arith.constant 0 : i32
    %dma_wait3A_331 = tpu.memref_slice %arg6[%dma_wait3A_321, %dma_wait3A_329, %dma_wait3A_330] : memref<4x128x128xf32, #tpu.memory_space<vmem>> -> memref<1x128x128xf32, #tpu.memory_space<vmem>>
    %dma_wait3A_332 = tpu.memref_squeeze %dma_wait3A_331 : memref<1x128x128xf32, #tpu.memory_space<vmem>> -> memref<128x128xf32, #tpu.memory_space<vmem>>
    %dma_wait3A_333 = arith.constant 0 : i32
    %dma_wait3A_334 = arith.constant 0 : i32
    %dma_wait3A_335 = tpu.memref_slice %arg4[%dma_wait3A_333, %dma_wait3A_334] : memref<3276800x128xf32, #tpu.memory_space<hbm>> -> memref<128x128xf32, #tpu.memory_space<hbm>>
    tpu.wait_dma2 semaphore(%arg9 : memref<!tpu.dma_semaphore, #tpu.memory_space<semaphore_mem>>) src(%dma_wait3A_335 : memref<128x128xf32, #tpu.memory_space<hbm>>) dst(%dma_wait3A_332 : memref<128x128xf32, #tpu.memory_space<vmem>>)
    %add3A_336 = arith.constant 640 : i32
    %add3A_337 = arith.addi %mul3A_2, %add3A_336 : i32
    %dma_start3A_338 = arith.constant 1 : i32
    %dma_start3A_339 = arith.constant 0 : i32
    %dma_start3A_340 = arith.constant 0 : i32
    %dma_start3A_341 = tpu.memref_slice %arg6[%dma_start3A_338, %dma_start3A_339, %dma_start3A_340] : memref<4x128x128xf32, #tpu.memory_space<vmem>> -> memref<1x128x128xf32, #tpu.memory_space<vmem>>
    %dma_start3A_342 = tpu.memref_squeeze %dma_start3A_341 : memref<1x128x128xf32, #tpu.memory_space<vmem>> -> memref<128x128xf32, #tpu.memory_space<vmem>>
    %dma_start3A_343 = arith.constant 0 : i32
    %dma_start3A_344 = tpu.memref_slice %arg4[%add3A_337, %dma_start3A_343] : memref<3276800x128xf32, #tpu.memory_space<hbm>> -> memref<128x128xf32, #tpu.memory_space<hbm>>
    %dma_start3A_345 = arith.constant 0 : i32
    %dma_start3A_346 = tpu.memref_slice %arg4[%add3A_337, %dma_start3A_345] : memref<3276800x128xf32, #tpu.memory_space<hbm>> -> memref<128x128xf32, #tpu.memory_space<hbm>>
    %dma_start3A_347 = arith.constant 0 : i32
    %dma_start3A_348 = arith.constant 0 : i32
    %dma_start3A_349 = tpu.memref_slice %arg6[%dma_start3A_338, %dma_start3A_347, %dma_start3A_348] : memref<4x128x128xf32, #tpu.memory_space<vmem>> -> memref<1x128x128xf32, #tpu.memory_space<vmem>>
    %dma_start3A_350 = tpu.memref_squeeze %dma_start3A_349 : memref<1x128x128xf32, #tpu.memory_space<vmem>> -> memref<128x128xf32, #tpu.memory_space<vmem>>
    tpu.enqueue_dma source(%dma_start3A_350 : memref<128x128xf32, #tpu.memory_space<vmem>>) target(%dma_start3A_346 : memref<128x128xf32, #tpu.memory_space<hbm>>) target_semaphore(%arg13 : memref<!tpu.dma_semaphore, #tpu.memory_space<semaphore_mem>>)
    %scan3A = arith.constant 0 : i32
    %scan3A_351 = arith.constant 1 : i32
    %scan3A_352 = arith.constant 99 : i32
    %scan3A_353 = arith.addi %scan3A_351, %scan3A_352 : i32
    %scan3A_354 = arith.constant 1 : i32
    scf.for %scan3A_476 = %scan3A_351 to %scan3A_353 step %scan3A_354  : i32 {
      %rem3A = arith.constant 2 : i32
      %rem3A_477 = arith.remsi %scan3A_476, %rem3A : i32
      %mul3A_478 = arith.constant 100 : i32
      %mul3A_479 = arith.muli %add3A, %mul3A_478 : i32
      %add3A_480 = arith.addi %mul3A_479, %scan3A_476 : i32
      "tpu.region"() ({
        %run_scoped3A_992 = tpu.sem_alloc : memref<!tpu.dma_semaphore, #tpu.memory_space<semaphore_mem>>
        %dma_start3A_993 = arith.constant 0 : i32
        %dma_start3A_994 = arith.constant 0 : i32
        %dma_start3A_995 = tpu.memref_slice %arg5[%rem3A_477, %dma_start3A_993, %dma_start3A_994] : memref<2x8x128xi32, #tpu.memory_space<vmem>> -> memref<1x8x128xi32, #tpu.memory_space<vmem>>
        %dma_start3A_996 = tpu.memref_squeeze %dma_start3A_995 : memref<1x8x128xi32, #tpu.memory_space<vmem>> -> memref<8x128xi32, #tpu.memory_space<vmem>>
        %dma_start3A_997 = arith.constant 0 : i32
        %dma_start3A_998 = arith.constant 0 : i32
        %dma_start3A_999 = tpu.memref_slice %arg3[%add3A_480, %dma_start3A_997, %dma_start3A_998] : memref<3200x8x128xi32, #tpu.memory_space<hbm>> -> memref<1x8x128xi32, #tpu.memory_space<hbm>>
        %dma_start3A_1000 = tpu.memref_squeeze %dma_start3A_999 : memref<1x8x128xi32, #tpu.memory_space<hbm>> -> memref<8x128xi32, #tpu.memory_space<hbm>>
        %dma_start3A_1001 = arith.constant 0 : i32
        %dma_start3A_1002 = arith.constant 0 : i32
        %dma_start3A_1003 = tpu.memref_slice %arg5[%rem3A_477, %dma_start3A_1001, %dma_start3A_1002] : memref<2x8x128xi32, #tpu.memory_space<vmem>> -> memref<1x8x128xi32, #tpu.memory_space<vmem>>
        %dma_start3A_1004 = tpu.memref_squeeze %dma_start3A_1003 : memref<1x8x128xi32, #tpu.memory_space<vmem>> -> memref<8x128xi32, #tpu.memory_space<vmem>>
        %dma_start3A_1005 = arith.constant 0 : i32
        %dma_start3A_1006 = arith.constant 0 : i32
        %dma_start3A_1007 = tpu.memref_slice %arg3[%add3A_480, %dma_start3A_1005, %dma_start3A_1006] : memref<3200x8x128xi32, #tpu.memory_space<hbm>> -> memref<1x8x128xi32, #tpu.memory_space<hbm>>
        %dma_start3A_1008 = tpu.memref_squeeze %dma_start3A_1007 : memref<1x8x128xi32, #tpu.memory_space<hbm>> -> memref<8x128xi32, #tpu.memory_space<hbm>>
        tpu.enqueue_dma source(%dma_start3A_1008 : memref<8x128xi32, #tpu.memory_space<hbm>>) target(%dma_start3A_1004 : memref<8x128xi32, #tpu.memory_space<vmem>>) target_semaphore(%run_scoped3A_992 : memref<!tpu.dma_semaphore, #tpu.memory_space<semaphore_mem>>)
        %dma_wait3A_1009 = arith.constant 0 : i32
        %dma_wait3A_1010 = arith.constant 0 : i32
        %dma_wait3A_1011 = tpu.memref_slice %arg5[%rem3A_477, %dma_wait3A_1009, %dma_wait3A_1010] : memref<2x8x128xi32, #tpu.memory_space<vmem>> -> memref<1x8x128xi32, #tpu.memory_space<vmem>>
        %dma_wait3A_1012 = tpu.memref_squeeze %dma_wait3A_1011 : memref<1x8x128xi32, #tpu.memory_space<vmem>> -> memref<8x128xi32, #tpu.memory_space<vmem>>
        %dma_wait3A_1013 = arith.constant 0 : i32
        %dma_wait3A_1014 = arith.constant 0 : i32
        %dma_wait3A_1015 = tpu.memref_slice %arg3[%add3A_480, %dma_wait3A_1013, %dma_wait3A_1014] : memref<3200x8x128xi32, #tpu.memory_space<hbm>> -> memref<1x8x128xi32, #tpu.memory_space<hbm>>
        %dma_wait3A_1016 = tpu.memref_squeeze %dma_wait3A_1015 : memref<1x8x128xi32, #tpu.memory_space<hbm>> -> memref<8x128xi32, #tpu.memory_space<hbm>>
        %dma_wait3A_1017 = arith.constant 0 : i32
        %dma_wait3A_1018 = arith.constant 0 : i32
        %dma_wait3A_1019 = tpu.memref_slice %arg5[%rem3A_477, %dma_wait3A_1017, %dma_wait3A_1018] : memref<2x8x128xi32, #tpu.memory_space<vmem>> -> memref<1x8x128xi32, #tpu.memory_space<vmem>>
        %dma_wait3A_1020 = tpu.memref_squeeze %dma_wait3A_1019 : memref<1x8x128xi32, #tpu.memory_space<vmem>> -> memref<8x128xi32, #tpu.memory_space<vmem>>
        %dma_wait3A_1021 = arith.constant 0 : i32
        %dma_wait3A_1022 = arith.constant 0 : i32
        %dma_wait3A_1023 = tpu.memref_slice %arg3[%add3A_480, %dma_wait3A_1021, %dma_wait3A_1022] : memref<3200x8x128xi32, #tpu.memory_space<hbm>> -> memref<1x8x128xi32, #tpu.memory_space<hbm>>
        %dma_wait3A_1024 = tpu.memref_squeeze %dma_wait3A_1023 : memref<1x8x128xi32, #tpu.memory_space<hbm>> -> memref<8x128xi32, #tpu.memory_space<hbm>>
        tpu.wait_dma2 semaphore(%run_scoped3A_992 : memref<!tpu.dma_semaphore, #tpu.memory_space<semaphore_mem>>) src(%dma_wait3A_1024 : memref<8x128xi32, #tpu.memory_space<hbm>>) dst(%dma_wait3A_1020 : memref<8x128xi32, #tpu.memory_space<vmem>>)
        tpu.yield
      }) : () -> ()
      %dma_wait3A_481 = arith.constant 0 : i32
      %dma_wait3A_482 = arith.constant 0 : i32
      %dma_wait3A_483 = arith.constant 0 : i32
      %dma_wait3A_484 = tpu.memref_slice %arg6[%dma_wait3A_481, %dma_wait3A_482, %dma_wait3A_483] : memref<4x128x128xf32, #tpu.memory_space<vmem>> -> memref<1x128x128xf32, #tpu.memory_space<vmem>>
      %dma_wait3A_485 = tpu.memref_squeeze %dma_wait3A_484 : memref<1x128x128xf32, #tpu.memory_space<vmem>> -> memref<128x128xf32, #tpu.memory_space<vmem>>
      %dma_wait3A_486 = arith.constant 0 : i32
      %dma_wait3A_487 = arith.constant 0 : i32
      %dma_wait3A_488 = tpu.memref_slice %arg4[%dma_wait3A_486, %dma_wait3A_487] : memref<3276800x128xf32, #tpu.memory_space<hbm>> -> memref<128x128xf32, #tpu.memory_space<hbm>>
      %dma_wait3A_489 = arith.constant 0 : i32
      %dma_wait3A_490 = arith.constant 0 : i32
      %dma_wait3A_491 = tpu.memref_slice %arg6[%dma_wait3A_481, %dma_wait3A_489, %dma_wait3A_490] : memref<4x128x128xf32, #tpu.memory_space<vmem>> -> memref<1x128x128xf32, #tpu.memory_space<vmem>>
      %dma_wait3A_492 = tpu.memref_squeeze %dma_wait3A_491 : memref<1x128x128xf32, #tpu.memory_space<vmem>> -> memref<128x128xf32, #tpu.memory_space<vmem>>
      %dma_wait3A_493 = arith.constant 0 : i32
      %dma_wait3A_494 = arith.constant 0 : i32
      %dma_wait3A_495 = tpu.memref_slice %arg4[%dma_wait3A_493, %dma_wait3A_494] : memref<3276800x128xf32, #tpu.memory_space<hbm>> -> memref<128x128xf32, #tpu.memory_space<hbm>>
      tpu.wait_dma2 semaphore(%arg12 : memref<!tpu.dma_semaphore, #tpu.memory_space<semaphore_mem>>) src(%dma_wait3A_495 : memref<128x128xf32, #tpu.memory_space<hbm>>) dst(%dma_wait3A_492 : memref<128x128xf32, #tpu.memory_space<vmem>>)
      %dma_start3A_496 = arith.constant 0 : i32
      %dma_start3A_497 = arith.constant 0 : i32
      %dma_start3A_498 = arith.constant 0 : i32
      %dma_start3A_499 = arith.constant 0 : i32
      %dma_start3A_500 = tpu.memref_slice %arg6[%dma_start3A_497, %dma_start3A_498, %dma_start3A_499] : memref<4x128x128xf32, #tpu.memory_space<vmem>> -> memref<1x128x128xf32, #tpu.memory_space<vmem>>
      %dma_start3A_501 = tpu.memref_squeeze %dma_start3A_500 : memref<1x128x128xf32, #tpu.memory_space<vmem>> -> memref<128x128xf32, #tpu.memory_space<vmem>>
      %dma_start3A_502 = arith.constant 0 : i32
      %dma_start3A_503 = tpu.memref_slice %arg5[%rem3A_477, %dma_start3A_496, %dma_start3A_502] : memref<2x8x128xi32, #tpu.memory_space<vmem>> -> memref<1x1x128xi32, #tpu.memory_space<vmem>>
      %dma_start3A_504 = tpu.memref_squeeze %dma_start3A_503 : memref<1x1x128xi32, #tpu.memory_space<vmem>> -> memref<128xi32, #tpu.memory_space<vmem>>
      %dma_start3A_505 = arith.constant 0 : i32
      %dma_start3A_506 = arith.constant 0 : i32
      %dma_start3A_507 = tpu.memref_slice %arg7[%dma_start3A_505, %dma_start3A_506] : memref<3072x128xf32, #tpu.memory_space<vmem_shared>> -> memref<3072x128xf32, #tpu.memory_space<vmem_shared>>
      tpu.enqueue_indirect_dma source(%dma_start3A_507 : memref<3072x128xf32, #tpu.memory_space<vmem_shared>>) target(%dma_start3A_501 : memref<128x128xf32, #tpu.memory_space<vmem>>) offsets(%dma_start3A_504 : memref<128xi32, #tpu.memory_space<vmem>>) semaphore(%arg8 : memref<!tpu.dma_semaphore, #tpu.memory_space<semaphore_mem>>)
      %mul3A_508 = arith.constant 8 : i32
      %mul3A_509 = arith.muli %scan3A_476, %mul3A_508 : i32
      %add3A_510 = arith.constant 0 : i32
      %add3A_511 = arith.addi %mul3A_509, %add3A_510 : i32
      %sub3A = arith.constant 2 : i32
      %sub3A_512 = arith.subi %add3A_511, %sub3A : i32
      %dma_wait3A_513 = arith.constant 2 : i32
      %dma_wait3A_514 = arith.constant 0 : i32
      %dma_wait3A_515 = arith.constant 0 : i32
      %dma_wait3A_516 = tpu.memref_slice %arg6[%dma_wait3A_513, %dma_wait3A_514, %dma_wait3A_515] : memref<4x128x128xf32, #tpu.memory_space<vmem>> -> memref<1x128x128xf32, #tpu.memory_space<vmem>>
      %dma_wait3A_517 = tpu.memref_squeeze %dma_wait3A_516 : memref<1x128x128xf32, #tpu.memory_space<vmem>> -> memref<128x128xf32, #tpu.memory_space<vmem>>
      %dma_wait3A_518 = arith.constant 0 : i32
      %dma_wait3A_519 = arith.constant 0 : i32
      %dma_wait3A_520 = tpu.memref_slice %arg4[%dma_wait3A_518, %dma_wait3A_519] : memref<3276800x128xf32, #tpu.memory_space<hbm>> -> memref<128x128xf32, #tpu.memory_space<hbm>>
      %dma_wait3A_521 = arith.constant 0 : i32
      %dma_wait3A_522 = arith.constant 0 : i32
      %dma_wait3A_523 = tpu.memref_slice %arg6[%dma_wait3A_513, %dma_wait3A_521, %dma_wait3A_522] : memref<4x128x128xf32, #tpu.memory_space<vmem>> -> memref<1x128x128xf32, #tpu.memory_space<vmem>>
      %dma_wait3A_524 = tpu.memref_squeeze %dma_wait3A_523 : memref<1x128x128xf32, #tpu.memory_space<vmem>> -> memref<128x128xf32, #tpu.memory_space<vmem>>
      %dma_wait3A_525 = arith.constant 0 : i32
      %dma_wait3A_526 = arith.constant 0 : i32
      %dma_wait3A_527 = tpu.memref_slice %arg4[%dma_wait3A_525, %dma_wait3A_526] : memref<3276800x128xf32, #tpu.memory_space<hbm>> -> memref<128x128xf32, #tpu.memory_space<hbm>>
      tpu.wait_dma2 semaphore(%arg10 : memref<!tpu.dma_semaphore, #tpu.memory_space<semaphore_mem>>) src(%dma_wait3A_527 : memref<128x128xf32, #tpu.memory_space<hbm>>) dst(%dma_wait3A_524 : memref<128x128xf32, #tpu.memory_space<vmem>>)
      %mul3A_528 = arith.constant 128 : i32
      %mul3A_529 = arith.muli %sub3A_512, %mul3A_528 : i32
      %add3A_530 = arith.addi %mul3A_2, %mul3A_529 : i32
      %dma_start3A_531 = arith.constant 2 : i32
      %dma_start3A_532 = arith.constant 0 : i32
      %dma_start3A_533 = arith.constant 0 : i32
      %dma_start3A_534 = tpu.memref_slice %arg6[%dma_start3A_531, %dma_start3A_532, %dma_start3A_533] : memref<4x128x128xf32, #tpu.memory_space<vmem>> -> memref<1x128x128xf32, #tpu.memory_space<vmem>>
      %dma_start3A_535 = tpu.memref_squeeze %dma_start3A_534 : memref<1x128x128xf32, #tpu.memory_space<vmem>> -> memref<128x128xf32, #tpu.memory_space<vmem>>
      %dma_start3A_536 = arith.constant 0 : i32
      %dma_start3A_537 = tpu.memref_slice %arg4[%add3A_530, %dma_start3A_536] : memref<3276800x128xf32, #tpu.memory_space<hbm>> -> memref<128x128xf32, #tpu.memory_space<hbm>>
      %dma_start3A_538 = arith.constant 0 : i32
      %dma_start3A_539 = tpu.memref_slice %arg4[%add3A_530, %dma_start3A_538] : memref<3276800x128xf32, #tpu.memory_space<hbm>> -> memref<128x128xf32, #tpu.memory_space<hbm>>
      %dma_start3A_540 = arith.constant 0 : i32
      %dma_start3A_541 = arith.constant 0 : i32
      %dma_start3A_542 = tpu.memref_slice %arg6[%dma_start3A_531, %dma_start3A_540, %dma_start3A_541] : memref<4x128x128xf32, #tpu.memory_space<vmem>> -> memref<1x128x128xf32, #tpu.memory_space<vmem>>
      %dma_start3A_543 = tpu.memref_squeeze %dma_start3A_542 : memref<1x128x128xf32, #tpu.memory_space<vmem>> -> memref<128x128xf32, #tpu.memory_space<vmem>>
      tpu.enqueue_dma source(%dma_start3A_543 : memref<128x128xf32, #tpu.memory_space<vmem>>) target(%dma_start3A_539 : memref<128x128xf32, #tpu.memory_space<hbm>>) target_semaphore(%arg14 : memref<!tpu.dma_semaphore, #tpu.memory_space<semaphore_mem>>)
      %dma_wait3A_544 = arith.constant 1 : i32
      %dma_wait3A_545 = arith.constant 0 : i32
      %dma_wait3A_546 = arith.constant 0 : i32
      %dma_wait3A_547 = tpu.memref_slice %arg6[%dma_wait3A_544, %dma_wait3A_545, %dma_wait3A_546] : memref<4x128x128xf32, #tpu.memory_space<vmem>> -> memref<1x128x128xf32, #tpu.memory_space<vmem>>
      %dma_wait3A_548 = tpu.memref_squeeze %dma_wait3A_547 : memref<1x128x128xf32, #tpu.memory_space<vmem>> -> memref<128x128xf32, #tpu.memory_space<vmem>>
      %dma_wait3A_549 = arith.constant 0 : i32
      %dma_wait3A_550 = arith.constant 0 : i32
      %dma_wait3A_551 = tpu.memref_slice %arg4[%dma_wait3A_549, %dma_wait3A_550] : memref<3276800x128xf32, #tpu.memory_space<hbm>> -> memref<128x128xf32, #tpu.memory_space<hbm>>
      %dma_wait3A_552 = arith.constant 0 : i32
      %dma_wait3A_553 = arith.constant 0 : i32
      %dma_wait3A_554 = tpu.memref_slice %arg6[%dma_wait3A_544, %dma_wait3A_552, %dma_wait3A_553] : memref<4x128x128xf32, #tpu.memory_space<vmem>> -> memref<1x128x128xf32, #tpu.memory_space<vmem>>
      %dma_wait3A_555 = tpu.memref_squeeze %dma_wait3A_554 : memref<1x128x128xf32, #tpu.memory_space<vmem>> -> memref<128x128xf32, #tpu.memory_space<vmem>>
      %dma_wait3A_556 = arith.constant 0 : i32
      %dma_wait3A_557 = arith.constant 0 : i32
      %dma_wait3A_558 = tpu.memref_slice %arg4[%dma_wait3A_556, %dma_wait3A_557] : memref<3276800x128xf32, #tpu.memory_space<hbm>> -> memref<128x128xf32, #tpu.memory_space<hbm>>
      tpu.wait_dma2 semaphore(%arg13 : memref<!tpu.dma_semaphore, #tpu.memory_space<semaphore_mem>>) src(%dma_wait3A_558 : memref<128x128xf32, #tpu.memory_space<hbm>>) dst(%dma_wait3A_555 : memref<128x128xf32, #tpu.memory_space<vmem>>)
      %dma_start3A_559 = arith.constant 1 : i32
      %dma_start3A_560 = arith.constant 1 : i32
      %dma_start3A_561 = arith.constant 0 : i32
      %dma_start3A_562 = arith.constant 0 : i32
      %dma_start3A_563 = tpu.memref_slice %arg6[%dma_start3A_560, %dma_start3A_561, %dma_start3A_562] : memref<4x128x128xf32, #tpu.memory_space<vmem>> -> memref<1x128x128xf32, #tpu.memory_space<vmem>>
      %dma_start3A_564 = tpu.memref_squeeze %dma_start3A_563 : memref<1x128x128xf32, #tpu.memory_space<vmem>> -> memref<128x128xf32, #tpu.memory_space<vmem>>
      %dma_start3A_565 = arith.constant 0 : i32
      %dma_start3A_566 = tpu.memref_slice %arg5[%rem3A_477, %dma_start3A_559, %dma_start3A_565] : memref<2x8x128xi32, #tpu.memory_space<vmem>> -> memref<1x1x128xi32, #tpu.memory_space<vmem>>
      %dma_start3A_567 = tpu.memref_squeeze %dma_start3A_566 : memref<1x1x128xi32, #tpu.memory_space<vmem>> -> memref<128xi32, #tpu.memory_space<vmem>>
      %dma_start3A_568 = arith.constant 0 : i32
      %dma_start3A_569 = arith.constant 0 : i32
      %dma_start3A_570 = tpu.memref_slice %arg7[%dma_start3A_568, %dma_start3A_569] : memref<3072x128xf32, #tpu.memory_space<vmem_shared>> -> memref<3072x128xf32, #tpu.memory_space<vmem_shared>>
      tpu.enqueue_indirect_dma source(%dma_start3A_570 : memref<3072x128xf32, #tpu.memory_space<vmem_shared>>) target(%dma_start3A_564 : memref<128x128xf32, #tpu.memory_space<vmem>>) offsets(%dma_start3A_567 : memref<128xi32, #tpu.memory_space<vmem>>) semaphore(%arg9 : memref<!tpu.dma_semaphore, #tpu.memory_space<semaphore_mem>>)
      %mul3A_571 = arith.constant 8 : i32
      %mul3A_572 = arith.muli %scan3A_476, %mul3A_571 : i32
      %add3A_573 = arith.constant 1 : i32
      %add3A_574 = arith.addi %mul3A_572, %add3A_573 : i32
      %sub3A_575 = arith.constant 2 : i32
      %sub3A_576 = arith.subi %add3A_574, %sub3A_575 : i32
      %dma_wait3A_577 = arith.constant 3 : i32
      %dma_wait3A_578 = arith.constant 0 : i32
      %dma_wait3A_579 = arith.constant 0 : i32
      %dma_wait3A_580 = tpu.memref_slice %arg6[%dma_wait3A_577, %dma_wait3A_578, %dma_wait3A_579] : memref<4x128x128xf32, #tpu.memory_space<vmem>> -> memref<1x128x128xf32, #tpu.memory_space<vmem>>
      %dma_wait3A_581 = tpu.memref_squeeze %dma_wait3A_580 : memref<1x128x128xf32, #tpu.memory_space<vmem>> -> memref<128x128xf32, #tpu.memory_space<vmem>>
      %dma_wait3A_582 = arith.constant 0 : i32
      %dma_wait3A_583 = arith.constant 0 : i32
      %dma_wait3A_584 = tpu.memref_slice %arg4[%dma_wait3A_582, %dma_wait3A_583] : memref<3276800x128xf32, #tpu.memory_space<hbm>> -> memref<128x128xf32, #tpu.memory_space<hbm>>
      %dma_wait3A_585 = arith.constant 0 : i32
      %dma_wait3A_586 = arith.constant 0 : i32
      %dma_wait3A_587 = tpu.memref_slice %arg6[%dma_wait3A_577, %dma_wait3A_585, %dma_wait3A_586] : memref<4x128x128xf32, #tpu.memory_space<vmem>> -> memref<1x128x128xf32, #tpu.memory_space<vmem>>
      %dma_wait3A_588 = tpu.memref_squeeze %dma_wait3A_587 : memref<1x128x128xf32, #tpu.memory_space<vmem>> -> memref<128x128xf32, #tpu.memory_space<vmem>>
      %dma_wait3A_589 = arith.constant 0 : i32
      %dma_wait3A_590 = arith.constant 0 : i32
      %dma_wait3A_591 = tpu.memref_slice %arg4[%dma_wait3A_589, %dma_wait3A_590] : memref<3276800x128xf32, #tpu.memory_space<hbm>> -> memref<128x128xf32, #tpu.memory_space<hbm>>
      tpu.wait_dma2 semaphore(%arg11 : memref<!tpu.dma_semaphore, #tpu.memory_space<semaphore_mem>>) src(%dma_wait3A_591 : memref<128x128xf32, #tpu.memory_space<hbm>>) dst(%dma_wait3A_588 : memref<128x128xf32, #tpu.memory_space<vmem>>)
      %mul3A_592 = arith.constant 128 : i32
      %mul3A_593 = arith.muli %sub3A_576, %mul3A_592 : i32
      %add3A_594 = arith.addi %mul3A_2, %mul3A_593 : i32
      %dma_start3A_595 = arith.constant 3 : i32
      %dma_start3A_596 = arith.constant 0 : i32
      %dma_start3A_597 = arith.constant 0 : i32
      %dma_start3A_598 = tpu.memref_slice %arg6[%dma_start3A_595, %dma_start3A_596, %dma_start3A_597] : memref<4x128x128xf32, #tpu.memory_space<vmem>> -> memref<1x128x128xf32, #tpu.memory_space<vmem>>
      %dma_start3A_599 = tpu.memref_squeeze %dma_start3A_598 : memref<1x128x128xf32, #tpu.memory_space<vmem>> -> memref<128x128xf32, #tpu.memory_space<vmem>>
      %dma_start3A_600 = arith.constant 0 : i32
      %dma_start3A_601 = tpu.memref_slice %arg4[%add3A_594, %dma_start3A_600] : memref<3276800x128xf32, #tpu.memory_space<hbm>> -> memref<128x128xf32, #tpu.memory_space<hbm>>
      %dma_start3A_602 = arith.constant 0 : i32
      %dma_start3A_603 = tpu.memref_slice %arg4[%add3A_594, %dma_start3A_602] : memref<3276800x128xf32, #tpu.memory_space<hbm>> -> memref<128x128xf32, #tpu.memory_space<hbm>>
      %dma_start3A_604 = arith.constant 0 : i32
      %dma_start3A_605 = arith.constant 0 : i32
      %dma_start3A_606 = tpu.memref_slice %arg6[%dma_start3A_595, %dma_start3A_604, %dma_start3A_605] : memref<4x128x128xf32, #tpu.memory_space<vmem>> -> memref<1x128x128xf32, #tpu.memory_space<vmem>>
      %dma_start3A_607 = tpu.memref_squeeze %dma_start3A_606 : memref<1x128x128xf32, #tpu.memory_space<vmem>> -> memref<128x128xf32, #tpu.memory_space<vmem>>
      tpu.enqueue_dma source(%dma_start3A_607 : memref<128x128xf32, #tpu.memory_space<vmem>>) target(%dma_start3A_603 : memref<128x128xf32, #tpu.memory_space<hbm>>) target_semaphore(%arg15 : memref<!tpu.dma_semaphore, #tpu.memory_space<semaphore_mem>>)
      %dma_wait3A_608 = arith.constant 2 : i32
      %dma_wait3A_609 = arith.constant 0 : i32
      %dma_wait3A_610 = arith.constant 0 : i32
      %dma_wait3A_611 = tpu.memref_slice %arg6[%dma_wait3A_608, %dma_wait3A_609, %dma_wait3A_610] : memref<4x128x128xf32, #tpu.memory_space<vmem>> -> memref<1x128x128xf32, #tpu.memory_space<vmem>>
      %dma_wait3A_612 = tpu.memref_squeeze %dma_wait3A_611 : memref<1x128x128xf32, #tpu.memory_space<vmem>> -> memref<128x128xf32, #tpu.memory_space<vmem>>
      %dma_wait3A_613 = arith.constant 0 : i32
      %dma_wait3A_614 = arith.constant 0 : i32
      %dma_wait3A_615 = tpu.memref_slice %arg4[%dma_wait3A_613, %dma_wait3A_614] : memref<3276800x128xf32, #tpu.memory_space<hbm>> -> memref<128x128xf32, #tpu.memory_space<hbm>>
      %dma_wait3A_616 = arith.constant 0 : i32
      %dma_wait3A_617 = arith.constant 0 : i32
      %dma_wait3A_618 = tpu.memref_slice %arg6[%dma_wait3A_608, %dma_wait3A_616, %dma_wait3A_617] : memref<4x128x128xf32, #tpu.memory_space<vmem>> -> memref<1x128x128xf32, #tpu.memory_space<vmem>>
      %dma_wait3A_619 = tpu.memref_squeeze %dma_wait3A_618 : memref<1x128x128xf32, #tpu.memory_space<vmem>> -> memref<128x128xf32, #tpu.memory_space<vmem>>
      %dma_wait3A_620 = arith.constant 0 : i32
      %dma_wait3A_621 = arith.constant 0 : i32
      %dma_wait3A_622 = tpu.memref_slice %arg4[%dma_wait3A_620, %dma_wait3A_621] : memref<3276800x128xf32, #tpu.memory_space<hbm>> -> memref<128x128xf32, #tpu.memory_space<hbm>>
      tpu.wait_dma2 semaphore(%arg14 : memref<!tpu.dma_semaphore, #tpu.memory_space<semaphore_mem>>) src(%dma_wait3A_622 : memref<128x128xf32, #tpu.memory_space<hbm>>) dst(%dma_wait3A_619 : memref<128x128xf32, #tpu.memory_space<vmem>>)
      %dma_start3A_623 = arith.constant 2 : i32
      %dma_start3A_624 = arith.constant 2 : i32
      %dma_start3A_625 = arith.constant 0 : i32
      %dma_start3A_626 = arith.constant 0 : i32
      %dma_start3A_627 = tpu.memref_slice %arg6[%dma_start3A_624, %dma_start3A_625, %dma_start3A_626] : memref<4x128x128xf32, #tpu.memory_space<vmem>> -> memref<1x128x128xf32, #tpu.memory_space<vmem>>
      %dma_start3A_628 = tpu.memref_squeeze %dma_start3A_627 : memref<1x128x128xf32, #tpu.memory_space<vmem>> -> memref<128x128xf32, #tpu.memory_space<vmem>>
      %dma_start3A_629 = arith.constant 0 : i32
      %dma_start3A_630 = tpu.memref_slice %arg5[%rem3A_477, %dma_start3A_623, %dma_start3A_629] : memref<2x8x128xi32, #tpu.memory_space<vmem>> -> memref<1x1x128xi32, #tpu.memory_space<vmem>>
      %dma_start3A_631 = tpu.memref_squeeze %dma_start3A_630 : memref<1x1x128xi32, #tpu.memory_space<vmem>> -> memref<128xi32, #tpu.memory_space<vmem>>
      %dma_start3A_632 = arith.constant 0 : i32
      %dma_start3A_633 = arith.constant 0 : i32
      %dma_start3A_634 = tpu.memref_slice %arg7[%dma_start3A_632, %dma_start3A_633] : memref<3072x128xf32, #tpu.memory_space<vmem_shared>> -> memref<3072x128xf32, #tpu.memory_space<vmem_shared>>
      tpu.enqueue_indirect_dma source(%dma_start3A_634 : memref<3072x128xf32, #tpu.memory_space<vmem_shared>>) target(%dma_start3A_628 : memref<128x128xf32, #tpu.memory_space<vmem>>) offsets(%dma_start3A_631 : memref<128xi32, #tpu.memory_space<vmem>>) semaphore(%arg10 : memref<!tpu.dma_semaphore, #tpu.memory_space<semaphore_mem>>)
      %mul3A_635 = arith.constant 8 : i32
      %mul3A_636 = arith.muli %scan3A_476, %mul3A_635 : i32
      %add3A_637 = arith.constant 2 : i32
      %add3A_638 = arith.addi %mul3A_636, %add3A_637 : i32
      %sub3A_639 = arith.constant 2 : i32
      %sub3A_640 = arith.subi %add3A_638, %sub3A_639 : i32
      %dma_wait3A_641 = arith.constant 0 : i32
      %dma_wait3A_642 = arith.constant 0 : i32
      %dma_wait3A_643 = arith.constant 0 : i32
      %dma_wait3A_644 = tpu.memref_slice %arg6[%dma_wait3A_641, %dma_wait3A_642, %dma_wait3A_643] : memref<4x128x128xf32, #tpu.memory_space<vmem>> -> memref<1x128x128xf32, #tpu.memory_space<vmem>>
      %dma_wait3A_645 = tpu.memref_squeeze %dma_wait3A_644 : memref<1x128x128xf32, #tpu.memory_space<vmem>> -> memref<128x128xf32, #tpu.memory_space<vmem>>
      %dma_wait3A_646 = arith.constant 0 : i32
      %dma_wait3A_647 = arith.constant 0 : i32
      %dma_wait3A_648 = tpu.memref_slice %arg4[%dma_wait3A_646, %dma_wait3A_647] : memref<3276800x128xf32, #tpu.memory_space<hbm>> -> memref<128x128xf32, #tpu.memory_space<hbm>>
      %dma_wait3A_649 = arith.constant 0 : i32
      %dma_wait3A_650 = arith.constant 0 : i32
      %dma_wait3A_651 = tpu.memref_slice %arg6[%dma_wait3A_641, %dma_wait3A_649, %dma_wait3A_650] : memref<4x128x128xf32, #tpu.memory_space<vmem>> -> memref<1x128x128xf32, #tpu.memory_space<vmem>>
      %dma_wait3A_652 = tpu.memref_squeeze %dma_wait3A_651 : memref<1x128x128xf32, #tpu.memory_space<vmem>> -> memref<128x128xf32, #tpu.memory_space<vmem>>
      %dma_wait3A_653 = arith.constant 0 : i32
      %dma_wait3A_654 = arith.constant 0 : i32
      %dma_wait3A_655 = tpu.memref_slice %arg4[%dma_wait3A_653, %dma_wait3A_654] : memref<3276800x128xf32, #tpu.memory_space<hbm>> -> memref<128x128xf32, #tpu.memory_space<hbm>>
      tpu.wait_dma2 semaphore(%arg8 : memref<!tpu.dma_semaphore, #tpu.memory_space<semaphore_mem>>) src(%dma_wait3A_655 : memref<128x128xf32, #tpu.memory_space<hbm>>) dst(%dma_wait3A_652 : memref<128x128xf32, #tpu.memory_space<vmem>>)
      %mul3A_656 = arith.constant 128 : i32
      %mul3A_657 = arith.muli %sub3A_640, %mul3A_656 : i32
      %add3A_658 = arith.addi %mul3A_2, %mul3A_657 : i32
      %dma_start3A_659 = arith.constant 0 : i32
      %dma_start3A_660 = arith.constant 0 : i32
      %dma_start3A_661 = arith.constant 0 : i32
      %dma_start3A_662 = tpu.memref_slice %arg6[%dma_start3A_659, %dma_start3A_660, %dma_start3A_661] : memref<4x128x128xf32, #tpu.memory_space<vmem>> -> memref<1x128x128xf32, #tpu.memory_space<vmem>>
      %dma_start3A_663 = tpu.memref_squeeze %dma_start3A_662 : memref<1x128x128xf32, #tpu.memory_space<vmem>> -> memref<128x128xf32, #tpu.memory_space<vmem>>
      %dma_start3A_664 = arith.constant 0 : i32
      %dma_start3A_665 = tpu.memref_slice %arg4[%add3A_658, %dma_start3A_664] : memref<3276800x128xf32, #tpu.memory_space<hbm>> -> memref<128x128xf32, #tpu.memory_space<hbm>>
      %dma_start3A_666 = arith.constant 0 : i32
      %dma_start3A_667 = tpu.memref_slice %arg4[%add3A_658, %dma_start3A_666] : memref<3276800x128xf32, #tpu.memory_space<hbm>> -> memref<128x128xf32, #tpu.memory_space<hbm>>
      %dma_start3A_668 = arith.constant 0 : i32
      %dma_start3A_669 = arith.constant 0 : i32
      %dma_start3A_670 = tpu.memref_slice %arg6[%dma_start3A_659, %dma_start3A_668, %dma_start3A_669] : memref<4x128x128xf32, #tpu.memory_space<vmem>> -> memref<1x128x128xf32, #tpu.memory_space<vmem>>
      %dma_start3A_671 = tpu.memref_squeeze %dma_start3A_670 : memref<1x128x128xf32, #tpu.memory_space<vmem>> -> memref<128x128xf32, #tpu.memory_space<vmem>>
      tpu.enqueue_dma source(%dma_start3A_671 : memref<128x128xf32, #tpu.memory_space<vmem>>) target(%dma_start3A_667 : memref<128x128xf32, #tpu.memory_space<hbm>>) target_semaphore(%arg12 : memref<!tpu.dma_semaphore, #tpu.memory_space<semaphore_mem>>)
      %dma_wait3A_672 = arith.constant 3 : i32
      %dma_wait3A_673 = arith.constant 0 : i32
      %dma_wait3A_674 = arith.constant 0 : i32
      %dma_wait3A_675 = tpu.memref_slice %arg6[%dma_wait3A_672, %dma_wait3A_673, %dma_wait3A_674] : memref<4x128x128xf32, #tpu.memory_space<vmem>> -> memref<1x128x128xf32, #tpu.memory_space<vmem>>
      %dma_wait3A_676 = tpu.memref_squeeze %dma_wait3A_675 : memref<1x128x128xf32, #tpu.memory_space<vmem>> -> memref<128x128xf32, #tpu.memory_space<vmem>>
      %dma_wait3A_677 = arith.constant 0 : i32
      %dma_wait3A_678 = arith.constant 0 : i32
      %dma_wait3A_679 = tpu.memref_slice %arg4[%dma_wait3A_677, %dma_wait3A_678] : memref<3276800x128xf32, #tpu.memory_space<hbm>> -> memref<128x128xf32, #tpu.memory_space<hbm>>
      %dma_wait3A_680 = arith.constant 0 : i32
      %dma_wait3A_681 = arith.constant 0 : i32
      %dma_wait3A_682 = tpu.memref_slice %arg6[%dma_wait3A_672, %dma_wait3A_680, %dma_wait3A_681] : memref<4x128x128xf32, #tpu.memory_space<vmem>> -> memref<1x128x128xf32, #tpu.memory_space<vmem>>
      %dma_wait3A_683 = tpu.memref_squeeze %dma_wait3A_682 : memref<1x128x128xf32, #tpu.memory_space<vmem>> -> memref<128x128xf32, #tpu.memory_space<vmem>>
      %dma_wait3A_684 = arith.constant 0 : i32
      %dma_wait3A_685 = arith.constant 0 : i32
      %dma_wait3A_686 = tpu.memref_slice %arg4[%dma_wait3A_684, %dma_wait3A_685] : memref<3276800x128xf32, #tpu.memory_space<hbm>> -> memref<128x128xf32, #tpu.memory_space<hbm>>
      tpu.wait_dma2 semaphore(%arg15 : memref<!tpu.dma_semaphore, #tpu.memory_space<semaphore_mem>>) src(%dma_wait3A_686 : memref<128x128xf32, #tpu.memory_space<hbm>>) dst(%dma_wait3A_683 : memref<128x128xf32, #tpu.memory_space<vmem>>)
      %dma_start3A_687 = arith.constant 3 : i32
      %dma_start3A_688 = arith.constant 3 : i32
      %dma_start3A_689 = arith.constant 0 : i32
      %dma_start3A_690 = arith.constant 0 : i32
      %dma_start3A_691 = tpu.memref_slice %arg6[%dma_start3A_688, %dma_start3A_689, %dma_start3A_690] : memref<4x128x128xf32, #tpu.memory_space<vmem>> -> memref<1x128x128xf32, #tpu.memory_space<vmem>>
      %dma_start3A_692 = tpu.memref_squeeze %dma_start3A_691 : memref<1x128x128xf32, #tpu.memory_space<vmem>> -> memref<128x128xf32, #tpu.memory_space<vmem>>
      %dma_start3A_693 = arith.constant 0 : i32
      %dma_start3A_694 = tpu.memref_slice %arg5[%rem3A_477, %dma_start3A_687, %dma_start3A_693] : memref<2x8x128xi32, #tpu.memory_space<vmem>> -> memref<1x1x128xi32, #tpu.memory_space<vmem>>
      %dma_start3A_695 = tpu.memref_squeeze %dma_start3A_694 : memref<1x1x128xi32, #tpu.memory_space<vmem>> -> memref<128xi32, #tpu.memory_space<vmem>>
      %dma_start3A_696 = arith.constant 0 : i32
      %dma_start3A_697 = arith.constant 0 : i32
      %dma_start3A_698 = tpu.memref_slice %arg7[%dma_start3A_696, %dma_start3A_697] : memref<3072x128xf32, #tpu.memory_space<vmem_shared>> -> memref<3072x128xf32, #tpu.memory_space<vmem_shared>>
      tpu.enqueue_indirect_dma source(%dma_start3A_698 : memref<3072x128xf32, #tpu.memory_space<vmem_shared>>) target(%dma_start3A_692 : memref<128x128xf32, #tpu.memory_space<vmem>>) offsets(%dma_start3A_695 : memref<128xi32, #tpu.memory_space<vmem>>) semaphore(%arg11 : memref<!tpu.dma_semaphore, #tpu.memory_space<semaphore_mem>>)
      %mul3A_699 = arith.constant 8 : i32
      %mul3A_700 = arith.muli %scan3A_476, %mul3A_699 : i32
      %add3A_701 = arith.constant 3 : i32
      %add3A_702 = arith.addi %mul3A_700, %add3A_701 : i32
      %sub3A_703 = arith.constant 2 : i32
      %sub3A_704 = arith.subi %add3A_702, %sub3A_703 : i32
      %dma_wait3A_705 = arith.constant 1 : i32
      %dma_wait3A_706 = arith.constant 0 : i32
      %dma_wait3A_707 = arith.constant 0 : i32
      %dma_wait3A_708 = tpu.memref_slice %arg6[%dma_wait3A_705, %dma_wait3A_706, %dma_wait3A_707] : memref<4x128x128xf32, #tpu.memory_space<vmem>> -> memref<1x128x128xf32, #tpu.memory_space<vmem>>
      %dma_wait3A_709 = tpu.memref_squeeze %dma_wait3A_708 : memref<1x128x128xf32, #tpu.memory_space<vmem>> -> memref<128x128xf32, #tpu.memory_space<vmem>>
      %dma_wait3A_710 = arith.constant 0 : i32
      %dma_wait3A_711 = arith.constant 0 : i32
      %dma_wait3A_712 = tpu.memref_slice %arg4[%dma_wait3A_710, %dma_wait3A_711] : memref<3276800x128xf32, #tpu.memory_space<hbm>> -> memref<128x128xf32, #tpu.memory_space<hbm>>
      %dma_wait3A_713 = arith.constant 0 : i32
      %dma_wait3A_714 = arith.constant 0 : i32
      %dma_wait3A_715 = tpu.memref_slice %arg6[%dma_wait3A_705, %dma_wait3A_713, %dma_wait3A_714] : memref<4x128x128xf32, #tpu.memory_space<vmem>> -> memref<1x128x128xf32, #tpu.memory_space<vmem>>
      %dma_wait3A_716 = tpu.memref_squeeze %dma_wait3A_715 : memref<1x128x128xf32, #tpu.memory_space<vmem>> -> memref<128x128xf32, #tpu.memory_space<vmem>>
      %dma_wait3A_717 = arith.constant 0 : i32
      %dma_wait3A_718 = arith.constant 0 : i32
      %dma_wait3A_719 = tpu.memref_slice %arg4[%dma_wait3A_717, %dma_wait3A_718] : memref<3276800x128xf32, #tpu.memory_space<hbm>> -> memref<128x128xf32, #tpu.memory_space<hbm>>
      tpu.wait_dma2 semaphore(%arg9 : memref<!tpu.dma_semaphore, #tpu.memory_space<semaphore_mem>>) src(%dma_wait3A_719 : memref<128x128xf32, #tpu.memory_space<hbm>>) dst(%dma_wait3A_716 : memref<128x128xf32, #tpu.memory_space<vmem>>)
      %mul3A_720 = arith.constant 128 : i32
      %mul3A_721 = arith.muli %sub3A_704, %mul3A_720 : i32
      %add3A_722 = arith.addi %mul3A_2, %mul3A_721 : i32
      %dma_start3A_723 = arith.constant 1 : i32
      %dma_start3A_724 = arith.constant 0 : i32
      %dma_start3A_725 = arith.constant 0 : i32
      %dma_start3A_726 = tpu.memref_slice %arg6[%dma_start3A_723, %dma_start3A_724, %dma_start3A_725] : memref<4x128x128xf32, #tpu.memory_space<vmem>> -> memref<1x128x128xf32, #tpu.memory_space<vmem>>
      %dma_start3A_727 = tpu.memref_squeeze %dma_start3A_726 : memref<1x128x128xf32, #tpu.memory_space<vmem>> -> memref<128x128xf32, #tpu.memory_space<vmem>>
      %dma_start3A_728 = arith.constant 0 : i32
      %dma_start3A_729 = tpu.memref_slice %arg4[%add3A_722, %dma_start3A_728] : memref<3276800x128xf32, #tpu.memory_space<hbm>> -> memref<128x128xf32, #tpu.memory_space<hbm>>
      %dma_start3A_730 = arith.constant 0 : i32
      %dma_start3A_731 = tpu.memref_slice %arg4[%add3A_722, %dma_start3A_730] : memref<3276800x128xf32, #tpu.memory_space<hbm>> -> memref<128x128xf32, #tpu.memory_space<hbm>>
      %dma_start3A_732 = arith.constant 0 : i32
      %dma_start3A_733 = arith.constant 0 : i32
      %dma_start3A_734 = tpu.memref_slice %arg6[%dma_start3A_723, %dma_start3A_732, %dma_start3A_733] : memref<4x128x128xf32, #tpu.memory_space<vmem>> -> memref<1x128x128xf32, #tpu.memory_space<vmem>>
      %dma_start3A_735 = tpu.memref_squeeze %dma_start3A_734 : memref<1x128x128xf32, #tpu.memory_space<vmem>> -> memref<128x128xf32, #tpu.memory_space<vmem>>
      tpu.enqueue_dma source(%dma_start3A_735 : memref<128x128xf32, #tpu.memory_space<vmem>>) target(%dma_start3A_731 : memref<128x128xf32, #tpu.memory_space<hbm>>) target_semaphore(%arg13 : memref<!tpu.dma_semaphore, #tpu.memory_space<semaphore_mem>>)
      %dma_wait3A_736 = arith.constant 0 : i32
      %dma_wait3A_737 = arith.constant 0 : i32
      %dma_wait3A_738 = arith.constant 0 : i32
      %dma_wait3A_739 = tpu.memref_slice %arg6[%dma_wait3A_736, %dma_wait3A_737, %dma_wait3A_738] : memref<4x128x128xf32, #tpu.memory_space<vmem>> -> memref<1x128x128xf32, #tpu.memory_space<vmem>>
      %dma_wait3A_740 = tpu.memref_squeeze %dma_wait3A_739 : memref<1x128x128xf32, #tpu.memory_space<vmem>> -> memref<128x128xf32, #tpu.memory_space<vmem>>
      %dma_wait3A_741 = arith.constant 0 : i32
      %dma_wait3A_742 = arith.constant 0 : i32
      %dma_wait3A_743 = tpu.memref_slice %arg4[%dma_wait3A_741, %dma_wait3A_742] : memref<3276800x128xf32, #tpu.memory_space<hbm>> -> memref<128x128xf32, #tpu.memory_space<hbm>>
      %dma_wait3A_744 = arith.constant 0 : i32
      %dma_wait3A_745 = arith.constant 0 : i32
      %dma_wait3A_746 = tpu.memref_slice %arg6[%dma_wait3A_736, %dma_wait3A_744, %dma_wait3A_745] : memref<4x128x128xf32, #tpu.memory_space<vmem>> -> memref<1x128x128xf32, #tpu.memory_space<vmem>>
      %dma_wait3A_747 = tpu.memref_squeeze %dma_wait3A_746 : memref<1x128x128xf32, #tpu.memory_space<vmem>> -> memref<128x128xf32, #tpu.memory_space<vmem>>
      %dma_wait3A_748 = arith.constant 0 : i32
      %dma_wait3A_749 = arith.constant 0 : i32
      %dma_wait3A_750 = tpu.memref_slice %arg4[%dma_wait3A_748, %dma_wait3A_749] : memref<3276800x128xf32, #tpu.memory_space<hbm>> -> memref<128x128xf32, #tpu.memory_space<hbm>>
      tpu.wait_dma2 semaphore(%arg12 : memref<!tpu.dma_semaphore, #tpu.memory_space<semaphore_mem>>) src(%dma_wait3A_750 : memref<128x128xf32, #tpu.memory_space<hbm>>) dst(%dma_wait3A_747 : memref<128x128xf32, #tpu.memory_space<vmem>>)
      %dma_start3A_751 = arith.constant 4 : i32
      %dma_start3A_752 = arith.constant 0 : i32
      %dma_start3A_753 = arith.constant 0 : i32
      %dma_start3A_754 = arith.constant 0 : i32
      %dma_start3A_755 = tpu.memref_slice %arg6[%dma_start3A_752, %dma_start3A_753, %dma_start3A_754] : memref<4x128x128xf32, #tpu.memory_space<vmem>> -> memref<1x128x128xf32, #tpu.memory_space<vmem>>
      %dma_start3A_756 = tpu.memref_squeeze %dma_start3A_755 : memref<1x128x128xf32, #tpu.memory_space<vmem>> -> memref<128x128xf32, #tpu.memory_space<vmem>>
      %dma_start3A_757 = arith.constant 0 : i32
      %dma_start3A_758 = tpu.memref_slice %arg5[%rem3A_477, %dma_start3A_751, %dma_start3A_757] : memref<2x8x128xi32, #tpu.memory_space<vmem>> -> memref<1x1x128xi32, #tpu.memory_space<vmem>>
      %dma_start3A_759 = tpu.memref_squeeze %dma_start3A_758 : memref<1x1x128xi32, #tpu.memory_space<vmem>> -> memref<128xi32, #tpu.memory_space<vmem>>
      %dma_start3A_760 = arith.constant 0 : i32
      %dma_start3A_761 = arith.constant 0 : i32
      %dma_start3A_762 = tpu.memref_slice %arg7[%dma_start3A_760, %dma_start3A_761] : memref<3072x128xf32, #tpu.memory_space<vmem_shared>> -> memref<3072x128xf32, #tpu.memory_space<vmem_shared>>
      tpu.enqueue_indirect_dma source(%dma_start3A_762 : memref<3072x128xf32, #tpu.memory_space<vmem_shared>>) target(%dma_start3A_756 : memref<128x128xf32, #tpu.memory_space<vmem>>) offsets(%dma_start3A_759 : memref<128xi32, #tpu.memory_space<vmem>>) semaphore(%arg8 : memref<!tpu.dma_semaphore, #tpu.memory_space<semaphore_mem>>)
      %mul3A_763 = arith.constant 8 : i32
      %mul3A_764 = arith.muli %scan3A_476, %mul3A_763 : i32
      %add3A_765 = arith.constant 4 : i32
      %add3A_766 = arith.addi %mul3A_764, %add3A_765 : i32
      %sub3A_767 = arith.constant 2 : i32
      %sub3A_768 = arith.subi %add3A_766, %sub3A_767 : i32
      %dma_wait3A_769 = arith.constant 2 : i32
      %dma_wait3A_770 = arith.constant 0 : i32
      %dma_wait3A_771 = arith.constant 0 : i32
      %dma_wait3A_772 = tpu.memref_slice %arg6[%dma_wait3A_769, %dma_wait3A_770, %dma_wait3A_771] : memref<4x128x128xf32, #tpu.memory_space<vmem>> -> memref<1x128x128xf32, #tpu.memory_space<vmem>>
      %dma_wait3A_773 = tpu.memref_squeeze %dma_wait3A_772 : memref<1x128x128xf32, #tpu.memory_space<vmem>> -> memref<128x128xf32, #tpu.memory_space<vmem>>
      %dma_wait3A_774 = arith.constant 0 : i32
      %dma_wait3A_775 = arith.constant 0 : i32
      %dma_wait3A_776 = tpu.memref_slice %arg4[%dma_wait3A_774, %dma_wait3A_775] : memref<3276800x128xf32, #tpu.memory_space<hbm>> -> memref<128x128xf32, #tpu.memory_space<hbm>>
      %dma_wait3A_777 = arith.constant 0 : i32
      %dma_wait3A_778 = arith.constant 0 : i32
      %dma_wait3A_779 = tpu.memref_slice %arg6[%dma_wait3A_769, %dma_wait3A_777, %dma_wait3A_778] : memref<4x128x128xf32, #tpu.memory_space<vmem>> -> memref<1x128x128xf32, #tpu.memory_space<vmem>>
      %dma_wait3A_780 = tpu.memref_squeeze %dma_wait3A_779 : memref<1x128x128xf32, #tpu.memory_space<vmem>> -> memref<128x128xf32, #tpu.memory_space<vmem>>
      %dma_wait3A_781 = arith.constant 0 : i32
      %dma_wait3A_782 = arith.constant 0 : i32
      %dma_wait3A_783 = tpu.memref_slice %arg4[%dma_wait3A_781, %dma_wait3A_782] : memref<3276800x128xf32, #tpu.memory_space<hbm>> -> memref<128x128xf32, #tpu.memory_space<hbm>>
      tpu.wait_dma2 semaphore(%arg10 : memref<!tpu.dma_semaphore, #tpu.memory_space<semaphore_mem>>) src(%dma_wait3A_783 : memref<128x128xf32, #tpu.memory_space<hbm>>) dst(%dma_wait3A_780 : memref<128x128xf32, #tpu.memory_space<vmem>>)
      %mul3A_784 = arith.constant 128 : i32
      %mul3A_785 = arith.muli %sub3A_768, %mul3A_784 : i32
      %add3A_786 = arith.addi %mul3A_2, %mul3A_785 : i32
      %dma_start3A_787 = arith.constant 2 : i32
      %dma_start3A_788 = arith.constant 0 : i32
      %dma_start3A_789 = arith.constant 0 : i32
      %dma_start3A_790 = tpu.memref_slice %arg6[%dma_start3A_787, %dma_start3A_788, %dma_start3A_789] : memref<4x128x128xf32, #tpu.memory_space<vmem>> -> memref<1x128x128xf32, #tpu.memory_space<vmem>>
      %dma_start3A_791 = tpu.memref_squeeze %dma_start3A_790 : memref<1x128x128xf32, #tpu.memory_space<vmem>> -> memref<128x128xf32, #tpu.memory_space<vmem>>
      %dma_start3A_792 = arith.constant 0 : i32
      %dma_start3A_793 = tpu.memref_slice %arg4[%add3A_786, %dma_start3A_792] : memref<3276800x128xf32, #tpu.memory_space<hbm>> -> memref<128x128xf32, #tpu.memory_space<hbm>>
      %dma_start3A_794 = arith.constant 0 : i32
      %dma_start3A_795 = tpu.memref_slice %arg4[%add3A_786, %dma_start3A_794] : memref<3276800x128xf32, #tpu.memory_space<hbm>> -> memref<128x128xf32, #tpu.memory_space<hbm>>
      %dma_start3A_796 = arith.constant 0 : i32
      %dma_start3A_797 = arith.constant 0 : i32
      %dma_start3A_798 = tpu.memref_slice %arg6[%dma_start3A_787, %dma_start3A_796, %dma_start3A_797] : memref<4x128x128xf32, #tpu.memory_space<vmem>> -> memref<1x128x128xf32, #tpu.memory_space<vmem>>
      %dma_start3A_799 = tpu.memref_squeeze %dma_start3A_798 : memref<1x128x128xf32, #tpu.memory_space<vmem>> -> memref<128x128xf32, #tpu.memory_space<vmem>>
      tpu.enqueue_dma source(%dma_start3A_799 : memref<128x128xf32, #tpu.memory_space<vmem>>) target(%dma_start3A_795 : memref<128x128xf32, #tpu.memory_space<hbm>>) target_semaphore(%arg14 : memref<!tpu.dma_semaphore, #tpu.memory_space<semaphore_mem>>)
      %dma_wait3A_800 = arith.constant 1 : i32
      %dma_wait3A_801 = arith.constant 0 : i32
      %dma_wait3A_802 = arith.constant 0 : i32
      %dma_wait3A_803 = tpu.memref_slice %arg6[%dma_wait3A_800, %dma_wait3A_801, %dma_wait3A_802] : memref<4x128x128xf32, #tpu.memory_space<vmem>> -> memref<1x128x128xf32, #tpu.memory_space<vmem>>
      %dma_wait3A_804 = tpu.memref_squeeze %dma_wait3A_803 : memref<1x128x128xf32, #tpu.memory_space<vmem>> -> memref<128x128xf32, #tpu.memory_space<vmem>>
      %dma_wait3A_805 = arith.constant 0 : i32
      %dma_wait3A_806 = arith.constant 0 : i32
      %dma_wait3A_807 = tpu.memref_slice %arg4[%dma_wait3A_805, %dma_wait3A_806] : memref<3276800x128xf32, #tpu.memory_space<hbm>> -> memref<128x128xf32, #tpu.memory_space<hbm>>
      %dma_wait3A_808 = arith.constant 0 : i32
      %dma_wait3A_809 = arith.constant 0 : i32
      %dma_wait3A_810 = tpu.memref_slice %arg6[%dma_wait3A_800, %dma_wait3A_808, %dma_wait3A_809] : memref<4x128x128xf32, #tpu.memory_space<vmem>> -> memref<1x128x128xf32, #tpu.memory_space<vmem>>
      %dma_wait3A_811 = tpu.memref_squeeze %dma_wait3A_810 : memref<1x128x128xf32, #tpu.memory_space<vmem>> -> memref<128x128xf32, #tpu.memory_space<vmem>>
      %dma_wait3A_812 = arith.constant 0 : i32
      %dma_wait3A_813 = arith.constant 0 : i32
      %dma_wait3A_814 = tpu.memref_slice %arg4[%dma_wait3A_812, %dma_wait3A_813] : memref<3276800x128xf32, #tpu.memory_space<hbm>> -> memref<128x128xf32, #tpu.memory_space<hbm>>
      tpu.wait_dma2 semaphore(%arg13 : memref<!tpu.dma_semaphore, #tpu.memory_space<semaphore_mem>>) src(%dma_wait3A_814 : memref<128x128xf32, #tpu.memory_space<hbm>>) dst(%dma_wait3A_811 : memref<128x128xf32, #tpu.memory_space<vmem>>)
      %dma_start3A_815 = arith.constant 5 : i32
      %dma_start3A_816 = arith.constant 1 : i32
      %dma_start3A_817 = arith.constant 0 : i32
      %dma_start3A_818 = arith.constant 0 : i32
      %dma_start3A_819 = tpu.memref_slice %arg6[%dma_start3A_816, %dma_start3A_817, %dma_start3A_818] : memref<4x128x128xf32, #tpu.memory_space<vmem>> -> memref<1x128x128xf32, #tpu.memory_space<vmem>>
      %dma_start3A_820 = tpu.memref_squeeze %dma_start3A_819 : memref<1x128x128xf32, #tpu.memory_space<vmem>> -> memref<128x128xf32, #tpu.memory_space<vmem>>
      %dma_start3A_821 = arith.constant 0 : i32
      %dma_start3A_822 = tpu.memref_slice %arg5[%rem3A_477, %dma_start3A_815, %dma_start3A_821] : memref<2x8x128xi32, #tpu.memory_space<vmem>> -> memref<1x1x128xi32, #tpu.memory_space<vmem>>
      %dma_start3A_823 = tpu.memref_squeeze %dma_start3A_822 : memref<1x1x128xi32, #tpu.memory_space<vmem>> -> memref<128xi32, #tpu.memory_space<vmem>>
      %dma_start3A_824 = arith.constant 0 : i32
      %dma_start3A_825 = arith.constant 0 : i32
      %dma_start3A_826 = tpu.memref_slice %arg7[%dma_start3A_824, %dma_start3A_825] : memref<3072x128xf32, #tpu.memory_space<vmem_shared>> -> memref<3072x128xf32, #tpu.memory_space<vmem_shared>>
      tpu.enqueue_indirect_dma source(%dma_start3A_826 : memref<3072x128xf32, #tpu.memory_space<vmem_shared>>) target(%dma_start3A_820 : memref<128x128xf32, #tpu.memory_space<vmem>>) offsets(%dma_start3A_823 : memref<128xi32, #tpu.memory_space<vmem>>) semaphore(%arg9 : memref<!tpu.dma_semaphore, #tpu.memory_space<semaphore_mem>>)
      %mul3A_827 = arith.constant 8 : i32
      %mul3A_828 = arith.muli %scan3A_476, %mul3A_827 : i32
      %add3A_829 = arith.constant 5 : i32
      %add3A_830 = arith.addi %mul3A_828, %add3A_829 : i32
      %sub3A_831 = arith.constant 2 : i32
      %sub3A_832 = arith.subi %add3A_830, %sub3A_831 : i32
      %dma_wait3A_833 = arith.constant 3 : i32
      %dma_wait3A_834 = arith.constant 0 : i32
      %dma_wait3A_835 = arith.constant 0 : i32
      %dma_wait3A_836 = tpu.memref_slice %arg6[%dma_wait3A_833, %dma_wait3A_834, %dma_wait3A_835] : memref<4x128x128xf32, #tpu.memory_space<vmem>> -> memref<1x128x128xf32, #tpu.memory_space<vmem>>
      %dma_wait3A_837 = tpu.memref_squeeze %dma_wait3A_836 : memref<1x128x128xf32, #tpu.memory_space<vmem>> -> memref<128x128xf32, #tpu.memory_space<vmem>>
      %dma_wait3A_838 = arith.constant 0 : i32
      %dma_wait3A_839 = arith.constant 0 : i32
      %dma_wait3A_840 = tpu.memref_slice %arg4[%dma_wait3A_838, %dma_wait3A_839] : memref<3276800x128xf32, #tpu.memory_space<hbm>> -> memref<128x128xf32, #tpu.memory_space<hbm>>
      %dma_wait3A_841 = arith.constant 0 : i32
      %dma_wait3A_842 = arith.constant 0 : i32
      %dma_wait3A_843 = tpu.memref_slice %arg6[%dma_wait3A_833, %dma_wait3A_841, %dma_wait3A_842] : memref<4x128x128xf32, #tpu.memory_space<vmem>> -> memref<1x128x128xf32, #tpu.memory_space<vmem>>
      %dma_wait3A_844 = tpu.memref_squeeze %dma_wait3A_843 : memref<1x128x128xf32, #tpu.memory_space<vmem>> -> memref<128x128xf32, #tpu.memory_space<vmem>>
      %dma_wait3A_845 = arith.constant 0 : i32
      %dma_wait3A_846 = arith.constant 0 : i32
      %dma_wait3A_847 = tpu.memref_slice %arg4[%dma_wait3A_845, %dma_wait3A_846] : memref<3276800x128xf32, #tpu.memory_space<hbm>> -> memref<128x128xf32, #tpu.memory_space<hbm>>
      tpu.wait_dma2 semaphore(%arg11 : memref<!tpu.dma_semaphore, #tpu.memory_space<semaphore_mem>>) src(%dma_wait3A_847 : memref<128x128xf32, #tpu.memory_space<hbm>>) dst(%dma_wait3A_844 : memref<128x128xf32, #tpu.memory_space<vmem>>)
      %mul3A_848 = arith.constant 128 : i32
      %mul3A_849 = arith.muli %sub3A_832, %mul3A_848 : i32
      %add3A_850 = arith.addi %mul3A_2, %mul3A_849 : i32
      %dma_start3A_851 = arith.constant 3 : i32
      %dma_start3A_852 = arith.constant 0 : i32
      %dma_start3A_853 = arith.constant 0 : i32
      %dma_start3A_854 = tpu.memref_slice %arg6[%dma_start3A_851, %dma_start3A_852, %dma_start3A_853] : memref<4x128x128xf32, #tpu.memory_space<vmem>> -> memref<1x128x128xf32, #tpu.memory_space<vmem>>
      %dma_start3A_855 = tpu.memref_squeeze %dma_start3A_854 : memref<1x128x128xf32, #tpu.memory_space<vmem>> -> memref<128x128xf32, #tpu.memory_space<vmem>>
      %dma_start3A_856 = arith.constant 0 : i32
      %dma_start3A_857 = tpu.memref_slice %arg4[%add3A_850, %dma_start3A_856] : memref<3276800x128xf32, #tpu.memory_space<hbm>> -> memref<128x128xf32, #tpu.memory_space<hbm>>
      %dma_start3A_858 = arith.constant 0 : i32
      %dma_start3A_859 = tpu.memref_slice %arg4[%add3A_850, %dma_start3A_858] : memref<3276800x128xf32, #tpu.memory_space<hbm>> -> memref<128x128xf32, #tpu.memory_space<hbm>>
      %dma_start3A_860 = arith.constant 0 : i32
      %dma_start3A_861 = arith.constant 0 : i32
      %dma_start3A_862 = tpu.memref_slice %arg6[%dma_start3A_851, %dma_start3A_860, %dma_start3A_861] : memref<4x128x128xf32, #tpu.memory_space<vmem>> -> memref<1x128x128xf32, #tpu.memory_space<vmem>>
      %dma_start3A_863 = tpu.memref_squeeze %dma_start3A_862 : memref<1x128x128xf32, #tpu.memory_space<vmem>> -> memref<128x128xf32, #tpu.memory_space<vmem>>
      tpu.enqueue_dma source(%dma_start3A_863 : memref<128x128xf32, #tpu.memory_space<vmem>>) target(%dma_start3A_859 : memref<128x128xf32, #tpu.memory_space<hbm>>) target_semaphore(%arg15 : memref<!tpu.dma_semaphore, #tpu.memory_space<semaphore_mem>>)
      %dma_wait3A_864 = arith.constant 2 : i32
      %dma_wait3A_865 = arith.constant 0 : i32
      %dma_wait3A_866 = arith.constant 0 : i32
      %dma_wait3A_867 = tpu.memref_slice %arg6[%dma_wait3A_864, %dma_wait3A_865, %dma_wait3A_866] : memref<4x128x128xf32, #tpu.memory_space<vmem>> -> memref<1x128x128xf32, #tpu.memory_space<vmem>>
      %dma_wait3A_868 = tpu.memref_squeeze %dma_wait3A_867 : memref<1x128x128xf32, #tpu.memory_space<vmem>> -> memref<128x128xf32, #tpu.memory_space<vmem>>
      %dma_wait3A_869 = arith.constant 0 : i32
      %dma_wait3A_870 = arith.constant 0 : i32
      %dma_wait3A_871 = tpu.memref_slice %arg4[%dma_wait3A_869, %dma_wait3A_870] : memref<3276800x128xf32, #tpu.memory_space<hbm>> -> memref<128x128xf32, #tpu.memory_space<hbm>>
      %dma_wait3A_872 = arith.constant 0 : i32
      %dma_wait3A_873 = arith.constant 0 : i32
      %dma_wait3A_874 = tpu.memref_slice %arg6[%dma_wait3A_864, %dma_wait3A_872, %dma_wait3A_873] : memref<4x128x128xf32, #tpu.memory_space<vmem>> -> memref<1x128x128xf32, #tpu.memory_space<vmem>>
      %dma_wait3A_875 = tpu.memref_squeeze %dma_wait3A_874 : memref<1x128x128xf32, #tpu.memory_space<vmem>> -> memref<128x128xf32, #tpu.memory_space<vmem>>
      %dma_wait3A_876 = arith.constant 0 : i32
      %dma_wait3A_877 = arith.constant 0 : i32
      %dma_wait3A_878 = tpu.memref_slice %arg4[%dma_wait3A_876, %dma_wait3A_877] : memref<3276800x128xf32, #tpu.memory_space<hbm>> -> memref<128x128xf32, #tpu.memory_space<hbm>>
      tpu.wait_dma2 semaphore(%arg14 : memref<!tpu.dma_semaphore, #tpu.memory_space<semaphore_mem>>) src(%dma_wait3A_878 : memref<128x128xf32, #tpu.memory_space<hbm>>) dst(%dma_wait3A_875 : memref<128x128xf32, #tpu.memory_space<vmem>>)
      %dma_start3A_879 = arith.constant 6 : i32
      %dma_start3A_880 = arith.constant 2 : i32
      %dma_start3A_881 = arith.constant 0 : i32
      %dma_start3A_882 = arith.constant 0 : i32
      %dma_start3A_883 = tpu.memref_slice %arg6[%dma_start3A_880, %dma_start3A_881, %dma_start3A_882] : memref<4x128x128xf32, #tpu.memory_space<vmem>> -> memref<1x128x128xf32, #tpu.memory_space<vmem>>
      %dma_start3A_884 = tpu.memref_squeeze %dma_start3A_883 : memref<1x128x128xf32, #tpu.memory_space<vmem>> -> memref<128x128xf32, #tpu.memory_space<vmem>>
      %dma_start3A_885 = arith.constant 0 : i32
      %dma_start3A_886 = tpu.memref_slice %arg5[%rem3A_477, %dma_start3A_879, %dma_start3A_885] : memref<2x8x128xi32, #tpu.memory_space<vmem>> -> memref<1x1x128xi32, #tpu.memory_space<vmem>>
      %dma_start3A_887 = tpu.memref_squeeze %dma_start3A_886 : memref<1x1x128xi32, #tpu.memory_space<vmem>> -> memref<128xi32, #tpu.memory_space<vmem>>
      %dma_start3A_888 = arith.constant 0 : i32
      %dma_start3A_889 = arith.constant 0 : i32
      %dma_start3A_890 = tpu.memref_slice %arg7[%dma_start3A_888, %dma_start3A_889] : memref<3072x128xf32, #tpu.memory_space<vmem_shared>> -> memref<3072x128xf32, #tpu.memory_space<vmem_shared>>
      tpu.enqueue_indirect_dma source(%dma_start3A_890 : memref<3072x128xf32, #tpu.memory_space<vmem_shared>>) target(%dma_start3A_884 : memref<128x128xf32, #tpu.memory_space<vmem>>) offsets(%dma_start3A_887 : memref<128xi32, #tpu.memory_space<vmem>>) semaphore(%arg10 : memref<!tpu.dma_semaphore, #tpu.memory_space<semaphore_mem>>)
      %mul3A_891 = arith.constant 8 : i32
      %mul3A_892 = arith.muli %scan3A_476, %mul3A_891 : i32
      %add3A_893 = arith.constant 6 : i32
      %add3A_894 = arith.addi %mul3A_892, %add3A_893 : i32
      %sub3A_895 = arith.constant 2 : i32
      %sub3A_896 = arith.subi %add3A_894, %sub3A_895 : i32
      %dma_wait3A_897 = arith.constant 0 : i32
      %dma_wait3A_898 = arith.constant 0 : i32
      %dma_wait3A_899 = arith.constant 0 : i32
      %dma_wait3A_900 = tpu.memref_slice %arg6[%dma_wait3A_897, %dma_wait3A_898, %dma_wait3A_899] : memref<4x128x128xf32, #tpu.memory_space<vmem>> -> memref<1x128x128xf32, #tpu.memory_space<vmem>>
      %dma_wait3A_901 = tpu.memref_squeeze %dma_wait3A_900 : memref<1x128x128xf32, #tpu.memory_space<vmem>> -> memref<128x128xf32, #tpu.memory_space<vmem>>
      %dma_wait3A_902 = arith.constant 0 : i32
      %dma_wait3A_903 = arith.constant 0 : i32
      %dma_wait3A_904 = tpu.memref_slice %arg4[%dma_wait3A_902, %dma_wait3A_903] : memref<3276800x128xf32, #tpu.memory_space<hbm>> -> memref<128x128xf32, #tpu.memory_space<hbm>>
      %dma_wait3A_905 = arith.constant 0 : i32
      %dma_wait3A_906 = arith.constant 0 : i32
      %dma_wait3A_907 = tpu.memref_slice %arg6[%dma_wait3A_897, %dma_wait3A_905, %dma_wait3A_906] : memref<4x128x128xf32, #tpu.memory_space<vmem>> -> memref<1x128x128xf32, #tpu.memory_space<vmem>>
      %dma_wait3A_908 = tpu.memref_squeeze %dma_wait3A_907 : memref<1x128x128xf32, #tpu.memory_space<vmem>> -> memref<128x128xf32, #tpu.memory_space<vmem>>
      %dma_wait3A_909 = arith.constant 0 : i32
      %dma_wait3A_910 = arith.constant 0 : i32
      %dma_wait3A_911 = tpu.memref_slice %arg4[%dma_wait3A_909, %dma_wait3A_910] : memref<3276800x128xf32, #tpu.memory_space<hbm>> -> memref<128x128xf32, #tpu.memory_space<hbm>>
      tpu.wait_dma2 semaphore(%arg8 : memref<!tpu.dma_semaphore, #tpu.memory_space<semaphore_mem>>) src(%dma_wait3A_911 : memref<128x128xf32, #tpu.memory_space<hbm>>) dst(%dma_wait3A_908 : memref<128x128xf32, #tpu.memory_space<vmem>>)
      %mul3A_912 = arith.constant 128 : i32
      %mul3A_913 = arith.muli %sub3A_896, %mul3A_912 : i32
      %add3A_914 = arith.addi %mul3A_2, %mul3A_913 : i32
      %dma_start3A_915 = arith.constant 0 : i32
      %dma_start3A_916 = arith.constant 0 : i32
      %dma_start3A_917 = arith.constant 0 : i32
      %dma_start3A_918 = tpu.memref_slice %arg6[%dma_start3A_915, %dma_start3A_916, %dma_start3A_917] : memref<4x128x128xf32, #tpu.memory_space<vmem>> -> memref<1x128x128xf32, #tpu.memory_space<vmem>>
      %dma_start3A_919 = tpu.memref_squeeze %dma_start3A_918 : memref<1x128x128xf32, #tpu.memory_space<vmem>> -> memref<128x128xf32, #tpu.memory_space<vmem>>
      %dma_start3A_920 = arith.constant 0 : i32
      %dma_start3A_921 = tpu.memref_slice %arg4[%add3A_914, %dma_start3A_920] : memref<3276800x128xf32, #tpu.memory_space<hbm>> -> memref<128x128xf32, #tpu.memory_space<hbm>>
      %dma_start3A_922 = arith.constant 0 : i32
      %dma_start3A_923 = tpu.memref_slice %arg4[%add3A_914, %dma_start3A_922] : memref<3276800x128xf32, #tpu.memory_space<hbm>> -> memref<128x128xf32, #tpu.memory_space<hbm>>
      %dma_start3A_924 = arith.constant 0 : i32
      %dma_start3A_925 = arith.constant 0 : i32
      %dma_start3A_926 = tpu.memref_slice %arg6[%dma_start3A_915, %dma_start3A_924, %dma_start3A_925] : memref<4x128x128xf32, #tpu.memory_space<vmem>> -> memref<1x128x128xf32, #tpu.memory_space<vmem>>
      %dma_start3A_927 = tpu.memref_squeeze %dma_start3A_926 : memref<1x128x128xf32, #tpu.memory_space<vmem>> -> memref<128x128xf32, #tpu.memory_space<vmem>>
      tpu.enqueue_dma source(%dma_start3A_927 : memref<128x128xf32, #tpu.memory_space<vmem>>) target(%dma_start3A_923 : memref<128x128xf32, #tpu.memory_space<hbm>>) target_semaphore(%arg12 : memref<!tpu.dma_semaphore, #tpu.memory_space<semaphore_mem>>)
      %dma_wait3A_928 = arith.constant 3 : i32
      %dma_wait3A_929 = arith.constant 0 : i32
      %dma_wait3A_930 = arith.constant 0 : i32
      %dma_wait3A_931 = tpu.memref_slice %arg6[%dma_wait3A_928, %dma_wait3A_929, %dma_wait3A_930] : memref<4x128x128xf32, #tpu.memory_space<vmem>> -> memref<1x128x128xf32, #tpu.memory_space<vmem>>
      %dma_wait3A_932 = tpu.memref_squeeze %dma_wait3A_931 : memref<1x128x128xf32, #tpu.memory_space<vmem>> -> memref<128x128xf32, #tpu.memory_space<vmem>>
      %dma_wait3A_933 = arith.constant 0 : i32
      %dma_wait3A_934 = arith.constant 0 : i32
      %dma_wait3A_935 = tpu.memref_slice %arg4[%dma_wait3A_933, %dma_wait3A_934] : memref<3276800x128xf32, #tpu.memory_space<hbm>> -> memref<128x128xf32, #tpu.memory_space<hbm>>
      %dma_wait3A_936 = arith.constant 0 : i32
      %dma_wait3A_937 = arith.constant 0 : i32
      %dma_wait3A_938 = tpu.memref_slice %arg6[%dma_wait3A_928, %dma_wait3A_936, %dma_wait3A_937] : memref<4x128x128xf32, #tpu.memory_space<vmem>> -> memref<1x128x128xf32, #tpu.memory_space<vmem>>
      %dma_wait3A_939 = tpu.memref_squeeze %dma_wait3A_938 : memref<1x128x128xf32, #tpu.memory_space<vmem>> -> memref<128x128xf32, #tpu.memory_space<vmem>>
      %dma_wait3A_940 = arith.constant 0 : i32
      %dma_wait3A_941 = arith.constant 0 : i32
      %dma_wait3A_942 = tpu.memref_slice %arg4[%dma_wait3A_940, %dma_wait3A_941] : memref<3276800x128xf32, #tpu.memory_space<hbm>> -> memref<128x128xf32, #tpu.memory_space<hbm>>
      tpu.wait_dma2 semaphore(%arg15 : memref<!tpu.dma_semaphore, #tpu.memory_space<semaphore_mem>>) src(%dma_wait3A_942 : memref<128x128xf32, #tpu.memory_space<hbm>>) dst(%dma_wait3A_939 : memref<128x128xf32, #tpu.memory_space<vmem>>)
      %dma_start3A_943 = arith.constant 7 : i32
      %dma_start3A_944 = arith.constant 3 : i32
      %dma_start3A_945 = arith.constant 0 : i32
      %dma_start3A_946 = arith.constant 0 : i32
      %dma_start3A_947 = tpu.memref_slice %arg6[%dma_start3A_944, %dma_start3A_945, %dma_start3A_946] : memref<4x128x128xf32, #tpu.memory_space<vmem>> -> memref<1x128x128xf32, #tpu.memory_space<vmem>>
      %dma_start3A_948 = tpu.memref_squeeze %dma_start3A_947 : memref<1x128x128xf32, #tpu.memory_space<vmem>> -> memref<128x128xf32, #tpu.memory_space<vmem>>
      %dma_start3A_949 = arith.constant 0 : i32
      %dma_start3A_950 = tpu.memref_slice %arg5[%rem3A_477, %dma_start3A_943, %dma_start3A_949] : memref<2x8x128xi32, #tpu.memory_space<vmem>> -> memref<1x1x128xi32, #tpu.memory_space<vmem>>
      %dma_start3A_951 = tpu.memref_squeeze %dma_start3A_950 : memref<1x1x128xi32, #tpu.memory_space<vmem>> -> memref<128xi32, #tpu.memory_space<vmem>>
      %dma_start3A_952 = arith.constant 0 : i32
      %dma_start3A_953 = arith.constant 0 : i32
      %dma_start3A_954 = tpu.memref_slice %arg7[%dma_start3A_952, %dma_start3A_953] : memref<3072x128xf32, #tpu.memory_space<vmem_shared>> -> memref<3072x128xf32, #tpu.memory_space<vmem_shared>>
      tpu.enqueue_indirect_dma source(%dma_start3A_954 : memref<3072x128xf32, #tpu.memory_space<vmem_shared>>) target(%dma_start3A_948 : memref<128x128xf32, #tpu.memory_space<vmem>>) offsets(%dma_start3A_951 : memref<128xi32, #tpu.memory_space<vmem>>) semaphore(%arg11 : memref<!tpu.dma_semaphore, #tpu.memory_space<semaphore_mem>>)
      %mul3A_955 = arith.constant 8 : i32
      %mul3A_956 = arith.muli %scan3A_476, %mul3A_955 : i32
      %add3A_957 = arith.constant 7 : i32
      %add3A_958 = arith.addi %mul3A_956, %add3A_957 : i32
      %sub3A_959 = arith.constant 2 : i32
      %sub3A_960 = arith.subi %add3A_958, %sub3A_959 : i32
      %dma_wait3A_961 = arith.constant 1 : i32
      %dma_wait3A_962 = arith.constant 0 : i32
      %dma_wait3A_963 = arith.constant 0 : i32
      %dma_wait3A_964 = tpu.memref_slice %arg6[%dma_wait3A_961, %dma_wait3A_962, %dma_wait3A_963] : memref<4x128x128xf32, #tpu.memory_space<vmem>> -> memref<1x128x128xf32, #tpu.memory_space<vmem>>
      %dma_wait3A_965 = tpu.memref_squeeze %dma_wait3A_964 : memref<1x128x128xf32, #tpu.memory_space<vmem>> -> memref<128x128xf32, #tpu.memory_space<vmem>>
      %dma_wait3A_966 = arith.constant 0 : i32
      %dma_wait3A_967 = arith.constant 0 : i32
      %dma_wait3A_968 = tpu.memref_slice %arg4[%dma_wait3A_966, %dma_wait3A_967] : memref<3276800x128xf32, #tpu.memory_space<hbm>> -> memref<128x128xf32, #tpu.memory_space<hbm>>
      %dma_wait3A_969 = arith.constant 0 : i32
      %dma_wait3A_970 = arith.constant 0 : i32
      %dma_wait3A_971 = tpu.memref_slice %arg6[%dma_wait3A_961, %dma_wait3A_969, %dma_wait3A_970] : memref<4x128x128xf32, #tpu.memory_space<vmem>> -> memref<1x128x128xf32, #tpu.memory_space<vmem>>
      %dma_wait3A_972 = tpu.memref_squeeze %dma_wait3A_971 : memref<1x128x128xf32, #tpu.memory_space<vmem>> -> memref<128x128xf32, #tpu.memory_space<vmem>>
      %dma_wait3A_973 = arith.constant 0 : i32
      %dma_wait3A_974 = arith.constant 0 : i32
      %dma_wait3A_975 = tpu.memref_slice %arg4[%dma_wait3A_973, %dma_wait3A_974] : memref<3276800x128xf32, #tpu.memory_space<hbm>> -> memref<128x128xf32, #tpu.memory_space<hbm>>
      tpu.wait_dma2 semaphore(%arg9 : memref<!tpu.dma_semaphore, #tpu.memory_space<semaphore_mem>>) src(%dma_wait3A_975 : memref<128x128xf32, #tpu.memory_space<hbm>>) dst(%dma_wait3A_972 : memref<128x128xf32, #tpu.memory_space<vmem>>)
      %mul3A_976 = arith.constant 128 : i32
      %mul3A_977 = arith.muli %sub3A_960, %mul3A_976 : i32
      %add3A_978 = arith.addi %mul3A_2, %mul3A_977 : i32
      %dma_start3A_979 = arith.constant 1 : i32
      %dma_start3A_980 = arith.constant 0 : i32
      %dma_start3A_981 = arith.constant 0 : i32
      %dma_start3A_982 = tpu.memref_slice %arg6[%dma_start3A_979, %dma_start3A_980, %dma_start3A_981] : memref<4x128x128xf32, #tpu.memory_space<vmem>> -> memref<1x128x128xf32, #tpu.memory_space<vmem>>
      %dma_start3A_983 = tpu.memref_squeeze %dma_start3A_982 : memref<1x128x128xf32, #tpu.memory_space<vmem>> -> memref<128x128xf32, #tpu.memory_space<vmem>>
      %dma_start3A_984 = arith.constant 0 : i32
      %dma_start3A_985 = tpu.memref_slice %arg4[%add3A_978, %dma_start3A_984] : memref<3276800x128xf32, #tpu.memory_space<hbm>> -> memref<128x128xf32, #tpu.memory_space<hbm>>
      %dma_start3A_986 = arith.constant 0 : i32
      %dma_start3A_987 = tpu.memref_slice %arg4[%add3A_978, %dma_start3A_986] : memref<3276800x128xf32, #tpu.memory_space<hbm>> -> memref<128x128xf32, #tpu.memory_space<hbm>>
      %dma_start3A_988 = arith.constant 0 : i32
      %dma_start3A_989 = arith.constant 0 : i32
      %dma_start3A_990 = tpu.memref_slice %arg6[%dma_start3A_979, %dma_start3A_988, %dma_start3A_989] : memref<4x128x128xf32, #tpu.memory_space<vmem>> -> memref<1x128x128xf32, #tpu.memory_space<vmem>>
      %dma_start3A_991 = tpu.memref_squeeze %dma_start3A_990 : memref<1x128x128xf32, #tpu.memory_space<vmem>> -> memref<128x128xf32, #tpu.memory_space<vmem>>
      tpu.enqueue_dma source(%dma_start3A_991 : memref<128x128xf32, #tpu.memory_space<vmem>>) target(%dma_start3A_987 : memref<128x128xf32, #tpu.memory_space<hbm>>) target_semaphore(%arg13 : memref<!tpu.dma_semaphore, #tpu.memory_space<semaphore_mem>>)
    }
    %scan3A_355 = arith.constant 99 : i32
    %dma_wait3A_356 = arith.constant 2 : i32
    %dma_wait3A_357 = arith.constant 0 : i32
    %dma_wait3A_358 = arith.constant 0 : i32
    %dma_wait3A_359 = tpu.memref_slice %arg6[%dma_wait3A_356, %dma_wait3A_357, %dma_wait3A_358] : memref<4x128x128xf32, #tpu.memory_space<vmem>> -> memref<1x128x128xf32, #tpu.memory_space<vmem>>
    %dma_wait3A_360 = tpu.memref_squeeze %dma_wait3A_359 : memref<1x128x128xf32, #tpu.memory_space<vmem>> -> memref<128x128xf32, #tpu.memory_space<vmem>>
    %dma_wait3A_361 = arith.constant 0 : i32
    %dma_wait3A_362 = arith.constant 0 : i32
    %dma_wait3A_363 = tpu.memref_slice %arg4[%dma_wait3A_361, %dma_wait3A_362] : memref<3276800x128xf32, #tpu.memory_space<hbm>> -> memref<128x128xf32, #tpu.memory_space<hbm>>
    %dma_wait3A_364 = arith.constant 0 : i32
    %dma_wait3A_365 = arith.constant 0 : i32
    %dma_wait3A_366 = tpu.memref_slice %arg6[%dma_wait3A_356, %dma_wait3A_364, %dma_wait3A_365] : memref<4x128x128xf32, #tpu.memory_space<vmem>> -> memref<1x128x128xf32, #tpu.memory_space<vmem>>
    %dma_wait3A_367 = tpu.memref_squeeze %dma_wait3A_366 : memref<1x128x128xf32, #tpu.memory_space<vmem>> -> memref<128x128xf32, #tpu.memory_space<vmem>>
    %dma_wait3A_368 = arith.constant 0 : i32
    %dma_wait3A_369 = arith.constant 0 : i32
    %dma_wait3A_370 = tpu.memref_slice %arg4[%dma_wait3A_368, %dma_wait3A_369] : memref<3276800x128xf32, #tpu.memory_space<hbm>> -> memref<128x128xf32, #tpu.memory_space<hbm>>
    tpu.wait_dma2 semaphore(%arg10 : memref<!tpu.dma_semaphore, #tpu.memory_space<semaphore_mem>>) src(%dma_wait3A_370 : memref<128x128xf32, #tpu.memory_space<hbm>>) dst(%dma_wait3A_367 : memref<128x128xf32, #tpu.memory_space<vmem>>)
    %add3A_371 = arith.constant 102144 : i32
    %add3A_372 = arith.addi %mul3A_2, %add3A_371 : i32
    %dma_start3A_373 = arith.constant 2 : i32
    %dma_start3A_374 = arith.constant 0 : i32
    %dma_start3A_375 = arith.constant 0 : i32
    %dma_start3A_376 = tpu.memref_slice %arg6[%dma_start3A_373, %dma_start3A_374, %dma_start3A_375] : memref<4x128x128xf32, #tpu.memory_space<vmem>> -> memref<1x128x128xf32, #tpu.memory_space<vmem>>
    %dma_start3A_377 = tpu.memref_squeeze %dma_start3A_376 : memref<1x128x128xf32, #tpu.memory_space<vmem>> -> memref<128x128xf32, #tpu.memory_space<vmem>>
    %dma_start3A_378 = arith.constant 0 : i32
    %dma_start3A_379 = tpu.memref_slice %arg4[%add3A_372, %dma_start3A_378] : memref<3276800x128xf32, #tpu.memory_space<hbm>> -> memref<128x128xf32, #tpu.memory_space<hbm>>
    %dma_start3A_380 = arith.constant 0 : i32
    %dma_start3A_381 = tpu.memref_slice %arg4[%add3A_372, %dma_start3A_380] : memref<3276800x128xf32, #tpu.memory_space<hbm>> -> memref<128x128xf32, #tpu.memory_space<hbm>>
    %dma_start3A_382 = arith.constant 0 : i32
    %dma_start3A_383 = arith.constant 0 : i32
    %dma_start3A_384 = tpu.memref_slice %arg6[%dma_start3A_373, %dma_start3A_382, %dma_start3A_383] : memref<4x128x128xf32, #tpu.memory_space<vmem>> -> memref<1x128x128xf32, #tpu.memory_space<vmem>>
    %dma_start3A_385 = tpu.memref_squeeze %dma_start3A_384 : memref<1x128x128xf32, #tpu.memory_space<vmem>> -> memref<128x128xf32, #tpu.memory_space<vmem>>
    tpu.enqueue_dma source(%dma_start3A_385 : memref<128x128xf32, #tpu.memory_space<vmem>>) target(%dma_start3A_381 : memref<128x128xf32, #tpu.memory_space<hbm>>) target_semaphore(%arg14 : memref<!tpu.dma_semaphore, #tpu.memory_space<semaphore_mem>>)
    %dma_wait3A_386 = arith.constant 3 : i32
    %dma_wait3A_387 = arith.constant 0 : i32
    %dma_wait3A_388 = arith.constant 0 : i32
    %dma_wait3A_389 = tpu.memref_slice %arg6[%dma_wait3A_386, %dma_wait3A_387, %dma_wait3A_388] : memref<4x128x128xf32, #tpu.memory_space<vmem>> -> memref<1x128x128xf32, #tpu.memory_space<vmem>>
    %dma_wait3A_390 = tpu.memref_squeeze %dma_wait3A_389 : memref<1x128x128xf32, #tpu.memory_space<vmem>> -> memref<128x128xf32, #tpu.memory_space<vmem>>
    %dma_wait3A_391 = arith.constant 0 : i32
    %dma_wait3A_392 = arith.constant 0 : i32
    %dma_wait3A_393 = tpu.memref_slice %arg4[%dma_wait3A_391, %dma_wait3A_392] : memref<3276800x128xf32, #tpu.memory_space<hbm>> -> memref<128x128xf32, #tpu.memory_space<hbm>>
    %dma_wait3A_394 = arith.constant 0 : i32
    %dma_wait3A_395 = arith.constant 0 : i32
    %dma_wait3A_396 = tpu.memref_slice %arg6[%dma_wait3A_386, %dma_wait3A_394, %dma_wait3A_395] : memref<4x128x128xf32, #tpu.memory_space<vmem>> -> memref<1x128x128xf32, #tpu.memory_space<vmem>>
    %dma_wait3A_397 = tpu.memref_squeeze %dma_wait3A_396 : memref<1x128x128xf32, #tpu.memory_space<vmem>> -> memref<128x128xf32, #tpu.memory_space<vmem>>
    %dma_wait3A_398 = arith.constant 0 : i32
    %dma_wait3A_399 = arith.constant 0 : i32
    %dma_wait3A_400 = tpu.memref_slice %arg4[%dma_wait3A_398, %dma_wait3A_399] : memref<3276800x128xf32, #tpu.memory_space<hbm>> -> memref<128x128xf32, #tpu.memory_space<hbm>>
    tpu.wait_dma2 semaphore(%arg11 : memref<!tpu.dma_semaphore, #tpu.memory_space<semaphore_mem>>) src(%dma_wait3A_400 : memref<128x128xf32, #tpu.memory_space<hbm>>) dst(%dma_wait3A_397 : memref<128x128xf32, #tpu.memory_space<vmem>>)
    %add3A_401 = arith.constant 102272 : i32
    %add3A_402 = arith.addi %mul3A_2, %add3A_401 : i32
    %dma_start3A_403 = arith.constant 3 : i32
    %dma_start3A_404 = arith.constant 0 : i32
    %dma_start3A_405 = arith.constant 0 : i32
    %dma_start3A_406 = tpu.memref_slice %arg6[%dma_start3A_403, %dma_start3A_404, %dma_start3A_405] : memref<4x128x128xf32, #tpu.memory_space<vmem>> -> memref<1x128x128xf32, #tpu.memory_space<vmem>>
    %dma_start3A_407 = tpu.memref_squeeze %dma_start3A_406 : memref<1x128x128xf32, #tpu.memory_space<vmem>> -> memref<128x128xf32, #tpu.memory_space<vmem>>
    %dma_start3A_408 = arith.constant 0 : i32
    %dma_start3A_409 = tpu.memref_slice %arg4[%add3A_402, %dma_start3A_408] : memref<3276800x128xf32, #tpu.memory_space<hbm>> -> memref<128x128xf32, #tpu.memory_space<hbm>>
    %dma_start3A_410 = arith.constant 0 : i32
    %dma_start3A_411 = tpu.memref_slice %arg4[%add3A_402, %dma_start3A_410] : memref<3276800x128xf32, #tpu.memory_space<hbm>> -> memref<128x128xf32, #tpu.memory_space<hbm>>
    %dma_start3A_412 = arith.constant 0 : i32
    %dma_start3A_413 = arith.constant 0 : i32
    %dma_start3A_414 = tpu.memref_slice %arg6[%dma_start3A_403, %dma_start3A_412, %dma_start3A_413] : memref<4x128x128xf32, #tpu.memory_space<vmem>> -> memref<1x128x128xf32, #tpu.memory_space<vmem>>
    %dma_start3A_415 = tpu.memref_squeeze %dma_start3A_414 : memref<1x128x128xf32, #tpu.memory_space<vmem>> -> memref<128x128xf32, #tpu.memory_space<vmem>>
    tpu.enqueue_dma source(%dma_start3A_415 : memref<128x128xf32, #tpu.memory_space<vmem>>) target(%dma_start3A_411 : memref<128x128xf32, #tpu.memory_space<hbm>>) target_semaphore(%arg15 : memref<!tpu.dma_semaphore, #tpu.memory_space<semaphore_mem>>)
    %dma_wait3A_416 = arith.constant 0 : i32
    %dma_wait3A_417 = arith.constant 0 : i32
    %dma_wait3A_418 = arith.constant 0 : i32
    %dma_wait3A_419 = tpu.memref_slice %arg6[%dma_wait3A_416, %dma_wait3A_417, %dma_wait3A_418] : memref<4x128x128xf32, #tpu.memory_space<vmem>> -> memref<1x128x128xf32, #tpu.memory_space<vmem>>
    %dma_wait3A_420 = tpu.memref_squeeze %dma_wait3A_419 : memref<1x128x128xf32, #tpu.memory_space<vmem>> -> memref<128x128xf32, #tpu.memory_space<vmem>>
    %dma_wait3A_421 = arith.constant 0 : i32
    %dma_wait3A_422 = arith.constant 0 : i32
    %dma_wait3A_423 = tpu.memref_slice %arg4[%dma_wait3A_421, %dma_wait3A_422] : memref<3276800x128xf32, #tpu.memory_space<hbm>> -> memref<128x128xf32, #tpu.memory_space<hbm>>
    %dma_wait3A_424 = arith.constant 0 : i32
    %dma_wait3A_425 = arith.constant 0 : i32
    %dma_wait3A_426 = tpu.memref_slice %arg6[%dma_wait3A_416, %dma_wait3A_424, %dma_wait3A_425] : memref<4x128x128xf32, #tpu.memory_space<vmem>> -> memref<1x128x128xf32, #tpu.memory_space<vmem>>
    %dma_wait3A_427 = tpu.memref_squeeze %dma_wait3A_426 : memref<1x128x128xf32, #tpu.memory_space<vmem>> -> memref<128x128xf32, #tpu.memory_space<vmem>>
    %dma_wait3A_428 = arith.constant 0 : i32
    %dma_wait3A_429 = arith.constant 0 : i32
    %dma_wait3A_430 = tpu.memref_slice %arg4[%dma_wait3A_428, %dma_wait3A_429] : memref<3276800x128xf32, #tpu.memory_space<hbm>> -> memref<128x128xf32, #tpu.memory_space<hbm>>
    tpu.wait_dma2 semaphore(%arg12 : memref<!tpu.dma_semaphore, #tpu.memory_space<semaphore_mem>>) src(%dma_wait3A_430 : memref<128x128xf32, #tpu.memory_space<hbm>>) dst(%dma_wait3A_427 : memref<128x128xf32, #tpu.memory_space<vmem>>)
    %dma_wait3A_431 = arith.constant 1 : i32
    %dma_wait3A_432 = arith.constant 0 : i32
    %dma_wait3A_433 = arith.constant 0 : i32
    %dma_wait3A_434 = tpu.memref_slice %arg6[%dma_wait3A_431, %dma_wait3A_432, %dma_wait3A_433] : memref<4x128x128xf32, #tpu.memory_space<vmem>> -> memref<1x128x128xf32, #tpu.memory_space<vmem>>
    %dma_wait3A_435 = tpu.memref_squeeze %dma_wait3A_434 : memref<1x128x128xf32, #tpu.memory_space<vmem>> -> memref<128x128xf32, #tpu.memory_space<vmem>>
    %dma_wait3A_436 = arith.constant 0 : i32
    %dma_wait3A_437 = arith.constant 0 : i32
    %dma_wait3A_438 = tpu.memref_slice %arg4[%dma_wait3A_436, %dma_wait3A_437] : memref<3276800x128xf32, #tpu.memory_space<hbm>> -> memref<128x128xf32, #tpu.memory_space<hbm>>
    %dma_wait3A_439 = arith.constant 0 : i32
    %dma_wait3A_440 = arith.constant 0 : i32
    %dma_wait3A_441 = tpu.memref_slice %arg6[%dma_wait3A_431, %dma_wait3A_439, %dma_wait3A_440] : memref<4x128x128xf32, #tpu.memory_space<vmem>> -> memref<1x128x128xf32, #tpu.memory_space<vmem>>
    %dma_wait3A_442 = tpu.memref_squeeze %dma_wait3A_441 : memref<1x128x128xf32, #tpu.memory_space<vmem>> -> memref<128x128xf32, #tpu.memory_space<vmem>>
    %dma_wait3A_443 = arith.constant 0 : i32
    %dma_wait3A_444 = arith.constant 0 : i32
    %dma_wait3A_445 = tpu.memref_slice %arg4[%dma_wait3A_443, %dma_wait3A_444] : memref<3276800x128xf32, #tpu.memory_space<hbm>> -> memref<128x128xf32, #tpu.memory_space<hbm>>
    tpu.wait_dma2 semaphore(%arg13 : memref<!tpu.dma_semaphore, #tpu.memory_space<semaphore_mem>>) src(%dma_wait3A_445 : memref<128x128xf32, #tpu.memory_space<hbm>>) dst(%dma_wait3A_442 : memref<128x128xf32, #tpu.memory_space<vmem>>)
    %dma_wait3A_446 = arith.constant 2 : i32
    %dma_wait3A_447 = arith.constant 0 : i32
    %dma_wait3A_448 = arith.constant 0 : i32
    %dma_wait3A_449 = tpu.memref_slice %arg6[%dma_wait3A_446, %dma_wait3A_447, %dma_wait3A_448] : memref<4x128x128xf32, #tpu.memory_space<vmem>> -> memref<1x128x128xf32, #tpu.memory_space<vmem>>
    %dma_wait3A_450 = tpu.memref_squeeze %dma_wait3A_449 : memref<1x128x128xf32, #tpu.memory_space<vmem>> -> memref<128x128xf32, #tpu.memory_space<vmem>>
    %dma_wait3A_451 = arith.constant 0 : i32
    %dma_wait3A_452 = arith.constant 0 : i32
    %dma_wait3A_453 = tpu.memref_slice %arg4[%dma_wait3A_451, %dma_wait3A_452] : memref<3276800x128xf32, #tpu.memory_space<hbm>> -> memref<128x128xf32, #tpu.memory_space<hbm>>
    %dma_wait3A_454 = arith.constant 0 : i32
    %dma_wait3A_455 = arith.constant 0 : i32
    %dma_wait3A_456 = tpu.memref_slice %arg6[%dma_wait3A_446, %dma_wait3A_454, %dma_wait3A_455] : memref<4x128x128xf32, #tpu.memory_space<vmem>> -> memref<1x128x128xf32, #tpu.memory_space<vmem>>
    %dma_wait3A_457 = tpu.memref_squeeze %dma_wait3A_456 : memref<1x128x128xf32, #tpu.memory_space<vmem>> -> memref<128x128xf32, #tpu.memory_space<vmem>>
    %dma_wait3A_458 = arith.constant 0 : i32
    %dma_wait3A_459 = arith.constant 0 : i32
    %dma_wait3A_460 = tpu.memref_slice %arg4[%dma_wait3A_458, %dma_wait3A_459] : memref<3276800x128xf32, #tpu.memory_space<hbm>> -> memref<128x128xf32, #tpu.memory_space<hbm>>
    tpu.wait_dma2 semaphore(%arg14 : memref<!tpu.dma_semaphore, #tpu.memory_space<semaphore_mem>>) src(%dma_wait3A_460 : memref<128x128xf32, #tpu.memory_space<hbm>>) dst(%dma_wait3A_457 : memref<128x128xf32, #tpu.memory_space<vmem>>)
    %dma_wait3A_461 = arith.constant 3 : i32
    %dma_wait3A_462 = arith.constant 0 : i32
    %dma_wait3A_463 = arith.constant 0 : i32
    %dma_wait3A_464 = tpu.memref_slice %arg6[%dma_wait3A_461, %dma_wait3A_462, %dma_wait3A_463] : memref<4x128x128xf32, #tpu.memory_space<vmem>> -> memref<1x128x128xf32, #tpu.memory_space<vmem>>
    %dma_wait3A_465 = tpu.memref_squeeze %dma_wait3A_464 : memref<1x128x128xf32, #tpu.memory_space<vmem>> -> memref<128x128xf32, #tpu.memory_space<vmem>>
    %dma_wait3A_466 = arith.constant 0 : i32
    %dma_wait3A_467 = arith.constant 0 : i32
    %dma_wait3A_468 = tpu.memref_slice %arg4[%dma_wait3A_466, %dma_wait3A_467] : memref<3276800x128xf32, #tpu.memory_space<hbm>> -> memref<128x128xf32, #tpu.memory_space<hbm>>
    %dma_wait3A_469 = arith.constant 0 : i32
    %dma_wait3A_470 = arith.constant 0 : i32
    %dma_wait3A_471 = tpu.memref_slice %arg6[%dma_wait3A_461, %dma_wait3A_469, %dma_wait3A_470] : memref<4x128x128xf32, #tpu.memory_space<vmem>> -> memref<1x128x128xf32, #tpu.memory_space<vmem>>
    %dma_wait3A_472 = tpu.memref_squeeze %dma_wait3A_471 : memref<1x128x128xf32, #tpu.memory_space<vmem>> -> memref<128x128xf32, #tpu.memory_space<vmem>>
    %dma_wait3A_473 = arith.constant 0 : i32
    %dma_wait3A_474 = arith.constant 0 : i32
    %dma_wait3A_475 = tpu.memref_slice %arg4[%dma_wait3A_473, %dma_wait3A_474] : memref<3276800x128xf32, #tpu.memory_space<hbm>> -> memref<128x128xf32, #tpu.memory_space<hbm>>
    tpu.wait_dma2 semaphore(%arg15 : memref<!tpu.dma_semaphore, #tpu.memory_space<semaphore_mem>>) src(%dma_wait3A_475 : memref<128x128xf32, #tpu.memory_space<hbm>>) dst(%dma_wait3A_472 : memref<128x128xf32, #tpu.memory_space<vmem>>)
    return
  }
}

module attributes {stable_mosaic.version = 14 : i64} {
  func.func @_swish_rep_body(%arg0: memref<95x128xf32, #tpu.memory_space<vmem>>, %arg1: memref<32x96x128xf32, #tpu.memory_space<vmem>>) attributes {dimension_semantics = [], scalar_prefetch = 0 : i64, scratch_operands = 0 : i64, tpu.core_type = #tpu.core_type<tc>} {
    %get3A = arith.constant 0 : index
    %get3A_0 = arith.constant 0 : index
    %get3A_1 = vector.load %arg0[%get3A, %get3A_0] : memref<95x128xf32, #tpu.memory_space<vmem>>, vector<95x128xf32>
    %neg3A = arith.constant 0.000000e+00 : f32
    %neg3A_2 = vector.broadcast %neg3A : f32 to vector<95x128xf32>
    %neg3A_3 = arith.subf %neg3A_2, %get3A_1 : vector<95x128xf32>
    %exp3A = math.exp %neg3A_3 : vector<95x128xf32>
    %add3A = arith.constant 1.000000e+00 : f32
    %add3A_4 = vector.broadcast %add3A : f32 to vector<95x128xf32>
    %add3A_5 = arith.addf %add3A_4, %exp3A : vector<95x128xf32>
    %div3A = arith.constant 1.000000e+00 : f32
    %div3A_6 = vector.broadcast %div3A : f32 to vector<95x128xf32>
    %div3A_7 = arith.divf %div3A_6, %add3A_5 : vector<95x128xf32>
    %mul3A = arith.mulf %get3A_1, %div3A_7 : vector<95x128xf32>
    %broadcast_in_dim3A = arith.constant 0.000000e+00 : f32
    %broadcast_in_dim3A_8 = vector.broadcast %broadcast_in_dim3A : f32 to vector<1x128xf32>
    %concatenate3A = tpu.concatenate %mul3A, %broadcast_in_dim3A_8 in 0 : vector<95x128xf32>, vector<1x128xf32> -> vector<96x128xf32>
    %broadcast_in_dim3A_9 = vector.shape_cast %concatenate3A : vector<96x128xf32> to vector<1x96x128xf32>
    %broadcast_in_dim3A_10 = vector.shape_cast %broadcast_in_dim3A_9 : vector<1x96x128xf32> to vector<1x96x128xf32>
    %broadcast_in_dim3A_11 = vector.broadcast %broadcast_in_dim3A_10 : vector<1x96x128xf32> to vector<32x96x128xf32>
    %swap3A = arith.constant 0 : index
    %swap3A_12 = arith.constant 0 : index
    %swap3A_13 = arith.constant 0 : index
    %swap3A_14 = vector.load %arg1[%swap3A, %swap3A_12, %swap3A_13] : memref<32x96x128xf32, #tpu.memory_space<vmem>>, vector<32x96x128xf32>
    tpu.vector_store %arg1[%swap3A, %swap3A_12, %swap3A_13], %broadcast_in_dim3A_11 {strides = array<i32>} : memref<32x96x128xf32, #tpu.memory_space<vmem>>, vector<32x96x128xf32>,
    return
  }
}

</mosaic_0001>

<sc_bundles>
// kernel: kernel.4.cloned.1.call-start
scs
__scs_entry_jumppad:
0x0: {  	(pc) =	sbr.rel $0x88, $3  }
0x1: {  	(tag) =	ssettag $0x0;
	lr =	simm.s32 $0x1  }
0x2: {  	[smem:$0x3F9F] =	sst lr;
	_ =	strace $0xD0000000  }
0x3: {  	_ = 	snop  }
0x4: {  	_ = 	snop  }
0x5: {  	_ = 	snop  }
0x6: {  	_ = 	snop  }
0x7: {  	_ = 	snop  }
__scs_overlays_trampoline_lowered:
0x8: {  	[smem:$0x3FAE] =	sst s0  }
0x9: {  	[smem:$0x3FAF] =	sst s1  }
0xa: {  	[smem:$0x3FB0] =	sst s2  }
0xb: {  	[smem:$0x3FB1] =	sst s3  }
0xc: {  	[smem:$0x3FB2] =	sst s4  }
0xd: {  	[smem:$0x3FB3] =	sst s5  }
0xe: {  	[smem:$0x3FB4] =	sst s6  }
0xf: {  	[smem:$0x3FB5] =	sst s7  }
0x10: {  	[smem:$0x3FB6] =	sst s8  }
0x11: {  	[smem:$0x3FB7] =	sst s9;
	s0 =	simm.s32 @!p0 $0x0  }
0x12: {  	s1 =	sld [smem:$0x3F9D];
	s0 =	simm.s32 @p0 $0x1  }
0x13: {  	[smem:$0x3FB8] =	sst s0;
	s0 =	simm.s32 @!p1 $0x0  }
0x14: {  	s2 =	sld [smem:$0x3F9C];
	s0 =	simm.s32 @p1 $0x1  }
0x15: {  	[smem:$0x3FB9] =	sst s0;
	s0 =	simm.s32 @!p2 $0x0  }
0x16: {  	s3 =	sld [smem:$0x3FDB];
	s0 =	simm.s32 @p2 $0x1  }
0x17: {  	s4 =	simm.s32 $0x1BF5;
	[smem:$0x3FBB] =	sst s0  }
0x18: {  	s0 =	sld [smem:$0x3F9E];
	_ =	swait.ge [sflag:s4], $0x0  }
0x19: {  	s7 =	sld [smem:$0x3F9F]  }
0x1a: {  	s8 =	sadd.s32 $0xFFFFE003, lr  }
0x1b: {  	s9 =	sadd.s32 $0xFFFFFEF7, lr;
	s5 =	simm.s32 $0xFFFFFFFF;
	p2 =	slt.u32 s8, $0xFFFFF086  }
0x1c: {  	p1 =	slt.u32 s9, $0xF7A;
	s5 =	simm.s32 @!p2 $0x0  }
0x1d: {  	s5 =	simm.s32 @p1 $0x1;
	p0 =	seq.s32 s7, s2  }
0x1e: {  	s7 =	smul.u32 @!p0 $0xF7A, s2;
	p2 =	seq.s32 @!p0 s5, $0x0  }
0x1f: {  	s9 =	smul.u32 $0xF7A, s1;
	s8 =	simm.s32 @!p0 $0x1BF5;
	p2 =	por !p2, p0  }
0x20: {  	[sflag:s8] =	ssyncset.s32 @!p0 $0xFFFFF086;
	s6 =	sadd.s32 @!p0 s3, s7;
	s7 =	simm.s32 @!p0 $0x108  }
0x21: {  	s3 =	sadd.s32 s3, s9;
	s6 =	sadd.s32 @!p0 $0x88, s6;
	s7 =	simm.s32 @p2 $0x1082  }
0x22: {  	[simem:s7], [sflag:s8] =	dma.local @!p0 [hbm:s6], $0xF7A  }
0x23: {  	s9 =	sor.u32 $0xD0000000, s2;
	s6 =	simm.s32 $0x108;
	_ =	swait.ge @!p0 [sflag:s8], $0x0  }
0x24: {  	s3 =	sadd.s32 $0x88, s3;
	s6 =	simm.s32 @!p1 $0x1082;
	[sflag:s4] =	ssyncset.s32 $0xFFFFF086  }
0x25: {  	[simem:s6], [sflag:s4] =	dma.local [hbm:s3], $0xF7A  }
0x26: {  	[smem:$0x3F9F] =	sst s1;
	(tag) =	ssettag s2;
	_ =	strace s9  }
0x27: {  	s1 =	sld [smem:$0x3FAF]  }
0x28: {  	s2 =	sld [smem:$0x3FB0]  }
0x29: {  	s4 =	sld [smem:$0x3FB2]  }
0x2a: {  	p0 =	seq.s32 s5, $0x0;
	s5 =	sld [smem:$0x3FB3]  }
0x2b: {  	s6 =	sld [smem:$0x3FB4]  }
0x2c: {  	s7 =	sld [smem:$0x3FB5]  }
0x2d: {  	s3 =	simm.s32 $0x108;
	s8 =	sld [smem:$0x3FB6]  }
0x2e: {  	s3 =	simm.s32 @!p0 $0x1082;
	s9 =	sld [smem:$0x3FB7]  }
0x2f: {  	lr =	sadd.s32 s0, s3;
	s0 =	sld [smem:$0x3FAE]  }
0x30: {  	s3 =	sld [smem:$0x3FB1]  }
0x31: {  	[smem:$0x3FBA] =	sst s10  }
0x32: {  	s10 =	sld [smem:$0x3FB8];
	_ =	sdelay $0x3  }
0x33: {  	p0 =	seq.s32 s10, $0x1;
	s10 =	sld [smem:$0x3FBA];
	_ =	sdelay $0x3  }
0x34: {  	[smem:$0x3FBA] =	sst s10  }
0x35: {  	s10 =	sld [smem:$0x3FB9];
	_ =	sdelay $0x3  }
0x36: {  	p1 =	seq.s32 s10, $0x1;
	s10 =	sld [smem:$0x3FBA];
	_ =	sdelay $0x3  }
0x37: {  	[smem:$0x3FBA] =	sst s10  }
0x38: {  	s10 =	sld [smem:$0x3FBB]  }
0x39: {  	_ = 	snop;
	(pc) =	sbr.ind lr, $3  }
0x3a: {  	_ = 	snop  }
0x3b: {  	_ = 	snop  }
0x3c: {  	p2 =	seq.s32 s10, $0x1;
	s10 =	sld [smem:$0x3FBA]  }
0x3d: {  	_ =	shalt  }
0x3e: {  	_ =	shalt  }
0x3f: {  	_ =	shalt  }
0x40: {  	_ =	shalt  }
0x41: {  	_ =	shalt  }
0x42: {  	_ =	shalt  }
0x43: {  	_ =	shalt  }
0x44: {  	_ =	shalt  }
0x45: {  	_ =	shalt  }
0x46: {  	_ =	shalt  }
0x47: {  	_ =	shalt  }
0x48: {  	_ =	shalt  }
0x49: {  	_ =	shalt  }
0x4a: {  	_ =	shalt  }
0x4b: {  	_ =	shalt  }
0x4c: {  	_ =	shalt  }
0x4d: {  	_ =	shalt  }
0x4e: {  	_ =	shalt  }
0x4f: {  	_ =	shalt  }
0x50: {  	_ =	shalt  }
0x51: {  	_ =	shalt  }
0x52: {  	_ =	shalt  }
0x53: {  	_ =	shalt  }
0x54: {  	_ =	shalt  }
0x55: {  	_ =	shalt  }
0x56: {  	_ =	shalt  }
0x57: {  	_ =	shalt  }
0x58: {  	_ =	shalt  }
0x59: {  	_ =	shalt  }
0x5a: {  	_ =	shalt  }
0x5b: {  	_ =	shalt  }
0x5c: {  	_ =	shalt  }
0x5d: {  	_ =	shalt  }
0x5e: {  	_ =	shalt  }
0x5f: {  	_ =	shalt  }
0x60: {  	_ =	shalt  }
0x61: {  	_ =	shalt  }
0x62: {  	_ =	shalt  }
0x63: {  	_ =	shalt  }
0x64: {  	_ =	shalt  }
0x65: {  	_ =	shalt  }
0x66: {  	_ =	shalt  }
0x67: {  	_ =	shalt  }
0x68: {  	_ =	shalt  }
0x69: {  	_ =	shalt  }
0x6a: {  	_ =	shalt  }
0x6b: {  	_ =	shalt  }
0x6c: {  	_ =	shalt  }
0x6d: {  	_ =	shalt  }
0x6e: {  	_ =	shalt  }
0x6f: {  	_ =	shalt  }
0x70: {  	_ =	shalt  }
0x71: {  	_ =	shalt  }
0x72: {  	_ =	shalt  }
0x73: {  	_ =	shalt  }
0x74: {  	_ =	shalt  }
0x75: {  	_ =	shalt  }
0x76: {  	_ =	shalt  }
0x77: {  	_ =	shalt  }
0x78: {  	_ =	shalt  }
0x79: {  	_ =	shalt  }
0x7a: {  	_ =	shalt  }
0x7b: {  	_ =	shalt  }
0x7c: {  	_ =	shalt  }
0x7d: {  	_ =	shalt  }
0x7e: {  	_ =	shalt  }
0x7f: {  	_ =	shalt  }
0x80: {  	_ =	shalt  }
0x81: {  	_ =	shalt  }
0x82: {  	_ =	shalt  }
0x83: {  	_ =	shalt  }
0x84: {  	_ =	shalt  }
0x85: {  	_ =	shalt  }
0x86: {  	_ =	shalt  }
0x87: {  	_ =	shalt  }
.Lfunc_end0:
.L_simem_size_0:
called_computation_lowered:
.L_overlay_start_0:
0x88: {  	s2 =	sld [smem:$0x3FD9]  }
0x89: {  	s3 =	sld [smem:$0x3FFE];
	_ =	sdelay $0x1  }
0x8a: {  	s1 =	srdreg.scid  }
0x8b: {  	s0 =	sand.u32 $0x1, s1  }
0x8c: {  	s17 =	sshll.u32 s0, $0xA;
	s2 =	sadd.s32 s3, s2  }
0x8d: {  	s2 =	sadd.s32 s2, s17  }
0x8e: {  	[smem:$0x3FC6] =	sst s2  }
0x8f: {  	_ = 	snop  }
0x90: {  	s2 =	sld [smem:$0x3FD0];
	(tm) =	ssettm $0x1  }
0x91: {  	s18 =	sld [smem:$0x3FFB];
	_ =	sdelay $0x3  }
0x92: {  	_ =	strace s18  }
0x93: {  	s3 =	sld [smem:$0x3FFC];
	_ =	sdelay $0x3  }
0x94: {  	_ =	strace s3  }
0x95: {  	s3 =	sld [smem:$0x3FFD];
	_ =	sdelay $0x3  }
0x96: {  	_ =	strace s3  }
0x97: {  	_ =	strace $0x8FFFFFFF  }
0x98: {  	s19 =	sld [smem:$0x3FDB];
	_ =	sdelay $0x1  }
0x99: {  	s4 =	simm.s32 $_scs_section_size  }
0x9a: {  	s5 =	simm.s32 $_size__tile_overlayer_lowered;
	s6 =	simm.s32 $_tile_overlayer_lowered  }
0x9b: {  	s22 =	simm.s32 $0x1BFF;
	s21 =	sshll.u32 s6, $0x1;
	s3 =	sadd.s32 s4, s19  }
0x9c: {  	s7 =	simm.s32 $0x0;
	s20 =	sshll.u32 s5, $0x1;
	s5 =	sadd.s32 s21, s3  }
0x9d: {  	[timem:s7], [sflag:s22] =	dma.local [hbm:s5], s20  }
0x9e: {  	_ =	swait.ge [sflag:s22], s20  }
0x9f: {  	s4 =	ssub.s32 $0x0, s20;
	[sflag:s22] =	ssyncset.done $0x0  }
0xa0: {  	[sflag:s22] =	ssyncadd.s32 s4;
	_ =	sdelay $0x1  }
0xa1: {  	s23 =	simm.s32 $0x1B8B  }
0xa2: {  	_ =	swait.ge [sflag:s23], $0x1  }
0xa3: {  	[sflag:s23] =	ssyncset.done $0x0  }
0xa4: {  	s25 =	simm.s32 $0x1B8E;
	s24 =	sld [smem:$0x3FFE];
	[sflag:s23] =	ssyncadd.s32 $0xFFFFFFFF  }
0xa5: {  	s26 =	simm.s32 $execute0_lowered;
	[smem:$0x3FD2] =	sst s25  }
0xa6: {  	s5 =	sshll.u32 s26, $0x1;
	_ =	strace $0x80000046;
	[dreg:$0x1] =	wrdreg $0xFFFFFFFF  }
0xa7: {  	s28 =	simm.s32 $_size_execute0_lowered;
	s3 =	sadd.s32 s3, s5;
	[dreg:$0x0] =	wrdreg $0x0  }
0xa8: {  	s5 =	sshll.u32 s28, $0x1;
	[dreg:$0x2] =	wrdreg s3  }
0xa9: {  	[dreg:$0x3] =	wrdreg s5  }
0xaa: {  	[dreg:$0x4] =	wrdreg $0xC0  }
0xab: {  	_ =	task [dreg:s7], $0x5FFFF  }
0xac: {  	[dreg:$0x1] =	wrdreg $0xFFFFFFFF  }
0xad: {  	[dreg:$0x0] =	wrdreg $0x60  }
0xae: {  	[dreg:$0x2] =	wrdreg s24  }
0xaf: {  	[dreg:$0x3] =	wrdreg s2  }
0xb0: {  	[dreg:$0x4] =	wrdreg $0x108000  }
0xb1: {  	[dreg:$0x5] =	wrdreg $0x9  }
0xb2: {  	_ =	task.clear_ibuf [dreg:s7], $0x6FFFF;
	_ =	strace $0x90000046  }
0xb3: {  	s29 =	simm.s32 $0x9;
	_ =	strace $0x80000048  }
0xb4: {  	_ =	swait.ge [sflag:s29], $0x1  }
0xb5: {  	[sflag:s29] =	ssyncadd.s32 $0xFFFFFFFF  }
0xb6: {  	_ =	strace $0x90000048  }
0xb7: {  	_ =	sfence  }
0xb8: {  	s30 =	sld [smem:$0x0];
	_ =	sdelay $0x2  }
0xb9: {  	s31 =	sshll.u32 s1, $0xD;
	s1 =	sshrl.u32 s1, $0x2  }
0xba: {  	s3 =	sand.u32 $0x4000, s31;
	s1 =	sadd.s32 s1, s30  }
0xbb: {  	s0 =	sor.u32 s3, s0;
	s1 =	sshll.u32 s1, $0x11  }
0xbc: {  	s0 =	sor.u32 s1, s0  }
0xbd: {  	s0 =	sadd.s32 $0x8F2B, s0  }
0xbe: {  	[sflag:s0] =	ssyncadd.remote.s32 $0x1  }
0xbf: {  	_ =	sfence.sel $0xFFFF  }
0xc0: {  	[dreg:$0x0] =	wrdreg $0xFFFFFFFF;
	(pc) =	sbr.abs _section_cstart, $3  }
0xc1: {  	[dreg:$0x1] =	wrdreg $0xFFFFFFFF  }
0xc2: {  	_ =	task.clear_ibuf [dreg:s7], $0x2FFFF;
	_ =	strace $0x9FFFFFFF  }
0xc3: {  	(tm) =	ssettm $0x7FFFFFFF  }
tec
execute0_lowered:
.L_overlay_start_1:
0x0: {  	(tag) =	ssettag $0x1  }
0x1: {  	s0 =	rddreg [dreg:$0x0]  }
0x2: {  	s3 =	rddreg [dreg:$0x1]  }
0x3: {  	s1 =	rddreg [dreg:$0x2];
	s2 =	simm.s32 $0x0  }
0x4: {  	[smem:$0x7FF] =	sst s2;
	s6 =	sadd.s32 $0x800, s0  }
0x5: {  	s9 =	sadd.s32 $0x1000, s0;
	_ =	strace $0x80000047;
	[dreg:$0x6] =	wrdreg s6  }
0x6: {  	s10 =	sadd.s32 $0x1800, s0;
	[dreg:$0x7] =	wrdreg s9  }
0x7: {  	s19 =	sadd.s32 $0x2000, s0;
	[dreg:$0x8] =	wrdreg s10  }
0x8: {  	s11 =	sadd.s32 $0x2800, s0;
	[dreg:$0x9] =	wrdreg s19  }
0x9: {  	s4 =	srdreg.scid;
	s21 =	sadd.s32 $0x3000, s0;
	[dreg:$0xa] =	wrdreg s11  }
0xa: {  	s28 =	simm.s32 $0x7;
	s22 =	sadd.s32 $0x3800, s0;
	[dreg:$0xb] =	wrdreg s21  }
0xb: {  	s4 =	sand.u32 $0x1, s4;
	s23 =	sadd.s32 $0x4000, s0;
	[dreg:$0xc] =	wrdreg s22  }
0xc: {  	s8 =	sadd.s32 $0xC800, s0;
	s25 =	sadd.s32 $0x4800, s0;
	[dreg:$0xd] =	wrdreg s23  }
0xd: {  	s12 =	sadd.s32 $0x5000, s0;
	s13 =	sadd.s32 $0x5800, s0;
	[dreg:$0xe] =	wrdreg s25  }
0xe: {  	s16 =	sadd.s32 $0x6800, s0;
	s6 =	stileid.u32;
	[dreg:$0xf] =	wrdreg s12  }
0xf: {  	s5 =	ssub.s32 $0x2, s4;
	s20 =	smul.u32 $0xC80000, s4;
	[dreg:$0x10] =	wrdreg s13  }
0x10: {  	s30 =	smul.u32 $0x64, s4;
	s11 =	sadd.s32 $0x6000, s0;
	[dreg:$0x12] =	wrdreg s16  }
0x11: {  	s21 =	sadd.s32 $0x8000, s0;
	s22 =	sadd.s32 $0x8800, s0;
	[dreg:$0x11] =	wrdreg s11  }
0x12: {  	s23 =	sadd.s32 $0x9000, s0;
	s25 =	sadd.s32 $0xA000, s0;
	[dreg:$0x16] =	wrdreg s21  }
0x13: {  	s12 =	sadd.s32 $0x1C000, s1;
	s13 =	sadd.s32 $0x20000, s1;
	[dreg:$0x17] =	wrdreg s22  }
0x14: {  	s16 =	sadd.s32 $0x28000, s1;
	s18 =	smul.u32 $0x1900000, s6;
	[dreg:$0x18] =	wrdreg s23  }
0x15: {  	s7 =	sshrl.u32 s5, $0x1;
	s29 =	smul.u32 $0xC8, s6;
	[dreg:$0x1a] =	wrdreg s25  }
0x16: {  	s17 =	sshll.u32 s6, $0x1;
	s31 =	smul.u32 $0x320000, s6;
	[smem:$0x7ED] =	sst s12  }
0x17: {  	p0 =	sne.s32 s6, $0x0;
	s6 =	sadd.s32 $0x4000, s1;
	[smem:$0x7EE] =	sst s13  }
0x18: {  	s11 =	sadd.s32 $0x18000, s1;
	[smem:$0x7F0] =	sst s16;
	s21 =	sadd.s32 $0x3C000, s1  }
0x19: {  	s22 =	sadd.s32 $0x40000, s1;
	s23 =	sadd.s32 $0x44000, s1;
	[smem:$0x7E7] =	sst s6  }
0x1a: {  	s25 =	sadd.s32 $0x4C000, s1;
	s12 =	simm.s32 $0x4800;
	[smem:$0x7EC] =	sst s11  }
0x1b: {  	s16 =	simm.s32 $0x1;
	s13 =	simm.s32 $0x8;
	[smem:$0x7F5] =	sst s21  }
0x1c: {  	s5 =	ssub.s32 s5, s7;
	s7 =	sor.u32 s4, s17;
	[smem:$0x7F6] =	sst s22  }
0x1d: {  	s4 =	smul.u32 $0x190000, s4;
	s17 =	sadd.s32 $0x7000, s0;
	[smem:$0x7F7] =	sst s23  }
0x1e: {  	[smem:$0x7F9] =	sst s25;
	s11 =	simm.s32 $0x80;
	s21 =	simm.s32 $0x5  }
0x1f: {  	s9 =	sadd.s32 s20, s18;
	[dreg:$0x13] =	wrdreg s17;
	s20 =	sadd.s32 $0x7800, s0  }
0x20: {  	s15 =	sadd.s32 s30, s29;
	s29 =	sadd.s32 $0xB000, s0;
	[dreg:$0x15] =	wrdreg s20  }
0x21: {  	s23 =	simm.s32 $0x3;
	s30 =	sadd.s32 $0xB800, s0;
	[dreg:$0x1c] =	wrdreg s29  }
0x22: {  	s22 =	simm.s32 $0x0;
	s5 =	smax.u32 s5, $0x1;
	[dreg:$0x1d] =	wrdreg s30  }
0x23: {  	s24 =	smul.u32 $0x190000, s7;
	s17 =	sadd.s32 $0x2C000, s1;
	[smem:$0x7E6] =	sst s5  }
0x24: {  	s19 =	sshll.u32 s15, $0x7;
	s15 =	sadd.s32 $0x24000, s1;
	[smem:$0x7F1] =	sst s17  }
0x25: {  	s26 =	smul.u32 $0xC80000, s7;
	s20 =	sadd.s32 $0x38000, s1;
	[smem:$0x7EF] =	sst s15  }
0x26: {  	s7 =	smul.u32 $0x3200, s7;
	s29 =	sadd.s32 $0x54000, s1;
	[smem:$0x7F4] =	sst s20  }
0x27: {  	s9 =	sor.u32 $0x20000, s9;
	s30 =	sadd.s32 $0x58000, s1;
	[smem:$0x7FB] =	sst s29  }
0x28: {  	s9 =	sshrl.u32 s9, $0x3;
	s18 =	sadd.s32 s8, s7;
	[smem:$0x7FC] =	sst s30  }
0x29: {  	s14 =	sadd.s32 s3, s24;
	s24 =	sadd.s32 $0x9800, s0;
	[dreg:$0x14] =	wrdreg s18  }
0x2a: {  	s10 =	sshrl.u32 s26, $0x3;
	s26 =	sadd.s32 $0xA800, s0;
	[dreg:$0x19] =	wrdreg s24  }
0x2b: {  	s0 =	sadd.s32 $0xC000, s0;
	s7 =	sadd.s32 $0x8000, s1;
	[dreg:$0x1b] =	wrdreg s26  }
0x2c: {  	s15 =	simm.s32 $0x8800;
	s20 =	simm.s32 $0x2;
	[dreg:$0x1e] =	wrdreg s0  }
0x2d: {  	s9 =	sadd.s32 s9, s3;
	s10 =	sadd.s32 s3, s10;
	[smem:$0x7E8] =	sst s7  }
0x2e: {  	s3 =	sadd.s32 s31, s3;
	s18 =	sadd.s32 $0x30000, s1;
	[dreg:$0x4] =	wrdreg s9  }
0x2f: {  	s24 =	sadd.s32 $0x48000, s1;
	s26 =	sadd.s32 $0x50000, s1;
	[smem:$0x7F2] =	sst s18  }
0x30: {  	s5 =	sadd.s32 $0x1000, s14;
	s6 =	sadd.s32 $0x1800, s14;
	[smem:$0x7F8] =	sst s24  }
0x31: {  	s7 =	sadd.s32 $0x2000, s14;
	s3 =	sadd.s32 s4, s3;
	[smem:$0x7FA] =	sst s26  }
0x32: {  	s4 =	sadd.s32 s19, s8;
	s31 =	sadd.s32 $0x18F000, s10;
	[dreg:$0x5] =	wrdreg s3  }
0x33: {  	s8 =	sadd.s32 $0xC000, s1;
	s9 =	sadd.s32 $0x10000, s1;
	[dreg:$0x1f] =	wrdreg s31  }
0x34: {  	s19 =	sadd.s32 $0x34000, s1;
	s24 =	simm.s32 $0x6;
	[smem:$0x7E9] =	sst s8  }
0x35: {  	s26 =	simm.s32 $0x4;
	s3 =	sadd.s32 $0x18F800, s10;
	[smem:$0x7EA] =	sst s9  }
0x36: {  	s10 =	sadd.s32 $0x14000, s1;
	[smem:$0x7F3] =	sst s19;
	s31 =	sadd.s32 $0x5C000, s1  }
0x37: {  	s8 =	sadd.s32 $0x2800, s14;
	s9 =	simm.s32 $0x800;
	[smem:$0x7E5] =	sst s3  }
0x38: {  	s19 =	simm.s32 $0xC800;
	s3 =	sadd.s32 $0x80, s4;
	[smem:$0x7EB] =	sst s10  }
0x39: {  	[smem:$0x7FD] =	sst s31;
	s4 =	sadd.s32 $0x800, s14;
	s10 =	simm.s32 $0x9  }
.LBB2_1:
.Ltmp0:
0x3a: {  	(pc) =	sbr.rel @p0 .LBB2_3-.Ltmp0, $1  }
0x3b: {  	_ =	sdelay $0x3  }
0x3c: {  	s0 =	rddreg [dreg:$0x6]  }
0x3d: {  	[tilespmem:s9], [sflag:$0x9] =	stream.linear.gather [hbm4b:s0+s2], $0x4000, $0x38;
	[tilespmem:$0x16800] =	vst v63  }
0x3e: {  	_ =	swait.ge [sflag:s10], $0x4000  }
0x3f: {  	[sflag:s10] =	ssyncset.done $0x0  }
0x40: {  	[sflag:s10] =	ssyncadd.s32 $0xFFFFC000  }
0x41: {  	[spmem:s1] =	stream.linear.scatter [tilespmem:s9], [sflag:$0x9], $0x4000, $0x38;
	[tilespmem:$0x16800] =	vst v63  }
0x42: {  	_ =	swait.ge [sflag:s10], $0x4000  }
0x43: {  	[sflag:s10] =	ssyncset.done $0x0  }
0x44: {  	s25 =	rddreg [dreg:$0x7];
	[sflag:s10] =	ssyncadd.s32 $0xFFFFC000  }
0x45: {  	[tilespmem:s9], [sflag:$0x9] =	stream.linear.gather [hbm4b:s25+s2], $0x4000, $0x38;
	[tilespmem:$0x16800] =	vst v63  }
0x46: {  	_ =	swait.ge [sflag:s10], $0x4000  }
0x47: {  	s29 =	sld [smem:$0x7E7]  }
0x48: {  	[sflag:s10] =	ssyncset.done $0x0  }
0x49: {  	[sflag:s10] =	ssyncadd.s32 $0xFFFFC000  }
0x4a: {  	[spmem:s29] =	stream.linear.scatter [tilespmem:s9], [sflag:$0x9], $0x4000, $0x38;
	[tilespmem:$0x16800] =	vst v63  }
0x4b: {  	_ =	swait.ge [sflag:s10], $0x4000  }
0x4c: {  	[sflag:s10] =	ssyncset.done $0x0  }
0x4d: {  	s30 =	rddreg [dreg:$0x8];
	[sflag:s10] =	ssyncadd.s32 $0xFFFFC000  }
0x4e: {  	[tilespmem:s9], [sflag:$0x9] =	stream.linear.gather [hbm4b:s30+s2], $0x4000, $0x38;
	[tilespmem:$0x16800] =	vst v63  }
0x4f: {  	_ =	swait.ge [sflag:s10], $0x4000  }
0x50: {  	s31 =	sld [smem:$0x7E8]  }
0x51: {  	[sflag:s10] =	ssyncset.done $0x0  }
0x52: {  	[sflag:s10] =	ssyncadd.s32 $0xFFFFC000  }
0x53: {  	[spmem:s31] =	stream.linear.scatter [tilespmem:s9], [sflag:$0x9], $0x4000, $0x38;
	[tilespmem:$0x16800] =	vst v63  }
0x54: {  	_ =	swait.ge [sflag:s10], $0x4000  }
0x55: {  	[sflag:s10] =	ssyncset.done $0x0  }
0x56: {  	s17 =	rddreg [dreg:$0x9];
	[sflag:s10] =	ssyncadd.s32 $0xFFFFC000  }
0x57: {  	[tilespmem:s9], [sflag:$0x9] =	stream.linear.gather [hbm4b:s17+s2], $0x4000, $0x38;
	[tilespmem:$0x16800] =	vst v63  }
0x58: {  	_ =	swait.ge [sflag:s10], $0x4000  }
0x59: {  	s18 =	sld [smem:$0x7E9]  }
0x5a: {  	[sflag:s10] =	ssyncset.done $0x0  }
0x5b: {  	[sflag:s10] =	ssyncadd.s32 $0xFFFFC000  }
0x5c: {  	[spmem:s18] =	stream.linear.scatter [tilespmem:s9], [sflag:$0x9], $0x4000, $0x38;
	[tilespmem:$0x16800] =	vst v63  }
0x5d: {  	_ =	swait.ge [sflag:s10], $0x4000  }
0x5e: {  	[sflag:s10] =	ssyncset.done $0x0  }
0x5f: {  	s25 =	rddreg [dreg:$0xa];
	[sflag:s10] =	ssyncadd.s32 $0xFFFFC000  }
0x60: {  	[tilespmem:s9], [sflag:$0x9] =	stream.linear.gather [hbm4b:s25+s2], $0x4000, $0x38;
	[tilespmem:$0x16800] =	vst v63  }
0x61: {  	_ =	swait.ge [sflag:s10], $0x4000  }
0x62: {  	s29 =	sld [smem:$0x7EA]  }
0x63: {  	[sflag:s10] =	ssyncset.done $0x0  }
0x64: {  	[sflag:s10] =	ssyncadd.s32 $0xFFFFC000  }
0x65: {  	[spmem:s29] =	stream.linear.scatter [tilespmem:s9], [sflag:$0x9], $0x4000, $0x38;
	[tilespmem:$0x16800] =	vst v63  }
0x66: {  	_ =	swait.ge [sflag:s10], $0x4000  }
0x67: {  	[sflag:s10] =	ssyncset.done $0x0  }
0x68: {  	s30 =	rddreg [dreg:$0xb];
	[sflag:s10] =	ssyncadd.s32 $0xFFFFC000  }
0x69: {  	[tilespmem:s9], [sflag:$0x9] =	stream.linear.gather [hbm4b:s30+s2], $0x4000, $0x38;
	[tilespmem:$0x16800] =	vst v63  }
0x6a: {  	_ =	swait.ge [sflag:s10], $0x4000  }
0x6b: {  	s31 =	sld [smem:$0x7EB]  }
0x6c: {  	[sflag:s10] =	ssyncset.done $0x0  }
0x6d: {  	[sflag:s10] =	ssyncadd.s32 $0xFFFFC000  }
0x6e: {  	[spmem:s31] =	stream.linear.scatter [tilespmem:s9], [sflag:$0x9], $0x4000, $0x38;
	[tilespmem:$0x16800] =	vst v63  }
0x6f: {  	_ =	swait.ge [sflag:s10], $0x4000  }
0x70: {  	[sflag:s10] =	ssyncset.done $0x0  }
0x71: {  	s17 =	rddreg [dreg:$0xc];
	[sflag:s10] =	ssyncadd.s32 $0xFFFFC000  }
0x72: {  	[tilespmem:s9], [sflag:$0x9] =	stream.linear.gather [hbm4b:s17+s2], $0x4000, $0x38;
	[tilespmem:$0x16800] =	vst v63  }
0x73: {  	_ =	swait.ge [sflag:s10], $0x4000  }
0x74: {  	s18 =	sld [smem:$0x7EC]  }
0x75: {  	[sflag:s10] =	ssyncset.done $0x0  }
0x76: {  	[sflag:s10] =	ssyncadd.s32 $0xFFFFC000  }
0x77: {  	[spmem:s18] =	stream.linear.scatter [tilespmem:s9], [sflag:$0x9], $0x4000, $0x38;
	[tilespmem:$0x16800] =	vst v63  }
0x78: {  	_ =	swait.ge [sflag:s10], $0x4000  }
0x79: {  	[sflag:s10] =	ssyncset.done $0x0  }
0x7a: {  	s25 =	rddreg [dreg:$0xd];
	[sflag:s10] =	ssyncadd.s32 $0xFFFFC000  }
0x7b: {  	[tilespmem:s9], [sflag:$0x9] =	stream.linear.gather [hbm4b:s25+s2], $0x4000, $0x38;
	[tilespmem:$0x16800] =	vst v63  }
0x7c: {  	_ =	swait.ge [sflag:s10], $0x4000  }
0x7d: {  	s29 =	sld [smem:$0x7ED]  }
0x7e: {  	[sflag:s10] =	ssyncset.done $0x0  }
0x7f: {  	[sflag:s10] =	ssyncadd.s32 $0xFFFFC000  }
0x80: {  	[spmem:s29] =	stream.linear.scatter [tilespmem:s9], [sflag:$0x9], $0x4000, $0x38;
	[tilespmem:$0x16800] =	vst v63  }
0x81: {  	_ =	swait.ge [sflag:s10], $0x4000  }
0x82: {  	[sflag:s10] =	ssyncset.done $0x0  }
0x83: {  	s30 =	rddreg [dreg:$0xe];
	[sflag:s10] =	ssyncadd.s32 $0xFFFFC000  }
0x84: {  	[tilespmem:s9], [sflag:$0x9] =	stream.linear.gather [hbm4b:s30+s2], $0x4000, $0x38;
	[tilespmem:$0x16800] =	vst v63  }
0x85: {  	_ =	swait.ge [sflag:s10], $0x4000  }
0x86: {  	s31 =	sld [smem:$0x7EE]  }
0x87: {  	[sflag:s10] =	ssyncset.done $0x0  }
0x88: {  	[sflag:s10] =	ssyncadd.s32 $0xFFFFC000  }
0x89: {  	[spmem:s31] =	stream.linear.scatter [tilespmem:s9], [sflag:$0x9], $0x4000, $0x38;
	[tilespmem:$0x16800] =	vst v63  }
0x8a: {  	_ =	swait.ge [sflag:s10], $0x4000  }
0x8b: {  	[sflag:s10] =	ssyncset.done $0x0  }
0x8c: {  	s17 =	rddreg [dreg:$0xf];
	[sflag:s10] =	ssyncadd.s32 $0xFFFFC000  }
0x8d: {  	[tilespmem:s9], [sflag:$0x9] =	stream.linear.gather [hbm4b:s17+s2], $0x4000, $0x38;
	[tilespmem:$0x16800] =	vst v63  }
0x8e: {  	_ =	swait.ge [sflag:s10], $0x4000  }
0x8f: {  	s18 =	sld [smem:$0x7EF]  }
0x90: {  	[sflag:s10] =	ssyncset.done $0x0  }
0x91: {  	[sflag:s10] =	ssyncadd.s32 $0xFFFFC000  }
0x92: {  	[spmem:s18] =	stream.linear.scatter [tilespmem:s9], [sflag:$0x9], $0x4000, $0x38;
	[tilespmem:$0x16800] =	vst v63  }
0x93: {  	_ =	swait.ge [sflag:s10], $0x4000  }
0x94: {  	[sflag:s10] =	ssyncset.done $0x0  }
0x95: {  	s25 =	rddreg [dreg:$0x10];
	[sflag:s10] =	ssyncadd.s32 $0xFFFFC000  }
0x96: {  	[tilespmem:s9], [sflag:$0x9] =	stream.linear.gather [hbm4b:s25+s2], $0x4000, $0x38;
	[tilespmem:$0x16800] =	vst v63  }
0x97: {  	_ =	swait.ge [sflag:s10], $0x4000  }
0x98: {  	s29 =	sld [smem:$0x7F0]  }
0x99: {  	[sflag:s10] =	ssyncset.done $0x0  }
0x9a: {  	[sflag:s10] =	ssyncadd.s32 $0xFFFFC000  }
0x9b: {  	[spmem:s29] =	stream.linear.scatter [tilespmem:s9], [sflag:$0x9], $0x4000, $0x38;
	[tilespmem:$0x16800] =	vst v63  }
0x9c: {  	_ =	swait.ge [sflag:s10], $0x4000  }
0x9d: {  	[sflag:s10] =	ssyncset.done $0x0  }
0x9e: {  	s30 =	rddreg [dreg:$0x11];
	[sflag:s10] =	ssyncadd.s32 $0xFFFFC000  }
0x9f: {  	[tilespmem:s9], [sflag:$0x9] =	stream.linear.gather [hbm4b:s30+s2], $0x4000, $0x38;
	[tilespmem:$0x16800] =	vst v63  }
0xa0: {  	_ =	swait.ge [sflag:s10], $0x4000  }
0xa1: {  	s31 =	sld [smem:$0x7F1]  }
0xa2: {  	[sflag:s10] =	ssyncset.done $0x0  }
0xa3: {  	[sflag:s10] =	ssyncadd.s32 $0xFFFFC000  }
0xa4: {  	[spmem:s31] =	stream.linear.scatter [tilespmem:s9], [sflag:$0x9], $0x4000, $0x38;
	[tilespmem:$0x16800] =	vst v63  }
0xa5: {  	_ =	swait.ge [sflag:s10], $0x4000  }
0xa6: {  	[sflag:s10] =	ssyncset.done $0x0  }
0xa7: {  	s17 =	rddreg [dreg:$0x12];
	[sflag:s10] =	ssyncadd.s32 $0xFFFFC000  }
0xa8: {  	[tilespmem:s9], [sflag:$0x9] =	stream.linear.gather [hbm4b:s17+s2], $0x4000, $0x38;
	[tilespmem:$0x16800] =	vst v63  }
0xa9: {  	_ =	swait.ge [sflag:s10], $0x4000  }
0xaa: {  	s18 =	sld [smem:$0x7F2]  }
0xab: {  	[sflag:s10] =	ssyncset.done $0x0  }
0xac: {  	[sflag:s10] =	ssyncadd.s32 $0xFFFFC000  }
0xad: {  	[spmem:s18] =	stream.linear.scatter [tilespmem:s9], [sflag:$0x9], $0x4000, $0x38;
	[tilespmem:$0x16800] =	vst v63  }
0xae: {  	_ =	swait.ge [sflag:s10], $0x4000  }
0xaf: {  	[sflag:s10] =	ssyncset.done $0x0  }
0xb0: {  	s25 =	rddreg [dreg:$0x13];
	[sflag:s10] =	ssyncadd.s32 $0xFFFFC000  }
0xb1: {  	[tilespmem:s9], [sflag:$0x9] =	stream.linear.gather [hbm4b:s25+s2], $0x4000, $0x38;
	[tilespmem:$0x16800] =	vst v63  }
0xb2: {  	_ =	swait.ge [sflag:s10], $0x4000  }
0xb3: {  	s29 =	sld [smem:$0x7F3]  }
0xb4: {  	[sflag:s10] =	ssyncset.done $0x0  }
0xb5: {  	[sflag:s10] =	ssyncadd.s32 $0xFFFFC000  }
0xb6: {  	[spmem:s29] =	stream.linear.scatter [tilespmem:s9], [sflag:$0x9], $0x4000, $0x38;
	[tilespmem:$0x16800] =	vst v63  }
0xb7: {  	_ =	swait.ge [sflag:s10], $0x4000  }
0xb8: {  	[sflag:s10] =	ssyncset.done $0x0  }
0xb9: {  	s30 =	rddreg [dreg:$0x15];
	[sflag:s10] =	ssyncadd.s32 $0xFFFFC000  }
0xba: {  	[tilespmem:s9], [sflag:$0x9] =	stream.linear.gather [hbm4b:s30+s2], $0x4000, $0x38;
	[tilespmem:$0x16800] =	vst v63  }
0xbb: {  	_ =	swait.ge [sflag:s10], $0x4000  }
0xbc: {  	s31 =	sld [smem:$0x7F4]  }
0xbd: {  	[sflag:s10] =	ssyncset.done $0x0  }
0xbe: {  	[sflag:s10] =	ssyncadd.s32 $0xFFFFC000  }
0xbf: {  	[spmem:s31] =	stream.linear.scatter [tilespmem:s9], [sflag:$0x9], $0x4000, $0x38;
	[tilespmem:$0x16800] =	vst v63  }
0xc0: {  	_ =	swait.ge [sflag:s10], $0x4000  }
0xc1: {  	[sflag:s10] =	ssyncset.done $0x0  }
0xc2: {  	s17 =	rddreg [dreg:$0x16];
	[sflag:s10] =	ssyncadd.s32 $0xFFFFC000  }
0xc3: {  	[tilespmem:s9], [sflag:$0x9] =	stream.linear.gather [hbm4b:s17+s2], $0x4000, $0x38;
	[tilespmem:$0x16800] =	vst v63  }
0xc4: {  	_ =	swait.ge [sflag:s10], $0x4000  }
0xc5: {  	s18 =	sld [smem:$0x7F5]  }
0xc6: {  	[sflag:s10] =	ssyncset.done $0x0  }
0xc7: {  	[sflag:s10] =	ssyncadd.s32 $0xFFFFC000  }
0xc8: {  	[spmem:s18] =	stream.linear.scatter [tilespmem:s9], [sflag:$0x9], $0x4000, $0x38;
	[tilespmem:$0x16800] =	vst v63  }
0xc9: {  	_ =	swait.ge [sflag:s10], $0x4000  }
0xca: {  	[sflag:s10] =	ssyncset.done $0x0  }
0xcb: {  	s25 =	rddreg [dreg:$0x17];
	[sflag:s10] =	ssyncadd.s32 $0xFFFFC000  }
0xcc: {  	[tilespmem:s9], [sflag:$0x9] =	stream.linear.gather [hbm4b:s25+s2], $0x4000, $0x38;
	[tilespmem:$0x16800] =	vst v63  }
0xcd: {  	_ =	swait.ge [sflag:s10], $0x4000  }
0xce: {  	s29 =	sld [smem:$0x7F6]  }
0xcf: {  	[sflag:s10] =	ssyncset.done $0x0  }
0xd0: {  	[sflag:s10] =	ssyncadd.s32 $0xFFFFC000  }
0xd1: {  	[spmem:s29] =	stream.linear.scatter [tilespmem:s9], [sflag:$0x9], $0x4000, $0x38;
	[tilespmem:$0x16800] =	vst v63  }
0xd2: {  	_ =	swait.ge [sflag:s10], $0x4000  }
0xd3: {  	[sflag:s10] =	ssyncset.done $0x0  }
0xd4: {  	s30 =	rddreg [dreg:$0x18];
	[sflag:s10] =	ssyncadd.s32 $0xFFFFC000  }
0xd5: {  	[tilespmem:s9], [sflag:$0x9] =	stream.linear.gather [hbm4b:s30+s2], $0x4000, $0x38;
	[tilespmem:$0x16800] =	vst v63  }
0xd6: {  	_ =	swait.ge [sflag:s10], $0x4000  }
0xd7: {  	s31 =	sld [smem:$0x7F7]  }
0xd8: {  	[sflag:s10] =	ssyncset.done $0x0  }
0xd9: {  	[sflag:s10] =	ssyncadd.s32 $0xFFFFC000  }
0xda: {  	[spmem:s31] =	stream.linear.scatter [tilespmem:s9], [sflag:$0x9], $0x4000, $0x38;
	[tilespmem:$0x16800] =	vst v63  }
0xdb: {  	_ =	swait.ge [sflag:s10], $0x4000  }
0xdc: {  	[sflag:s10] =	ssyncset.done $0x0  }
0xdd: {  	s17 =	rddreg [dreg:$0x19];
	[sflag:s10] =	ssyncadd.s32 $0xFFFFC000  }
0xde: {  	[tilespmem:s9], [sflag:$0x9] =	stream.linear.gather [hbm4b:s17+s2], $0x4000, $0x38;
	[tilespmem:$0x16800] =	vst v63  }
0xdf: {  	_ =	swait.ge [sflag:s10], $0x4000  }
0xe0: {  	s18 =	sld [smem:$0x7F8]  }
0xe1: {  	[sflag:s10] =	ssyncset.done $0x0  }
0xe2: {  	[sflag:s10] =	ssyncadd.s32 $0xFFFFC000  }
0xe3: {  	[spmem:s18] =	stream.linear.scatter [tilespmem:s9], [sflag:$0x9], $0x4000, $0x38;
	[tilespmem:$0x16800] =	vst v63  }
0xe4: {  	_ =	swait.ge [sflag:s10], $0x4000  }
0xe5: {  	[sflag:s10] =	ssyncset.done $0x0  }
0xe6: {  	s25 =	rddreg [dreg:$0x1a];
	[sflag:s10] =	ssyncadd.s32 $0xFFFFC000  }
0xe7: {  	[tilespmem:s9], [sflag:$0x9] =	stream.linear.gather [hbm4b:s25+s2], $0x4000, $0x38;
	[tilespmem:$0x16800] =	vst v63  }
0xe8: {  	_ =	swait.ge [sflag:s10], $0x4000  }
0xe9: {  	s29 =	sld [smem:$0x7F9]  }
0xea: {  	[sflag:s10] =	ssyncset.done $0x0  }
0xeb: {  	[sflag:s10] =	ssyncadd.s32 $0xFFFFC000  }
0xec: {  	[spmem:s29] =	stream.linear.scatter [tilespmem:s9], [sflag:$0x9], $0x4000, $0x38;
	[tilespmem:$0x16800] =	vst v63  }
0xed: {  	_ =	swait.ge [sflag:s10], $0x4000  }
0xee: {  	[sflag:s10] =	ssyncset.done $0x0  }
0xef: {  	s30 =	rddreg [dreg:$0x1b];
	[sflag:s10] =	ssyncadd.s32 $0xFFFFC000  }
0xf0: {  	[tilespmem:s9], [sflag:$0x9] =	stream.linear.gather [hbm4b:s30+s2], $0x4000, $0x38;
	[tilespmem:$0x16800] =	vst v63  }
0xf1: {  	_ =	swait.ge [sflag:s10], $0x4000  }
0xf2: {  	s31 =	sld [smem:$0x7FA]  }
0xf3: {  	[sflag:s10] =	ssyncset.done $0x0  }
0xf4: {  	[sflag:s10] =	ssyncadd.s32 $0xFFFFC000  }
0xf5: {  	[spmem:s31] =	stream.linear.scatter [tilespmem:s9], [sflag:$0x9], $0x4000, $0x38;
	[tilespmem:$0x16800] =	vst v63  }
0xf6: {  	_ =	swait.ge [sflag:s10], $0x4000  }
0xf7: {  	[sflag:s10] =	ssyncset.done $0x0  }
0xf8: {  	s17 =	rddreg [dreg:$0x1c];
	[sflag:s10] =	ssyncadd.s32 $0xFFFFC000  }
0xf9: {  	[tilespmem:s9], [sflag:$0x9] =	stream.linear.gather [hbm4b:s17+s2], $0x4000, $0x38;
	[tilespmem:$0x16800] =	vst v63  }
0xfa: {  	_ =	swait.ge [sflag:s10], $0x4000  }
0xfb: {  	s18 =	sld [smem:$0x7FB]  }
0xfc: {  	[sflag:s10] =	ssyncset.done $0x0  }
0xfd: {  	[sflag:s10] =	ssyncadd.s32 $0xFFFFC000  }
0xfe: {  	[spmem:s18] =	stream.linear.scatter [tilespmem:s9], [sflag:$0x9], $0x4000, $0x38;
	[tilespmem:$0x16800] =	vst v63  }
0xff: {  	_ =	swait.ge [sflag:s10], $0x4000  }
0x100: {  	[sflag:s10] =	ssyncset.done $0x0  }
0x101: {  	s25 =	rddreg [dreg:$0x1d];
	[sflag:s10] =	ssyncadd.s32 $0xFFFFC000  }
0x102: {  	[tilespmem:s9], [sflag:$0x9] =	stream.linear.gather [hbm4b:s25+s2], $0x4000, $0x38;
	[tilespmem:$0x16800] =	vst v63  }
0x103: {  	_ =	swait.ge [sflag:s10], $0x4000  }
0x104: {  	s29 =	sld [smem:$0x7FC]  }
0x105: {  	[sflag:s10] =	ssyncset.done $0x0  }
0x106: {  	[sflag:s10] =	ssyncadd.s32 $0xFFFFC000  }
0x107: {  	[spmem:s29] =	stream.linear.scatter [tilespmem:s9], [sflag:$0x9], $0x4000, $0x38;
	[tilespmem:$0x16800] =	vst v63  }
0x108: {  	_ =	swait.ge [sflag:s10], $0x4000  }
0x109: {  	[sflag:s10] =	ssyncset.done $0x0  }
0x10a: {  	s30 =	rddreg [dreg:$0x1e];
	[sflag:s10] =	ssyncadd.s32 $0xFFFFC000  }
0x10b: {  	[tilespmem:s9], [sflag:$0x9] =	stream.linear.gather [hbm4b:s30+s2], $0x4000, $0x38;
	[tilespmem:$0x16800] =	vst v63  }
0x10c: {  	_ =	swait.ge [sflag:s10], $0x4000  }
0x10d: {  	s31 =	sld [smem:$0x7FD]  }
0x10e: {  	[sflag:s10] =	ssyncset.done $0x0  }
0x10f: {  	[sflag:s10] =	ssyncadd.s32 $0xFFFFC000  }
0x110: {  	[spmem:s31] =	stream.linear.scatter [tilespmem:s9], [sflag:$0x9], $0x4000, $0x38;
	[tilespmem:$0x16800] =	vst v63  }
0x111: {  	_ =	swait.ge [sflag:s10], $0x4000  }
0x112: {  	[sflag:s10] =	ssyncset.done $0x0  }
0x113: {  	[sflag:s10] =	ssyncadd.s32 $0xFFFFC000  }
.LBB2_3:
0x114: {  	[bflag:$0x0] =	sbarrier.arrive $0xFFFF  }
0x115: {  	s17 =	simm.s32 $0x0;
	s0 =	rddreg [dreg:$0x14]  }
0x116: {  	[tilespmem:s17], [sflag:$0x9] =	stream.linear.gather [hbm4b:s0+s17], $0x400, $0x38;
	[tilespmem:$0x16800] =	vst v63  }
0x117: {  	_ =	swait.ge [sflag:s10], $0x400  }
0x118: {  	[sflag:s10] =	ssyncset.done $0x0  }
0x119: {  	[sflag:s10] =	ssyncadd.s32 $0xFFFFFC00  }
0x11a: {  	[tilespmem:s9], [sflag:$0x1] =	stream.indirect.gather [spmem:s1], $0x80, s17, s11, $0xb8;
	[tilespmem:$0x16800] =	vst v63  }
0x11b: {  	_ = 	snop  }
0x11c: {  	[tilespmem:s12], [sflag:$0x2] =	stream.indirect.gather [spmem:s1], $0x80, s11, s11, $0xb8;
	[tilespmem:$0x16800] =	vst v63  }
0x11d: {  	s25 =	simm.s32 $0x100  }
0x11e: {  	[tilespmem:s15], [sflag:$0x3] =	stream.indirect.gather [spmem:s1], $0x80, s25, s11, $0xb8;
	[tilespmem:$0x16800] =	vst v63  }
0x11f: {  	_ =	swait.ge [sflag:s16], $0x4000  }
0x120: {  	[sflag:s16] =	ssyncset.done $0x0  }
0x121: {  	[sflag:s16] =	ssyncadd.s32 $0xFFFFC000  }
0x122: {  	[hbm4b:s14+s17] =	stream.linear.scatter [tilespmem:s9], [sflag:$0x5], $0x4000, $0x38;
	[tilespmem:$0x16800] =	vst v63  }
0x123: {  	s30 =	simm.s32 $0x180  }
0x124: {  	[tilespmem:s19], [sflag:$0x4] =	stream.indirect.gather [spmem:s1], $0x80, s30, s11, $0xb8;
	[tilespmem:$0x16800] =	vst v63  }
0x125: {  	_ =	swait.ge [sflag:s20], $0x4000  }
0x126: {  	[sflag:s20] =	ssyncset.done $0x0  }
0x127: {  	[sflag:s20] =	ssyncadd.s32 $0xFFFFC000  }
0x128: {  	[hbm4b:s4+s17] =	stream.linear.scatter [tilespmem:s12], [sflag:$0x6], $0x4000, $0x38;
	[tilespmem:$0x16800] =	vst v63  }
0x129: {  	_ =	swait.ge [sflag:s21], $0x4000  }
0x12a: {  	[sflag:s21] =	ssyncset.done $0x0  }
0x12b: {  	s31 =	simm.s32 $0x200;
	[sflag:s21] =	ssyncadd.s32 $0xFFFFC000  }
0x12c: {  	[tilespmem:s9], [sflag:$0x1] =	stream.indirect.gather [spmem:s1], $0x80, s31, s11, $0xb8;
	[tilespmem:$0x16800] =	vst v63  }
0x12d: {  	_ =	swait.ge [sflag:s23], $0x4000  }
0x12e: {  	[sflag:s23] =	ssyncset.done $0x0  }
0x12f: {  	[sflag:s23] =	ssyncadd.s32 $0xFFFFC000  }
0x130: {  	[hbm4b:s5+s17] =	stream.linear.scatter [tilespmem:s15], [sflag:$0x7], $0x4000, $0x38;
	[tilespmem:$0x16800] =	vst v63  }
0x131: {  	_ =	swait.ge [sflag:s24], $0x4000  }
0x132: {  	[sflag:s24] =	ssyncset.done $0x0  }
0x133: {  	s18 =	simm.s32 $0x280;
	[sflag:s24] =	ssyncadd.s32 $0xFFFFC000  }
0x134: {  	[tilespmem:s12], [sflag:$0x2] =	stream.indirect.gather [spmem:s1], $0x80, s18, s11, $0xb8;
	[tilespmem:$0x16800] =	vst v63  }
0x135: {  	_ =	swait.ge [sflag:s26], $0x4000  }
0x136: {  	[sflag:s26] =	ssyncset.done $0x0  }
0x137: {  	[sflag:s26] =	ssyncadd.s32 $0xFFFFC000  }
0x138: {  	[hbm4b:s6+s17] =	stream.linear.scatter [tilespmem:s19], [sflag:$0x8], $0x4000, $0x38;
	[tilespmem:$0x16800] =	vst v63  }
0x139: {  	_ =	swait.ge [sflag:s28], $0x4000  }
0x13a: {  	[sflag:s28] =	ssyncset.done $0x0  }
0x13b: {  	s25 =	simm.s32 $0x300;
	[sflag:s28] =	ssyncadd.s32 $0xFFFFC000  }
0x13c: {  	[tilespmem:s15], [sflag:$0x3] =	stream.indirect.gather [spmem:s1], $0x80, s25, s11, $0xb8;
	[tilespmem:$0x16800] =	vst v63  }
0x13d: {  	_ =	swait.ge [sflag:s16], $0x4000  }
0x13e: {  	[sflag:s16] =	ssyncset.done $0x0  }
0x13f: {  	[sflag:s16] =	ssyncadd.s32 $0xFFFFC000  }
0x140: {  	[hbm4b:s7+s17] =	stream.linear.scatter [tilespmem:s9], [sflag:$0x5], $0x4000, $0x38;
	[tilespmem:$0x16800] =	vst v63  }
0x141: {  	_ =	swait.ge [sflag:s13], $0x4000  }
0x142: {  	[sflag:s13] =	ssyncset.done $0x0  }
0x143: {  	s30 =	simm.s32 $0x380;
	[sflag:s13] =	ssyncadd.s32 $0xFFFFC000  }
0x144: {  	[tilespmem:s19], [sflag:$0x4] =	stream.indirect.gather [spmem:s1], $0x80, s30, s11, $0xb8;
	[tilespmem:$0x16800] =	vst v63  }
0x145: {  	_ =	swait.ge [sflag:s20], $0x4000  }
0x146: {  	[sflag:s20] =	ssyncset.done $0x0  }
0x147: {  	s31 =	simm.s32 $0x400;
	[sflag:s20] =	ssyncadd.s32 $0xFFFFC000  }
0x148: {  	[hbm4b:s8+s17] =	stream.linear.scatter [tilespmem:s12], [sflag:$0x6], $0x4000, $0x38;
	[tilespmem:$0x16800] =	vst v63  }
0x149: {  	s17 =	sand.u32 $0x400, s31  }
0x14a: {  	[tilespmem:s17], [sflag:$0x9] =	stream.linear.gather [hbm4b:s3+s2], $0x400, $0x38;
	[tilespmem:$0x16800] =	vst v63  }
0x14b: {  	_ =	swait.ge [sflag:s10], $0x400  }
0x14c: {  	[sflag:s10] =	ssyncset.done $0x0  }
0x14d: {  	[sflag:s10] =	ssyncadd.s32 $0xFFFFFC00  }
0x14e: {  	_ =	swait.ge [sflag:s21], $0x4000  }
0x14f: {  	[sflag:s21] =	ssyncset.done $0x0  }
0x150: {  	[sflag:s21] =	ssyncadd.s32 $0xFFFFC000  }
0x151: {  	[tilespmem:s9], [sflag:$0x1] =	stream.indirect.gather [spmem:s1], $0x80, s17, s11, $0xb8;
	[tilespmem:$0x16800] =	vst v63  }
0x152: {  	_ =	swait.ge [sflag:s23], $0x4000  }
0x153: {  	s18 =	rddreg [dreg:$0x5]  }
0x154: {  	[sflag:s23] =	ssyncset.done $0x0;
	s18 =	sadd.s32 $0x0, s18  }
0x155: {  	[sflag:s23] =	ssyncadd.s32 $0xFFFFC000;
	s25 =	sadd.s32 $0x3000, s18  }
0x156: {  	[hbm4b:s25+s2] =	stream.linear.scatter [tilespmem:s15], [sflag:$0x7], $0x4000, $0x38;
	[tilespmem:$0x16800] =	vst v63  }
0x157: {  	_ =	swait.ge [sflag:s24], $0x4000  }
0x158: {  	[sflag:s24] =	ssyncset.done $0x0  }
0x159: {  	s0 =	sor.u32 $0x80, s17;
	[sflag:s24] =	ssyncadd.s32 $0xFFFFC000  }
0x15a: {  	[tilespmem:s12], [sflag:$0x2] =	stream.indirect.gather [spmem:s1], $0x80, s0, s11, $0xb8;
	[tilespmem:$0x16800] =	vst v63  }
0x15b: {  	_ =	swait.ge [sflag:s26], $0x4000  }
0x15c: {  	[sflag:s26] =	ssyncset.done $0x0  }
0x15d: {  	s30 =	sadd.s32 $0x3800, s18;
	[sflag:s26] =	ssyncadd.s32 $0xFFFFC000  }
0x15e: {  	[hbm4b:s30+s2] =	stream.linear.scatter [tilespmem:s19], [sflag:$0x8], $0x4000, $0x38;
	[tilespmem:$0x16800] =	vst v63  }
0x15f: {  	_ =	swait.ge [sflag:s28], $0x4000  }
0x160: {  	[sflag:s28] =	ssyncset.done $0x0  }
0x161: {  	s31 =	sor.u32 $0x100, s17;
	[sflag:s28] =	ssyncadd.s32 $0xFFFFC000  }
0x162: {  	[tilespmem:s15], [sflag:$0x3] =	stream.indirect.gather [spmem:s1], $0x80, s31, s11, $0xb8;
	[tilespmem:$0x16800] =	vst v63  }
0x163: {  	_ =	swait.ge [sflag:s16], $0x4000  }
0x164: {  	s0 =	rddreg [dreg:$0x4];
	[sflag:s16] =	ssyncset.done $0x0  }
0x165: {  	[sflag:s16] =	ssyncadd.s32 $0xFFFFC000;
	s25 =	sadd.s32 $0x0, s0  }
0x166: {  	[hbm4b:s25+s2] =	stream.linear.scatter [tilespmem:s9], [sflag:$0x5], $0x4000, $0x38;
	[tilespmem:$0x16800] =	vst v63  }
0x167: {  	_ =	swait.ge [sflag:s13], $0x4000  }
0x168: {  	[sflag:s13] =	ssyncset.done $0x0  }
0x169: {  	s30 =	sor.u32 $0x180, s17;
	[sflag:s13] =	ssyncadd.s32 $0xFFFFC000  }
0x16a: {  	[tilespmem:s19], [sflag:$0x4] =	stream.indirect.gather [spmem:s1], $0x80, s30, s11, $0xb8;
	[tilespmem:$0x16800] =	vst v63  }
0x16b: {  	_ =	swait.ge [sflag:s20], $0x4000  }
0x16c: {  	[sflag:s20] =	ssyncset.done $0x0  }
0x16d: {  	s31 =	sadd.s32 $0x4800, s18;
	[sflag:s20] =	ssyncadd.s32 $0xFFFFC000  }
0x16e: {  	[hbm4b:s31+s2] =	stream.linear.scatter [tilespmem:s12], [sflag:$0x6], $0x4000, $0x38;
	[tilespmem:$0x16800] =	vst v63  }
0x16f: {  	_ =	swait.ge [sflag:s21], $0x4000  }
0x170: {  	[sflag:s21] =	ssyncset.done $0x0  }
0x171: {  	s0 =	sor.u32 $0x200, s17;
	[sflag:s21] =	ssyncadd.s32 $0xFFFFC000  }
0x172: {  	[tilespmem:s9], [sflag:$0x1] =	stream.indirect.gather [spmem:s1], $0x80, s0, s11, $0xb8;
	[tilespmem:$0x16800] =	vst v63  }
0x173: {  	_ =	swait.ge [sflag:s23], $0x4000  }
0x174: {  	[sflag:s23] =	ssyncset.done $0x0  }
0x175: {  	s30 =	sadd.s32 $0x5000, s18;
	[sflag:s23] =	ssyncadd.s32 $0xFFFFC000  }
0x176: {  	[hbm4b:s30+s2] =	stream.linear.scatter [tilespmem:s15], [sflag:$0x7], $0x4000, $0x38;
	[tilespmem:$0x16800] =	vst v63  }
0x177: {  	_ =	swait.ge [sflag:s24], $0x4000  }
0x178: {  	[sflag:s24] =	ssyncset.done $0x0  }
0x179: {  	s31 =	sor.u32 $0x280, s17;
	[sflag:s24] =	ssyncadd.s32 $0xFFFFC000  }
0x17a: {  	[tilespmem:s12], [sflag:$0x2] =	stream.indirect.gather [spmem:s1], $0x80, s31, s11, $0xb8;
	[tilespmem:$0x16800] =	vst v63  }
0x17b: {  	_ =	swait.ge [sflag:s26], $0x4000  }
0x17c: {  	[sflag:s26] =	ssyncset.done $0x0  }
0x17d: {  	s0 =	sadd.s32 $0x5800, s18;
	[sflag:s26] =	ssyncadd.s32 $0xFFFFC000  }
0x17e: {  	[hbm4b:s0+s2] =	stream.linear.scatter [tilespmem:s19], [sflag:$0x8], $0x4000, $0x38;
	[tilespmem:$0x16800] =	vst v63  }
0x17f: {  	_ =	swait.ge [sflag:s28], $0x4000  }
0x180: {  	[sflag:s28] =	ssyncset.done $0x0  }
0x181: {  	s30 =	sor.u32 $0x300, s17;
	[sflag:s28] =	ssyncadd.s32 $0xFFFFC000  }
0x182: {  	[tilespmem:s15], [sflag:$0x3] =	stream.indirect.gather [spmem:s1], $0x80, s30, s11, $0xb8;
	[tilespmem:$0x16800] =	vst v63  }
0x183: {  	_ =	swait.ge [sflag:s16], $0x4000  }
0x184: {  	[sflag:s16] =	ssyncset.done $0x0  }
0x185: {  	s31 =	sadd.s32 $0x6000, s18;
	[sflag:s16] =	ssyncadd.s32 $0xFFFFC000  }
0x186: {  	[hbm4b:s31+s2] =	stream.linear.scatter [tilespmem:s9], [sflag:$0x5], $0x4000, $0x38;
	[tilespmem:$0x16800] =	vst v63  }
0x187: {  	_ =	swait.ge [sflag:s13], $0x4000  }
0x188: {  	[sflag:s13] =	ssyncset.done $0x0  }
0x189: {  	s17 =	sor.u32 $0x380, s17;
	[sflag:s13] =	ssyncadd.s32 $0xFFFFC000  }
0x18a: {  	[tilespmem:s19], [sflag:$0x4] =	stream.indirect.gather [spmem:s1], $0x80, s17, s11, $0xb8;
	[tilespmem:$0x16800] =	vst v63  }
0x18b: {  	_ =	swait.ge [sflag:s20], $0x4000  }
0x18c: {  	s29 =	simm.s32 $0x800;
	s25 =	simm.s32 $0x4000;
	[sflag:s20] =	ssyncset.done $0x0  }
0x18d: {  	s18 =	sadd.s32 $0x6800, s18;
	s17 =	sadd.s32 $0x80, s3;
	[sflag:s20] =	ssyncadd.s32 $0xFFFFC000  }
.LBB2_4:
0x18e: {  	[hbm4b:s18+s2] =	stream.linear.scatter [tilespmem:s12], [sflag:$0x6], $0x4000, $0x38;
	[tilespmem:$0x16800] =	vst v63  }
0x18f: {  	s18 =	sand.u32 $0x400, s29  }
0x190: {  	[tilespmem:s18], [sflag:$0x9] =	stream.linear.gather [hbm4b:s17+s2], $0x400, $0x38;
	[tilespmem:$0x16800] =	vst v63  }
0x191: {  	_ =	swait.ge [sflag:s10], $0x400  }
0x192: {  	[sflag:s10] =	ssyncset.done $0x0  }
0x193: {  	[sflag:s10] =	ssyncadd.s32 $0xFFFFFC00  }
0x194: {  	_ =	swait.ge [sflag:s21], $0x4000  }
0x195: {  	[sflag:s21] =	ssyncset.done $0x0  }
0x196: {  	[sflag:s21] =	ssyncadd.s32 $0xFFFFC000  }
0x197: {  	[tilespmem:s9], [sflag:$0x1] =	stream.indirect.gather [spmem:s1], $0x80, s18, s11, $0xb8;
	[tilespmem:$0x16800] =	vst v63  }
0x198: {  	_ =	swait.ge [sflag:s23], $0x4000  }
0x199: {  	s31 =	smov.u32 s25;
	s30 =	rddreg [dreg:$0x5]  }
0x19a: {  	[sflag:s23] =	ssyncset.done $0x0;
	s30 =	sadd.s32 s31, s30  }
0x19b: {  	[sflag:s23] =	ssyncadd.s32 $0xFFFFC000;
	s0 =	sadd.s32 $0x3000, s30  }
0x19c: {  	[hbm4b:s0+s2] =	stream.linear.scatter [tilespmem:s15], [sflag:$0x7], $0x4000, $0x38;
	[tilespmem:$0x16800] =	vst v63  }
0x19d: {  	_ =	swait.ge [sflag:s24], $0x4000  }
0x19e: {  	[sflag:s24] =	ssyncset.done $0x0  }
0x19f: {  	s0 =	sor.u32 $0x80, s18;
	[sflag:s24] =	ssyncadd.s32 $0xFFFFC000  }
0x1a0: {  	[tilespmem:s12], [sflag:$0x2] =	stream.indirect.gather [spmem:s1], $0x80, s0, s11, $0xb8;
	[tilespmem:$0x16800] =	vst v63  }
0x1a1: {  	_ =	swait.ge [sflag:s26], $0x4000  }
0x1a2: {  	[sflag:s26] =	ssyncset.done $0x0  }
0x1a3: {  	s0 =	sadd.s32 $0x3800, s30;
	[sflag:s26] =	ssyncadd.s32 $0xFFFFC000  }
0x1a4: {  	[hbm4b:s0+s2] =	stream.linear.scatter [tilespmem:s19], [sflag:$0x8], $0x4000, $0x38;
	[tilespmem:$0x16800] =	vst v63  }
0x1a5: {  	_ =	swait.ge [sflag:s28], $0x4000  }
0x1a6: {  	[sflag:s28] =	ssyncset.done $0x0  }
0x1a7: {  	s0 =	sor.u32 $0x100, s18;
	[sflag:s28] =	ssyncadd.s32 $0xFFFFC000  }
0x1a8: {  	[tilespmem:s15], [sflag:$0x3] =	stream.indirect.gather [spmem:s1], $0x80, s0, s11, $0xb8;
	[tilespmem:$0x16800] =	vst v63  }
0x1a9: {  	_ =	swait.ge [sflag:s16], $0x4000  }
0x1aa: {  	s0 =	rddreg [dreg:$0x4];
	[sflag:s16] =	ssyncset.done $0x0  }
0x1ab: {  	[sflag:s16] =	ssyncadd.s32 $0xFFFFC000;
	s0 =	sadd.s32 s31, s0  }
0x1ac: {  	[hbm4b:s0+s2] =	stream.linear.scatter [tilespmem:s9], [sflag:$0x5], $0x4000, $0x38;
	[tilespmem:$0x16800] =	vst v63  }
0x1ad: {  	_ =	swait.ge [sflag:s13], $0x4000  }
0x1ae: {  	[sflag:s13] =	ssyncset.done $0x0  }
0x1af: {  	s31 =	sor.u32 $0x180, s18;
	[sflag:s13] =	ssyncadd.s32 $0xFFFFC000  }
0x1b0: {  	[tilespmem:s19], [sflag:$0x4] =	stream.indirect.gather [spmem:s1], $0x80, s31, s11, $0xb8;
	[tilespmem:$0x16800] =	vst v63  }
0x1b1: {  	_ =	swait.ge [sflag:s20], $0x4000  }
0x1b2: {  	[sflag:s20] =	ssyncset.done $0x0  }
0x1b3: {  	s31 =	sadd.s32 $0x4800, s30;
	[sflag:s20] =	ssyncadd.s32 $0xFFFFC000  }
0x1b4: {  	[hbm4b:s31+s2] =	stream.linear.scatter [tilespmem:s12], [sflag:$0x6], $0x4000, $0x38;
	[tilespmem:$0x16800] =	vst v63  }
0x1b5: {  	_ =	swait.ge [sflag:s21], $0x4000  }
0x1b6: {  	[sflag:s21] =	ssyncset.done $0x0  }
0x1b7: {  	s31 =	sor.u32 $0x200, s18;
	[sflag:s21] =	ssyncadd.s32 $0xFFFFC000  }
0x1b8: {  	[tilespmem:s9], [sflag:$0x1] =	stream.indirect.gather [spmem:s1], $0x80, s31, s11, $0xb8;
	[tilespmem:$0x16800] =	vst v63  }
0x1b9: {  	_ =	swait.ge [sflag:s23], $0x4000  }
0x1ba: {  	[sflag:s23] =	ssyncset.done $0x0  }
0x1bb: {  	s31 =	sadd.s32 $0x5000, s30;
	[sflag:s23] =	ssyncadd.s32 $0xFFFFC000  }
0x1bc: {  	[hbm4b:s31+s2] =	stream.linear.scatter [tilespmem:s15], [sflag:$0x7], $0x4000, $0x38;
	[tilespmem:$0x16800] =	vst v63  }
0x1bd: {  	_ =	swait.ge [sflag:s24], $0x4000  }
0x1be: {  	[sflag:s24] =	ssyncset.done $0x0  }
0x1bf: {  	s31 =	sor.u32 $0x280, s18;
	[sflag:s24] =	ssyncadd.s32 $0xFFFFC000  }
0x1c0: {  	[tilespmem:s12], [sflag:$0x2] =	stream.indirect.gather [spmem:s1], $0x80, s31, s11, $0xb8;
	[tilespmem:$0x16800] =	vst v63  }
0x1c1: {  	_ =	swait.ge [sflag:s26], $0x4000  }
0x1c2: {  	[sflag:s26] =	ssyncset.done $0x0  }
0x1c3: {  	s31 =	sadd.s32 $0x5800, s30;
	[sflag:s26] =	ssyncadd.s32 $0xFFFFC000  }
0x1c4: {  	[hbm4b:s31+s2] =	stream.linear.scatter [tilespmem:s19], [sflag:$0x8], $0x4000, $0x38;
	[tilespmem:$0x16800] =	vst v63  }
0x1c5: {  	_ =	swait.ge [sflag:s28], $0x4000  }
0x1c6: {  	[sflag:s28] =	ssyncset.done $0x0  }
0x1c7: {  	s31 =	sor.u32 $0x300, s18;
	[sflag:s28] =	ssyncadd.s32 $0xFFFFC000  }
0x1c8: {  	[tilespmem:s15], [sflag:$0x3] =	stream.indirect.gather [spmem:s1], $0x80, s31, s11, $0xb8;
	[tilespmem:$0x16800] =	vst v63  }
0x1c9: {  	_ =	swait.ge [sflag:s16], $0x4000  }
0x1ca: {  	[sflag:s16] =	ssyncset.done $0x0  }
0x1cb: {  	s31 =	sadd.s32 $0x6000, s30;
	[sflag:s16] =	ssyncadd.s32 $0xFFFFC000  }
0x1cc: {  	[hbm4b:s31+s2] =	stream.linear.scatter [tilespmem:s9], [sflag:$0x5], $0x4000, $0x38;
	[tilespmem:$0x16800] =	vst v63  }
0x1cd: {  	_ =	swait.ge [sflag:s13], $0x4000  }
0x1ce: {  	p1 =	sne.s32 s25, $0x188000;
	[sflag:s13] =	ssyncset.done $0x0  }
.Ltmp1:
0x1cf: {  	s31 =	sor.u32 $0x380, s18;
	[sflag:s13] =	ssyncadd.s32 $0xFFFFC000;
	(pc) =	sbr.rel @p1 .LBB2_4-.Ltmp1, $4  }
0x1d0: {  	[tilespmem:s19], [sflag:$0x4] =	stream.indirect.gather [spmem:s1], $0x80, s31, s11, $0xb8;
	[tilespmem:$0x16800] =	vst v63  }
0x1d1: {  	_ =	swait.ge [sflag:s20], $0x4000  }
0x1d2: {  	s25 =	sadd.s32 $0x4000, s25;
	s29 =	sadd.s32 $0x400, s29;
	[sflag:s20] =	ssyncset.done $0x0  }
0x1d3: {  	s17 =	sadd.s32 $0x80, s17;
	s18 =	sadd.s32 $0x6800, s30;
	[sflag:s20] =	ssyncadd.s32 $0xFFFFC000  }
0x1d4: {  	[hbm4b:s18+s2] =	stream.linear.scatter [tilespmem:s12], [sflag:$0x6], $0x4000, $0x38;
	[tilespmem:$0x16800] =	vst v63  }
0x1d5: {  	_ =	swait.ge [sflag:s23], $0x4000  }
0x1d6: {  	[sflag:s23] =	ssyncset.done $0x0  }
0x1d7: {  	s0 =	rddreg [dreg:$0x1f];
	[sflag:s23] =	ssyncadd.s32 $0xFFFFC000  }
0x1d8: {  	[hbm4b:s0+s2] =	stream.linear.scatter [tilespmem:s15], [sflag:$0x7], $0x4000, $0x38;
	[tilespmem:$0x16800] =	vst v63  }
0x1d9: {  	_ =	swait.ge [sflag:s26], $0x4000  }
0x1da: {  	s30 =	sld [smem:$0x7E5]  }
0x1db: {  	[sflag:s26] =	ssyncset.done $0x0  }
0x1dc: {  	[sflag:s26] =	ssyncadd.s32 $0xFFFFC000  }
0x1dd: {  	[hbm4b:s30+s2] =	stream.linear.scatter [tilespmem:s19], [sflag:$0x8], $0x4000, $0x38;
	[tilespmem:$0x16800] =	vst v63  }
0x1de: {  	_ =	swait.ge [sflag:s21], $0x4000  }
0x1df: {  	[sflag:s21] =	ssyncset.done $0x0  }
0x1e0: {  	[sflag:s21] =	ssyncadd.s32 $0xFFFFC000  }
0x1e1: {  	_ =	swait.ge [sflag:s24], $0x4000  }
0x1e2: {  	[sflag:s24] =	ssyncset.done $0x0  }
0x1e3: {  	[sflag:s24] =	ssyncadd.s32 $0xFFFFC000  }
0x1e4: {  	_ =	swait.ge [sflag:s28], $0x4000  }
0x1e5: {  	[sflag:s28] =	ssyncset.done $0x0  }
0x1e6: {  	[sflag:s28] =	ssyncadd.s32 $0xFFFFC000  }
0x1e7: {  	_ =	swait.ge [sflag:s13], $0x4000  }
0x1e8: {  	s31 =	sld [smem:$0x7E6];
	_ =	sdelay $0x1  }
0x1e9: {  	s22 =	sadd.s32 $0x1, s22  }
0x1ea: {  	p1 =	sne.s32 s22, s31  }
.Ltmp2:
0x1eb: {  	_ = 	snop;
	(pc) =	sbr.rel @p1 .LBB2_1-.Ltmp2, $3  }
0x1ec: {  	_ =	sdelay $0x1  }
0x1ed: {  	[sflag:s13] =	ssyncset.done $0x0  }
0x1ee: {  	[sflag:s13] =	ssyncadd.s32 $0xFFFFC000  }
0x1ef: {  	_ =	sfence.sel $0x180000  }
0x1f0: {  	[bflag:$0x0] =	sbarrier.arrive $0xFFFF  }
0x1f1: {  	_ =	strace $0x90000047  }
0x1f2: {  	[bflag:$0x2] =	sbarrier.arrive $0xFFFF  }
0x1f3: {  	s0 =	rddreg [dreg:$0x3]  }
0x1f4: {  	s0 =	sadd.s32 @!p0 $0x100000, s0  }
0x1f5: {  	[sflag:s0] =	ssyncadd.tile.s32 @!p0 $0x1;
	_ =	shalt  }
.Lfunc_end2:
_tile_overlayer_lowered:
.L_overlay_start_2:
0x1f6: {  	(tag) =	ssettag $0x2  }
0x1f7: {  	s0 =	rddreg [dreg:$0x0];
	s2 =	stileid.u32  }
0x1f8: {  	s1 =	rddreg [dreg:$0x1];
	p0 =	sne.s32 s2, $0x0  }
0x1f9: {  	s3 =	rddreg [dreg:$0x2];
	[bflag:$0x3] =	sbarrier.arrive $0xFFFF;
	s2 =	simm.s32 @!p0 $0x1C09  }
0x1fa: {  	[timem:s3], [sflag:s2] =	dma.local @!p0 [hbm:s0], s1  }
0x1fb: {  	s0 =	simm.s32 @!p0 $0x9  }
0x1fc: {  	_ =	swait.ge @!p0 [sflag:s0], s1  }
0x1fd: {  	s1 =	ssub.s32 @!p0 $0x0, s1;
	[sflag:s0] =	ssyncset.done @!p0 $0x0  }
0x1fe: {  	[sflag:s0] =	ssyncadd.s32 @!p0 s1  }
0x1ff: {  	[bflag:$0x3] =	sbarrier.arrive $0xFFFF  }
0x200: {  	_ =	shalt  }

</sc_bundles>
